<compile_context>
chip_gen: v7x
topology: tpu7x:2x2x1
jax: 0.10.2.dev20260603
libtpu: 0.0.44.dev20260713+nightly
codegen_flags: <defaults>
</compile_context>

<pallas_src>
import functools

import jax
import jax.numpy as jnp
from jax import lax
from jax.experimental import pallas as pl
from jax.experimental.pallas import tpu as pltpu
from jax.experimental.pallas import tpu_sc as plsc

N = 10000
E = 320000
D_IN = 128
F = 64
AW = 16
PK = AW + F

NC = 2
NS = 16
NW = NC * NS
EPW = E // NW
CHUNK = 80
NCHUNK = EPW // CHUNK
NP = 10240
RPT = NP // NS

BLK = 400
GRID = N // BLK


def _pre_body(x_ref, w_ref, am_ref, bm_ref, s_out, ad_out):
    h = jnp.dot(x_ref[:], w_ref[:], preferred_element_type=jnp.float32)
    asrc = jnp.dot(h, am_ref[:], preferred_element_type=jnp.float32)
    adst = jnp.dot(h, bm_ref[:], preferred_element_type=jnp.float32)
    s_out[:] = jnp.concatenate([asrc, h], axis=1)
    ad_out[:] = adst


def _pre_call(x, W, am, bm, d_in):
    return pl.pallas_call(
        _pre_body,
        grid=(GRID,),
        in_specs=[
            pl.BlockSpec((BLK, d_in), lambda i: (i, 0)),
            pl.BlockSpec((d_in, F), lambda i: (0, 0)),
            pl.BlockSpec((F, AW), lambda i: (0, 0)),
            pl.BlockSpec((F, AW), lambda i: (0, 0)),
        ],
        out_specs=[
            pl.BlockSpec((BLK, PK), lambda i: (i, 0)),
            pl.BlockSpec((BLK, AW), lambda i: (i, 0)),
        ],
        out_shape=[
            jax.ShapeDtypeStruct((N, PK), jnp.float32),
            jax.ShapeDtypeStruct((N, AW), jnp.float32),
        ],
    )(x, W, am, bm)


def _post_body(s_ref, ad_ref, p0_ref, p1_ref, b_ref, r_ref, o_ref):
    S = s_ref[:]
    a16 = S[:, 0:AW]
    h = S[:, AW:PK]
    al = a16 + ad_ref[:]
    ps = jnp.exp(jnp.maximum(al, 0.2 * al))
    den16 = ps + p0_ref[:, 0:AW] + p1_ref[:, 0:AW]
    R = r_ref[:]
    msg = (jnp.dot(ps, R, preferred_element_type=jnp.float32) * h
           + p0_ref[:, AW:PK] + p1_ref[:, AW:PK])
    den = jnp.dot(den16, R, preferred_element_type=jnp.float32)
    out = msg / (den + 1e-16) + b_ref[:]
    o_ref[:] = jnp.where(out > 0, out, jnp.exp(jnp.minimum(out, 0.0)) - 1.0)


def _post_call(S, Ad, P0, P1, b, R):
    return pl.pallas_call(
        _post_body,
        grid=(GRID,),
        in_specs=[
            pl.BlockSpec((BLK, PK), lambda i: (i, 0)),
            pl.BlockSpec((BLK, AW), lambda i: (i, 0)),
            pl.BlockSpec((BLK, PK), lambda i: (i, 0)),
            pl.BlockSpec((BLK, PK), lambda i: (i, 0)),
            pl.BlockSpec((1, F), lambda i: (0, 0)),
            pl.BlockSpec((AW, F), lambda i: (0, 0)),
        ],
        out_specs=pl.BlockSpec((BLK, F), lambda i: (i, 0)),
        out_shape=jax.ShapeDtypeStruct((N, F), jnp.float32),
    )(S, Ad, P0, P1, b, R)


def _vgather(vec, idx):
    dn = lax.GatherDimensionNumbers(
        offset_dims=(), collapsed_slice_dims=(0,), start_index_map=(0,))
    return lax.gather(vec, idx[:, None], dn, slice_sizes=(1,),
                      mode=lax.GatherScatterMode.PROMISE_IN_BOUNDS)


def _make_edge(heads):
    mesh = plsc.VectorSubcoreMesh(core_axis_name="c", subcore_axis_name="s")

    @functools.partial(
        pl.kernel,
        mesh=mesh,
        out_type=[
            jax.ShapeDtypeStruct((NP, PK), jnp.float32),
            jax.ShapeDtypeStruct((NP, PK), jnp.float32),
        ],
        scratch_types=[
            pltpu.VMEM((NCHUNK, CHUNK), jnp.int32),
            pltpu.VMEM((NCHUNK, CHUNK), jnp.int32),
            pltpu.VMEM((CHUNK, PK), jnp.float32),
            pltpu.VMEM((CHUNK, PK), jnp.float32),
            pltpu.VMEM((CHUNK, AW), jnp.float32),
            pltpu.VMEM((CHUNK, AW), jnp.float32),
            pltpu.VMEM((CHUNK, PK), jnp.float32),
            pltpu.VMEM((CHUNK, PK), jnp.float32),
            pltpu.VMEM((CHUNK,), jnp.int32),
            pltpu.VMEM_SHARED((NP, PK), jnp.float32),
            pltpu.SemaphoreType.DMA,
            pltpu.SemaphoreType.DMA,
            pltpu.SemaphoreType.DMA,
            pltpu.SemaphoreType.DMA,
            pltpu.SemaphoreType.DMA,
            pltpu.SemaphoreType.DMA,
        ],
        compiler_params=pltpu.CompilerParams(use_tc_tiling_on_sc=False),
    )
    def edge_kernel(s_hbm, ad_hbm, src_hbm, dst_hbm, zero_hbm,
                    out0, out1, src_all, dst_all, srow0, srow1,
                    arow0, arow1, sbuf0, sbuf1, padidx, acc,
                    ga0, gb0, ga1, gb1, ss0, ss1):
        c = lax.axis_index("c")
        s = lax.axis_index("s")
        wid = s * NC + c
        pltpu.sync_copy(zero_hbm.at[pl.ds(s * RPT, RPT)],
                        acc.at[pl.ds(s * RPT, RPT)])
        pltpu.sync_copy(src_hbm.at[pl.ds(wid * NCHUNK, NCHUNK)], src_all)
        pltpu.sync_copy(dst_hbm.at[pl.ds(wid * NCHUNK, NCHUNK)], dst_all)
        plsc.subcore_barrier()
        lane = lax.iota(jnp.int32, 16)

        for m in range(CHUNK // 16):
            padidx[pl.ds(16 * m, 16)] = jnp.full((16,), N, dtype=jnp.int32)
        pltpu.async_copy(sbuf0, acc.at[padidx], ss0, add=True)
        pltpu.async_copy(sbuf1, acc.at[padidx], ss1, add=True)

        def start(i, srow, arow, g1, g2):
            pltpu.async_copy(s_hbm.at[src_all.at[i]], srow, g1)
            pltpu.async_copy(ad_hbm.at[dst_all.at[i]], arow, g2)

        def process(i, srow, arow, sbuf, g1, g2, ss):
            pltpu.make_async_copy(s_hbm.at[src_all.at[i]], srow, g1).wait()
            pltpu.make_async_copy(ad_hbm.at[dst_all.at[i]], arow, g2).wait()
            pltpu.make_async_copy(sbuf, acc.at[dst_all.at[i]], ss).wait()

            @plsc.parallel_loop(0, CHUNK, unroll=8)
            def edge_body(e):
                va = srow[e, pl.ds(0, AW)]
                vb = arow[e, pl.ds(0, AW)]
                al = va + vb
                p = jnp.exp(jnp.maximum(al, 0.2 * al))
                sbuf[e, pl.ds(0, AW)] = p
                for k in range(1, 5):
                    if heads == 8:
                        col_idx = (lane + (16 * (k - 1))) >> 3
                    else:
                        col_idx = lane * 0
                    hv = srow[e, pl.ds(16 * k, 16)]
                    pm = _vgather(p, col_idx)
                    sbuf[e, pl.ds(16 * k, 16)] = hv * pm
            pltpu.async_copy(sbuf, acc.at[dst_all.at[i]], ss, add=True)

        start(0, srow0, arow0, ga0, gb0)

        def pair_body(j, carry):
            start(2 * j + 1, srow1, arow1, ga1, gb1)
            process(2 * j, srow0, arow0, sbuf0, ga0, gb0, ss0)
            start(2 * j + 2, srow0, arow0, ga0, gb0)
            process(2 * j + 1, srow1, arow1, sbuf1, ga1, gb1, ss1)
            return carry

        lax.fori_loop(0, (NCHUNK - 1) // 2, pair_body, 0)
        process(NCHUNK - 1, srow0, arow0, sbuf0, ga0, gb0, ss0)
        pltpu.make_async_copy(sbuf0, acc.at[padidx], ss0).wait()
        pltpu.make_async_copy(sbuf1, acc.at[padidx], ss1).wait()
        plsc.subcore_barrier()

        @pl.when(c == 0)
        def _():
            pltpu.sync_copy(acc.at[pl.ds(s * RPT, RPT)],
                            out0.at[pl.ds(s * RPT, RPT)])

        @pl.when(c == 1)
        def _():
            pltpu.sync_copy(acc.at[pl.ds(s * RPT, RPT)],
                            out1.at[pl.ds(s * RPT, RPT)])

    return edge_kernel


_edge8 = _make_edge(8)
_edge1 = _make_edge(1)


def _placement(att, heads, ch):
    a = att.reshape(heads * ch).astype(jnp.float32)
    rows = jnp.arange(F)
    return jnp.zeros((F, AW), jnp.float32).at[rows, rows // ch].set(a)


def _rep_matrix(ch):
    col_head = jnp.arange(F) // ch
    return (col_head[None, :] == jnp.arange(AW)[:, None]).astype(jnp.float32)


def kernel(x, edge_index, W1, att_src1, att_dst1, b1,
           W2, att_src2, att_dst2, b2):
    src = edge_index[0].astype(jnp.int32).reshape(E // CHUNK, CHUNK)
    dst = edge_index[1].astype(jnp.int32).reshape(E // CHUNK, CHUNK)
    zeros_pk = jnp.zeros((NP, PK), jnp.float32)
    am1 = _placement(att_src1, 8, 8)
    bm1 = _placement(att_dst1, 8, 8)
    am2 = _placement(att_src2, 1, 64)
    bm2 = _placement(att_dst2, 1, 64)
    R1 = _rep_matrix(8)
    R2 = _rep_matrix(64)

    S1, Ad1 = _pre_call(x, W1.astype(jnp.float32), am1, bm1, D_IN)
    P0, P1 = _edge8(S1, Ad1, src, dst, zeros_pk)
    h1 = _post_call(S1, Ad1, P0, P1, b1.reshape(1, F), R1)

    S2, Ad2 = _pre_call(h1, W2.astype(jnp.float32), am2, bm2, F)
    Q0, Q1 = _edge1(S2, Ad2, src, dst, zeros_pk)
    return _post_call(S2, Ad2, Q0, Q1, b2.reshape(1, F), R2)

# --- scband reference (transcript-rebuilt; emitter-appended) ---
"""Pipeline reference for scband-gat-custom-26001732010347 (READ-ONLY COPY).

The authoritative reference and input builder live on the scoring server;
editing this copy changes nothing except your own understanding.
"""

import jax, jax.numpy as jnp
import numpy as np

N = 10000
E = 320000
D = 128
H1 = 8
C1 = 8
OUT = 64


def setup_inputs(seed: int = 0) -> dict:
    key = jax.random.key(seed)
    ks = jax.random.split(key, 10)
    x = jax.random.normal(ks[0], (N, D), dtype=jnp.float32)
    edge_index = jax.random.randint(ks[1], (2, E), 0, N, dtype=jnp.int64)
    W1 = jax.random.normal(ks[2], (D, H1 * C1), dtype=jnp.float32) * 0.1
    att_src1 = jax.random.normal(ks[3], (1, H1, C1), dtype=jnp.float32) * 0.1
    att_dst1 = jax.random.normal(ks[4], (1, H1, C1), dtype=jnp.float32) * 0.1
    b1 = jnp.zeros((H1 * C1,), dtype=jnp.float32)
    W2 = jax.random.normal(ks[5], (H1 * C1, 1 * OUT), dtype=jnp.float32) * 0.1
    att_src2 = jax.random.normal(ks[6], (1, 1, OUT), dtype=jnp.float32) * 0.1
    att_dst2 = jax.random.normal(ks[7], (1, 1, OUT), dtype=jnp.float32) * 0.1
    b2 = jnp.zeros((OUT,), dtype=jnp.float32)
    return {
        "x": x,
        "edge_index": edge_index,
        "W1": W1,
        "att_src1": att_src1,
        "att_dst1": att_dst1,
        "b1": b1,
        "W2": W2,
        "att_src2": att_src2,
        "att_dst2": att_dst2,
        "b2": b2,
    }


def gat_layer(x, edge_index, W, att_src, att_dst, bias, heads, ch, concat):
    # Faithful PyG GATConv (v1), eval mode (dropout disabled), add_self_loops=True
    n = x.shape[0]
    h = (x @ W).reshape(n, heads, ch)  # [N, H, C]
    a_src = (h * att_src).sum(-1)  # [N, H]
    a_dst = (h * att_dst).sum(-1)  # [N, H]
    loop = jnp.arange(n, dtype=edge_index.dtype)
    src = jnp.concatenate([edge_index[0], loop])
    dst = jnp.concatenate([edge_index[1], loop])
    alpha = a_src[src] + a_dst[dst]  # [E', H]
    alpha = jax.nn.leaky_relu(alpha, negative_slope=0.2)
    amax = jax.ops.segment_max(alpha, dst, num_segments=n)
    alpha = jnp.exp(alpha - amax[dst])
    denom = jax.ops.segment_sum(alpha, dst, num_segments=n)
    alpha = alpha / (denom[dst] + 1e-16)
    msg = h[src] * alpha[:, :, None]  # [E', H, C]
    out = jax.ops.segment_sum(msg, dst, num_segments=n)  # [N, H, C]
    if concat:
        out = out.reshape(n, heads * ch)
    else:
        out = out.mean(axis=1)
    return out + bias


def reference(x, edge_index, W1, att_src1, att_dst1, b1, W2, att_src2, att_dst2, b2):
    # layer 1: dropout (identity in eval) -> GATConv -> ELU
    h = gat_layer(x, edge_index, W1, att_src1, att_dst1, b1, H1, C1, True)
    h = jax.nn.elu(h)
    # layer 2 (output layer, concat=False, output_heads=1) -> ELU
    h = gat_layer(h, edge_index, W2, att_src2, att_dst2, b2, 1, OUT, False)
    h = jax.nn.elu(h)
    return h

if __name__ == "__main__":
    import jax
    _d = setup_inputs()
    print(jax.jit(kernel)(*tuple(_d.values())))

</pallas_src>

<mosaic_0001>
#map = affine_map<(d0, d1) -> (0, 0)>
module attributes {stable_mosaic.version = 14 : i64} {
  func.func @edge_kernel(%arg0: i32, %arg1: i32, %arg2: memref<10000x80xf32, #tpu.memory_space<hbm>>, %arg3: memref<10000x16xf32, #tpu.memory_space<hbm>>, %arg4: memref<4000x80xi32, #tpu.memory_space<hbm>>, %arg5: memref<4000x80xi32, #tpu.memory_space<hbm>>, %arg6: memref<10240x80xf32, #tpu.memory_space<hbm>>, %arg7: memref<10240x80xf32, #tpu.memory_space<hbm>>, %arg8: memref<10240x80xf32, #tpu.memory_space<hbm>>, %arg9: memref<125x80xi32, #tpu.memory_space<vmem>>, %arg10: memref<125x80xi32, #tpu.memory_space<vmem>>, %arg11: memref<80x80xf32, #tpu.memory_space<vmem>>, %arg12: memref<80x80xf32, #tpu.memory_space<vmem>>, %arg13: memref<80x16xf32, #tpu.memory_space<vmem>>, %arg14: memref<80x16xf32, #tpu.memory_space<vmem>>, %arg15: memref<80x80xf32, #tpu.memory_space<vmem>>, %arg16: memref<80x80xf32, #tpu.memory_space<vmem>>, %arg17: memref<80xi32, #tpu.memory_space<vmem>>, %arg18: memref<10240x80xf32, #tpu.memory_space<vmem_shared>>, %arg19: memref<!tpu.dma_semaphore, #tpu.memory_space<semaphore_mem>>, %arg20: memref<!tpu.dma_semaphore, #tpu.memory_space<semaphore_mem>>, %arg21: memref<!tpu.dma_semaphore, #tpu.memory_space<semaphore_mem>>, %arg22: memref<!tpu.dma_semaphore, #tpu.memory_space<semaphore_mem>>, %arg23: memref<!tpu.dma_semaphore, #tpu.memory_space<semaphore_mem>>, %arg24: memref<!tpu.dma_semaphore, #tpu.memory_space<semaphore_mem>>) attributes {dimension_semantics = [#tpu.dimension_semantics<core_parallel>, #tpu.dimension_semantics<subcore_parallel>], iteration_bounds = array<i64: 2, 16>, scalar_prefetch = 0 : i64, scratch_operands = 16 : i64, tpu.core_type = #tpu.core_type<sc_vector_subcore>, window_params = [{transform_indices = #map}, {transform_indices = #map}, {transform_indices = #map}, {transform_indices = #map}, {transform_indices = #map}, {transform_indices = #map}, {transform_indices = #map}]} {
    %mul3A = arith.constant 2 : i32
    %mul3A_0 = arith.muli %arg1, %mul3A : i32
    %add3A = arith.addi %mul3A_0, %arg0 : i32
    %mul3A_1 = arith.constant 640 : i32
    %mul3A_2 = arith.muli %arg1, %mul3A_1 : i32
    %mul3A_3 = arith.constant 640 : i32
    %mul3A_4 = arith.muli %arg1, %mul3A_3 : i32
    "tpu.region"() ({
      %run_scoped3A = tpu.sem_alloc : memref<!tpu.dma_semaphore, #tpu.memory_space<semaphore_mem>>
      %dma_start3A_104 = arith.constant 0 : i32
      %dma_start3A_105 = tpu.memref_slice %arg18[%mul3A_4, %dma_start3A_104] : memref<10240x80xf32, #tpu.memory_space<vmem_shared>> -> memref<640x80xf32, #tpu.memory_space<vmem_shared>>
      %dma_start3A_106 = arith.constant 0 : i32
      %dma_start3A_107 = tpu.memref_slice %arg6[%mul3A_2, %dma_start3A_106] : memref<10240x80xf32, #tpu.memory_space<hbm>> -> memref<640x80xf32, #tpu.memory_space<hbm>>
      tpu.enqueue_dma source(%dma_start3A_107 : memref<640x80xf32, #tpu.memory_space<hbm>>) target(%dma_start3A_105 : memref<640x80xf32, #tpu.memory_space<vmem_shared>>) target_semaphore(%run_scoped3A : memref<!tpu.dma_semaphore, #tpu.memory_space<semaphore_mem>>)
      %dma_wait3A_108 = arith.constant 0 : i32
      %dma_wait3A_109 = tpu.memref_slice %arg18[%mul3A_4, %dma_wait3A_108] : memref<10240x80xf32, #tpu.memory_space<vmem_shared>> -> memref<640x80xf32, #tpu.memory_space<vmem_shared>>
      %dma_wait3A_110 = arith.constant 0 : i32
      %dma_wait3A_111 = tpu.memref_slice %arg6[%mul3A_2, %dma_wait3A_110] : memref<10240x80xf32, #tpu.memory_space<hbm>> -> memref<640x80xf32, #tpu.memory_space<hbm>>
      tpu.wait_dma2 semaphore(%run_scoped3A : memref<!tpu.dma_semaphore, #tpu.memory_space<semaphore_mem>>) src(%dma_wait3A_111 : memref<640x80xf32, #tpu.memory_space<hbm>>) dst(%dma_wait3A_109 : memref<640x80xf32, #tpu.memory_space<vmem_shared>>)
      tpu.yield
    }) : () -> ()
    %mul3A_5 = arith.constant 125 : i32
    %mul3A_6 = arith.muli %add3A, %mul3A_5 : i32
    "tpu.region"() ({
      %run_scoped3A = tpu.sem_alloc : memref<!tpu.dma_semaphore, #tpu.memory_space<semaphore_mem>>
      %dma_start3A_104 = arith.constant 0 : i32
      %dma_start3A_105 = tpu.memref_slice %arg4[%mul3A_6, %dma_start3A_104] : memref<4000x80xi32, #tpu.memory_space<hbm>> -> memref<125x80xi32, #tpu.memory_space<hbm>>
      %dma_start3A_106 = arith.constant 0 : i32
      %dma_start3A_107 = tpu.memref_slice %arg4[%mul3A_6, %dma_start3A_106] : memref<4000x80xi32, #tpu.memory_space<hbm>> -> memref<125x80xi32, #tpu.memory_space<hbm>>
      tpu.enqueue_dma source(%dma_start3A_107 : memref<125x80xi32, #tpu.memory_space<hbm>>) target(%arg9 : memref<125x80xi32, #tpu.memory_space<vmem>>) target_semaphore(%run_scoped3A : memref<!tpu.dma_semaphore, #tpu.memory_space<semaphore_mem>>)
      %dma_wait3A_108 = arith.constant 0 : i32
      %dma_wait3A_109 = tpu.memref_slice %arg4[%mul3A_6, %dma_wait3A_108] : memref<4000x80xi32, #tpu.memory_space<hbm>> -> memref<125x80xi32, #tpu.memory_space<hbm>>
      %dma_wait3A_110 = arith.constant 0 : i32
      %dma_wait3A_111 = tpu.memref_slice %arg4[%mul3A_6, %dma_wait3A_110] : memref<4000x80xi32, #tpu.memory_space<hbm>> -> memref<125x80xi32, #tpu.memory_space<hbm>>
      tpu.wait_dma2 semaphore(%run_scoped3A : memref<!tpu.dma_semaphore, #tpu.memory_space<semaphore_mem>>) src(%dma_wait3A_111 : memref<125x80xi32, #tpu.memory_space<hbm>>) dst(%arg9 : memref<125x80xi32, #tpu.memory_space<vmem>>)
      tpu.yield
    }) : () -> ()
    %mul3A_7 = arith.constant 125 : i32
    %mul3A_8 = arith.muli %add3A, %mul3A_7 : i32
    "tpu.region"() ({
      %run_scoped3A = tpu.sem_alloc : memref<!tpu.dma_semaphore, #tpu.memory_space<semaphore_mem>>
      %dma_start3A_104 = arith.constant 0 : i32
      %dma_start3A_105 = tpu.memref_slice %arg5[%mul3A_8, %dma_start3A_104] : memref<4000x80xi32, #tpu.memory_space<hbm>> -> memref<125x80xi32, #tpu.memory_space<hbm>>
      %dma_start3A_106 = arith.constant 0 : i32
      %dma_start3A_107 = tpu.memref_slice %arg5[%mul3A_8, %dma_start3A_106] : memref<4000x80xi32, #tpu.memory_space<hbm>> -> memref<125x80xi32, #tpu.memory_space<hbm>>
      tpu.enqueue_dma source(%dma_start3A_107 : memref<125x80xi32, #tpu.memory_space<hbm>>) target(%arg10 : memref<125x80xi32, #tpu.memory_space<vmem>>) target_semaphore(%run_scoped3A : memref<!tpu.dma_semaphore, #tpu.memory_space<semaphore_mem>>)
      %dma_wait3A_108 = arith.constant 0 : i32
      %dma_wait3A_109 = tpu.memref_slice %arg5[%mul3A_8, %dma_wait3A_108] : memref<4000x80xi32, #tpu.memory_space<hbm>> -> memref<125x80xi32, #tpu.memory_space<hbm>>
      %dma_wait3A_110 = arith.constant 0 : i32
      %dma_wait3A_111 = tpu.memref_slice %arg5[%mul3A_8, %dma_wait3A_110] : memref<4000x80xi32, #tpu.memory_space<hbm>> -> memref<125x80xi32, #tpu.memory_space<hbm>>
      tpu.wait_dma2 semaphore(%run_scoped3A : memref<!tpu.dma_semaphore, #tpu.memory_space<semaphore_mem>>) src(%dma_wait3A_111 : memref<125x80xi32, #tpu.memory_space<hbm>>) dst(%arg10 : memref<125x80xi32, #tpu.memory_space<vmem>>)
      tpu.yield
    }) : () -> ()
    %barrier3A = arith.constant 0 : index
    tpu.barrier barrier_id(%barrier3A)
    %iota3A = tpu.iota {dimensions = array<i32: 0>} : vector<16xi32>
    %broadcast_in_dim3A = arith.constant 10000 : i32
    %broadcast_in_dim3A_9 = vector.broadcast %broadcast_in_dim3A : i32 to vector<16xi32>
    %swap3A = arith.constant 0 : index
    %swap3A_10 = tpu.vector_load %arg17[%swap3A] {strides = array<i32>} : memref<80xi32, #tpu.memory_space<vmem>>, vector<16xi32>,
    %swap3A_11 = vector.shape_cast %swap3A_10 : vector<16xi32> to vector<16xi32>
    %swap3A_12 = vector.shape_cast %broadcast_in_dim3A_9 : vector<16xi32> to vector<16xi32>
    tpu.vector_store %arg17[%swap3A], %swap3A_12 {strides = array<i32>} : memref<80xi32, #tpu.memory_space<vmem>>, vector<16xi32>,
    %broadcast_in_dim3A_13 = arith.constant 10000 : i32
    %broadcast_in_dim3A_14 = vector.broadcast %broadcast_in_dim3A_13 : i32 to vector<16xi32>
    %swap3A_15 = arith.constant 16 : index
    %swap3A_16 = tpu.vector_load %arg17[%swap3A_15] {strides = array<i32>} : memref<80xi32, #tpu.memory_space<vmem>>, vector<16xi32>,
    %swap3A_17 = vector.shape_cast %swap3A_16 : vector<16xi32> to vector<16xi32>
    %swap3A_18 = vector.shape_cast %broadcast_in_dim3A_14 : vector<16xi32> to vector<16xi32>
    tpu.vector_store %arg17[%swap3A_15], %swap3A_18 {strides = array<i32>} : memref<80xi32, #tpu.memory_space<vmem>>, vector<16xi32>,
    %broadcast_in_dim3A_19 = arith.constant 10000 : i32
    %broadcast_in_dim3A_20 = vector.broadcast %broadcast_in_dim3A_19 : i32 to vector<16xi32>
    %swap3A_21 = arith.constant 32 : index
    %swap3A_22 = tpu.vector_load %arg17[%swap3A_21] {strides = array<i32>} : memref<80xi32, #tpu.memory_space<vmem>>, vector<16xi32>,
    %swap3A_23 = vector.shape_cast %swap3A_22 : vector<16xi32> to vector<16xi32>
    %swap3A_24 = vector.shape_cast %broadcast_in_dim3A_20 : vector<16xi32> to vector<16xi32>
    tpu.vector_store %arg17[%swap3A_21], %swap3A_24 {strides = array<i32>} : memref<80xi32, #tpu.memory_space<vmem>>, vector<16xi32>,
    %broadcast_in_dim3A_25 = arith.constant 10000 : i32
    %broadcast_in_dim3A_26 = vector.broadcast %broadcast_in_dim3A_25 : i32 to vector<16xi32>
    %swap3A_27 = arith.constant 48 : index
    %swap3A_28 = tpu.vector_load %arg17[%swap3A_27] {strides = array<i32>} : memref<80xi32, #tpu.memory_space<vmem>>, vector<16xi32>,
    %swap3A_29 = vector.shape_cast %swap3A_28 : vector<16xi32> to vector<16xi32>
    %swap3A_30 = vector.shape_cast %broadcast_in_dim3A_26 : vector<16xi32> to vector<16xi32>
    tpu.vector_store %arg17[%swap3A_27], %swap3A_30 {strides = array<i32>} : memref<80xi32, #tpu.memory_space<vmem>>, vector<16xi32>,
    %broadcast_in_dim3A_31 = arith.constant 10000 : i32
    %broadcast_in_dim3A_32 = vector.broadcast %broadcast_in_dim3A_31 : i32 to vector<16xi32>
    %swap3A_33 = arith.constant 64 : index
    %swap3A_34 = tpu.vector_load %arg17[%swap3A_33] {strides = array<i32>} : memref<80xi32, #tpu.memory_space<vmem>>, vector<16xi32>,
    %swap3A_35 = vector.shape_cast %swap3A_34 : vector<16xi32> to vector<16xi32>
    %swap3A_36 = vector.shape_cast %broadcast_in_dim3A_32 : vector<16xi32> to vector<16xi32>
    tpu.vector_store %arg17[%swap3A_33], %swap3A_36 {strides = array<i32>} : memref<80xi32, #tpu.memory_space<vmem>>, vector<16xi32>,
    %dma_start3A = arith.constant 0 : i32
    %dma_start3A_37 = arith.constant 0 : i32
    %dma_start3A_38 = tpu.memref_slice %arg18[%dma_start3A, %dma_start3A_37] : memref<10240x80xf32, #tpu.memory_space<vmem_shared>> -> memref<10240x80xf32, #tpu.memory_space<vmem_shared>>
    tpu.enqueue_indirect_dma source(%arg15 : memref<80x80xf32, #tpu.memory_space<vmem>>) target(%dma_start3A_38 : memref<10240x80xf32, #tpu.memory_space<vmem_shared>>) offsets(%arg17 : memref<80xi32, #tpu.memory_space<vmem>>) semaphore(%arg23 : memref<!tpu.dma_semaphore, #tpu.memory_space<semaphore_mem>>) {add = true}
    %dma_start3A_39 = arith.constant 0 : i32
    %dma_start3A_40 = arith.constant 0 : i32
    %dma_start3A_41 = tpu.memref_slice %arg18[%dma_start3A_39, %dma_start3A_40] : memref<10240x80xf32, #tpu.memory_space<vmem_shared>> -> memref<10240x80xf32, #tpu.memory_space<vmem_shared>>
    tpu.enqueue_indirect_dma source(%arg16 : memref<80x80xf32, #tpu.memory_space<vmem>>) target(%dma_start3A_41 : memref<10240x80xf32, #tpu.memory_space<vmem_shared>>) offsets(%arg17 : memref<80xi32, #tpu.memory_space<vmem>>) semaphore(%arg24 : memref<!tpu.dma_semaphore, #tpu.memory_space<semaphore_mem>>) {add = true}
    %dma_start3A_42 = arith.constant 0 : i32
    %dma_start3A_43 = arith.constant 0 : i32
    %dma_start3A_44 = tpu.memref_slice %arg9[%dma_start3A_42, %dma_start3A_43] : memref<125x80xi32, #tpu.memory_space<vmem>> -> memref<1x80xi32, #tpu.memory_space<vmem>>
    %dma_start3A_45 = tpu.memref_squeeze %dma_start3A_44 : memref<1x80xi32, #tpu.memory_space<vmem>> -> memref<80xi32, #tpu.memory_space<vmem>>
    %dma_start3A_46 = arith.constant 0 : i32
    %dma_start3A_47 = arith.constant 0 : i32
    %dma_start3A_48 = tpu.memref_slice %arg2[%dma_start3A_46, %dma_start3A_47] : memref<10000x80xf32, #tpu.memory_space<hbm>> -> memref<10000x80xf32, #tpu.memory_space<hbm>>
    tpu.enqueue_indirect_dma source(%dma_start3A_48 : memref<10000x80xf32, #tpu.memory_space<hbm>>) target(%arg11 : memref<80x80xf32, #tpu.memory_space<vmem>>) offsets(%dma_start3A_45 : memref<80xi32, #tpu.memory_space<vmem>>) semaphore(%arg19 : memref<!tpu.dma_semaphore, #tpu.memory_space<semaphore_mem>>)
    %dma_start3A_49 = arith.constant 0 : i32
    %dma_start3A_50 = arith.constant 0 : i32
    %dma_start3A_51 = tpu.memref_slice %arg10[%dma_start3A_49, %dma_start3A_50] : memref<125x80xi32, #tpu.memory_space<vmem>> -> memref<1x80xi32, #tpu.memory_space<vmem>>
    %dma_start3A_52 = tpu.memref_squeeze %dma_start3A_51 : memref<1x80xi32, #tpu.memory_space<vmem>> -> memref<80xi32, #tpu.memory_space<vmem>>
    %dma_start3A_53 = arith.constant 0 : i32
    %dma_start3A_54 = arith.constant 0 : i32
    %dma_start3A_55 = tpu.memref_slice %arg3[%dma_start3A_53, %dma_start3A_54] : memref<10000x16xf32, #tpu.memory_space<hbm>> -> memref<10000x16xf32, #tpu.memory_space<hbm>>
    tpu.enqueue_indirect_dma source(%dma_start3A_55 : memref<10000x16xf32, #tpu.memory_space<hbm>>) target(%arg13 : memref<80x16xf32, #tpu.memory_space<vmem>>) offsets(%dma_start3A_52 : memref<80xi32, #tpu.memory_space<vmem>>) semaphore(%arg20 : memref<!tpu.dma_semaphore, #tpu.memory_space<semaphore_mem>>)
    %scan3A = arith.constant 0 : i32
    %scan3A_56 = arith.constant 0 : i32
    %scan3A_57 = arith.constant 62 : i32
    %scan3A_58 = arith.addi %scan3A_56, %scan3A_57 : i32
    %scan3A_59 = arith.constant 1 : i32
    scf.for %scan3A_104 = %scan3A_56 to %scan3A_58 step %scan3A_59  : i32 {
      %mul3A_105 = arith.constant 2 : i32
      %mul3A_106 = arith.muli %mul3A_105, %scan3A_104 : i32
      %add3A_107 = arith.constant 1 : i32
      %add3A_108 = arith.addi %mul3A_106, %add3A_107 : i32
      %dma_start3A_109 = arith.constant 0 : i32
      %dma_start3A_110 = tpu.memref_slice %arg9[%add3A_108, %dma_start3A_109] : memref<125x80xi32, #tpu.memory_space<vmem>> -> memref<1x80xi32, #tpu.memory_space<vmem>>
      %dma_start3A_111 = tpu.memref_squeeze %dma_start3A_110 : memref<1x80xi32, #tpu.memory_space<vmem>> -> memref<80xi32, #tpu.memory_space<vmem>>
      %dma_start3A_112 = arith.constant 0 : i32
      %dma_start3A_113 = arith.constant 0 : i32
      %dma_start3A_114 = tpu.memref_slice %arg2[%dma_start3A_112, %dma_start3A_113] : memref<10000x80xf32, #tpu.memory_space<hbm>> -> memref<10000x80xf32, #tpu.memory_space<hbm>>
      tpu.enqueue_indirect_dma source(%dma_start3A_114 : memref<10000x80xf32, #tpu.memory_space<hbm>>) target(%arg12 : memref<80x80xf32, #tpu.memory_space<vmem>>) offsets(%dma_start3A_111 : memref<80xi32, #tpu.memory_space<vmem>>) semaphore(%arg21 : memref<!tpu.dma_semaphore, #tpu.memory_space<semaphore_mem>>)
      %dma_start3A_115 = arith.constant 0 : i32
      %dma_start3A_116 = tpu.memref_slice %arg10[%add3A_108, %dma_start3A_115] : memref<125x80xi32, #tpu.memory_space<vmem>> -> memref<1x80xi32, #tpu.memory_space<vmem>>
      %dma_start3A_117 = tpu.memref_squeeze %dma_start3A_116 : memref<1x80xi32, #tpu.memory_space<vmem>> -> memref<80xi32, #tpu.memory_space<vmem>>
      %dma_start3A_118 = arith.constant 0 : i32
      %dma_start3A_119 = arith.constant 0 : i32
      %dma_start3A_120 = tpu.memref_slice %arg3[%dma_start3A_118, %dma_start3A_119] : memref<10000x16xf32, #tpu.memory_space<hbm>> -> memref<10000x16xf32, #tpu.memory_space<hbm>>
      tpu.enqueue_indirect_dma source(%dma_start3A_120 : memref<10000x16xf32, #tpu.memory_space<hbm>>) target(%arg14 : memref<80x16xf32, #tpu.memory_space<vmem>>) offsets(%dma_start3A_117 : memref<80xi32, #tpu.memory_space<vmem>>) semaphore(%arg22 : memref<!tpu.dma_semaphore, #tpu.memory_space<semaphore_mem>>)
      %mul3A_121 = arith.constant 2 : i32
      %mul3A_122 = arith.muli %mul3A_121, %scan3A_104 : i32
      %dma_wait3A_123 = arith.constant 0 : i32
      %dma_wait3A_124 = tpu.memref_slice %arg9[%mul3A_122, %dma_wait3A_123] : memref<125x80xi32, #tpu.memory_space<vmem>> -> memref<1x80xi32, #tpu.memory_space<vmem>>
      %dma_wait3A_125 = tpu.memref_squeeze %dma_wait3A_124 : memref<1x80xi32, #tpu.memory_space<vmem>> -> memref<80xi32, #tpu.memory_space<vmem>>
      %dma_wait3A_126 = arith.constant 0 : i32
      %dma_wait3A_127 = arith.constant 0 : i32
      %dma_wait3A_128 = tpu.memref_slice %arg2[%dma_wait3A_126, %dma_wait3A_127] : memref<10000x80xf32, #tpu.memory_space<hbm>> -> memref<10000x80xf32, #tpu.memory_space<hbm>>
      tpu.wait_indirect_dma semaphore(%arg19 : memref<!tpu.dma_semaphore, #tpu.memory_space<semaphore_mem>>) src(%dma_wait3A_128 : memref<10000x80xf32, #tpu.memory_space<hbm>>) dst(%arg11 : memref<80x80xf32, #tpu.memory_space<vmem>>)
      %dma_wait3A_129 = arith.constant 0 : i32
      %dma_wait3A_130 = tpu.memref_slice %arg10[%mul3A_122, %dma_wait3A_129] : memref<125x80xi32, #tpu.memory_space<vmem>> -> memref<1x80xi32, #tpu.memory_space<vmem>>
      %dma_wait3A_131 = tpu.memref_squeeze %dma_wait3A_130 : memref<1x80xi32, #tpu.memory_space<vmem>> -> memref<80xi32, #tpu.memory_space<vmem>>
      %dma_wait3A_132 = arith.constant 0 : i32
      %dma_wait3A_133 = arith.constant 0 : i32
      %dma_wait3A_134 = tpu.memref_slice %arg3[%dma_wait3A_132, %dma_wait3A_133] : memref<10000x16xf32, #tpu.memory_space<hbm>> -> memref<10000x16xf32, #tpu.memory_space<hbm>>
      tpu.wait_indirect_dma semaphore(%arg20 : memref<!tpu.dma_semaphore, #tpu.memory_space<semaphore_mem>>) src(%dma_wait3A_134 : memref<10000x16xf32, #tpu.memory_space<hbm>>) dst(%arg13 : memref<80x16xf32, #tpu.memory_space<vmem>>)
      %dma_wait3A_135 = arith.constant 0 : i32
      %dma_wait3A_136 = tpu.memref_slice %arg10[%mul3A_122, %dma_wait3A_135] : memref<125x80xi32, #tpu.memory_space<vmem>> -> memref<1x80xi32, #tpu.memory_space<vmem>>
      %dma_wait3A_137 = tpu.memref_squeeze %dma_wait3A_136 : memref<1x80xi32, #tpu.memory_space<vmem>> -> memref<80xi32, #tpu.memory_space<vmem>>
      %dma_wait3A_138 = arith.constant 0 : i32
      %dma_wait3A_139 = arith.constant 0 : i32
      %dma_wait3A_140 = tpu.memref_slice %arg18[%dma_wait3A_138, %dma_wait3A_139] : memref<10240x80xf32, #tpu.memory_space<vmem_shared>> -> memref<10240x80xf32, #tpu.memory_space<vmem_shared>>
      tpu.wait_indirect_dma semaphore(%arg23 : memref<!tpu.dma_semaphore, #tpu.memory_space<semaphore_mem>>) src(%arg15 : memref<80x80xf32, #tpu.memory_space<vmem>>) dst(%dma_wait3A_140 : memref<10240x80xf32, #tpu.memory_space<vmem_shared>>)
      %parallel_loop3A_141 = arith.constant 0 : i32
      %parallel_loop3A_142 = arith.constant 80 : i32
      %parallel_loop3A_143 = arith.constant 1 : i32
      scf.for %parallel_loop3A_197 = %parallel_loop3A_141 to %parallel_loop3A_142 step %parallel_loop3A_143  : i32 {
        %parallel_loop3A_198 = arith.index_cast %parallel_loop3A_197 : i32 to index
        %parallel_loop3A_199 = arith.constant 0 : index
        %parallel_loop3A_200 = tpu.vector_load %arg11[%parallel_loop3A_198, %parallel_loop3A_199] {strides = array<i32>} : memref<80x80xf32, #tpu.memory_space<vmem>>, vector<1x16xf32>,
        %parallel_loop3A_201 = vector.shape_cast %parallel_loop3A_200 : vector<1x16xf32> to vector<16xf32>
        %parallel_loop3A_202 = arith.index_cast %parallel_loop3A_197 : i32 to index
        %parallel_loop3A_203 = arith.constant 0 : index
        %parallel_loop3A_204 = tpu.vector_load %arg13[%parallel_loop3A_202, %parallel_loop3A_203] {strides = array<i32>} : memref<80x16xf32, #tpu.memory_space<vmem>>, vector<1x16xf32>,
        %parallel_loop3A_205 = vector.shape_cast %parallel_loop3A_204 : vector<1x16xf32> to vector<16xf32>
        %parallel_loop3A_206 = arith.addf %parallel_loop3A_201, %parallel_loop3A_205 : vector<16xf32>
        %parallel_loop3A_207 = arith.constant 2.000000e-01 : f32
        %parallel_loop3A_208 = vector.broadcast %parallel_loop3A_207 : f32 to vector<16xf32>
        %parallel_loop3A_209 = arith.mulf %parallel_loop3A_208, %parallel_loop3A_206 : vector<16xf32>
        %parallel_loop3A_210 = arith.maximumf %parallel_loop3A_206, %parallel_loop3A_209 : vector<16xf32>
        %parallel_loop3A_211 = math.exp %parallel_loop3A_210 : vector<16xf32>
        %parallel_loop3A_212 = arith.index_cast %parallel_loop3A_197 : i32 to index
        %parallel_loop3A_213 = arith.constant 0 : index
        %parallel_loop3A_214 = tpu.vector_load %arg15[%parallel_loop3A_212, %parallel_loop3A_213] {strides = array<i32>} : memref<80x80xf32, #tpu.memory_space<vmem>>, vector<1x16xf32>,
        %parallel_loop3A_215 = vector.shape_cast %parallel_loop3A_214 : vector<1x16xf32> to vector<16xf32>
        %parallel_loop3A_216 = vector.shape_cast %parallel_loop3A_211 : vector<16xf32> to vector<1x16xf32>
        tpu.vector_store %arg15[%parallel_loop3A_212, %parallel_loop3A_213], %parallel_loop3A_216 {strides = array<i32>} : memref<80x80xf32, #tpu.memory_space<vmem>>, vector<1x16xf32>,
        %parallel_loop3A_217 = arith.constant 0 : i32
        %parallel_loop3A_218 = vector.broadcast %parallel_loop3A_217 : i32 to vector<16xi32>
        %parallel_loop3A_219 = arith.muli %iota3A, %parallel_loop3A_218 : vector<16xi32>
        %parallel_loop3A_220 = arith.index_cast %parallel_loop3A_197 : i32 to index
        %parallel_loop3A_221 = arith.constant 16 : index
        %parallel_loop3A_222 = tpu.vector_load %arg11[%parallel_loop3A_220, %parallel_loop3A_221] {strides = array<i32>} : memref<80x80xf32, #tpu.memory_space<vmem>>, vector<1x16xf32>,
        %parallel_loop3A_223 = vector.shape_cast %parallel_loop3A_222 : vector<1x16xf32> to vector<16xf32>
        %parallel_loop3A_224 = vector.shape_cast %parallel_loop3A_219 : vector<16xi32> to vector<16x1xi32>
        %parallel_loop3A_225 = vector.shape_cast %parallel_loop3A_224 : vector<16x1xi32> to vector<16xi32>
        %parallel_loop3A_226 = tpu.dynamic_gather %parallel_loop3A_211[%parallel_loop3A_225] in [0] : vector<16xf32>, vector<16xi32> -> vector<16xf32>
        %parallel_loop3A_227 = arith.mulf %parallel_loop3A_223, %parallel_loop3A_226 : vector<16xf32>
        %parallel_loop3A_228 = arith.index_cast %parallel_loop3A_197 : i32 to index
        %parallel_loop3A_229 = arith.constant 16 : index
        %parallel_loop3A_230 = tpu.vector_load %arg15[%parallel_loop3A_228, %parallel_loop3A_229] {strides = array<i32>} : memref<80x80xf32, #tpu.memory_space<vmem>>, vector<1x16xf32>,
        %parallel_loop3A_231 = vector.shape_cast %parallel_loop3A_230 : vector<1x16xf32> to vector<16xf32>
        %parallel_loop3A_232 = vector.shape_cast %parallel_loop3A_227 : vector<16xf32> to vector<1x16xf32>
        tpu.vector_store %arg15[%parallel_loop3A_228, %parallel_loop3A_229], %parallel_loop3A_232 {strides = array<i32>} : memref<80x80xf32, #tpu.memory_space<vmem>>, vector<1x16xf32>,
        %parallel_loop3A_233 = arith.constant 0 : i32
        %parallel_loop3A_234 = vector.broadcast %parallel_loop3A_233 : i32 to vector<16xi32>
        %parallel_loop3A_235 = arith.muli %iota3A, %parallel_loop3A_234 : vector<16xi32>
        %parallel_loop3A_236 = arith.index_cast %parallel_loop3A_197 : i32 to index
        %parallel_loop3A_237 = arith.constant 32 : index
        %parallel_loop3A_238 = tpu.vector_load %arg11[%parallel_loop3A_236, %parallel_loop3A_237] {strides = array<i32>} : memref<80x80xf32, #tpu.memory_space<vmem>>, vector<1x16xf32>,
        %parallel_loop3A_239 = vector.shape_cast %parallel_loop3A_238 : vector<1x16xf32> to vector<16xf32>
        %parallel_loop3A_240 = vector.shape_cast %parallel_loop3A_235 : vector<16xi32> to vector<16x1xi32>
        %parallel_loop3A_241 = vector.shape_cast %parallel_loop3A_240 : vector<16x1xi32> to vector<16xi32>
        %parallel_loop3A_242 = tpu.dynamic_gather %parallel_loop3A_211[%parallel_loop3A_241] in [0] : vector<16xf32>, vector<16xi32> -> vector<16xf32>
        %parallel_loop3A_243 = arith.mulf %parallel_loop3A_239, %parallel_loop3A_242 : vector<16xf32>
        %parallel_loop3A_244 = arith.index_cast %parallel_loop3A_197 : i32 to index
        %parallel_loop3A_245 = arith.constant 32 : index
        %parallel_loop3A_246 = tpu.vector_load %arg15[%parallel_loop3A_244, %parallel_loop3A_245] {strides = array<i32>} : memref<80x80xf32, #tpu.memory_space<vmem>>, vector<1x16xf32>,
        %parallel_loop3A_247 = vector.shape_cast %parallel_loop3A_246 : vector<1x16xf32> to vector<16xf32>
        %parallel_loop3A_248 = vector.shape_cast %parallel_loop3A_243 : vector<16xf32> to vector<1x16xf32>
        tpu.vector_store %arg15[%parallel_loop3A_244, %parallel_loop3A_245], %parallel_loop3A_248 {strides = array<i32>} : memref<80x80xf32, #tpu.memory_space<vmem>>, vector<1x16xf32>,
        %parallel_loop3A_249 = arith.constant 0 : i32
        %parallel_loop3A_250 = vector.broadcast %parallel_loop3A_249 : i32 to vector<16xi32>
        %parallel_loop3A_251 = arith.muli %iota3A, %parallel_loop3A_250 : vector<16xi32>
        %parallel_loop3A_252 = arith.index_cast %parallel_loop3A_197 : i32 to index
        %parallel_loop3A_253 = arith.constant 48 : index
        %parallel_loop3A_254 = tpu.vector_load %arg11[%parallel_loop3A_252, %parallel_loop3A_253] {strides = array<i32>} : memref<80x80xf32, #tpu.memory_space<vmem>>, vector<1x16xf32>,
        %parallel_loop3A_255 = vector.shape_cast %parallel_loop3A_254 : vector<1x16xf32> to vector<16xf32>
        %parallel_loop3A_256 = vector.shape_cast %parallel_loop3A_251 : vector<16xi32> to vector<16x1xi32>
        %parallel_loop3A_257 = vector.shape_cast %parallel_loop3A_256 : vector<16x1xi32> to vector<16xi32>
        %parallel_loop3A_258 = tpu.dynamic_gather %parallel_loop3A_211[%parallel_loop3A_257] in [0] : vector<16xf32>, vector<16xi32> -> vector<16xf32>
        %parallel_loop3A_259 = arith.mulf %parallel_loop3A_255, %parallel_loop3A_258 : vector<16xf32>
        %parallel_loop3A_260 = arith.index_cast %parallel_loop3A_197 : i32 to index
        %parallel_loop3A_261 = arith.constant 48 : index
        %parallel_loop3A_262 = tpu.vector_load %arg15[%parallel_loop3A_260, %parallel_loop3A_261] {strides = array<i32>} : memref<80x80xf32, #tpu.memory_space<vmem>>, vector<1x16xf32>,
        %parallel_loop3A_263 = vector.shape_cast %parallel_loop3A_262 : vector<1x16xf32> to vector<16xf32>
        %parallel_loop3A_264 = vector.shape_cast %parallel_loop3A_259 : vector<16xf32> to vector<1x16xf32>
        tpu.vector_store %arg15[%parallel_loop3A_260, %parallel_loop3A_261], %parallel_loop3A_264 {strides = array<i32>} : memref<80x80xf32, #tpu.memory_space<vmem>>, vector<1x16xf32>,
        %parallel_loop3A_265 = arith.constant 0 : i32
        %parallel_loop3A_266 = vector.broadcast %parallel_loop3A_265 : i32 to vector<16xi32>
        %parallel_loop3A_267 = arith.muli %iota3A, %parallel_loop3A_266 : vector<16xi32>
        %parallel_loop3A_268 = arith.index_cast %parallel_loop3A_197 : i32 to index
        %parallel_loop3A_269 = arith.constant 64 : index
        %parallel_loop3A_270 = tpu.vector_load %arg11[%parallel_loop3A_268, %parallel_loop3A_269] {strides = array<i32>} : memref<80x80xf32, #tpu.memory_space<vmem>>, vector<1x16xf32>,
        %parallel_loop3A_271 = vector.shape_cast %parallel_loop3A_270 : vector<1x16xf32> to vector<16xf32>
        %parallel_loop3A_272 = vector.shape_cast %parallel_loop3A_267 : vector<16xi32> to vector<16x1xi32>
        %parallel_loop3A_273 = vector.shape_cast %parallel_loop3A_272 : vector<16x1xi32> to vector<16xi32>
        %parallel_loop3A_274 = tpu.dynamic_gather %parallel_loop3A_211[%parallel_loop3A_273] in [0] : vector<16xf32>, vector<16xi32> -> vector<16xf32>
        %parallel_loop3A_275 = arith.mulf %parallel_loop3A_271, %parallel_loop3A_274 : vector<16xf32>
        %parallel_loop3A_276 = arith.index_cast %parallel_loop3A_197 : i32 to index
        %parallel_loop3A_277 = arith.constant 64 : index
        %parallel_loop3A_278 = tpu.vector_load %arg15[%parallel_loop3A_276, %parallel_loop3A_277] {strides = array<i32>} : memref<80x80xf32, #tpu.memory_space<vmem>>, vector<1x16xf32>,
        %parallel_loop3A_279 = vector.shape_cast %parallel_loop3A_278 : vector<1x16xf32> to vector<16xf32>
        %parallel_loop3A_280 = vector.shape_cast %parallel_loop3A_275 : vector<16xf32> to vector<1x16xf32>
        tpu.vector_store %arg15[%parallel_loop3A_276, %parallel_loop3A_277], %parallel_loop3A_280 {strides = array<i32>} : memref<80x80xf32, #tpu.memory_space<vmem>>, vector<1x16xf32>,
      } {sc.loop_unroll_factor = 8 : i64, sc.parallel_access}
      %dma_start3A_144 = arith.constant 0 : i32
      %dma_start3A_145 = tpu.memref_slice %arg10[%mul3A_122, %dma_start3A_144] : memref<125x80xi32, #tpu.memory_space<vmem>> -> memref<1x80xi32, #tpu.memory_space<vmem>>
      %dma_start3A_146 = tpu.memref_squeeze %dma_start3A_145 : memref<1x80xi32, #tpu.memory_space<vmem>> -> memref<80xi32, #tpu.memory_space<vmem>>
      %dma_start3A_147 = arith.constant 0 : i32
      %dma_start3A_148 = arith.constant 0 : i32
      %dma_start3A_149 = tpu.memref_slice %arg18[%dma_start3A_147, %dma_start3A_148] : memref<10240x80xf32, #tpu.memory_space<vmem_shared>> -> memref<10240x80xf32, #tpu.memory_space<vmem_shared>>
      tpu.enqueue_indirect_dma source(%arg15 : memref<80x80xf32, #tpu.memory_space<vmem>>) target(%dma_start3A_149 : memref<10240x80xf32, #tpu.memory_space<vmem_shared>>) offsets(%dma_start3A_146 : memref<80xi32, #tpu.memory_space<vmem>>) semaphore(%arg23 : memref<!tpu.dma_semaphore, #tpu.memory_space<semaphore_mem>>) {add = true}
      %mul3A_150 = arith.constant 2 : i32
      %mul3A_151 = arith.muli %mul3A_150, %scan3A_104 : i32
      %add3A_152 = arith.constant 2 : i32
      %add3A_153 = arith.addi %mul3A_151, %add3A_152 : i32
      %dma_start3A_154 = arith.constant 0 : i32
      %dma_start3A_155 = tpu.memref_slice %arg9[%add3A_153, %dma_start3A_154] : memref<125x80xi32, #tpu.memory_space<vmem>> -> memref<1x80xi32, #tpu.memory_space<vmem>>
      %dma_start3A_156 = tpu.memref_squeeze %dma_start3A_155 : memref<1x80xi32, #tpu.memory_space<vmem>> -> memref<80xi32, #tpu.memory_space<vmem>>
      %dma_start3A_157 = arith.constant 0 : i32
      %dma_start3A_158 = arith.constant 0 : i32
      %dma_start3A_159 = tpu.memref_slice %arg2[%dma_start3A_157, %dma_start3A_158] : memref<10000x80xf32, #tpu.memory_space<hbm>> -> memref<10000x80xf32, #tpu.memory_space<hbm>>
      tpu.enqueue_indirect_dma source(%dma_start3A_159 : memref<10000x80xf32, #tpu.memory_space<hbm>>) target(%arg11 : memref<80x80xf32, #tpu.memory_space<vmem>>) offsets(%dma_start3A_156 : memref<80xi32, #tpu.memory_space<vmem>>) semaphore(%arg19 : memref<!tpu.dma_semaphore, #tpu.memory_space<semaphore_mem>>)
      %dma_start3A_160 = arith.constant 0 : i32
      %dma_start3A_161 = tpu.memref_slice %arg10[%add3A_153, %dma_start3A_160] : memref<125x80xi32, #tpu.memory_space<vmem>> -> memref<1x80xi32, #tpu.memory_space<vmem>>
      %dma_start3A_162 = tpu.memref_squeeze %dma_start3A_161 : memref<1x80xi32, #tpu.memory_space<vmem>> -> memref<80xi32, #tpu.memory_space<vmem>>
      %dma_start3A_163 = arith.constant 0 : i32
      %dma_start3A_164 = arith.constant 0 : i32
      %dma_start3A_165 = tpu.memref_slice %arg3[%dma_start3A_163, %dma_start3A_164] : memref<10000x16xf32, #tpu.memory_space<hbm>> -> memref<10000x16xf32, #tpu.memory_space<hbm>>
      tpu.enqueue_indirect_dma source(%dma_start3A_165 : memref<10000x16xf32, #tpu.memory_space<hbm>>) target(%arg13 : memref<80x16xf32, #tpu.memory_space<vmem>>) offsets(%dma_start3A_162 : memref<80xi32, #tpu.memory_space<vmem>>) semaphore(%arg20 : memref<!tpu.dma_semaphore, #tpu.memory_space<semaphore_mem>>)
      %mul3A_166 = arith.constant 2 : i32
      %mul3A_167 = arith.muli %mul3A_166, %scan3A_104 : i32
      %add3A_168 = arith.constant 1 : i32
      %add3A_169 = arith.addi %mul3A_167, %add3A_168 : i32
      %dma_wait3A_170 = arith.constant 0 : i32
      %dma_wait3A_171 = tpu.memref_slice %arg9[%add3A_169, %dma_wait3A_170] : memref<125x80xi32, #tpu.memory_space<vmem>> -> memref<1x80xi32, #tpu.memory_space<vmem>>
      %dma_wait3A_172 = tpu.memref_squeeze %dma_wait3A_171 : memref<1x80xi32, #tpu.memory_space<vmem>> -> memref<80xi32, #tpu.memory_space<vmem>>
      %dma_wait3A_173 = arith.constant 0 : i32
      %dma_wait3A_174 = arith.constant 0 : i32
      %dma_wait3A_175 = tpu.memref_slice %arg2[%dma_wait3A_173, %dma_wait3A_174] : memref<10000x80xf32, #tpu.memory_space<hbm>> -> memref<10000x80xf32, #tpu.memory_space<hbm>>
      tpu.wait_indirect_dma semaphore(%arg21 : memref<!tpu.dma_semaphore, #tpu.memory_space<semaphore_mem>>) src(%dma_wait3A_175 : memref<10000x80xf32, #tpu.memory_space<hbm>>) dst(%arg12 : memref<80x80xf32, #tpu.memory_space<vmem>>)
      %dma_wait3A_176 = arith.constant 0 : i32
      %dma_wait3A_177 = tpu.memref_slice %arg10[%add3A_169, %dma_wait3A_176] : memref<125x80xi32, #tpu.memory_space<vmem>> -> memref<1x80xi32, #tpu.memory_space<vmem>>
      %dma_wait3A_178 = tpu.memref_squeeze %dma_wait3A_177 : memref<1x80xi32, #tpu.memory_space<vmem>> -> memref<80xi32, #tpu.memory_space<vmem>>
      %dma_wait3A_179 = arith.constant 0 : i32
      %dma_wait3A_180 = arith.constant 0 : i32
      %dma_wait3A_181 = tpu.memref_slice %arg3[%dma_wait3A_179, %dma_wait3A_180] : memref<10000x16xf32, #tpu.memory_space<hbm>> -> memref<10000x16xf32, #tpu.memory_space<hbm>>
      tpu.wait_indirect_dma semaphore(%arg22 : memref<!tpu.dma_semaphore, #tpu.memory_space<semaphore_mem>>) src(%dma_wait3A_181 : memref<10000x16xf32, #tpu.memory_space<hbm>>) dst(%arg14 : memref<80x16xf32, #tpu.memory_space<vmem>>)
      %dma_wait3A_182 = arith.constant 0 : i32
      %dma_wait3A_183 = tpu.memref_slice %arg10[%add3A_169, %dma_wait3A_182] : memref<125x80xi32, #tpu.memory_space<vmem>> -> memref<1x80xi32, #tpu.memory_space<vmem>>
      %dma_wait3A_184 = tpu.memref_squeeze %dma_wait3A_183 : memref<1x80xi32, #tpu.memory_space<vmem>> -> memref<80xi32, #tpu.memory_space<vmem>>
      %dma_wait3A_185 = arith.constant 0 : i32
      %dma_wait3A_186 = arith.constant 0 : i32
      %dma_wait3A_187 = tpu.memref_slice %arg18[%dma_wait3A_185, %dma_wait3A_186] : memref<10240x80xf32, #tpu.memory_space<vmem_shared>> -> memref<10240x80xf32, #tpu.memory_space<vmem_shared>>
      tpu.wait_indirect_dma semaphore(%arg24 : memref<!tpu.dma_semaphore, #tpu.memory_space<semaphore_mem>>) src(%arg16 : memref<80x80xf32, #tpu.memory_space<vmem>>) dst(%dma_wait3A_187 : memref<10240x80xf32, #tpu.memory_space<vmem_shared>>)
      %parallel_loop3A_188 = arith.constant 0 : i32
      %parallel_loop3A_189 = arith.constant 80 : i32
      %parallel_loop3A_190 = arith.constant 1 : i32
      scf.for %parallel_loop3A_197 = %parallel_loop3A_188 to %parallel_loop3A_189 step %parallel_loop3A_190  : i32 {
        %parallel_loop3A_198 = arith.index_cast %parallel_loop3A_197 : i32 to index
        %parallel_loop3A_199 = arith.constant 0 : index
        %parallel_loop3A_200 = tpu.vector_load %arg12[%parallel_loop3A_198, %parallel_loop3A_199] {strides = array<i32>} : memref<80x80xf32, #tpu.memory_space<vmem>>, vector<1x16xf32>,
        %parallel_loop3A_201 = vector.shape_cast %parallel_loop3A_200 : vector<1x16xf32> to vector<16xf32>
        %parallel_loop3A_202 = arith.index_cast %parallel_loop3A_197 : i32 to index
        %parallel_loop3A_203 = arith.constant 0 : index
        %parallel_loop3A_204 = tpu.vector_load %arg14[%parallel_loop3A_202, %parallel_loop3A_203] {strides = array<i32>} : memref<80x16xf32, #tpu.memory_space<vmem>>, vector<1x16xf32>,
        %parallel_loop3A_205 = vector.shape_cast %parallel_loop3A_204 : vector<1x16xf32> to vector<16xf32>
        %parallel_loop3A_206 = arith.addf %parallel_loop3A_201, %parallel_loop3A_205 : vector<16xf32>
        %parallel_loop3A_207 = arith.constant 2.000000e-01 : f32
        %parallel_loop3A_208 = vector.broadcast %parallel_loop3A_207 : f32 to vector<16xf32>
        %parallel_loop3A_209 = arith.mulf %parallel_loop3A_208, %parallel_loop3A_206 : vector<16xf32>
        %parallel_loop3A_210 = arith.maximumf %parallel_loop3A_206, %parallel_loop3A_209 : vector<16xf32>
        %parallel_loop3A_211 = math.exp %parallel_loop3A_210 : vector<16xf32>
        %parallel_loop3A_212 = arith.index_cast %parallel_loop3A_197 : i32 to index
        %parallel_loop3A_213 = arith.constant 0 : index
        %parallel_loop3A_214 = tpu.vector_load %arg16[%parallel_loop3A_212, %parallel_loop3A_213] {strides = array<i32>} : memref<80x80xf32, #tpu.memory_space<vmem>>, vector<1x16xf32>,
        %parallel_loop3A_215 = vector.shape_cast %parallel_loop3A_214 : vector<1x16xf32> to vector<16xf32>
        %parallel_loop3A_216 = vector.shape_cast %parallel_loop3A_211 : vector<16xf32> to vector<1x16xf32>
        tpu.vector_store %arg16[%parallel_loop3A_212, %parallel_loop3A_213], %parallel_loop3A_216 {strides = array<i32>} : memref<80x80xf32, #tpu.memory_space<vmem>>, vector<1x16xf32>,
        %parallel_loop3A_217 = arith.constant 0 : i32
        %parallel_loop3A_218 = vector.broadcast %parallel_loop3A_217 : i32 to vector<16xi32>
        %parallel_loop3A_219 = arith.muli %iota3A, %parallel_loop3A_218 : vector<16xi32>
        %parallel_loop3A_220 = arith.index_cast %parallel_loop3A_197 : i32 to index
        %parallel_loop3A_221 = arith.constant 16 : index
        %parallel_loop3A_222 = tpu.vector_load %arg12[%parallel_loop3A_220, %parallel_loop3A_221] {strides = array<i32>} : memref<80x80xf32, #tpu.memory_space<vmem>>, vector<1x16xf32>,
        %parallel_loop3A_223 = vector.shape_cast %parallel_loop3A_222 : vector<1x16xf32> to vector<16xf32>
        %parallel_loop3A_224 = vector.shape_cast %parallel_loop3A_219 : vector<16xi32> to vector<16x1xi32>
        %parallel_loop3A_225 = vector.shape_cast %parallel_loop3A_224 : vector<16x1xi32> to vector<16xi32>
        %parallel_loop3A_226 = tpu.dynamic_gather %parallel_loop3A_211[%parallel_loop3A_225] in [0] : vector<16xf32>, vector<16xi32> -> vector<16xf32>
        %parallel_loop3A_227 = arith.mulf %parallel_loop3A_223, %parallel_loop3A_226 : vector<16xf32>
        %parallel_loop3A_228 = arith.index_cast %parallel_loop3A_197 : i32 to index
        %parallel_loop3A_229 = arith.constant 16 : index
        %parallel_loop3A_230 = tpu.vector_load %arg16[%parallel_loop3A_228, %parallel_loop3A_229] {strides = array<i32>} : memref<80x80xf32, #tpu.memory_space<vmem>>, vector<1x16xf32>,
        %parallel_loop3A_231 = vector.shape_cast %parallel_loop3A_230 : vector<1x16xf32> to vector<16xf32>
        %parallel_loop3A_232 = vector.shape_cast %parallel_loop3A_227 : vector<16xf32> to vector<1x16xf32>
        tpu.vector_store %arg16[%parallel_loop3A_228, %parallel_loop3A_229], %parallel_loop3A_232 {strides = array<i32>} : memref<80x80xf32, #tpu.memory_space<vmem>>, vector<1x16xf32>,
        %parallel_loop3A_233 = arith.constant 0 : i32
        %parallel_loop3A_234 = vector.broadcast %parallel_loop3A_233 : i32 to vector<16xi32>
        %parallel_loop3A_235 = arith.muli %iota3A, %parallel_loop3A_234 : vector<16xi32>
        %parallel_loop3A_236 = arith.index_cast %parallel_loop3A_197 : i32 to index
        %parallel_loop3A_237 = arith.constant 32 : index
        %parallel_loop3A_238 = tpu.vector_load %arg12[%parallel_loop3A_236, %parallel_loop3A_237] {strides = array<i32>} : memref<80x80xf32, #tpu.memory_space<vmem>>, vector<1x16xf32>,
        %parallel_loop3A_239 = vector.shape_cast %parallel_loop3A_238 : vector<1x16xf32> to vector<16xf32>
        %parallel_loop3A_240 = vector.shape_cast %parallel_loop3A_235 : vector<16xi32> to vector<16x1xi32>
        %parallel_loop3A_241 = vector.shape_cast %parallel_loop3A_240 : vector<16x1xi32> to vector<16xi32>
        %parallel_loop3A_242 = tpu.dynamic_gather %parallel_loop3A_211[%parallel_loop3A_241] in [0] : vector<16xf32>, vector<16xi32> -> vector<16xf32>
        %parallel_loop3A_243 = arith.mulf %parallel_loop3A_239, %parallel_loop3A_242 : vector<16xf32>
        %parallel_loop3A_244 = arith.index_cast %parallel_loop3A_197 : i32 to index
        %parallel_loop3A_245 = arith.constant 32 : index
        %parallel_loop3A_246 = tpu.vector_load %arg16[%parallel_loop3A_244, %parallel_loop3A_245] {strides = array<i32>} : memref<80x80xf32, #tpu.memory_space<vmem>>, vector<1x16xf32>,
        %parallel_loop3A_247 = vector.shape_cast %parallel_loop3A_246 : vector<1x16xf32> to vector<16xf32>
        %parallel_loop3A_248 = vector.shape_cast %parallel_loop3A_243 : vector<16xf32> to vector<1x16xf32>
        tpu.vector_store %arg16[%parallel_loop3A_244, %parallel_loop3A_245], %parallel_loop3A_248 {strides = array<i32>} : memref<80x80xf32, #tpu.memory_space<vmem>>, vector<1x16xf32>,
        %parallel_loop3A_249 = arith.constant 0 : i32
        %parallel_loop3A_250 = vector.broadcast %parallel_loop3A_249 : i32 to vector<16xi32>
        %parallel_loop3A_251 = arith.muli %iota3A, %parallel_loop3A_250 : vector<16xi32>
        %parallel_loop3A_252 = arith.index_cast %parallel_loop3A_197 : i32 to index
        %parallel_loop3A_253 = arith.constant 48 : index
        %parallel_loop3A_254 = tpu.vector_load %arg12[%parallel_loop3A_252, %parallel_loop3A_253] {strides = array<i32>} : memref<80x80xf32, #tpu.memory_space<vmem>>, vector<1x16xf32>,
        %parallel_loop3A_255 = vector.shape_cast %parallel_loop3A_254 : vector<1x16xf32> to vector<16xf32>
        %parallel_loop3A_256 = vector.shape_cast %parallel_loop3A_251 : vector<16xi32> to vector<16x1xi32>
        %parallel_loop3A_257 = vector.shape_cast %parallel_loop3A_256 : vector<16x1xi32> to vector<16xi32>
        %parallel_loop3A_258 = tpu.dynamic_gather %parallel_loop3A_211[%parallel_loop3A_257] in [0] : vector<16xf32>, vector<16xi32> -> vector<16xf32>
        %parallel_loop3A_259 = arith.mulf %parallel_loop3A_255, %parallel_loop3A_258 : vector<16xf32>
        %parallel_loop3A_260 = arith.index_cast %parallel_loop3A_197 : i32 to index
        %parallel_loop3A_261 = arith.constant 48 : index
        %parallel_loop3A_262 = tpu.vector_load %arg16[%parallel_loop3A_260, %parallel_loop3A_261] {strides = array<i32>} : memref<80x80xf32, #tpu.memory_space<vmem>>, vector<1x16xf32>,
        %parallel_loop3A_263 = vector.shape_cast %parallel_loop3A_262 : vector<1x16xf32> to vector<16xf32>
        %parallel_loop3A_264 = vector.shape_cast %parallel_loop3A_259 : vector<16xf32> to vector<1x16xf32>
        tpu.vector_store %arg16[%parallel_loop3A_260, %parallel_loop3A_261], %parallel_loop3A_264 {strides = array<i32>} : memref<80x80xf32, #tpu.memory_space<vmem>>, vector<1x16xf32>,
        %parallel_loop3A_265 = arith.constant 0 : i32
        %parallel_loop3A_266 = vector.broadcast %parallel_loop3A_265 : i32 to vector<16xi32>
        %parallel_loop3A_267 = arith.muli %iota3A, %parallel_loop3A_266 : vector<16xi32>
        %parallel_loop3A_268 = arith.index_cast %parallel_loop3A_197 : i32 to index
        %parallel_loop3A_269 = arith.constant 64 : index
        %parallel_loop3A_270 = tpu.vector_load %arg12[%parallel_loop3A_268, %parallel_loop3A_269] {strides = array<i32>} : memref<80x80xf32, #tpu.memory_space<vmem>>, vector<1x16xf32>,
        %parallel_loop3A_271 = vector.shape_cast %parallel_loop3A_270 : vector<1x16xf32> to vector<16xf32>
        %parallel_loop3A_272 = vector.shape_cast %parallel_loop3A_267 : vector<16xi32> to vector<16x1xi32>
        %parallel_loop3A_273 = vector.shape_cast %parallel_loop3A_272 : vector<16x1xi32> to vector<16xi32>
        %parallel_loop3A_274 = tpu.dynamic_gather %parallel_loop3A_211[%parallel_loop3A_273] in [0] : vector<16xf32>, vector<16xi32> -> vector<16xf32>
        %parallel_loop3A_275 = arith.mulf %parallel_loop3A_271, %parallel_loop3A_274 : vector<16xf32>
        %parallel_loop3A_276 = arith.index_cast %parallel_loop3A_197 : i32 to index
        %parallel_loop3A_277 = arith.constant 64 : index
        %parallel_loop3A_278 = tpu.vector_load %arg16[%parallel_loop3A_276, %parallel_loop3A_277] {strides = array<i32>} : memref<80x80xf32, #tpu.memory_space<vmem>>, vector<1x16xf32>,
        %parallel_loop3A_279 = vector.shape_cast %parallel_loop3A_278 : vector<1x16xf32> to vector<16xf32>
        %parallel_loop3A_280 = vector.shape_cast %parallel_loop3A_275 : vector<16xf32> to vector<1x16xf32>
        tpu.vector_store %arg16[%parallel_loop3A_276, %parallel_loop3A_277], %parallel_loop3A_280 {strides = array<i32>} : memref<80x80xf32, #tpu.memory_space<vmem>>, vector<1x16xf32>,
      } {sc.loop_unroll_factor = 8 : i64, sc.parallel_access}
      %dma_start3A_191 = arith.constant 0 : i32
      %dma_start3A_192 = tpu.memref_slice %arg10[%add3A_169, %dma_start3A_191] : memref<125x80xi32, #tpu.memory_space<vmem>> -> memref<1x80xi32, #tpu.memory_space<vmem>>
      %dma_start3A_193 = tpu.memref_squeeze %dma_start3A_192 : memref<1x80xi32, #tpu.memory_space<vmem>> -> memref<80xi32, #tpu.memory_space<vmem>>
      %dma_start3A_194 = arith.constant 0 : i32
      %dma_start3A_195 = arith.constant 0 : i32
      %dma_start3A_196 = tpu.memref_slice %arg18[%dma_start3A_194, %dma_start3A_195] : memref<10240x80xf32, #tpu.memory_space<vmem_shared>> -> memref<10240x80xf32, #tpu.memory_space<vmem_shared>>
      tpu.enqueue_indirect_dma source(%arg16 : memref<80x80xf32, #tpu.memory_space<vmem>>) target(%dma_start3A_196 : memref<10240x80xf32, #tpu.memory_space<vmem_shared>>) offsets(%dma_start3A_193 : memref<80xi32, #tpu.memory_space<vmem>>) semaphore(%arg24 : memref<!tpu.dma_semaphore, #tpu.memory_space<semaphore_mem>>) {add = true}
    }
    %scan3A_60 = arith.constant 62 : i32
    %dma_wait3A = arith.constant 124 : i32
    %dma_wait3A_61 = arith.constant 0 : i32
    %dma_wait3A_62 = tpu.memref_slice %arg9[%dma_wait3A, %dma_wait3A_61] : memref<125x80xi32, #tpu.memory_space<vmem>> -> memref<1x80xi32, #tpu.memory_space<vmem>>
    %dma_wait3A_63 = tpu.memref_squeeze %dma_wait3A_62 : memref<1x80xi32, #tpu.memory_space<vmem>> -> memref<80xi32, #tpu.memory_space<vmem>>
    %dma_wait3A_64 = arith.constant 0 : i32
    %dma_wait3A_65 = arith.constant 0 : i32
    %dma_wait3A_66 = tpu.memref_slice %arg2[%dma_wait3A_64, %dma_wait3A_65] : memref<10000x80xf32, #tpu.memory_space<hbm>> -> memref<10000x80xf32, #tpu.memory_space<hbm>>
    tpu.wait_indirect_dma semaphore(%arg19 : memref<!tpu.dma_semaphore, #tpu.memory_space<semaphore_mem>>) src(%dma_wait3A_66 : memref<10000x80xf32, #tpu.memory_space<hbm>>) dst(%arg11 : memref<80x80xf32, #tpu.memory_space<vmem>>)
    %dma_wait3A_67 = arith.constant 124 : i32
    %dma_wait3A_68 = arith.constant 0 : i32
    %dma_wait3A_69 = tpu.memref_slice %arg10[%dma_wait3A_67, %dma_wait3A_68] : memref<125x80xi32, #tpu.memory_space<vmem>> -> memref<1x80xi32, #tpu.memory_space<vmem>>
    %dma_wait3A_70 = tpu.memref_squeeze %dma_wait3A_69 : memref<1x80xi32, #tpu.memory_space<vmem>> -> memref<80xi32, #tpu.memory_space<vmem>>
    %dma_wait3A_71 = arith.constant 0 : i32
    %dma_wait3A_72 = arith.constant 0 : i32
    %dma_wait3A_73 = tpu.memref_slice %arg3[%dma_wait3A_71, %dma_wait3A_72] : memref<10000x16xf32, #tpu.memory_space<hbm>> -> memref<10000x16xf32, #tpu.memory_space<hbm>>
    tpu.wait_indirect_dma semaphore(%arg20 : memref<!tpu.dma_semaphore, #tpu.memory_space<semaphore_mem>>) src(%dma_wait3A_73 : memref<10000x16xf32, #tpu.memory_space<hbm>>) dst(%arg13 : memref<80x16xf32, #tpu.memory_space<vmem>>)
    %dma_wait3A_74 = arith.constant 124 : i32
    %dma_wait3A_75 = arith.constant 0 : i32
    %dma_wait3A_76 = tpu.memref_slice %arg10[%dma_wait3A_74, %dma_wait3A_75] : memref<125x80xi32, #tpu.memory_space<vmem>> -> memref<1x80xi32, #tpu.memory_space<vmem>>
    %dma_wait3A_77 = tpu.memref_squeeze %dma_wait3A_76 : memref<1x80xi32, #tpu.memory_space<vmem>> -> memref<80xi32, #tpu.memory_space<vmem>>
    %dma_wait3A_78 = arith.constant 0 : i32
    %dma_wait3A_79 = arith.constant 0 : i32
    %dma_wait3A_80 = tpu.memref_slice %arg18[%dma_wait3A_78, %dma_wait3A_79] : memref<10240x80xf32, #tpu.memory_space<vmem_shared>> -> memref<10240x80xf32, #tpu.memory_space<vmem_shared>>
    tpu.wait_indirect_dma semaphore(%arg23 : memref<!tpu.dma_semaphore, #tpu.memory_space<semaphore_mem>>) src(%arg15 : memref<80x80xf32, #tpu.memory_space<vmem>>) dst(%dma_wait3A_80 : memref<10240x80xf32, #tpu.memory_space<vmem_shared>>)
    %parallel_loop3A = arith.constant 0 : i32
    %parallel_loop3A_81 = arith.constant 80 : i32
    %parallel_loop3A_82 = arith.constant 1 : i32
    scf.for %parallel_loop3A_104 = %parallel_loop3A to %parallel_loop3A_81 step %parallel_loop3A_82  : i32 {
      %parallel_loop3A_105 = arith.index_cast %parallel_loop3A_104 : i32 to index
      %parallel_loop3A_106 = arith.constant 0 : index
      %parallel_loop3A_107 = tpu.vector_load %arg11[%parallel_loop3A_105, %parallel_loop3A_106] {strides = array<i32>} : memref<80x80xf32, #tpu.memory_space<vmem>>, vector<1x16xf32>,
      %parallel_loop3A_108 = vector.shape_cast %parallel_loop3A_107 : vector<1x16xf32> to vector<16xf32>
      %parallel_loop3A_109 = arith.index_cast %parallel_loop3A_104 : i32 to index
      %parallel_loop3A_110 = arith.constant 0 : index
      %parallel_loop3A_111 = tpu.vector_load %arg13[%parallel_loop3A_109, %parallel_loop3A_110] {strides = array<i32>} : memref<80x16xf32, #tpu.memory_space<vmem>>, vector<1x16xf32>,
      %parallel_loop3A_112 = vector.shape_cast %parallel_loop3A_111 : vector<1x16xf32> to vector<16xf32>
      %parallel_loop3A_113 = arith.addf %parallel_loop3A_108, %parallel_loop3A_112 : vector<16xf32>
      %parallel_loop3A_114 = arith.constant 2.000000e-01 : f32
      %parallel_loop3A_115 = vector.broadcast %parallel_loop3A_114 : f32 to vector<16xf32>
      %parallel_loop3A_116 = arith.mulf %parallel_loop3A_115, %parallel_loop3A_113 : vector<16xf32>
      %parallel_loop3A_117 = arith.maximumf %parallel_loop3A_113, %parallel_loop3A_116 : vector<16xf32>
      %parallel_loop3A_118 = math.exp %parallel_loop3A_117 : vector<16xf32>
      %parallel_loop3A_119 = arith.index_cast %parallel_loop3A_104 : i32 to index
      %parallel_loop3A_120 = arith.constant 0 : index
      %parallel_loop3A_121 = tpu.vector_load %arg15[%parallel_loop3A_119, %parallel_loop3A_120] {strides = array<i32>} : memref<80x80xf32, #tpu.memory_space<vmem>>, vector<1x16xf32>,
      %parallel_loop3A_122 = vector.shape_cast %parallel_loop3A_121 : vector<1x16xf32> to vector<16xf32>
      %parallel_loop3A_123 = vector.shape_cast %parallel_loop3A_118 : vector<16xf32> to vector<1x16xf32>
      tpu.vector_store %arg15[%parallel_loop3A_119, %parallel_loop3A_120], %parallel_loop3A_123 {strides = array<i32>} : memref<80x80xf32, #tpu.memory_space<vmem>>, vector<1x16xf32>,
      %parallel_loop3A_124 = arith.constant 0 : i32
      %parallel_loop3A_125 = vector.broadcast %parallel_loop3A_124 : i32 to vector<16xi32>
      %parallel_loop3A_126 = arith.muli %iota3A, %parallel_loop3A_125 : vector<16xi32>
      %parallel_loop3A_127 = arith.index_cast %parallel_loop3A_104 : i32 to index
      %parallel_loop3A_128 = arith.constant 16 : index
      %parallel_loop3A_129 = tpu.vector_load %arg11[%parallel_loop3A_127, %parallel_loop3A_128] {strides = array<i32>} : memref<80x80xf32, #tpu.memory_space<vmem>>, vector<1x16xf32>,
      %parallel_loop3A_130 = vector.shape_cast %parallel_loop3A_129 : vector<1x16xf32> to vector<16xf32>
      %parallel_loop3A_131 = vector.shape_cast %parallel_loop3A_126 : vector<16xi32> to vector<16x1xi32>
      %parallel_loop3A_132 = vector.shape_cast %parallel_loop3A_131 : vector<16x1xi32> to vector<16xi32>
      %parallel_loop3A_133 = tpu.dynamic_gather %parallel_loop3A_118[%parallel_loop3A_132] in [0] : vector<16xf32>, vector<16xi32> -> vector<16xf32>
      %parallel_loop3A_134 = arith.mulf %parallel_loop3A_130, %parallel_loop3A_133 : vector<16xf32>
      %parallel_loop3A_135 = arith.index_cast %parallel_loop3A_104 : i32 to index
      %parallel_loop3A_136 = arith.constant 16 : index
      %parallel_loop3A_137 = tpu.vector_load %arg15[%parallel_loop3A_135, %parallel_loop3A_136] {strides = array<i32>} : memref<80x80xf32, #tpu.memory_space<vmem>>, vector<1x16xf32>,
      %parallel_loop3A_138 = vector.shape_cast %parallel_loop3A_137 : vector<1x16xf32> to vector<16xf32>
      %parallel_loop3A_139 = vector.shape_cast %parallel_loop3A_134 : vector<16xf32> to vector<1x16xf32>
      tpu.vector_store %arg15[%parallel_loop3A_135, %parallel_loop3A_136], %parallel_loop3A_139 {strides = array<i32>} : memref<80x80xf32, #tpu.memory_space<vmem>>, vector<1x16xf32>,
      %parallel_loop3A_140 = arith.constant 0 : i32
      %parallel_loop3A_141 = vector.broadcast %parallel_loop3A_140 : i32 to vector<16xi32>
      %parallel_loop3A_142 = arith.muli %iota3A, %parallel_loop3A_141 : vector<16xi32>
      %parallel_loop3A_143 = arith.index_cast %parallel_loop3A_104 : i32 to index
      %parallel_loop3A_144 = arith.constant 32 : index
      %parallel_loop3A_145 = tpu.vector_load %arg11[%parallel_loop3A_143, %parallel_loop3A_144] {strides = array<i32>} : memref<80x80xf32, #tpu.memory_space<vmem>>, vector<1x16xf32>,
      %parallel_loop3A_146 = vector.shape_cast %parallel_loop3A_145 : vector<1x16xf32> to vector<16xf32>
      %parallel_loop3A_147 = vector.shape_cast %parallel_loop3A_142 : vector<16xi32> to vector<16x1xi32>
      %parallel_loop3A_148 = vector.shape_cast %parallel_loop3A_147 : vector<16x1xi32> to vector<16xi32>
      %parallel_loop3A_149 = tpu.dynamic_gather %parallel_loop3A_118[%parallel_loop3A_148] in [0] : vector<16xf32>, vector<16xi32> -> vector<16xf32>
      %parallel_loop3A_150 = arith.mulf %parallel_loop3A_146, %parallel_loop3A_149 : vector<16xf32>
      %parallel_loop3A_151 = arith.index_cast %parallel_loop3A_104 : i32 to index
      %parallel_loop3A_152 = arith.constant 32 : index
      %parallel_loop3A_153 = tpu.vector_load %arg15[%parallel_loop3A_151, %parallel_loop3A_152] {strides = array<i32>} : memref<80x80xf32, #tpu.memory_space<vmem>>, vector<1x16xf32>,
      %parallel_loop3A_154 = vector.shape_cast %parallel_loop3A_153 : vector<1x16xf32> to vector<16xf32>
      %parallel_loop3A_155 = vector.shape_cast %parallel_loop3A_150 : vector<16xf32> to vector<1x16xf32>
      tpu.vector_store %arg15[%parallel_loop3A_151, %parallel_loop3A_152], %parallel_loop3A_155 {strides = array<i32>} : memref<80x80xf32, #tpu.memory_space<vmem>>, vector<1x16xf32>,
      %parallel_loop3A_156 = arith.constant 0 : i32
      %parallel_loop3A_157 = vector.broadcast %parallel_loop3A_156 : i32 to vector<16xi32>
      %parallel_loop3A_158 = arith.muli %iota3A, %parallel_loop3A_157 : vector<16xi32>
      %parallel_loop3A_159 = arith.index_cast %parallel_loop3A_104 : i32 to index
      %parallel_loop3A_160 = arith.constant 48 : index
      %parallel_loop3A_161 = tpu.vector_load %arg11[%parallel_loop3A_159, %parallel_loop3A_160] {strides = array<i32>} : memref<80x80xf32, #tpu.memory_space<vmem>>, vector<1x16xf32>,
      %parallel_loop3A_162 = vector.shape_cast %parallel_loop3A_161 : vector<1x16xf32> to vector<16xf32>
      %parallel_loop3A_163 = vector.shape_cast %parallel_loop3A_158 : vector<16xi32> to vector<16x1xi32>
      %parallel_loop3A_164 = vector.shape_cast %parallel_loop3A_163 : vector<16x1xi32> to vector<16xi32>
      %parallel_loop3A_165 = tpu.dynamic_gather %parallel_loop3A_118[%parallel_loop3A_164] in [0] : vector<16xf32>, vector<16xi32> -> vector<16xf32>
      %parallel_loop3A_166 = arith.mulf %parallel_loop3A_162, %parallel_loop3A_165 : vector<16xf32>
      %parallel_loop3A_167 = arith.index_cast %parallel_loop3A_104 : i32 to index
      %parallel_loop3A_168 = arith.constant 48 : index
      %parallel_loop3A_169 = tpu.vector_load %arg15[%parallel_loop3A_167, %parallel_loop3A_168] {strides = array<i32>} : memref<80x80xf32, #tpu.memory_space<vmem>>, vector<1x16xf32>,
      %parallel_loop3A_170 = vector.shape_cast %parallel_loop3A_169 : vector<1x16xf32> to vector<16xf32>
      %parallel_loop3A_171 = vector.shape_cast %parallel_loop3A_166 : vector<16xf32> to vector<1x16xf32>
      tpu.vector_store %arg15[%parallel_loop3A_167, %parallel_loop3A_168], %parallel_loop3A_171 {strides = array<i32>} : memref<80x80xf32, #tpu.memory_space<vmem>>, vector<1x16xf32>,
      %parallel_loop3A_172 = arith.constant 0 : i32
      %parallel_loop3A_173 = vector.broadcast %parallel_loop3A_172 : i32 to vector<16xi32>
      %parallel_loop3A_174 = arith.muli %iota3A, %parallel_loop3A_173 : vector<16xi32>
      %parallel_loop3A_175 = arith.index_cast %parallel_loop3A_104 : i32 to index
      %parallel_loop3A_176 = arith.constant 64 : index
      %parallel_loop3A_177 = tpu.vector_load %arg11[%parallel_loop3A_175, %parallel_loop3A_176] {strides = array<i32>} : memref<80x80xf32, #tpu.memory_space<vmem>>, vector<1x16xf32>,
      %parallel_loop3A_178 = vector.shape_cast %parallel_loop3A_177 : vector<1x16xf32> to vector<16xf32>
      %parallel_loop3A_179 = vector.shape_cast %parallel_loop3A_174 : vector<16xi32> to vector<16x1xi32>
      %parallel_loop3A_180 = vector.shape_cast %parallel_loop3A_179 : vector<16x1xi32> to vector<16xi32>
      %parallel_loop3A_181 = tpu.dynamic_gather %parallel_loop3A_118[%parallel_loop3A_180] in [0] : vector<16xf32>, vector<16xi32> -> vector<16xf32>
      %parallel_loop3A_182 = arith.mulf %parallel_loop3A_178, %parallel_loop3A_181 : vector<16xf32>
      %parallel_loop3A_183 = arith.index_cast %parallel_loop3A_104 : i32 to index
      %parallel_loop3A_184 = arith.constant 64 : index
      %parallel_loop3A_185 = tpu.vector_load %arg15[%parallel_loop3A_183, %parallel_loop3A_184] {strides = array<i32>} : memref<80x80xf32, #tpu.memory_space<vmem>>, vector<1x16xf32>,
      %parallel_loop3A_186 = vector.shape_cast %parallel_loop3A_185 : vector<1x16xf32> to vector<16xf32>
      %parallel_loop3A_187 = vector.shape_cast %parallel_loop3A_182 : vector<16xf32> to vector<1x16xf32>
      tpu.vector_store %arg15[%parallel_loop3A_183, %parallel_loop3A_184], %parallel_loop3A_187 {strides = array<i32>} : memref<80x80xf32, #tpu.memory_space<vmem>>, vector<1x16xf32>,
    } {sc.loop_unroll_factor = 8 : i64, sc.parallel_access}
    %dma_start3A_83 = arith.constant 124 : i32
    %dma_start3A_84 = arith.constant 0 : i32
    %dma_start3A_85 = tpu.memref_slice %arg10[%dma_start3A_83, %dma_start3A_84] : memref<125x80xi32, #tpu.memory_space<vmem>> -> memref<1x80xi32, #tpu.memory_space<vmem>>
    %dma_start3A_86 = tpu.memref_squeeze %dma_start3A_85 : memref<1x80xi32, #tpu.memory_space<vmem>> -> memref<80xi32, #tpu.memory_space<vmem>>
    %dma_start3A_87 = arith.constant 0 : i32
    %dma_start3A_88 = arith.constant 0 : i32
    %dma_start3A_89 = tpu.memref_slice %arg18[%dma_start3A_87, %dma_start3A_88] : memref<10240x80xf32, #tpu.memory_space<vmem_shared>> -> memref<10240x80xf32, #tpu.memory_space<vmem_shared>>
    tpu.enqueue_indirect_dma source(%arg15 : memref<80x80xf32, #tpu.memory_space<vmem>>) target(%dma_start3A_89 : memref<10240x80xf32, #tpu.memory_space<vmem_shared>>) offsets(%dma_start3A_86 : memref<80xi32, #tpu.memory_space<vmem>>) semaphore(%arg23 : memref<!tpu.dma_semaphore, #tpu.memory_space<semaphore_mem>>) {add = true}
    %dma_wait3A_90 = arith.constant 0 : i32
    %dma_wait3A_91 = arith.constant 0 : i32
    %dma_wait3A_92 = tpu.memref_slice %arg18[%dma_wait3A_90, %dma_wait3A_91] : memref<10240x80xf32, #tpu.memory_space<vmem_shared>> -> memref<10240x80xf32, #tpu.memory_space<vmem_shared>>
    tpu.wait_indirect_dma semaphore(%arg23 : memref<!tpu.dma_semaphore, #tpu.memory_space<semaphore_mem>>) src(%arg15 : memref<80x80xf32, #tpu.memory_space<vmem>>) dst(%dma_wait3A_92 : memref<10240x80xf32, #tpu.memory_space<vmem_shared>>)
    %dma_wait3A_93 = arith.constant 0 : i32
    %dma_wait3A_94 = arith.constant 0 : i32
    %dma_wait3A_95 = tpu.memref_slice %arg18[%dma_wait3A_93, %dma_wait3A_94] : memref<10240x80xf32, #tpu.memory_space<vmem_shared>> -> memref<10240x80xf32, #tpu.memory_space<vmem_shared>>
    tpu.wait_indirect_dma semaphore(%arg24 : memref<!tpu.dma_semaphore, #tpu.memory_space<semaphore_mem>>) src(%arg16 : memref<80x80xf32, #tpu.memory_space<vmem>>) dst(%dma_wait3A_95 : memref<10240x80xf32, #tpu.memory_space<vmem_shared>>)
    %barrier3A_96 = arith.constant 0 : index
    tpu.barrier barrier_id(%barrier3A_96)
    %eq3A = arith.constant 0 : i32
    %eq3A_97 = arith.cmpi eq, %arg0, %eq3A : i32
    %convert_element_type3A = arith.extui %eq3A_97 : i1 to i32
    %cond3A = arith.constant 0 : i32
    %cond3A_98 = arith.cmpi ne, %convert_element_type3A, %cond3A : i32
    scf.if %cond3A_98 {
      %mul3A_104 = arith.constant 640 : i32
      %mul3A_105 = arith.muli %arg1, %mul3A_104 : i32
      %mul3A_106 = arith.constant 640 : i32
      %mul3A_107 = arith.muli %arg1, %mul3A_106 : i32
      "tpu.region"() ({
        %run_scoped3A = tpu.sem_alloc : memref<!tpu.dma_semaphore, #tpu.memory_space<semaphore_mem>>
        %dma_start3A_108 = arith.constant 0 : i32
        %dma_start3A_109 = tpu.memref_slice %arg7[%mul3A_107, %dma_start3A_108] : memref<10240x80xf32, #tpu.memory_space<hbm>> -> memref<640x80xf32, #tpu.memory_space<hbm>>
        %dma_start3A_110 = arith.constant 0 : i32
        %dma_start3A_111 = tpu.memref_slice %arg18[%mul3A_105, %dma_start3A_110] : memref<10240x80xf32, #tpu.memory_space<vmem_shared>> -> memref<640x80xf32, #tpu.memory_space<vmem_shared>>
        tpu.enqueue_dma source(%dma_start3A_111 : memref<640x80xf32, #tpu.memory_space<vmem_shared>>) target(%dma_start3A_109 : memref<640x80xf32, #tpu.memory_space<hbm>>) target_semaphore(%run_scoped3A : memref<!tpu.dma_semaphore, #tpu.memory_space<semaphore_mem>>)
        %dma_wait3A_112 = arith.constant 0 : i32
        %dma_wait3A_113 = tpu.memref_slice %arg7[%mul3A_107, %dma_wait3A_112] : memref<10240x80xf32, #tpu.memory_space<hbm>> -> memref<640x80xf32, #tpu.memory_space<hbm>>
        %dma_wait3A_114 = arith.constant 0 : i32
        %dma_wait3A_115 = tpu.memref_slice %arg18[%mul3A_105, %dma_wait3A_114] : memref<10240x80xf32, #tpu.memory_space<vmem_shared>> -> memref<640x80xf32, #tpu.memory_space<vmem_shared>>
        tpu.wait_dma2 semaphore(%run_scoped3A : memref<!tpu.dma_semaphore, #tpu.memory_space<semaphore_mem>>) src(%dma_wait3A_115 : memref<640x80xf32, #tpu.memory_space<vmem_shared>>) dst(%dma_wait3A_113 : memref<640x80xf32, #tpu.memory_space<hbm>>)
        tpu.yield
      }) : () -> ()
    } else {
    }
    %eq3A_99 = arith.constant 1 : i32
    %eq3A_100 = arith.cmpi eq, %arg0, %eq3A_99 : i32
    %convert_element_type3A_101 = arith.extui %eq3A_100 : i1 to i32
    %cond3A_102 = arith.constant 0 : i32
    %cond3A_103 = arith.cmpi ne, %convert_element_type3A_101, %cond3A_102 : i32
    scf.if %cond3A_103 {
      %mul3A_104 = arith.constant 640 : i32
      %mul3A_105 = arith.muli %arg1, %mul3A_104 : i32
      %mul3A_106 = arith.constant 640 : i32
      %mul3A_107 = arith.muli %arg1, %mul3A_106 : i32
      "tpu.region"() ({
        %run_scoped3A = tpu.sem_alloc : memref<!tpu.dma_semaphore, #tpu.memory_space<semaphore_mem>>
        %dma_start3A_108 = arith.constant 0 : i32
        %dma_start3A_109 = tpu.memref_slice %arg8[%mul3A_107, %dma_start3A_108] : memref<10240x80xf32, #tpu.memory_space<hbm>> -> memref<640x80xf32, #tpu.memory_space<hbm>>
        %dma_start3A_110 = arith.constant 0 : i32
        %dma_start3A_111 = tpu.memref_slice %arg18[%mul3A_105, %dma_start3A_110] : memref<10240x80xf32, #tpu.memory_space<vmem_shared>> -> memref<640x80xf32, #tpu.memory_space<vmem_shared>>
        tpu.enqueue_dma source(%dma_start3A_111 : memref<640x80xf32, #tpu.memory_space<vmem_shared>>) target(%dma_start3A_109 : memref<640x80xf32, #tpu.memory_space<hbm>>) target_semaphore(%run_scoped3A : memref<!tpu.dma_semaphore, #tpu.memory_space<semaphore_mem>>)
        %dma_wait3A_112 = arith.constant 0 : i32
        %dma_wait3A_113 = tpu.memref_slice %arg8[%mul3A_107, %dma_wait3A_112] : memref<10240x80xf32, #tpu.memory_space<hbm>> -> memref<640x80xf32, #tpu.memory_space<hbm>>
        %dma_wait3A_114 = arith.constant 0 : i32
        %dma_wait3A_115 = tpu.memref_slice %arg18[%mul3A_105, %dma_wait3A_114] : memref<10240x80xf32, #tpu.memory_space<vmem_shared>> -> memref<640x80xf32, #tpu.memory_space<vmem_shared>>
        tpu.wait_dma2 semaphore(%run_scoped3A : memref<!tpu.dma_semaphore, #tpu.memory_space<semaphore_mem>>) src(%dma_wait3A_115 : memref<640x80xf32, #tpu.memory_space<vmem_shared>>) dst(%dma_wait3A_113 : memref<640x80xf32, #tpu.memory_space<hbm>>)
        tpu.yield
      }) : () -> ()
    } else {
    }
    return
  }
}

#map = affine_map<(d0, d1) -> (0, 0)>
module attributes {stable_mosaic.version = 14 : i64} {
  func.func @edge_kernel(%arg0: i32, %arg1: i32, %arg2: memref<10000x80xf32, #tpu.memory_space<hbm>>, %arg3: memref<10000x16xf32, #tpu.memory_space<hbm>>, %arg4: memref<4000x80xi32, #tpu.memory_space<hbm>>, %arg5: memref<4000x80xi32, #tpu.memory_space<hbm>>, %arg6: memref<10240x80xf32, #tpu.memory_space<hbm>>, %arg7: memref<10240x80xf32, #tpu.memory_space<hbm>>, %arg8: memref<10240x80xf32, #tpu.memory_space<hbm>>, %arg9: memref<125x80xi32, #tpu.memory_space<vmem>>, %arg10: memref<125x80xi32, #tpu.memory_space<vmem>>, %arg11: memref<80x80xf32, #tpu.memory_space<vmem>>, %arg12: memref<80x80xf32, #tpu.memory_space<vmem>>, %arg13: memref<80x16xf32, #tpu.memory_space<vmem>>, %arg14: memref<80x16xf32, #tpu.memory_space<vmem>>, %arg15: memref<80x80xf32, #tpu.memory_space<vmem>>, %arg16: memref<80x80xf32, #tpu.memory_space<vmem>>, %arg17: memref<80xi32, #tpu.memory_space<vmem>>, %arg18: memref<10240x80xf32, #tpu.memory_space<vmem_shared>>, %arg19: memref<!tpu.dma_semaphore, #tpu.memory_space<semaphore_mem>>, %arg20: memref<!tpu.dma_semaphore, #tpu.memory_space<semaphore_mem>>, %arg21: memref<!tpu.dma_semaphore, #tpu.memory_space<semaphore_mem>>, %arg22: memref<!tpu.dma_semaphore, #tpu.memory_space<semaphore_mem>>, %arg23: memref<!tpu.dma_semaphore, #tpu.memory_space<semaphore_mem>>, %arg24: memref<!tpu.dma_semaphore, #tpu.memory_space<semaphore_mem>>) attributes {dimension_semantics = [#tpu.dimension_semantics<core_parallel>, #tpu.dimension_semantics<subcore_parallel>], iteration_bounds = array<i64: 2, 16>, scalar_prefetch = 0 : i64, scratch_operands = 16 : i64, tpu.core_type = #tpu.core_type<sc_vector_subcore>, window_params = [{transform_indices = #map}, {transform_indices = #map}, {transform_indices = #map}, {transform_indices = #map}, {transform_indices = #map}, {transform_indices = #map}, {transform_indices = #map}]} {
    %mul3A = arith.constant 2 : i32
    %mul3A_0 = arith.muli %arg1, %mul3A : i32
    %add3A = arith.addi %mul3A_0, %arg0 : i32
    %mul3A_1 = arith.constant 640 : i32
    %mul3A_2 = arith.muli %arg1, %mul3A_1 : i32
    %mul3A_3 = arith.constant 640 : i32
    %mul3A_4 = arith.muli %arg1, %mul3A_3 : i32
    "tpu.region"() ({
      %run_scoped3A = tpu.sem_alloc : memref<!tpu.dma_semaphore, #tpu.memory_space<semaphore_mem>>
      %dma_start3A_104 = arith.constant 0 : i32
      %dma_start3A_105 = tpu.memref_slice %arg18[%mul3A_4, %dma_start3A_104] : memref<10240x80xf32, #tpu.memory_space<vmem_shared>> -> memref<640x80xf32, #tpu.memory_space<vmem_shared>>
      %dma_start3A_106 = arith.constant 0 : i32
      %dma_start3A_107 = tpu.memref_slice %arg6[%mul3A_2, %dma_start3A_106] : memref<10240x80xf32, #tpu.memory_space<hbm>> -> memref<640x80xf32, #tpu.memory_space<hbm>>
      tpu.enqueue_dma source(%dma_start3A_107 : memref<640x80xf32, #tpu.memory_space<hbm>>) target(%dma_start3A_105 : memref<640x80xf32, #tpu.memory_space<vmem_shared>>) target_semaphore(%run_scoped3A : memref<!tpu.dma_semaphore, #tpu.memory_space<semaphore_mem>>)
      %dma_wait3A_108 = arith.constant 0 : i32
      %dma_wait3A_109 = tpu.memref_slice %arg18[%mul3A_4, %dma_wait3A_108] : memref<10240x80xf32, #tpu.memory_space<vmem_shared>> -> memref<640x80xf32, #tpu.memory_space<vmem_shared>>
      %dma_wait3A_110 = arith.constant 0 : i32
      %dma_wait3A_111 = tpu.memref_slice %arg6[%mul3A_2, %dma_wait3A_110] : memref<10240x80xf32, #tpu.memory_space<hbm>> -> memref<640x80xf32, #tpu.memory_space<hbm>>
      tpu.wait_dma2 semaphore(%run_scoped3A : memref<!tpu.dma_semaphore, #tpu.memory_space<semaphore_mem>>) src(%dma_wait3A_111 : memref<640x80xf32, #tpu.memory_space<hbm>>) dst(%dma_wait3A_109 : memref<640x80xf32, #tpu.memory_space<vmem_shared>>)
      tpu.yield
    }) : () -> ()
    %mul3A_5 = arith.constant 125 : i32
    %mul3A_6 = arith.muli %add3A, %mul3A_5 : i32
    "tpu.region"() ({
      %run_scoped3A = tpu.sem_alloc : memref<!tpu.dma_semaphore, #tpu.memory_space<semaphore_mem>>
      %dma_start3A_104 = arith.constant 0 : i32
      %dma_start3A_105 = tpu.memref_slice %arg4[%mul3A_6, %dma_start3A_104] : memref<4000x80xi32, #tpu.memory_space<hbm>> -> memref<125x80xi32, #tpu.memory_space<hbm>>
      %dma_start3A_106 = arith.constant 0 : i32
      %dma_start3A_107 = tpu.memref_slice %arg4[%mul3A_6, %dma_start3A_106] : memref<4000x80xi32, #tpu.memory_space<hbm>> -> memref<125x80xi32, #tpu.memory_space<hbm>>
      tpu.enqueue_dma source(%dma_start3A_107 : memref<125x80xi32, #tpu.memory_space<hbm>>) target(%arg9 : memref<125x80xi32, #tpu.memory_space<vmem>>) target_semaphore(%run_scoped3A : memref<!tpu.dma_semaphore, #tpu.memory_space<semaphore_mem>>)
      %dma_wait3A_108 = arith.constant 0 : i32
      %dma_wait3A_109 = tpu.memref_slice %arg4[%mul3A_6, %dma_wait3A_108] : memref<4000x80xi32, #tpu.memory_space<hbm>> -> memref<125x80xi32, #tpu.memory_space<hbm>>
      %dma_wait3A_110 = arith.constant 0 : i32
      %dma_wait3A_111 = tpu.memref_slice %arg4[%mul3A_6, %dma_wait3A_110] : memref<4000x80xi32, #tpu.memory_space<hbm>> -> memref<125x80xi32, #tpu.memory_space<hbm>>
      tpu.wait_dma2 semaphore(%run_scoped3A : memref<!tpu.dma_semaphore, #tpu.memory_space<semaphore_mem>>) src(%dma_wait3A_111 : memref<125x80xi32, #tpu.memory_space<hbm>>) dst(%arg9 : memref<125x80xi32, #tpu.memory_space<vmem>>)
      tpu.yield
    }) : () -> ()
    %mul3A_7 = arith.constant 125 : i32
    %mul3A_8 = arith.muli %add3A, %mul3A_7 : i32
    "tpu.region"() ({
      %run_scoped3A = tpu.sem_alloc : memref<!tpu.dma_semaphore, #tpu.memory_space<semaphore_mem>>
      %dma_start3A_104 = arith.constant 0 : i32
      %dma_start3A_105 = tpu.memref_slice %arg5[%mul3A_8, %dma_start3A_104] : memref<4000x80xi32, #tpu.memory_space<hbm>> -> memref<125x80xi32, #tpu.memory_space<hbm>>
      %dma_start3A_106 = arith.constant 0 : i32
      %dma_start3A_107 = tpu.memref_slice %arg5[%mul3A_8, %dma_start3A_106] : memref<4000x80xi32, #tpu.memory_space<hbm>> -> memref<125x80xi32, #tpu.memory_space<hbm>>
      tpu.enqueue_dma source(%dma_start3A_107 : memref<125x80xi32, #tpu.memory_space<hbm>>) target(%arg10 : memref<125x80xi32, #tpu.memory_space<vmem>>) target_semaphore(%run_scoped3A : memref<!tpu.dma_semaphore, #tpu.memory_space<semaphore_mem>>)
      %dma_wait3A_108 = arith.constant 0 : i32
      %dma_wait3A_109 = tpu.memref_slice %arg5[%mul3A_8, %dma_wait3A_108] : memref<4000x80xi32, #tpu.memory_space<hbm>> -> memref<125x80xi32, #tpu.memory_space<hbm>>
      %dma_wait3A_110 = arith.constant 0 : i32
      %dma_wait3A_111 = tpu.memref_slice %arg5[%mul3A_8, %dma_wait3A_110] : memref<4000x80xi32, #tpu.memory_space<hbm>> -> memref<125x80xi32, #tpu.memory_space<hbm>>
      tpu.wait_dma2 semaphore(%run_scoped3A : memref<!tpu.dma_semaphore, #tpu.memory_space<semaphore_mem>>) src(%dma_wait3A_111 : memref<125x80xi32, #tpu.memory_space<hbm>>) dst(%arg10 : memref<125x80xi32, #tpu.memory_space<vmem>>)
      tpu.yield
    }) : () -> ()
    %barrier3A = arith.constant 0 : index
    tpu.barrier barrier_id(%barrier3A)
    %iota3A = tpu.iota {dimensions = array<i32: 0>} : vector<16xi32>
    %broadcast_in_dim3A = arith.constant 10000 : i32
    %broadcast_in_dim3A_9 = vector.broadcast %broadcast_in_dim3A : i32 to vector<16xi32>
    %swap3A = arith.constant 0 : index
    %swap3A_10 = tpu.vector_load %arg17[%swap3A] {strides = array<i32>} : memref<80xi32, #tpu.memory_space<vmem>>, vector<16xi32>,
    %swap3A_11 = vector.shape_cast %swap3A_10 : vector<16xi32> to vector<16xi32>
    %swap3A_12 = vector.shape_cast %broadcast_in_dim3A_9 : vector<16xi32> to vector<16xi32>
    tpu.vector_store %arg17[%swap3A], %swap3A_12 {strides = array<i32>} : memref<80xi32, #tpu.memory_space<vmem>>, vector<16xi32>,
    %broadcast_in_dim3A_13 = arith.constant 10000 : i32
    %broadcast_in_dim3A_14 = vector.broadcast %broadcast_in_dim3A_13 : i32 to vector<16xi32>
    %swap3A_15 = arith.constant 16 : index
    %swap3A_16 = tpu.vector_load %arg17[%swap3A_15] {strides = array<i32>} : memref<80xi32, #tpu.memory_space<vmem>>, vector<16xi32>,
    %swap3A_17 = vector.shape_cast %swap3A_16 : vector<16xi32> to vector<16xi32>
    %swap3A_18 = vector.shape_cast %broadcast_in_dim3A_14 : vector<16xi32> to vector<16xi32>
    tpu.vector_store %arg17[%swap3A_15], %swap3A_18 {strides = array<i32>} : memref<80xi32, #tpu.memory_space<vmem>>, vector<16xi32>,
    %broadcast_in_dim3A_19 = arith.constant 10000 : i32
    %broadcast_in_dim3A_20 = vector.broadcast %broadcast_in_dim3A_19 : i32 to vector<16xi32>
    %swap3A_21 = arith.constant 32 : index
    %swap3A_22 = tpu.vector_load %arg17[%swap3A_21] {strides = array<i32>} : memref<80xi32, #tpu.memory_space<vmem>>, vector<16xi32>,
    %swap3A_23 = vector.shape_cast %swap3A_22 : vector<16xi32> to vector<16xi32>
    %swap3A_24 = vector.shape_cast %broadcast_in_dim3A_20 : vector<16xi32> to vector<16xi32>
    tpu.vector_store %arg17[%swap3A_21], %swap3A_24 {strides = array<i32>} : memref<80xi32, #tpu.memory_space<vmem>>, vector<16xi32>,
    %broadcast_in_dim3A_25 = arith.constant 10000 : i32
    %broadcast_in_dim3A_26 = vector.broadcast %broadcast_in_dim3A_25 : i32 to vector<16xi32>
    %swap3A_27 = arith.constant 48 : index
    %swap3A_28 = tpu.vector_load %arg17[%swap3A_27] {strides = array<i32>} : memref<80xi32, #tpu.memory_space<vmem>>, vector<16xi32>,
    %swap3A_29 = vector.shape_cast %swap3A_28 : vector<16xi32> to vector<16xi32>
    %swap3A_30 = vector.shape_cast %broadcast_in_dim3A_26 : vector<16xi32> to vector<16xi32>
    tpu.vector_store %arg17[%swap3A_27], %swap3A_30 {strides = array<i32>} : memref<80xi32, #tpu.memory_space<vmem>>, vector<16xi32>,
    %broadcast_in_dim3A_31 = arith.constant 10000 : i32
    %broadcast_in_dim3A_32 = vector.broadcast %broadcast_in_dim3A_31 : i32 to vector<16xi32>
    %swap3A_33 = arith.constant 64 : index
    %swap3A_34 = tpu.vector_load %arg17[%swap3A_33] {strides = array<i32>} : memref<80xi32, #tpu.memory_space<vmem>>, vector<16xi32>,
    %swap3A_35 = vector.shape_cast %swap3A_34 : vector<16xi32> to vector<16xi32>
    %swap3A_36 = vector.shape_cast %broadcast_in_dim3A_32 : vector<16xi32> to vector<16xi32>
    tpu.vector_store %arg17[%swap3A_33], %swap3A_36 {strides = array<i32>} : memref<80xi32, #tpu.memory_space<vmem>>, vector<16xi32>,
    %dma_start3A = arith.constant 0 : i32
    %dma_start3A_37 = arith.constant 0 : i32
    %dma_start3A_38 = tpu.memref_slice %arg18[%dma_start3A, %dma_start3A_37] : memref<10240x80xf32, #tpu.memory_space<vmem_shared>> -> memref<10240x80xf32, #tpu.memory_space<vmem_shared>>
    tpu.enqueue_indirect_dma source(%arg15 : memref<80x80xf32, #tpu.memory_space<vmem>>) target(%dma_start3A_38 : memref<10240x80xf32, #tpu.memory_space<vmem_shared>>) offsets(%arg17 : memref<80xi32, #tpu.memory_space<vmem>>) semaphore(%arg23 : memref<!tpu.dma_semaphore, #tpu.memory_space<semaphore_mem>>) {add = true}
    %dma_start3A_39 = arith.constant 0 : i32
    %dma_start3A_40 = arith.constant 0 : i32
    %dma_start3A_41 = tpu.memref_slice %arg18[%dma_start3A_39, %dma_start3A_40] : memref<10240x80xf32, #tpu.memory_space<vmem_shared>> -> memref<10240x80xf32, #tpu.memory_space<vmem_shared>>
    tpu.enqueue_indirect_dma source(%arg16 : memref<80x80xf32, #tpu.memory_space<vmem>>) target(%dma_start3A_41 : memref<10240x80xf32, #tpu.memory_space<vmem_shared>>) offsets(%arg17 : memref<80xi32, #tpu.memory_space<vmem>>) semaphore(%arg24 : memref<!tpu.dma_semaphore, #tpu.memory_space<semaphore_mem>>) {add = true}
    %dma_start3A_42 = arith.constant 0 : i32
    %dma_start3A_43 = arith.constant 0 : i32
    %dma_start3A_44 = tpu.memref_slice %arg9[%dma_start3A_42, %dma_start3A_43] : memref<125x80xi32, #tpu.memory_space<vmem>> -> memref<1x80xi32, #tpu.memory_space<vmem>>
    %dma_start3A_45 = tpu.memref_squeeze %dma_start3A_44 : memref<1x80xi32, #tpu.memory_space<vmem>> -> memref<80xi32, #tpu.memory_space<vmem>>
    %dma_start3A_46 = arith.constant 0 : i32
    %dma_start3A_47 = arith.constant 0 : i32
    %dma_start3A_48 = tpu.memref_slice %arg2[%dma_start3A_46, %dma_start3A_47] : memref<10000x80xf32, #tpu.memory_space<hbm>> -> memref<10000x80xf32, #tpu.memory_space<hbm>>
    tpu.enqueue_indirect_dma source(%dma_start3A_48 : memref<10000x80xf32, #tpu.memory_space<hbm>>) target(%arg11 : memref<80x80xf32, #tpu.memory_space<vmem>>) offsets(%dma_start3A_45 : memref<80xi32, #tpu.memory_space<vmem>>) semaphore(%arg19 : memref<!tpu.dma_semaphore, #tpu.memory_space<semaphore_mem>>)
    %dma_start3A_49 = arith.constant 0 : i32
    %dma_start3A_50 = arith.constant 0 : i32
    %dma_start3A_51 = tpu.memref_slice %arg10[%dma_start3A_49, %dma_start3A_50] : memref<125x80xi32, #tpu.memory_space<vmem>> -> memref<1x80xi32, #tpu.memory_space<vmem>>
    %dma_start3A_52 = tpu.memref_squeeze %dma_start3A_51 : memref<1x80xi32, #tpu.memory_space<vmem>> -> memref<80xi32, #tpu.memory_space<vmem>>
    %dma_start3A_53 = arith.constant 0 : i32
    %dma_start3A_54 = arith.constant 0 : i32
    %dma_start3A_55 = tpu.memref_slice %arg3[%dma_start3A_53, %dma_start3A_54] : memref<10000x16xf32, #tpu.memory_space<hbm>> -> memref<10000x16xf32, #tpu.memory_space<hbm>>
    tpu.enqueue_indirect_dma source(%dma_start3A_55 : memref<10000x16xf32, #tpu.memory_space<hbm>>) target(%arg13 : memref<80x16xf32, #tpu.memory_space<vmem>>) offsets(%dma_start3A_52 : memref<80xi32, #tpu.memory_space<vmem>>) semaphore(%arg20 : memref<!tpu.dma_semaphore, #tpu.memory_space<semaphore_mem>>)
    %scan3A = arith.constant 0 : i32
    %scan3A_56 = arith.constant 0 : i32
    %scan3A_57 = arith.constant 62 : i32
    %scan3A_58 = arith.addi %scan3A_56, %scan3A_57 : i32
    %scan3A_59 = arith.constant 1 : i32
    scf.for %scan3A_104 = %scan3A_56 to %scan3A_58 step %scan3A_59  : i32 {
      %mul3A_105 = arith.constant 2 : i32
      %mul3A_106 = arith.muli %mul3A_105, %scan3A_104 : i32
      %add3A_107 = arith.constant 1 : i32
      %add3A_108 = arith.addi %mul3A_106, %add3A_107 : i32
      %dma_start3A_109 = arith.constant 0 : i32
      %dma_start3A_110 = tpu.memref_slice %arg9[%add3A_108, %dma_start3A_109] : memref<125x80xi32, #tpu.memory_space<vmem>> -> memref<1x80xi32, #tpu.memory_space<vmem>>
      %dma_start3A_111 = tpu.memref_squeeze %dma_start3A_110 : memref<1x80xi32, #tpu.memory_space<vmem>> -> memref<80xi32, #tpu.memory_space<vmem>>
      %dma_start3A_112 = arith.constant 0 : i32
      %dma_start3A_113 = arith.constant 0 : i32
      %dma_start3A_114 = tpu.memref_slice %arg2[%dma_start3A_112, %dma_start3A_113] : memref<10000x80xf32, #tpu.memory_space<hbm>> -> memref<10000x80xf32, #tpu.memory_space<hbm>>
      tpu.enqueue_indirect_dma source(%dma_start3A_114 : memref<10000x80xf32, #tpu.memory_space<hbm>>) target(%arg12 : memref<80x80xf32, #tpu.memory_space<vmem>>) offsets(%dma_start3A_111 : memref<80xi32, #tpu.memory_space<vmem>>) semaphore(%arg21 : memref<!tpu.dma_semaphore, #tpu.memory_space<semaphore_mem>>)
      %dma_start3A_115 = arith.constant 0 : i32
      %dma_start3A_116 = tpu.memref_slice %arg10[%add3A_108, %dma_start3A_115] : memref<125x80xi32, #tpu.memory_space<vmem>> -> memref<1x80xi32, #tpu.memory_space<vmem>>
      %dma_start3A_117 = tpu.memref_squeeze %dma_start3A_116 : memref<1x80xi32, #tpu.memory_space<vmem>> -> memref<80xi32, #tpu.memory_space<vmem>>
      %dma_start3A_118 = arith.constant 0 : i32
      %dma_start3A_119 = arith.constant 0 : i32
      %dma_start3A_120 = tpu.memref_slice %arg3[%dma_start3A_118, %dma_start3A_119] : memref<10000x16xf32, #tpu.memory_space<hbm>> -> memref<10000x16xf32, #tpu.memory_space<hbm>>
      tpu.enqueue_indirect_dma source(%dma_start3A_120 : memref<10000x16xf32, #tpu.memory_space<hbm>>) target(%arg14 : memref<80x16xf32, #tpu.memory_space<vmem>>) offsets(%dma_start3A_117 : memref<80xi32, #tpu.memory_space<vmem>>) semaphore(%arg22 : memref<!tpu.dma_semaphore, #tpu.memory_space<semaphore_mem>>)
      %mul3A_121 = arith.constant 2 : i32
      %mul3A_122 = arith.muli %mul3A_121, %scan3A_104 : i32
      %dma_wait3A_123 = arith.constant 0 : i32
      %dma_wait3A_124 = tpu.memref_slice %arg9[%mul3A_122, %dma_wait3A_123] : memref<125x80xi32, #tpu.memory_space<vmem>> -> memref<1x80xi32, #tpu.memory_space<vmem>>
      %dma_wait3A_125 = tpu.memref_squeeze %dma_wait3A_124 : memref<1x80xi32, #tpu.memory_space<vmem>> -> memref<80xi32, #tpu.memory_space<vmem>>
      %dma_wait3A_126 = arith.constant 0 : i32
      %dma_wait3A_127 = arith.constant 0 : i32
      %dma_wait3A_128 = tpu.memref_slice %arg2[%dma_wait3A_126, %dma_wait3A_127] : memref<10000x80xf32, #tpu.memory_space<hbm>> -> memref<10000x80xf32, #tpu.memory_space<hbm>>
      tpu.wait_indirect_dma semaphore(%arg19 : memref<!tpu.dma_semaphore, #tpu.memory_space<semaphore_mem>>) src(%dma_wait3A_128 : memref<10000x80xf32, #tpu.memory_space<hbm>>) dst(%arg11 : memref<80x80xf32, #tpu.memory_space<vmem>>)
      %dma_wait3A_129 = arith.constant 0 : i32
      %dma_wait3A_130 = tpu.memref_slice %arg10[%mul3A_122, %dma_wait3A_129] : memref<125x80xi32, #tpu.memory_space<vmem>> -> memref<1x80xi32, #tpu.memory_space<vmem>>
      %dma_wait3A_131 = tpu.memref_squeeze %dma_wait3A_130 : memref<1x80xi32, #tpu.memory_space<vmem>> -> memref<80xi32, #tpu.memory_space<vmem>>
      %dma_wait3A_132 = arith.constant 0 : i32
      %dma_wait3A_133 = arith.constant 0 : i32
      %dma_wait3A_134 = tpu.memref_slice %arg3[%dma_wait3A_132, %dma_wait3A_133] : memref<10000x16xf32, #tpu.memory_space<hbm>> -> memref<10000x16xf32, #tpu.memory_space<hbm>>
      tpu.wait_indirect_dma semaphore(%arg20 : memref<!tpu.dma_semaphore, #tpu.memory_space<semaphore_mem>>) src(%dma_wait3A_134 : memref<10000x16xf32, #tpu.memory_space<hbm>>) dst(%arg13 : memref<80x16xf32, #tpu.memory_space<vmem>>)
      %dma_wait3A_135 = arith.constant 0 : i32
      %dma_wait3A_136 = tpu.memref_slice %arg10[%mul3A_122, %dma_wait3A_135] : memref<125x80xi32, #tpu.memory_space<vmem>> -> memref<1x80xi32, #tpu.memory_space<vmem>>
      %dma_wait3A_137 = tpu.memref_squeeze %dma_wait3A_136 : memref<1x80xi32, #tpu.memory_space<vmem>> -> memref<80xi32, #tpu.memory_space<vmem>>
      %dma_wait3A_138 = arith.constant 0 : i32
      %dma_wait3A_139 = arith.constant 0 : i32
      %dma_wait3A_140 = tpu.memref_slice %arg18[%dma_wait3A_138, %dma_wait3A_139] : memref<10240x80xf32, #tpu.memory_space<vmem_shared>> -> memref<10240x80xf32, #tpu.memory_space<vmem_shared>>
      tpu.wait_indirect_dma semaphore(%arg23 : memref<!tpu.dma_semaphore, #tpu.memory_space<semaphore_mem>>) src(%arg15 : memref<80x80xf32, #tpu.memory_space<vmem>>) dst(%dma_wait3A_140 : memref<10240x80xf32, #tpu.memory_space<vmem_shared>>)
      %parallel_loop3A_141 = arith.constant 0 : i32
      %parallel_loop3A_142 = arith.constant 80 : i32
      %parallel_loop3A_143 = arith.constant 1 : i32
      scf.for %parallel_loop3A_197 = %parallel_loop3A_141 to %parallel_loop3A_142 step %parallel_loop3A_143  : i32 {
        %parallel_loop3A_198 = arith.index_cast %parallel_loop3A_197 : i32 to index
        %parallel_loop3A_199 = arith.constant 0 : index
        %parallel_loop3A_200 = tpu.vector_load %arg11[%parallel_loop3A_198, %parallel_loop3A_199] {strides = array<i32>} : memref<80x80xf32, #tpu.memory_space<vmem>>, vector<1x16xf32>,
        %parallel_loop3A_201 = vector.shape_cast %parallel_loop3A_200 : vector<1x16xf32> to vector<16xf32>
        %parallel_loop3A_202 = arith.index_cast %parallel_loop3A_197 : i32 to index
        %parallel_loop3A_203 = arith.constant 0 : index
        %parallel_loop3A_204 = tpu.vector_load %arg13[%parallel_loop3A_202, %parallel_loop3A_203] {strides = array<i32>} : memref<80x16xf32, #tpu.memory_space<vmem>>, vector<1x16xf32>,
        %parallel_loop3A_205 = vector.shape_cast %parallel_loop3A_204 : vector<1x16xf32> to vector<16xf32>
        %parallel_loop3A_206 = arith.addf %parallel_loop3A_201, %parallel_loop3A_205 : vector<16xf32>
        %parallel_loop3A_207 = arith.constant 2.000000e-01 : f32
        %parallel_loop3A_208 = vector.broadcast %parallel_loop3A_207 : f32 to vector<16xf32>
        %parallel_loop3A_209 = arith.mulf %parallel_loop3A_208, %parallel_loop3A_206 : vector<16xf32>
        %parallel_loop3A_210 = arith.maximumf %parallel_loop3A_206, %parallel_loop3A_209 : vector<16xf32>
        %parallel_loop3A_211 = math.exp %parallel_loop3A_210 : vector<16xf32>
        %parallel_loop3A_212 = arith.index_cast %parallel_loop3A_197 : i32 to index
        %parallel_loop3A_213 = arith.constant 0 : index
        %parallel_loop3A_214 = tpu.vector_load %arg15[%parallel_loop3A_212, %parallel_loop3A_213] {strides = array<i32>} : memref<80x80xf32, #tpu.memory_space<vmem>>, vector<1x16xf32>,
        %parallel_loop3A_215 = vector.shape_cast %parallel_loop3A_214 : vector<1x16xf32> to vector<16xf32>
        %parallel_loop3A_216 = vector.shape_cast %parallel_loop3A_211 : vector<16xf32> to vector<1x16xf32>
        tpu.vector_store %arg15[%parallel_loop3A_212, %parallel_loop3A_213], %parallel_loop3A_216 {strides = array<i32>} : memref<80x80xf32, #tpu.memory_space<vmem>>, vector<1x16xf32>,
        %parallel_loop3A_217 = arith.constant 0 : i32
        %parallel_loop3A_218 = vector.broadcast %parallel_loop3A_217 : i32 to vector<16xi32>
        %parallel_loop3A_219 = arith.addi %iota3A, %parallel_loop3A_218 : vector<16xi32>
        %parallel_loop3A_220 = arith.constant 3 : i32
        %parallel_loop3A_221 = vector.broadcast %parallel_loop3A_220 : i32 to vector<16xi32>
        %parallel_loop3A_222 = arith.shrsi %parallel_loop3A_219, %parallel_loop3A_221 : vector<16xi32>
        %parallel_loop3A_223 = arith.index_cast %parallel_loop3A_197 : i32 to index
        %parallel_loop3A_224 = arith.constant 16 : index
        %parallel_loop3A_225 = tpu.vector_load %arg11[%parallel_loop3A_223, %parallel_loop3A_224] {strides = array<i32>} : memref<80x80xf32, #tpu.memory_space<vmem>>, vector<1x16xf32>,
        %parallel_loop3A_226 = vector.shape_cast %parallel_loop3A_225 : vector<1x16xf32> to vector<16xf32>
        %parallel_loop3A_227 = vector.shape_cast %parallel_loop3A_222 : vector<16xi32> to vector<16x1xi32>
        %parallel_loop3A_228 = vector.shape_cast %parallel_loop3A_227 : vector<16x1xi32> to vector<16xi32>
        %parallel_loop3A_229 = tpu.dynamic_gather %parallel_loop3A_211[%parallel_loop3A_228] in [0] : vector<16xf32>, vector<16xi32> -> vector<16xf32>
        %parallel_loop3A_230 = arith.mulf %parallel_loop3A_226, %parallel_loop3A_229 : vector<16xf32>
        %parallel_loop3A_231 = arith.index_cast %parallel_loop3A_197 : i32 to index
        %parallel_loop3A_232 = arith.constant 16 : index
        %parallel_loop3A_233 = tpu.vector_load %arg15[%parallel_loop3A_231, %parallel_loop3A_232] {strides = array<i32>} : memref<80x80xf32, #tpu.memory_space<vmem>>, vector<1x16xf32>,
        %parallel_loop3A_234 = vector.shape_cast %parallel_loop3A_233 : vector<1x16xf32> to vector<16xf32>
        %parallel_loop3A_235 = vector.shape_cast %parallel_loop3A_230 : vector<16xf32> to vector<1x16xf32>
        tpu.vector_store %arg15[%parallel_loop3A_231, %parallel_loop3A_232], %parallel_loop3A_235 {strides = array<i32>} : memref<80x80xf32, #tpu.memory_space<vmem>>, vector<1x16xf32>,
        %parallel_loop3A_236 = arith.constant 16 : i32
        %parallel_loop3A_237 = vector.broadcast %parallel_loop3A_236 : i32 to vector<16xi32>
        %parallel_loop3A_238 = arith.addi %iota3A, %parallel_loop3A_237 : vector<16xi32>
        %parallel_loop3A_239 = arith.constant 3 : i32
        %parallel_loop3A_240 = vector.broadcast %parallel_loop3A_239 : i32 to vector<16xi32>
        %parallel_loop3A_241 = arith.shrsi %parallel_loop3A_238, %parallel_loop3A_240 : vector<16xi32>
        %parallel_loop3A_242 = arith.index_cast %parallel_loop3A_197 : i32 to index
        %parallel_loop3A_243 = arith.constant 32 : index
        %parallel_loop3A_244 = tpu.vector_load %arg11[%parallel_loop3A_242, %parallel_loop3A_243] {strides = array<i32>} : memref<80x80xf32, #tpu.memory_space<vmem>>, vector<1x16xf32>,
        %parallel_loop3A_245 = vector.shape_cast %parallel_loop3A_244 : vector<1x16xf32> to vector<16xf32>
        %parallel_loop3A_246 = vector.shape_cast %parallel_loop3A_241 : vector<16xi32> to vector<16x1xi32>
        %parallel_loop3A_247 = vector.shape_cast %parallel_loop3A_246 : vector<16x1xi32> to vector<16xi32>
        %parallel_loop3A_248 = tpu.dynamic_gather %parallel_loop3A_211[%parallel_loop3A_247] in [0] : vector<16xf32>, vector<16xi32> -> vector<16xf32>
        %parallel_loop3A_249 = arith.mulf %parallel_loop3A_245, %parallel_loop3A_248 : vector<16xf32>
        %parallel_loop3A_250 = arith.index_cast %parallel_loop3A_197 : i32 to index
        %parallel_loop3A_251 = arith.constant 32 : index
        %parallel_loop3A_252 = tpu.vector_load %arg15[%parallel_loop3A_250, %parallel_loop3A_251] {strides = array<i32>} : memref<80x80xf32, #tpu.memory_space<vmem>>, vector<1x16xf32>,
        %parallel_loop3A_253 = vector.shape_cast %parallel_loop3A_252 : vector<1x16xf32> to vector<16xf32>
        %parallel_loop3A_254 = vector.shape_cast %parallel_loop3A_249 : vector<16xf32> to vector<1x16xf32>
        tpu.vector_store %arg15[%parallel_loop3A_250, %parallel_loop3A_251], %parallel_loop3A_254 {strides = array<i32>} : memref<80x80xf32, #tpu.memory_space<vmem>>, vector<1x16xf32>,
        %parallel_loop3A_255 = arith.constant 32 : i32
        %parallel_loop3A_256 = vector.broadcast %parallel_loop3A_255 : i32 to vector<16xi32>
        %parallel_loop3A_257 = arith.addi %iota3A, %parallel_loop3A_256 : vector<16xi32>
        %parallel_loop3A_258 = arith.constant 3 : i32
        %parallel_loop3A_259 = vector.broadcast %parallel_loop3A_258 : i32 to vector<16xi32>
        %parallel_loop3A_260 = arith.shrsi %parallel_loop3A_257, %parallel_loop3A_259 : vector<16xi32>
        %parallel_loop3A_261 = arith.index_cast %parallel_loop3A_197 : i32 to index
        %parallel_loop3A_262 = arith.constant 48 : index
        %parallel_loop3A_263 = tpu.vector_load %arg11[%parallel_loop3A_261, %parallel_loop3A_262] {strides = array<i32>} : memref<80x80xf32, #tpu.memory_space<vmem>>, vector<1x16xf32>,
        %parallel_loop3A_264 = vector.shape_cast %parallel_loop3A_263 : vector<1x16xf32> to vector<16xf32>
        %parallel_loop3A_265 = vector.shape_cast %parallel_loop3A_260 : vector<16xi32> to vector<16x1xi32>
        %parallel_loop3A_266 = vector.shape_cast %parallel_loop3A_265 : vector<16x1xi32> to vector<16xi32>
        %parallel_loop3A_267 = tpu.dynamic_gather %parallel_loop3A_211[%parallel_loop3A_266] in [0] : vector<16xf32>, vector<16xi32> -> vector<16xf32>
        %parallel_loop3A_268 = arith.mulf %parallel_loop3A_264, %parallel_loop3A_267 : vector<16xf32>
        %parallel_loop3A_269 = arith.index_cast %parallel_loop3A_197 : i32 to index
        %parallel_loop3A_270 = arith.constant 48 : index
        %parallel_loop3A_271 = tpu.vector_load %arg15[%parallel_loop3A_269, %parallel_loop3A_270] {strides = array<i32>} : memref<80x80xf32, #tpu.memory_space<vmem>>, vector<1x16xf32>,
        %parallel_loop3A_272 = vector.shape_cast %parallel_loop3A_271 : vector<1x16xf32> to vector<16xf32>
        %parallel_loop3A_273 = vector.shape_cast %parallel_loop3A_268 : vector<16xf32> to vector<1x16xf32>
        tpu.vector_store %arg15[%parallel_loop3A_269, %parallel_loop3A_270], %parallel_loop3A_273 {strides = array<i32>} : memref<80x80xf32, #tpu.memory_space<vmem>>, vector<1x16xf32>,
        %parallel_loop3A_274 = arith.constant 48 : i32
        %parallel_loop3A_275 = vector.broadcast %parallel_loop3A_274 : i32 to vector<16xi32>
        %parallel_loop3A_276 = arith.addi %iota3A, %parallel_loop3A_275 : vector<16xi32>
        %parallel_loop3A_277 = arith.constant 3 : i32
        %parallel_loop3A_278 = vector.broadcast %parallel_loop3A_277 : i32 to vector<16xi32>
        %parallel_loop3A_279 = arith.shrsi %parallel_loop3A_276, %parallel_loop3A_278 : vector<16xi32>
        %parallel_loop3A_280 = arith.index_cast %parallel_loop3A_197 : i32 to index
        %parallel_loop3A_281 = arith.constant 64 : index
        %parallel_loop3A_282 = tpu.vector_load %arg11[%parallel_loop3A_280, %parallel_loop3A_281] {strides = array<i32>} : memref<80x80xf32, #tpu.memory_space<vmem>>, vector<1x16xf32>,
        %parallel_loop3A_283 = vector.shape_cast %parallel_loop3A_282 : vector<1x16xf32> to vector<16xf32>
        %parallel_loop3A_284 = vector.shape_cast %parallel_loop3A_279 : vector<16xi32> to vector<16x1xi32>
        %parallel_loop3A_285 = vector.shape_cast %parallel_loop3A_284 : vector<16x1xi32> to vector<16xi32>
        %parallel_loop3A_286 = tpu.dynamic_gather %parallel_loop3A_211[%parallel_loop3A_285] in [0] : vector<16xf32>, vector<16xi32> -> vector<16xf32>
        %parallel_loop3A_287 = arith.mulf %parallel_loop3A_283, %parallel_loop3A_286 : vector<16xf32>
        %parallel_loop3A_288 = arith.index_cast %parallel_loop3A_197 : i32 to index
        %parallel_loop3A_289 = arith.constant 64 : index
        %parallel_loop3A_290 = tpu.vector_load %arg15[%parallel_loop3A_288, %parallel_loop3A_289] {strides = array<i32>} : memref<80x80xf32, #tpu.memory_space<vmem>>, vector<1x16xf32>,
        %parallel_loop3A_291 = vector.shape_cast %parallel_loop3A_290 : vector<1x16xf32> to vector<16xf32>
        %parallel_loop3A_292 = vector.shape_cast %parallel_loop3A_287 : vector<16xf32> to vector<1x16xf32>
        tpu.vector_store %arg15[%parallel_loop3A_288, %parallel_loop3A_289], %parallel_loop3A_292 {strides = array<i32>} : memref<80x80xf32, #tpu.memory_space<vmem>>, vector<1x16xf32>,
      } {sc.loop_unroll_factor = 8 : i64, sc.parallel_access}
      %dma_start3A_144 = arith.constant 0 : i32
      %dma_start3A_145 = tpu.memref_slice %arg10[%mul3A_122, %dma_start3A_144] : memref<125x80xi32, #tpu.memory_space<vmem>> -> memref<1x80xi32, #tpu.memory_space<vmem>>
      %dma_start3A_146 = tpu.memref_squeeze %dma_start3A_145 : memref<1x80xi32, #tpu.memory_space<vmem>> -> memref<80xi32, #tpu.memory_space<vmem>>
      %dma_start3A_147 = arith.constant 0 : i32
      %dma_start3A_148 = arith.constant 0 : i32
      %dma_start3A_149 = tpu.memref_slice %arg18[%dma_start3A_147, %dma_start3A_148] : memref<10240x80xf32, #tpu.memory_space<vmem_shared>> -> memref<10240x80xf32, #tpu.memory_space<vmem_shared>>
      tpu.enqueue_indirect_dma source(%arg15 : memref<80x80xf32, #tpu.memory_space<vmem>>) target(%dma_start3A_149 : memref<10240x80xf32, #tpu.memory_space<vmem_shared>>) offsets(%dma_start3A_146 : memref<80xi32, #tpu.memory_space<vmem>>) semaphore(%arg23 : memref<!tpu.dma_semaphore, #tpu.memory_space<semaphore_mem>>) {add = true}
      %mul3A_150 = arith.constant 2 : i32
      %mul3A_151 = arith.muli %mul3A_150, %scan3A_104 : i32
      %add3A_152 = arith.constant 2 : i32
      %add3A_153 = arith.addi %mul3A_151, %add3A_152 : i32
      %dma_start3A_154 = arith.constant 0 : i32
      %dma_start3A_155 = tpu.memref_slice %arg9[%add3A_153, %dma_start3A_154] : memref<125x80xi32, #tpu.memory_space<vmem>> -> memref<1x80xi32, #tpu.memory_space<vmem>>
      %dma_start3A_156 = tpu.memref_squeeze %dma_start3A_155 : memref<1x80xi32, #tpu.memory_space<vmem>> -> memref<80xi32, #tpu.memory_space<vmem>>
      %dma_start3A_157 = arith.constant 0 : i32
      %dma_start3A_158 = arith.constant 0 : i32
      %dma_start3A_159 = tpu.memref_slice %arg2[%dma_start3A_157, %dma_start3A_158] : memref<10000x80xf32, #tpu.memory_space<hbm>> -> memref<10000x80xf32, #tpu.memory_space<hbm>>
      tpu.enqueue_indirect_dma source(%dma_start3A_159 : memref<10000x80xf32, #tpu.memory_space<hbm>>) target(%arg11 : memref<80x80xf32, #tpu.memory_space<vmem>>) offsets(%dma_start3A_156 : memref<80xi32, #tpu.memory_space<vmem>>) semaphore(%arg19 : memref<!tpu.dma_semaphore, #tpu.memory_space<semaphore_mem>>)
      %dma_start3A_160 = arith.constant 0 : i32
      %dma_start3A_161 = tpu.memref_slice %arg10[%add3A_153, %dma_start3A_160] : memref<125x80xi32, #tpu.memory_space<vmem>> -> memref<1x80xi32, #tpu.memory_space<vmem>>
      %dma_start3A_162 = tpu.memref_squeeze %dma_start3A_161 : memref<1x80xi32, #tpu.memory_space<vmem>> -> memref<80xi32, #tpu.memory_space<vmem>>
      %dma_start3A_163 = arith.constant 0 : i32
      %dma_start3A_164 = arith.constant 0 : i32
      %dma_start3A_165 = tpu.memref_slice %arg3[%dma_start3A_163, %dma_start3A_164] : memref<10000x16xf32, #tpu.memory_space<hbm>> -> memref<10000x16xf32, #tpu.memory_space<hbm>>
      tpu.enqueue_indirect_dma source(%dma_start3A_165 : memref<10000x16xf32, #tpu.memory_space<hbm>>) target(%arg13 : memref<80x16xf32, #tpu.memory_space<vmem>>) offsets(%dma_start3A_162 : memref<80xi32, #tpu.memory_space<vmem>>) semaphore(%arg20 : memref<!tpu.dma_semaphore, #tpu.memory_space<semaphore_mem>>)
      %mul3A_166 = arith.constant 2 : i32
      %mul3A_167 = arith.muli %mul3A_166, %scan3A_104 : i32
      %add3A_168 = arith.constant 1 : i32
      %add3A_169 = arith.addi %mul3A_167, %add3A_168 : i32
      %dma_wait3A_170 = arith.constant 0 : i32
      %dma_wait3A_171 = tpu.memref_slice %arg9[%add3A_169, %dma_wait3A_170] : memref<125x80xi32, #tpu.memory_space<vmem>> -> memref<1x80xi32, #tpu.memory_space<vmem>>
      %dma_wait3A_172 = tpu.memref_squeeze %dma_wait3A_171 : memref<1x80xi32, #tpu.memory_space<vmem>> -> memref<80xi32, #tpu.memory_space<vmem>>
      %dma_wait3A_173 = arith.constant 0 : i32
      %dma_wait3A_174 = arith.constant 0 : i32
      %dma_wait3A_175 = tpu.memref_slice %arg2[%dma_wait3A_173, %dma_wait3A_174] : memref<10000x80xf32, #tpu.memory_space<hbm>> -> memref<10000x80xf32, #tpu.memory_space<hbm>>
      tpu.wait_indirect_dma semaphore(%arg21 : memref<!tpu.dma_semaphore, #tpu.memory_space<semaphore_mem>>) src(%dma_wait3A_175 : memref<10000x80xf32, #tpu.memory_space<hbm>>) dst(%arg12 : memref<80x80xf32, #tpu.memory_space<vmem>>)
      %dma_wait3A_176 = arith.constant 0 : i32
      %dma_wait3A_177 = tpu.memref_slice %arg10[%add3A_169, %dma_wait3A_176] : memref<125x80xi32, #tpu.memory_space<vmem>> -> memref<1x80xi32, #tpu.memory_space<vmem>>
      %dma_wait3A_178 = tpu.memref_squeeze %dma_wait3A_177 : memref<1x80xi32, #tpu.memory_space<vmem>> -> memref<80xi32, #tpu.memory_space<vmem>>
      %dma_wait3A_179 = arith.constant 0 : i32
      %dma_wait3A_180 = arith.constant 0 : i32
      %dma_wait3A_181 = tpu.memref_slice %arg3[%dma_wait3A_179, %dma_wait3A_180] : memref<10000x16xf32, #tpu.memory_space<hbm>> -> memref<10000x16xf32, #tpu.memory_space<hbm>>
      tpu.wait_indirect_dma semaphore(%arg22 : memref<!tpu.dma_semaphore, #tpu.memory_space<semaphore_mem>>) src(%dma_wait3A_181 : memref<10000x16xf32, #tpu.memory_space<hbm>>) dst(%arg14 : memref<80x16xf32, #tpu.memory_space<vmem>>)
      %dma_wait3A_182 = arith.constant 0 : i32
      %dma_wait3A_183 = tpu.memref_slice %arg10[%add3A_169, %dma_wait3A_182] : memref<125x80xi32, #tpu.memory_space<vmem>> -> memref<1x80xi32, #tpu.memory_space<vmem>>
      %dma_wait3A_184 = tpu.memref_squeeze %dma_wait3A_183 : memref<1x80xi32, #tpu.memory_space<vmem>> -> memref<80xi32, #tpu.memory_space<vmem>>
      %dma_wait3A_185 = arith.constant 0 : i32
      %dma_wait3A_186 = arith.constant 0 : i32
      %dma_wait3A_187 = tpu.memref_slice %arg18[%dma_wait3A_185, %dma_wait3A_186] : memref<10240x80xf32, #tpu.memory_space<vmem_shared>> -> memref<10240x80xf32, #tpu.memory_space<vmem_shared>>
      tpu.wait_indirect_dma semaphore(%arg24 : memref<!tpu.dma_semaphore, #tpu.memory_space<semaphore_mem>>) src(%arg16 : memref<80x80xf32, #tpu.memory_space<vmem>>) dst(%dma_wait3A_187 : memref<10240x80xf32, #tpu.memory_space<vmem_shared>>)
      %parallel_loop3A_188 = arith.constant 0 : i32
      %parallel_loop3A_189 = arith.constant 80 : i32
      %parallel_loop3A_190 = arith.constant 1 : i32
      scf.for %parallel_loop3A_197 = %parallel_loop3A_188 to %parallel_loop3A_189 step %parallel_loop3A_190  : i32 {
        %parallel_loop3A_198 = arith.index_cast %parallel_loop3A_197 : i32 to index
        %parallel_loop3A_199 = arith.constant 0 : index
        %parallel_loop3A_200 = tpu.vector_load %arg12[%parallel_loop3A_198, %parallel_loop3A_199] {strides = array<i32>} : memref<80x80xf32, #tpu.memory_space<vmem>>, vector<1x16xf32>,
        %parallel_loop3A_201 = vector.shape_cast %parallel_loop3A_200 : vector<1x16xf32> to vector<16xf32>
        %parallel_loop3A_202 = arith.index_cast %parallel_loop3A_197 : i32 to index
        %parallel_loop3A_203 = arith.constant 0 : index
        %parallel_loop3A_204 = tpu.vector_load %arg14[%parallel_loop3A_202, %parallel_loop3A_203] {strides = array<i32>} : memref<80x16xf32, #tpu.memory_space<vmem>>, vector<1x16xf32>,
        %parallel_loop3A_205 = vector.shape_cast %parallel_loop3A_204 : vector<1x16xf32> to vector<16xf32>
        %parallel_loop3A_206 = arith.addf %parallel_loop3A_201, %parallel_loop3A_205 : vector<16xf32>
        %parallel_loop3A_207 = arith.constant 2.000000e-01 : f32
        %parallel_loop3A_208 = vector.broadcast %parallel_loop3A_207 : f32 to vector<16xf32>
        %parallel_loop3A_209 = arith.mulf %parallel_loop3A_208, %parallel_loop3A_206 : vector<16xf32>
        %parallel_loop3A_210 = arith.maximumf %parallel_loop3A_206, %parallel_loop3A_209 : vector<16xf32>
        %parallel_loop3A_211 = math.exp %parallel_loop3A_210 : vector<16xf32>
        %parallel_loop3A_212 = arith.index_cast %parallel_loop3A_197 : i32 to index
        %parallel_loop3A_213 = arith.constant 0 : index
        %parallel_loop3A_214 = tpu.vector_load %arg16[%parallel_loop3A_212, %parallel_loop3A_213] {strides = array<i32>} : memref<80x80xf32, #tpu.memory_space<vmem>>, vector<1x16xf32>,
        %parallel_loop3A_215 = vector.shape_cast %parallel_loop3A_214 : vector<1x16xf32> to vector<16xf32>
        %parallel_loop3A_216 = vector.shape_cast %parallel_loop3A_211 : vector<16xf32> to vector<1x16xf32>
        tpu.vector_store %arg16[%parallel_loop3A_212, %parallel_loop3A_213], %parallel_loop3A_216 {strides = array<i32>} : memref<80x80xf32, #tpu.memory_space<vmem>>, vector<1x16xf32>,
        %parallel_loop3A_217 = arith.constant 0 : i32
        %parallel_loop3A_218 = vector.broadcast %parallel_loop3A_217 : i32 to vector<16xi32>
        %parallel_loop3A_219 = arith.addi %iota3A, %parallel_loop3A_218 : vector<16xi32>
        %parallel_loop3A_220 = arith.constant 3 : i32
        %parallel_loop3A_221 = vector.broadcast %parallel_loop3A_220 : i32 to vector<16xi32>
        %parallel_loop3A_222 = arith.shrsi %parallel_loop3A_219, %parallel_loop3A_221 : vector<16xi32>
        %parallel_loop3A_223 = arith.index_cast %parallel_loop3A_197 : i32 to index
        %parallel_loop3A_224 = arith.constant 16 : index
        %parallel_loop3A_225 = tpu.vector_load %arg12[%parallel_loop3A_223, %parallel_loop3A_224] {strides = array<i32>} : memref<80x80xf32, #tpu.memory_space<vmem>>, vector<1x16xf32>,
        %parallel_loop3A_226 = vector.shape_cast %parallel_loop3A_225 : vector<1x16xf32> to vector<16xf32>
        %parallel_loop3A_227 = vector.shape_cast %parallel_loop3A_222 : vector<16xi32> to vector<16x1xi32>
        %parallel_loop3A_228 = vector.shape_cast %parallel_loop3A_227 : vector<16x1xi32> to vector<16xi32>
        %parallel_loop3A_229 = tpu.dynamic_gather %parallel_loop3A_211[%parallel_loop3A_228] in [0] : vector<16xf32>, vector<16xi32> -> vector<16xf32>
        %parallel_loop3A_230 = arith.mulf %parallel_loop3A_226, %parallel_loop3A_229 : vector<16xf32>
        %parallel_loop3A_231 = arith.index_cast %parallel_loop3A_197 : i32 to index
        %parallel_loop3A_232 = arith.constant 16 : index
        %parallel_loop3A_233 = tpu.vector_load %arg16[%parallel_loop3A_231, %parallel_loop3A_232] {strides = array<i32>} : memref<80x80xf32, #tpu.memory_space<vmem>>, vector<1x16xf32>,
        %parallel_loop3A_234 = vector.shape_cast %parallel_loop3A_233 : vector<1x16xf32> to vector<16xf32>
        %parallel_loop3A_235 = vector.shape_cast %parallel_loop3A_230 : vector<16xf32> to vector<1x16xf32>
        tpu.vector_store %arg16[%parallel_loop3A_231, %parallel_loop3A_232], %parallel_loop3A_235 {strides = array<i32>} : memref<80x80xf32, #tpu.memory_space<vmem>>, vector<1x16xf32>,
        %parallel_loop3A_236 = arith.constant 16 : i32
        %parallel_loop3A_237 = vector.broadcast %parallel_loop3A_236 : i32 to vector<16xi32>
        %parallel_loop3A_238 = arith.addi %iota3A, %parallel_loop3A_237 : vector<16xi32>
        %parallel_loop3A_239 = arith.constant 3 : i32
        %parallel_loop3A_240 = vector.broadcast %parallel_loop3A_239 : i32 to vector<16xi32>
        %parallel_loop3A_241 = arith.shrsi %parallel_loop3A_238, %parallel_loop3A_240 : vector<16xi32>
        %parallel_loop3A_242 = arith.index_cast %parallel_loop3A_197 : i32 to index
        %parallel_loop3A_243 = arith.constant 32 : index
        %parallel_loop3A_244 = tpu.vector_load %arg12[%parallel_loop3A_242, %parallel_loop3A_243] {strides = array<i32>} : memref<80x80xf32, #tpu.memory_space<vmem>>, vector<1x16xf32>,
        %parallel_loop3A_245 = vector.shape_cast %parallel_loop3A_244 : vector<1x16xf32> to vector<16xf32>
        %parallel_loop3A_246 = vector.shape_cast %parallel_loop3A_241 : vector<16xi32> to vector<16x1xi32>
        %parallel_loop3A_247 = vector.shape_cast %parallel_loop3A_246 : vector<16x1xi32> to vector<16xi32>
        %parallel_loop3A_248 = tpu.dynamic_gather %parallel_loop3A_211[%parallel_loop3A_247] in [0] : vector<16xf32>, vector<16xi32> -> vector<16xf32>
        %parallel_loop3A_249 = arith.mulf %parallel_loop3A_245, %parallel_loop3A_248 : vector<16xf32>
        %parallel_loop3A_250 = arith.index_cast %parallel_loop3A_197 : i32 to index
        %parallel_loop3A_251 = arith.constant 32 : index
        %parallel_loop3A_252 = tpu.vector_load %arg16[%parallel_loop3A_250, %parallel_loop3A_251] {strides = array<i32>} : memref<80x80xf32, #tpu.memory_space<vmem>>, vector<1x16xf32>,
        %parallel_loop3A_253 = vector.shape_cast %parallel_loop3A_252 : vector<1x16xf32> to vector<16xf32>
        %parallel_loop3A_254 = vector.shape_cast %parallel_loop3A_249 : vector<16xf32> to vector<1x16xf32>
        tpu.vector_store %arg16[%parallel_loop3A_250, %parallel_loop3A_251], %parallel_loop3A_254 {strides = array<i32>} : memref<80x80xf32, #tpu.memory_space<vmem>>, vector<1x16xf32>,
        %parallel_loop3A_255 = arith.constant 32 : i32
        %parallel_loop3A_256 = vector.broadcast %parallel_loop3A_255 : i32 to vector<16xi32>
        %parallel_loop3A_257 = arith.addi %iota3A, %parallel_loop3A_256 : vector<16xi32>
        %parallel_loop3A_258 = arith.constant 3 : i32
        %parallel_loop3A_259 = vector.broadcast %parallel_loop3A_258 : i32 to vector<16xi32>
        %parallel_loop3A_260 = arith.shrsi %parallel_loop3A_257, %parallel_loop3A_259 : vector<16xi32>
        %parallel_loop3A_261 = arith.index_cast %parallel_loop3A_197 : i32 to index
        %parallel_loop3A_262 = arith.constant 48 : index
        %parallel_loop3A_263 = tpu.vector_load %arg12[%parallel_loop3A_261, %parallel_loop3A_262] {strides = array<i32>} : memref<80x80xf32, #tpu.memory_space<vmem>>, vector<1x16xf32>,
        %parallel_loop3A_264 = vector.shape_cast %parallel_loop3A_263 : vector<1x16xf32> to vector<16xf32>
        %parallel_loop3A_265 = vector.shape_cast %parallel_loop3A_260 : vector<16xi32> to vector<16x1xi32>
        %parallel_loop3A_266 = vector.shape_cast %parallel_loop3A_265 : vector<16x1xi32> to vector<16xi32>
        %parallel_loop3A_267 = tpu.dynamic_gather %parallel_loop3A_211[%parallel_loop3A_266] in [0] : vector<16xf32>, vector<16xi32> -> vector<16xf32>
        %parallel_loop3A_268 = arith.mulf %parallel_loop3A_264, %parallel_loop3A_267 : vector<16xf32>
        %parallel_loop3A_269 = arith.index_cast %parallel_loop3A_197 : i32 to index
        %parallel_loop3A_270 = arith.constant 48 : index
        %parallel_loop3A_271 = tpu.vector_load %arg16[%parallel_loop3A_269, %parallel_loop3A_270] {strides = array<i32>} : memref<80x80xf32, #tpu.memory_space<vmem>>, vector<1x16xf32>,
        %parallel_loop3A_272 = vector.shape_cast %parallel_loop3A_271 : vector<1x16xf32> to vector<16xf32>
        %parallel_loop3A_273 = vector.shape_cast %parallel_loop3A_268 : vector<16xf32> to vector<1x16xf32>
        tpu.vector_store %arg16[%parallel_loop3A_269, %parallel_loop3A_270], %parallel_loop3A_273 {strides = array<i32>} : memref<80x80xf32, #tpu.memory_space<vmem>>, vector<1x16xf32>,
        %parallel_loop3A_274 = arith.constant 48 : i32
        %parallel_loop3A_275 = vector.broadcast %parallel_loop3A_274 : i32 to vector<16xi32>
        %parallel_loop3A_276 = arith.addi %iota3A, %parallel_loop3A_275 : vector<16xi32>
        %parallel_loop3A_277 = arith.constant 3 : i32
        %parallel_loop3A_278 = vector.broadcast %parallel_loop3A_277 : i32 to vector<16xi32>
        %parallel_loop3A_279 = arith.shrsi %parallel_loop3A_276, %parallel_loop3A_278 : vector<16xi32>
        %parallel_loop3A_280 = arith.index_cast %parallel_loop3A_197 : i32 to index
        %parallel_loop3A_281 = arith.constant 64 : index
        %parallel_loop3A_282 = tpu.vector_load %arg12[%parallel_loop3A_280, %parallel_loop3A_281] {strides = array<i32>} : memref<80x80xf32, #tpu.memory_space<vmem>>, vector<1x16xf32>,
        %parallel_loop3A_283 = vector.shape_cast %parallel_loop3A_282 : vector<1x16xf32> to vector<16xf32>
        %parallel_loop3A_284 = vector.shape_cast %parallel_loop3A_279 : vector<16xi32> to vector<16x1xi32>
        %parallel_loop3A_285 = vector.shape_cast %parallel_loop3A_284 : vector<16x1xi32> to vector<16xi32>
        %parallel_loop3A_286 = tpu.dynamic_gather %parallel_loop3A_211[%parallel_loop3A_285] in [0] : vector<16xf32>, vector<16xi32> -> vector<16xf32>
        %parallel_loop3A_287 = arith.mulf %parallel_loop3A_283, %parallel_loop3A_286 : vector<16xf32>
        %parallel_loop3A_288 = arith.index_cast %parallel_loop3A_197 : i32 to index
        %parallel_loop3A_289 = arith.constant 64 : index
        %parallel_loop3A_290 = tpu.vector_load %arg16[%parallel_loop3A_288, %parallel_loop3A_289] {strides = array<i32>} : memref<80x80xf32, #tpu.memory_space<vmem>>, vector<1x16xf32>,
        %parallel_loop3A_291 = vector.shape_cast %parallel_loop3A_290 : vector<1x16xf32> to vector<16xf32>
        %parallel_loop3A_292 = vector.shape_cast %parallel_loop3A_287 : vector<16xf32> to vector<1x16xf32>
        tpu.vector_store %arg16[%parallel_loop3A_288, %parallel_loop3A_289], %parallel_loop3A_292 {strides = array<i32>} : memref<80x80xf32, #tpu.memory_space<vmem>>, vector<1x16xf32>,
      } {sc.loop_unroll_factor = 8 : i64, sc.parallel_access}
      %dma_start3A_191 = arith.constant 0 : i32
      %dma_start3A_192 = tpu.memref_slice %arg10[%add3A_169, %dma_start3A_191] : memref<125x80xi32, #tpu.memory_space<vmem>> -> memref<1x80xi32, #tpu.memory_space<vmem>>
      %dma_start3A_193 = tpu.memref_squeeze %dma_start3A_192 : memref<1x80xi32, #tpu.memory_space<vmem>> -> memref<80xi32, #tpu.memory_space<vmem>>
      %dma_start3A_194 = arith.constant 0 : i32
      %dma_start3A_195 = arith.constant 0 : i32
      %dma_start3A_196 = tpu.memref_slice %arg18[%dma_start3A_194, %dma_start3A_195] : memref<10240x80xf32, #tpu.memory_space<vmem_shared>> -> memref<10240x80xf32, #tpu.memory_space<vmem_shared>>
      tpu.enqueue_indirect_dma source(%arg16 : memref<80x80xf32, #tpu.memory_space<vmem>>) target(%dma_start3A_196 : memref<10240x80xf32, #tpu.memory_space<vmem_shared>>) offsets(%dma_start3A_193 : memref<80xi32, #tpu.memory_space<vmem>>) semaphore(%arg24 : memref<!tpu.dma_semaphore, #tpu.memory_space<semaphore_mem>>) {add = true}
    }
    %scan3A_60 = arith.constant 62 : i32
    %dma_wait3A = arith.constant 124 : i32
    %dma_wait3A_61 = arith.constant 0 : i32
    %dma_wait3A_62 = tpu.memref_slice %arg9[%dma_wait3A, %dma_wait3A_61] : memref<125x80xi32, #tpu.memory_space<vmem>> -> memref<1x80xi32, #tpu.memory_space<vmem>>
    %dma_wait3A_63 = tpu.memref_squeeze %dma_wait3A_62 : memref<1x80xi32, #tpu.memory_space<vmem>> -> memref<80xi32, #tpu.memory_space<vmem>>
    %dma_wait3A_64 = arith.constant 0 : i32
    %dma_wait3A_65 = arith.constant 0 : i32
    %dma_wait3A_66 = tpu.memref_slice %arg2[%dma_wait3A_64, %dma_wait3A_65] : memref<10000x80xf32, #tpu.memory_space<hbm>> -> memref<10000x80xf32, #tpu.memory_space<hbm>>
    tpu.wait_indirect_dma semaphore(%arg19 : memref<!tpu.dma_semaphore, #tpu.memory_space<semaphore_mem>>) src(%dma_wait3A_66 : memref<10000x80xf32, #tpu.memory_space<hbm>>) dst(%arg11 : memref<80x80xf32, #tpu.memory_space<vmem>>)
    %dma_wait3A_67 = arith.constant 124 : i32
    %dma_wait3A_68 = arith.constant 0 : i32
    %dma_wait3A_69 = tpu.memref_slice %arg10[%dma_wait3A_67, %dma_wait3A_68] : memref<125x80xi32, #tpu.memory_space<vmem>> -> memref<1x80xi32, #tpu.memory_space<vmem>>
    %dma_wait3A_70 = tpu.memref_squeeze %dma_wait3A_69 : memref<1x80xi32, #tpu.memory_space<vmem>> -> memref<80xi32, #tpu.memory_space<vmem>>
    %dma_wait3A_71 = arith.constant 0 : i32
    %dma_wait3A_72 = arith.constant 0 : i32
    %dma_wait3A_73 = tpu.memref_slice %arg3[%dma_wait3A_71, %dma_wait3A_72] : memref<10000x16xf32, #tpu.memory_space<hbm>> -> memref<10000x16xf32, #tpu.memory_space<hbm>>
    tpu.wait_indirect_dma semaphore(%arg20 : memref<!tpu.dma_semaphore, #tpu.memory_space<semaphore_mem>>) src(%dma_wait3A_73 : memref<10000x16xf32, #tpu.memory_space<hbm>>) dst(%arg13 : memref<80x16xf32, #tpu.memory_space<vmem>>)
    %dma_wait3A_74 = arith.constant 124 : i32
    %dma_wait3A_75 = arith.constant 0 : i32
    %dma_wait3A_76 = tpu.memref_slice %arg10[%dma_wait3A_74, %dma_wait3A_75] : memref<125x80xi32, #tpu.memory_space<vmem>> -> memref<1x80xi32, #tpu.memory_space<vmem>>
    %dma_wait3A_77 = tpu.memref_squeeze %dma_wait3A_76 : memref<1x80xi32, #tpu.memory_space<vmem>> -> memref<80xi32, #tpu.memory_space<vmem>>
    %dma_wait3A_78 = arith.constant 0 : i32
    %dma_wait3A_79 = arith.constant 0 : i32
    %dma_wait3A_80 = tpu.memref_slice %arg18[%dma_wait3A_78, %dma_wait3A_79] : memref<10240x80xf32, #tpu.memory_space<vmem_shared>> -> memref<10240x80xf32, #tpu.memory_space<vmem_shared>>
    tpu.wait_indirect_dma semaphore(%arg23 : memref<!tpu.dma_semaphore, #tpu.memory_space<semaphore_mem>>) src(%arg15 : memref<80x80xf32, #tpu.memory_space<vmem>>) dst(%dma_wait3A_80 : memref<10240x80xf32, #tpu.memory_space<vmem_shared>>)
    %parallel_loop3A = arith.constant 0 : i32
    %parallel_loop3A_81 = arith.constant 80 : i32
    %parallel_loop3A_82 = arith.constant 1 : i32
    scf.for %parallel_loop3A_104 = %parallel_loop3A to %parallel_loop3A_81 step %parallel_loop3A_82  : i32 {
      %parallel_loop3A_105 = arith.index_cast %parallel_loop3A_104 : i32 to index
      %parallel_loop3A_106 = arith.constant 0 : index
      %parallel_loop3A_107 = tpu.vector_load %arg11[%parallel_loop3A_105, %parallel_loop3A_106] {strides = array<i32>} : memref<80x80xf32, #tpu.memory_space<vmem>>, vector<1x16xf32>,
      %parallel_loop3A_108 = vector.shape_cast %parallel_loop3A_107 : vector<1x16xf32> to vector<16xf32>
      %parallel_loop3A_109 = arith.index_cast %parallel_loop3A_104 : i32 to index
      %parallel_loop3A_110 = arith.constant 0 : index
      %parallel_loop3A_111 = tpu.vector_load %arg13[%parallel_loop3A_109, %parallel_loop3A_110] {strides = array<i32>} : memref<80x16xf32, #tpu.memory_space<vmem>>, vector<1x16xf32>,
      %parallel_loop3A_112 = vector.shape_cast %parallel_loop3A_111 : vector<1x16xf32> to vector<16xf32>
      %parallel_loop3A_113 = arith.addf %parallel_loop3A_108, %parallel_loop3A_112 : vector<16xf32>
      %parallel_loop3A_114 = arith.constant 2.000000e-01 : f32
      %parallel_loop3A_115 = vector.broadcast %parallel_loop3A_114 : f32 to vector<16xf32>
      %parallel_loop3A_116 = arith.mulf %parallel_loop3A_115, %parallel_loop3A_113 : vector<16xf32>
      %parallel_loop3A_117 = arith.maximumf %parallel_loop3A_113, %parallel_loop3A_116 : vector<16xf32>
      %parallel_loop3A_118 = math.exp %parallel_loop3A_117 : vector<16xf32>
      %parallel_loop3A_119 = arith.index_cast %parallel_loop3A_104 : i32 to index
      %parallel_loop3A_120 = arith.constant 0 : index
      %parallel_loop3A_121 = tpu.vector_load %arg15[%parallel_loop3A_119, %parallel_loop3A_120] {strides = array<i32>} : memref<80x80xf32, #tpu.memory_space<vmem>>, vector<1x16xf32>,
      %parallel_loop3A_122 = vector.shape_cast %parallel_loop3A_121 : vector<1x16xf32> to vector<16xf32>
      %parallel_loop3A_123 = vector.shape_cast %parallel_loop3A_118 : vector<16xf32> to vector<1x16xf32>
      tpu.vector_store %arg15[%parallel_loop3A_119, %parallel_loop3A_120], %parallel_loop3A_123 {strides = array<i32>} : memref<80x80xf32, #tpu.memory_space<vmem>>, vector<1x16xf32>,
      %parallel_loop3A_124 = arith.constant 0 : i32
      %parallel_loop3A_125 = vector.broadcast %parallel_loop3A_124 : i32 to vector<16xi32>
      %parallel_loop3A_126 = arith.addi %iota3A, %parallel_loop3A_125 : vector<16xi32>
      %parallel_loop3A_127 = arith.constant 3 : i32
      %parallel_loop3A_128 = vector.broadcast %parallel_loop3A_127 : i32 to vector<16xi32>
      %parallel_loop3A_129 = arith.shrsi %parallel_loop3A_126, %parallel_loop3A_128 : vector<16xi32>
      %parallel_loop3A_130 = arith.index_cast %parallel_loop3A_104 : i32 to index
      %parallel_loop3A_131 = arith.constant 16 : index
      %parallel_loop3A_132 = tpu.vector_load %arg11[%parallel_loop3A_130, %parallel_loop3A_131] {strides = array<i32>} : memref<80x80xf32, #tpu.memory_space<vmem>>, vector<1x16xf32>,
      %parallel_loop3A_133 = vector.shape_cast %parallel_loop3A_132 : vector<1x16xf32> to vector<16xf32>
      %parallel_loop3A_134 = vector.shape_cast %parallel_loop3A_129 : vector<16xi32> to vector<16x1xi32>
      %parallel_loop3A_135 = vector.shape_cast %parallel_loop3A_134 : vector<16x1xi32> to vector<16xi32>
      %parallel_loop3A_136 = tpu.dynamic_gather %parallel_loop3A_118[%parallel_loop3A_135] in [0] : vector<16xf32>, vector<16xi32> -> vector<16xf32>
      %parallel_loop3A_137 = arith.mulf %parallel_loop3A_133, %parallel_loop3A_136 : vector<16xf32>
      %parallel_loop3A_138 = arith.index_cast %parallel_loop3A_104 : i32 to index
      %parallel_loop3A_139 = arith.constant 16 : index
      %parallel_loop3A_140 = tpu.vector_load %arg15[%parallel_loop3A_138, %parallel_loop3A_139] {strides = array<i32>} : memref<80x80xf32, #tpu.memory_space<vmem>>, vector<1x16xf32>,
      %parallel_loop3A_141 = vector.shape_cast %parallel_loop3A_140 : vector<1x16xf32> to vector<16xf32>
      %parallel_loop3A_142 = vector.shape_cast %parallel_loop3A_137 : vector<16xf32> to vector<1x16xf32>
      tpu.vector_store %arg15[%parallel_loop3A_138, %parallel_loop3A_139], %parallel_loop3A_142 {strides = array<i32>} : memref<80x80xf32, #tpu.memory_space<vmem>>, vector<1x16xf32>,
      %parallel_loop3A_143 = arith.constant 16 : i32
      %parallel_loop3A_144 = vector.broadcast %parallel_loop3A_143 : i32 to vector<16xi32>
      %parallel_loop3A_145 = arith.addi %iota3A, %parallel_loop3A_144 : vector<16xi32>
      %parallel_loop3A_146 = arith.constant 3 : i32
      %parallel_loop3A_147 = vector.broadcast %parallel_loop3A_146 : i32 to vector<16xi32>
      %parallel_loop3A_148 = arith.shrsi %parallel_loop3A_145, %parallel_loop3A_147 : vector<16xi32>
      %parallel_loop3A_149 = arith.index_cast %parallel_loop3A_104 : i32 to index
      %parallel_loop3A_150 = arith.constant 32 : index
      %parallel_loop3A_151 = tpu.vector_load %arg11[%parallel_loop3A_149, %parallel_loop3A_150] {strides = array<i32>} : memref<80x80xf32, #tpu.memory_space<vmem>>, vector<1x16xf32>,
      %parallel_loop3A_152 = vector.shape_cast %parallel_loop3A_151 : vector<1x16xf32> to vector<16xf32>
      %parallel_loop3A_153 = vector.shape_cast %parallel_loop3A_148 : vector<16xi32> to vector<16x1xi32>
      %parallel_loop3A_154 = vector.shape_cast %parallel_loop3A_153 : vector<16x1xi32> to vector<16xi32>
      %parallel_loop3A_155 = tpu.dynamic_gather %parallel_loop3A_118[%parallel_loop3A_154] in [0] : vector<16xf32>, vector<16xi32> -> vector<16xf32>
      %parallel_loop3A_156 = arith.mulf %parallel_loop3A_152, %parallel_loop3A_155 : vector<16xf32>
      %parallel_loop3A_157 = arith.index_cast %parallel_loop3A_104 : i32 to index
      %parallel_loop3A_158 = arith.constant 32 : index
      %parallel_loop3A_159 = tpu.vector_load %arg15[%parallel_loop3A_157, %parallel_loop3A_158] {strides = array<i32>} : memref<80x80xf32, #tpu.memory_space<vmem>>, vector<1x16xf32>,
      %parallel_loop3A_160 = vector.shape_cast %parallel_loop3A_159 : vector<1x16xf32> to vector<16xf32>
      %parallel_loop3A_161 = vector.shape_cast %parallel_loop3A_156 : vector<16xf32> to vector<1x16xf32>
      tpu.vector_store %arg15[%parallel_loop3A_157, %parallel_loop3A_158], %parallel_loop3A_161 {strides = array<i32>} : memref<80x80xf32, #tpu.memory_space<vmem>>, vector<1x16xf32>,
      %parallel_loop3A_162 = arith.constant 32 : i32
      %parallel_loop3A_163 = vector.broadcast %parallel_loop3A_162 : i32 to vector<16xi32>
      %parallel_loop3A_164 = arith.addi %iota3A, %parallel_loop3A_163 : vector<16xi32>
      %parallel_loop3A_165 = arith.constant 3 : i32
      %parallel_loop3A_166 = vector.broadcast %parallel_loop3A_165 : i32 to vector<16xi32>
      %parallel_loop3A_167 = arith.shrsi %parallel_loop3A_164, %parallel_loop3A_166 : vector<16xi32>
      %parallel_loop3A_168 = arith.index_cast %parallel_loop3A_104 : i32 to index
      %parallel_loop3A_169 = arith.constant 48 : index
      %parallel_loop3A_170 = tpu.vector_load %arg11[%parallel_loop3A_168, %parallel_loop3A_169] {strides = array<i32>} : memref<80x80xf32, #tpu.memory_space<vmem>>, vector<1x16xf32>,
      %parallel_loop3A_171 = vector.shape_cast %parallel_loop3A_170 : vector<1x16xf32> to vector<16xf32>
      %parallel_loop3A_172 = vector.shape_cast %parallel_loop3A_167 : vector<16xi32> to vector<16x1xi32>
      %parallel_loop3A_173 = vector.shape_cast %parallel_loop3A_172 : vector<16x1xi32> to vector<16xi32>
      %parallel_loop3A_174 = tpu.dynamic_gather %parallel_loop3A_118[%parallel_loop3A_173] in [0] : vector<16xf32>, vector<16xi32> -> vector<16xf32>
      %parallel_loop3A_175 = arith.mulf %parallel_loop3A_171, %parallel_loop3A_174 : vector<16xf32>
      %parallel_loop3A_176 = arith.index_cast %parallel_loop3A_104 : i32 to index
      %parallel_loop3A_177 = arith.constant 48 : index
      %parallel_loop3A_178 = tpu.vector_load %arg15[%parallel_loop3A_176, %parallel_loop3A_177] {strides = array<i32>} : memref<80x80xf32, #tpu.memory_space<vmem>>, vector<1x16xf32>,
      %parallel_loop3A_179 = vector.shape_cast %parallel_loop3A_178 : vector<1x16xf32> to vector<16xf32>
      %parallel_loop3A_180 = vector.shape_cast %parallel_loop3A_175 : vector<16xf32> to vector<1x16xf32>
      tpu.vector_store %arg15[%parallel_loop3A_176, %parallel_loop3A_177], %parallel_loop3A_180 {strides = array<i32>} : memref<80x80xf32, #tpu.memory_space<vmem>>, vector<1x16xf32>,
      %parallel_loop3A_181 = arith.constant 48 : i32
      %parallel_loop3A_182 = vector.broadcast %parallel_loop3A_181 : i32 to vector<16xi32>
      %parallel_loop3A_183 = arith.addi %iota3A, %parallel_loop3A_182 : vector<16xi32>
      %parallel_loop3A_184 = arith.constant 3 : i32
      %parallel_loop3A_185 = vector.broadcast %parallel_loop3A_184 : i32 to vector<16xi32>
      %parallel_loop3A_186 = arith.shrsi %parallel_loop3A_183, %parallel_loop3A_185 : vector<16xi32>
      %parallel_loop3A_187 = arith.index_cast %parallel_loop3A_104 : i32 to index
      %parallel_loop3A_188 = arith.constant 64 : index
      %parallel_loop3A_189 = tpu.vector_load %arg11[%parallel_loop3A_187, %parallel_loop3A_188] {strides = array<i32>} : memref<80x80xf32, #tpu.memory_space<vmem>>, vector<1x16xf32>,
      %parallel_loop3A_190 = vector.shape_cast %parallel_loop3A_189 : vector<1x16xf32> to vector<16xf32>
      %parallel_loop3A_191 = vector.shape_cast %parallel_loop3A_186 : vector<16xi32> to vector<16x1xi32>
      %parallel_loop3A_192 = vector.shape_cast %parallel_loop3A_191 : vector<16x1xi32> to vector<16xi32>
      %parallel_loop3A_193 = tpu.dynamic_gather %parallel_loop3A_118[%parallel_loop3A_192] in [0] : vector<16xf32>, vector<16xi32> -> vector<16xf32>
      %parallel_loop3A_194 = arith.mulf %parallel_loop3A_190, %parallel_loop3A_193 : vector<16xf32>
      %parallel_loop3A_195 = arith.index_cast %parallel_loop3A_104 : i32 to index
      %parallel_loop3A_196 = arith.constant 64 : index
      %parallel_loop3A_197 = tpu.vector_load %arg15[%parallel_loop3A_195, %parallel_loop3A_196] {strides = array<i32>} : memref<80x80xf32, #tpu.memory_space<vmem>>, vector<1x16xf32>,
      %parallel_loop3A_198 = vector.shape_cast %parallel_loop3A_197 : vector<1x16xf32> to vector<16xf32>
      %parallel_loop3A_199 = vector.shape_cast %parallel_loop3A_194 : vector<16xf32> to vector<1x16xf32>
      tpu.vector_store %arg15[%parallel_loop3A_195, %parallel_loop3A_196], %parallel_loop3A_199 {strides = array<i32>} : memref<80x80xf32, #tpu.memory_space<vmem>>, vector<1x16xf32>,
    } {sc.loop_unroll_factor = 8 : i64, sc.parallel_access}
    %dma_start3A_83 = arith.constant 124 : i32
    %dma_start3A_84 = arith.constant 0 : i32
    %dma_start3A_85 = tpu.memref_slice %arg10[%dma_start3A_83, %dma_start3A_84] : memref<125x80xi32, #tpu.memory_space<vmem>> -> memref<1x80xi32, #tpu.memory_space<vmem>>
    %dma_start3A_86 = tpu.memref_squeeze %dma_start3A_85 : memref<1x80xi32, #tpu.memory_space<vmem>> -> memref<80xi32, #tpu.memory_space<vmem>>
    %dma_start3A_87 = arith.constant 0 : i32
    %dma_start3A_88 = arith.constant 0 : i32
    %dma_start3A_89 = tpu.memref_slice %arg18[%dma_start3A_87, %dma_start3A_88] : memref<10240x80xf32, #tpu.memory_space<vmem_shared>> -> memref<10240x80xf32, #tpu.memory_space<vmem_shared>>
    tpu.enqueue_indirect_dma source(%arg15 : memref<80x80xf32, #tpu.memory_space<vmem>>) target(%dma_start3A_89 : memref<10240x80xf32, #tpu.memory_space<vmem_shared>>) offsets(%dma_start3A_86 : memref<80xi32, #tpu.memory_space<vmem>>) semaphore(%arg23 : memref<!tpu.dma_semaphore, #tpu.memory_space<semaphore_mem>>) {add = true}
    %dma_wait3A_90 = arith.constant 0 : i32
    %dma_wait3A_91 = arith.constant 0 : i32
    %dma_wait3A_92 = tpu.memref_slice %arg18[%dma_wait3A_90, %dma_wait3A_91] : memref<10240x80xf32, #tpu.memory_space<vmem_shared>> -> memref<10240x80xf32, #tpu.memory_space<vmem_shared>>
    tpu.wait_indirect_dma semaphore(%arg23 : memref<!tpu.dma_semaphore, #tpu.memory_space<semaphore_mem>>) src(%arg15 : memref<80x80xf32, #tpu.memory_space<vmem>>) dst(%dma_wait3A_92 : memref<10240x80xf32, #tpu.memory_space<vmem_shared>>)
    %dma_wait3A_93 = arith.constant 0 : i32
    %dma_wait3A_94 = arith.constant 0 : i32
    %dma_wait3A_95 = tpu.memref_slice %arg18[%dma_wait3A_93, %dma_wait3A_94] : memref<10240x80xf32, #tpu.memory_space<vmem_shared>> -> memref<10240x80xf32, #tpu.memory_space<vmem_shared>>
    tpu.wait_indirect_dma semaphore(%arg24 : memref<!tpu.dma_semaphore, #tpu.memory_space<semaphore_mem>>) src(%arg16 : memref<80x80xf32, #tpu.memory_space<vmem>>) dst(%dma_wait3A_95 : memref<10240x80xf32, #tpu.memory_space<vmem_shared>>)
    %barrier3A_96 = arith.constant 0 : index
    tpu.barrier barrier_id(%barrier3A_96)
    %eq3A = arith.constant 0 : i32
    %eq3A_97 = arith.cmpi eq, %arg0, %eq3A : i32
    %convert_element_type3A = arith.extui %eq3A_97 : i1 to i32
    %cond3A = arith.constant 0 : i32
    %cond3A_98 = arith.cmpi ne, %convert_element_type3A, %cond3A : i32
    scf.if %cond3A_98 {
      %mul3A_104 = arith.constant 640 : i32
      %mul3A_105 = arith.muli %arg1, %mul3A_104 : i32
      %mul3A_106 = arith.constant 640 : i32
      %mul3A_107 = arith.muli %arg1, %mul3A_106 : i32
      "tpu.region"() ({
        %run_scoped3A = tpu.sem_alloc : memref<!tpu.dma_semaphore, #tpu.memory_space<semaphore_mem>>
        %dma_start3A_108 = arith.constant 0 : i32
        %dma_start3A_109 = tpu.memref_slice %arg7[%mul3A_107, %dma_start3A_108] : memref<10240x80xf32, #tpu.memory_space<hbm>> -> memref<640x80xf32, #tpu.memory_space<hbm>>
        %dma_start3A_110 = arith.constant 0 : i32
        %dma_start3A_111 = tpu.memref_slice %arg18[%mul3A_105, %dma_start3A_110] : memref<10240x80xf32, #tpu.memory_space<vmem_shared>> -> memref<640x80xf32, #tpu.memory_space<vmem_shared>>
        tpu.enqueue_dma source(%dma_start3A_111 : memref<640x80xf32, #tpu.memory_space<vmem_shared>>) target(%dma_start3A_109 : memref<640x80xf32, #tpu.memory_space<hbm>>) target_semaphore(%run_scoped3A : memref<!tpu.dma_semaphore, #tpu.memory_space<semaphore_mem>>)
        %dma_wait3A_112 = arith.constant 0 : i32
        %dma_wait3A_113 = tpu.memref_slice %arg7[%mul3A_107, %dma_wait3A_112] : memref<10240x80xf32, #tpu.memory_space<hbm>> -> memref<640x80xf32, #tpu.memory_space<hbm>>
        %dma_wait3A_114 = arith.constant 0 : i32
        %dma_wait3A_115 = tpu.memref_slice %arg18[%mul3A_105, %dma_wait3A_114] : memref<10240x80xf32, #tpu.memory_space<vmem_shared>> -> memref<640x80xf32, #tpu.memory_space<vmem_shared>>
        tpu.wait_dma2 semaphore(%run_scoped3A : memref<!tpu.dma_semaphore, #tpu.memory_space<semaphore_mem>>) src(%dma_wait3A_115 : memref<640x80xf32, #tpu.memory_space<vmem_shared>>) dst(%dma_wait3A_113 : memref<640x80xf32, #tpu.memory_space<hbm>>)
        tpu.yield
      }) : () -> ()
    } else {
    }
    %eq3A_99 = arith.constant 1 : i32
    %eq3A_100 = arith.cmpi eq, %arg0, %eq3A_99 : i32
    %convert_element_type3A_101 = arith.extui %eq3A_100 : i1 to i32
    %cond3A_102 = arith.constant 0 : i32
    %cond3A_103 = arith.cmpi ne, %convert_element_type3A_101, %cond3A_102 : i32
    scf.if %cond3A_103 {
      %mul3A_104 = arith.constant 640 : i32
      %mul3A_105 = arith.muli %arg1, %mul3A_104 : i32
      %mul3A_106 = arith.constant 640 : i32
      %mul3A_107 = arith.muli %arg1, %mul3A_106 : i32
      "tpu.region"() ({
        %run_scoped3A = tpu.sem_alloc : memref<!tpu.dma_semaphore, #tpu.memory_space<semaphore_mem>>
        %dma_start3A_108 = arith.constant 0 : i32
        %dma_start3A_109 = tpu.memref_slice %arg8[%mul3A_107, %dma_start3A_108] : memref<10240x80xf32, #tpu.memory_space<hbm>> -> memref<640x80xf32, #tpu.memory_space<hbm>>
        %dma_start3A_110 = arith.constant 0 : i32
        %dma_start3A_111 = tpu.memref_slice %arg18[%mul3A_105, %dma_start3A_110] : memref<10240x80xf32, #tpu.memory_space<vmem_shared>> -> memref<640x80xf32, #tpu.memory_space<vmem_shared>>
        tpu.enqueue_dma source(%dma_start3A_111 : memref<640x80xf32, #tpu.memory_space<vmem_shared>>) target(%dma_start3A_109 : memref<640x80xf32, #tpu.memory_space<hbm>>) target_semaphore(%run_scoped3A : memref<!tpu.dma_semaphore, #tpu.memory_space<semaphore_mem>>)
        %dma_wait3A_112 = arith.constant 0 : i32
        %dma_wait3A_113 = tpu.memref_slice %arg8[%mul3A_107, %dma_wait3A_112] : memref<10240x80xf32, #tpu.memory_space<hbm>> -> memref<640x80xf32, #tpu.memory_space<hbm>>
        %dma_wait3A_114 = arith.constant 0 : i32
        %dma_wait3A_115 = tpu.memref_slice %arg18[%mul3A_105, %dma_wait3A_114] : memref<10240x80xf32, #tpu.memory_space<vmem_shared>> -> memref<640x80xf32, #tpu.memory_space<vmem_shared>>
        tpu.wait_dma2 semaphore(%run_scoped3A : memref<!tpu.dma_semaphore, #tpu.memory_space<semaphore_mem>>) src(%dma_wait3A_115 : memref<640x80xf32, #tpu.memory_space<vmem_shared>>) dst(%dma_wait3A_113 : memref<640x80xf32, #tpu.memory_space<hbm>>)
        tpu.yield
      }) : () -> ()
    } else {
    }
    return
  }
}

module attributes {stable_mosaic.version = 14 : i64} {
  func.func @_pre_body(%arg0: i32, %arg1: memref<400x128xf32, #tpu.memory_space<vmem>>, %arg2: memref<128x64xf32, #tpu.memory_space<vmem>>, %arg3: memref<64x16xf32, #tpu.memory_space<vmem>>, %arg4: memref<64x16xf32, #tpu.memory_space<vmem>>, %arg5: memref<400x80xf32, #tpu.memory_space<vmem>>, %arg6: memref<400x16xf32, #tpu.memory_space<vmem>>) attributes {dimension_semantics = [#tpu.dimension_semantics<arbitrary>], iteration_bounds = array<i64: 25>, scalar_prefetch = 0 : i64, scratch_operands = 0 : i64, tpu.core_type = #tpu.core_type<tc>, window_params = [{transform_indices = @transform_0, window_bounds = array<i64: 400, 128>}, {pipeline_mode = #tpu.pipeline_mode<synchronous>, transform_indices = @transform_1, window_bounds = array<i64: 128, 64>}, {pipeline_mode = #tpu.pipeline_mode<synchronous>, transform_indices = @transform_2, window_bounds = array<i64: 64, 16>}, {pipeline_mode = #tpu.pipeline_mode<synchronous>, transform_indices = @transform_3, window_bounds = array<i64: 64, 16>}, {transform_indices = @transform_4, window_bounds = array<i64: 400, 80>}, {transform_indices = @transform_5, window_bounds = array<i64: 400, 16>}]} {
    %get3A = arith.constant 0 : index
    %get3A_0 = arith.constant 0 : index
    %get3A_1 = vector.load %arg1[%get3A, %get3A_0] : memref<400x128xf32, #tpu.memory_space<vmem>>, vector<400x128xf32>
    %get3A_2 = arith.constant 0 : index
    %get3A_3 = arith.constant 0 : index
    %get3A_4 = vector.load %arg2[%get3A_2, %get3A_3] : memref<128x64xf32, #tpu.memory_space<vmem>>, vector<128x64xf32>
    %dot_general3A = arith.constant dense<0.000000e+00> : vector<400x64xf32>
    %dot_general3A_5 = tpu.matmul %get3A_1, %get3A_4, %dot_general3A {dimension_numbers = #tpu.dot_dimension_numbers<[1], [0], [0], [1], [0, 0, 1, 1], [], []>, transpose_lhs_hint = false} : vector<400x128xf32>, vector<128x64xf32>, vector<400x64xf32> -> vector<400x64xf32>
    %get3A_6 = arith.constant 0 : index
    %get3A_7 = arith.constant 0 : index
    %get3A_8 = vector.load %arg3[%get3A_6, %get3A_7] : memref<64x16xf32, #tpu.memory_space<vmem>>, vector<64x16xf32>
    %dot_general3A_9 = arith.constant dense<0.000000e+00> : vector<400x16xf32>
    %dot_general3A_10 = tpu.matmul %dot_general3A_5, %get3A_8, %dot_general3A_9 {dimension_numbers = #tpu.dot_dimension_numbers<[1], [0], [0], [1], [0, 0, 1, 1], [], []>, transpose_lhs_hint = false} : vector<400x64xf32>, vector<64x16xf32>, vector<400x16xf32> -> vector<400x16xf32>
    %get3A_11 = arith.constant 0 : index
    %get3A_12 = arith.constant 0 : index
    %get3A_13 = vector.load %arg4[%get3A_11, %get3A_12] : memref<64x16xf32, #tpu.memory_space<vmem>>, vector<64x16xf32>
    %dot_general3A_14 = arith.constant dense<0.000000e+00> : vector<400x16xf32>
    %dot_general3A_15 = tpu.matmul %dot_general3A_5, %get3A_13, %dot_general3A_14 {dimension_numbers = #tpu.dot_dimension_numbers<[1], [0], [0], [1], [0, 0, 1, 1], [], []>, transpose_lhs_hint = false} : vector<400x64xf32>, vector<64x16xf32>, vector<400x16xf32> -> vector<400x16xf32>
    %concatenate3A = tpu.concatenate %dot_general3A_10, %dot_general3A_5 in 1 : vector<400x16xf32>, vector<400x64xf32> -> vector<400x80xf32>
    %swap3A = arith.constant 0 : index
    %swap3A_16 = arith.constant 0 : index
    %swap3A_17 = vector.load %arg5[%swap3A, %swap3A_16] : memref<400x80xf32, #tpu.memory_space<vmem>>, vector<400x80xf32>
    tpu.vector_store %arg5[%swap3A, %swap3A_16], %concatenate3A {strides = array<i32>} : memref<400x80xf32, #tpu.memory_space<vmem>>, vector<400x80xf32>,
    %swap3A_18 = arith.constant 0 : index
    %swap3A_19 = arith.constant 0 : index
    %swap3A_20 = vector.load %arg6[%swap3A_18, %swap3A_19] : memref<400x16xf32, #tpu.memory_space<vmem>>, vector<400x16xf32>
    tpu.vector_store %arg6[%swap3A_18, %swap3A_19], %dot_general3A_15 {strides = array<i32>} : memref<400x16xf32, #tpu.memory_space<vmem>>, vector<400x16xf32>,
    return
  }
  func.func @transform_0(%arg0: i32) -> (i32, i32) {
    %c0_i32 = arith.constant 0 : i32
    %c0_i32_0 = arith.constant 0 : i32
    return %arg0, %c0_i32 : i32, i32
  }
  func.func @transform_1(%arg0: i32) -> (i32, i32) {
    %c0_i32 = arith.constant 0 : i32
    %c0_i32_0 = arith.constant 0 : i32
    %c0_i32_1 = arith.constant 0 : i32
    return %c0_i32, %c0_i32_0 : i32, i32
  }
  func.func @transform_2(%arg0: i32) -> (i32, i32) {
    %c0_i32 = arith.constant 0 : i32
    %c0_i32_0 = arith.constant 0 : i32
    %c0_i32_1 = arith.constant 0 : i32
    return %c0_i32, %c0_i32_0 : i32, i32
  }
  func.func @transform_3(%arg0: i32) -> (i32, i32) {
    %c0_i32 = arith.constant 0 : i32
    %c0_i32_0 = arith.constant 0 : i32
    %c0_i32_1 = arith.constant 0 : i32
    return %c0_i32, %c0_i32_0 : i32, i32
  }
  func.func @transform_4(%arg0: i32) -> (i32, i32) {
    %c0_i32 = arith.constant 0 : i32
    %c0_i32_0 = arith.constant 0 : i32
    return %arg0, %c0_i32 : i32, i32
  }
  func.func @transform_5(%arg0: i32) -> (i32, i32) {
    %c0_i32 = arith.constant 0 : i32
    %c0_i32_0 = arith.constant 0 : i32
    return %arg0, %c0_i32 : i32, i32
  }
}

module attributes {stable_mosaic.version = 14 : i64} {
  func.func @_post_body(%arg0: i32, %arg1: memref<400x80xf32, #tpu.memory_space<vmem>>, %arg2: memref<400x16xf32, #tpu.memory_space<vmem>>, %arg3: memref<400x80xf32, #tpu.memory_space<vmem>>, %arg4: memref<400x80xf32, #tpu.memory_space<vmem>>, %arg5: memref<1x64xf32, #tpu.memory_space<vmem>>, %arg6: memref<16x64xf32, #tpu.memory_space<vmem>>, %arg7: memref<400x64xf32, #tpu.memory_space<vmem>>) attributes {dimension_semantics = [#tpu.dimension_semantics<arbitrary>], iteration_bounds = array<i64: 25>, scalar_prefetch = 0 : i64, scratch_operands = 0 : i64, tpu.core_type = #tpu.core_type<tc>, window_params = [{transform_indices = @transform_0, window_bounds = array<i64: 400, 80>}, {transform_indices = @transform_1, window_bounds = array<i64: 400, 16>}, {transform_indices = @transform_2, window_bounds = array<i64: 400, 80>}, {transform_indices = @transform_3, window_bounds = array<i64: 400, 80>}, {pipeline_mode = #tpu.pipeline_mode<synchronous>, transform_indices = @transform_4, window_bounds = array<i64: 1, 64>}, {pipeline_mode = #tpu.pipeline_mode<synchronous>, transform_indices = @transform_5, window_bounds = array<i64: 16, 64>}, {transform_indices = @transform_6, window_bounds = array<i64: 400, 64>}]} {
    %get3A = arith.constant 0 : index
    %get3A_0 = arith.constant 0 : index
    %get3A_1 = vector.load %arg1[%get3A, %get3A_0] : memref<400x80xf32, #tpu.memory_space<vmem>>, vector<400x80xf32>
    %slice3A = vector.extract_strided_slice %get3A_1 {offsets = [0, 0], sizes = [400, 16], strides = [1, 1]} : vector<400x80xf32> to vector<400x16xf32>
    %slice3A_2 = vector.extract_strided_slice %get3A_1 {offsets = [0, 16], sizes = [400, 64], strides = [1, 1]} : vector<400x80xf32> to vector<400x64xf32>
    %get3A_3 = arith.constant 0 : index
    %get3A_4 = arith.constant 0 : index
    %get3A_5 = vector.load %arg2[%get3A_3, %get3A_4] : memref<400x16xf32, #tpu.memory_space<vmem>>, vector<400x16xf32>
    %add3A = arith.addf %slice3A, %get3A_5 : vector<400x16xf32>
    %mul3A = arith.constant 2.000000e-01 : f32
    %mul3A_6 = vector.broadcast %mul3A : f32 to vector<400x16xf32>
    %mul3A_7 = arith.mulf %mul3A_6, %add3A : vector<400x16xf32>
    %max3A = arith.maximumf %add3A, %mul3A_7 : vector<400x16xf32>
    %exp3A = math.exp %max3A : vector<400x16xf32>
    %get3A_8 = arith.constant 0 : index
    %get3A_9 = arith.constant 0 : index
    %get3A_10 = vector.load %arg3[%get3A_8, %get3A_9] : memref<400x80xf32, #tpu.memory_space<vmem>>, vector<400x16xf32>
    %add3A_11 = arith.addf %exp3A, %get3A_10 : vector<400x16xf32>
    %get3A_12 = arith.constant 0 : index
    %get3A_13 = arith.constant 0 : index
    %get3A_14 = vector.load %arg4[%get3A_12, %get3A_13] : memref<400x80xf32, #tpu.memory_space<vmem>>, vector<400x16xf32>
    %add3A_15 = arith.addf %add3A_11, %get3A_14 : vector<400x16xf32>
    %get3A_16 = arith.constant 0 : index
    %get3A_17 = arith.constant 0 : index
    %get3A_18 = vector.load %arg6[%get3A_16, %get3A_17] : memref<16x64xf32, #tpu.memory_space<vmem>>, vector<16x64xf32>
    %dot_general3A = arith.constant dense<0.000000e+00> : vector<400x64xf32>
    %dot_general3A_19 = tpu.matmul %exp3A, %get3A_18, %dot_general3A {dimension_numbers = #tpu.dot_dimension_numbers<[1], [0], [0], [1], [0, 0, 1, 1], [], []>, transpose_lhs_hint = false} : vector<400x16xf32>, vector<16x64xf32>, vector<400x64xf32> -> vector<400x64xf32>
    %mul3A_20 = arith.mulf %dot_general3A_19, %slice3A_2 : vector<400x64xf32>
    %get3A_21 = arith.constant 0 : index
    %get3A_22 = arith.constant 16 : index
    %get3A_23 = vector.load %arg3[%get3A_21, %get3A_22] : memref<400x80xf32, #tpu.memory_space<vmem>>, vector<400x64xf32>
    %add3A_24 = arith.addf %mul3A_20, %get3A_23 : vector<400x64xf32>
    %get3A_25 = arith.constant 0 : index
    %get3A_26 = arith.constant 16 : index
    %get3A_27 = vector.load %arg4[%get3A_25, %get3A_26] : memref<400x80xf32, #tpu.memory_space<vmem>>, vector<400x64xf32>
    %add3A_28 = arith.addf %add3A_24, %get3A_27 : vector<400x64xf32>
    %dot_general3A_29 = arith.constant dense<0.000000e+00> : vector<400x64xf32>
    %dot_general3A_30 = tpu.matmul %add3A_15, %get3A_18, %dot_general3A_29 {dimension_numbers = #tpu.dot_dimension_numbers<[1], [0], [0], [1], [0, 0, 1, 1], [], []>, transpose_lhs_hint = false} : vector<400x16xf32>, vector<16x64xf32>, vector<400x64xf32> -> vector<400x64xf32>
    %add3A_31 = arith.constant 1.000000e-16 : f32
    %add3A_32 = vector.broadcast %add3A_31 : f32 to vector<400x64xf32>
    %add3A_33 = arith.addf %dot_general3A_30, %add3A_32 : vector<400x64xf32>
    %div3A = arith.divf %add3A_28, %add3A_33 : vector<400x64xf32>
    %get3A_34 = arith.constant 0 : index
    %get3A_35 = arith.constant 0 : index
    %get3A_36 = vector.load %arg5[%get3A_34, %get3A_35] : memref<1x64xf32, #tpu.memory_space<vmem>>, vector<1x64xf32>
    %add3A_37 = vector.broadcast %get3A_36 : vector<1x64xf32> to vector<400x64xf32>
    %add3A_38 = arith.addf %div3A, %add3A_37 : vector<400x64xf32>
    %gt3A = arith.constant 0.000000e+00 : f32
    %gt3A_39 = vector.broadcast %gt3A : f32 to vector<400x64xf32>
    %gt3A_40 = arith.cmpf ogt, %add3A_38, %gt3A_39 : vector<400x64xf32>
    %min3A = arith.constant 0.000000e+00 : f32
    %min3A_41 = vector.broadcast %min3A : f32 to vector<400x64xf32>
    %min3A_42 = arith.minimumf %add3A_38, %min3A_41 : vector<400x64xf32>
    %exp3A_43 = math.exp %min3A_42 : vector<400x64xf32>
    %sub3A = arith.constant 1.000000e+00 : f32
    %sub3A_44 = vector.broadcast %sub3A : f32 to vector<400x64xf32>
    %sub3A_45 = arith.subf %exp3A_43, %sub3A_44 : vector<400x64xf32>
    %select_n3A = arith.select %gt3A_40, %add3A_38, %sub3A_45 : vector<400x64xi1>, vector<400x64xf32>
    %swap3A = arith.constant 0 : index
    %swap3A_46 = arith.constant 0 : index
    %swap3A_47 = vector.load %arg7[%swap3A, %swap3A_46] : memref<400x64xf32, #tpu.memory_space<vmem>>, vector<400x64xf32>
    tpu.vector_store %arg7[%swap3A, %swap3A_46], %select_n3A {strides = array<i32>} : memref<400x64xf32, #tpu.memory_space<vmem>>, vector<400x64xf32>,
    return
  }
  func.func @transform_0(%arg0: i32) -> (i32, i32) {
    %c0_i32 = arith.constant 0 : i32
    %c0_i32_0 = arith.constant 0 : i32
    return %arg0, %c0_i32 : i32, i32
  }
  func.func @transform_1(%arg0: i32) -> (i32, i32) {
    %c0_i32 = arith.constant 0 : i32
    %c0_i32_0 = arith.constant 0 : i32
    return %arg0, %c0_i32 : i32, i32
  }
  func.func @transform_2(%arg0: i32) -> (i32, i32) {
    %c0_i32 = arith.constant 0 : i32
    %c0_i32_0 = arith.constant 0 : i32
    return %arg0, %c0_i32 : i32, i32
  }
  func.func @transform_3(%arg0: i32) -> (i32, i32) {
    %c0_i32 = arith.constant 0 : i32
    %c0_i32_0 = arith.constant 0 : i32
    return %arg0, %c0_i32 : i32, i32
  }
  func.func @transform_4(%arg0: i32) -> (i32, i32) {
    %c0_i32 = arith.constant 0 : i32
    %c0_i32_0 = arith.constant 0 : i32
    %c0_i32_1 = arith.constant 0 : i32
    return %c0_i32, %c0_i32_0 : i32, i32
  }
  func.func @transform_5(%arg0: i32) -> (i32, i32) {
    %c0_i32 = arith.constant 0 : i32
    %c0_i32_0 = arith.constant 0 : i32
    %c0_i32_1 = arith.constant 0 : i32
    return %c0_i32, %c0_i32_0 : i32, i32
  }
  func.func @transform_6(%arg0: i32) -> (i32, i32) {
    %c0_i32 = arith.constant 0 : i32
    %c0_i32_0 = arith.constant 0 : i32
    return %arg0, %c0_i32 : i32, i32
  }
}

module attributes {stable_mosaic.version = 14 : i64} {
  func.func @_pre_body(%arg0: i32, %arg1: memref<400x64xf32, #tpu.memory_space<vmem>>, %arg2: memref<64x64xf32, #tpu.memory_space<vmem>>, %arg3: memref<64x16xf32, #tpu.memory_space<vmem>>, %arg4: memref<64x16xf32, #tpu.memory_space<vmem>>, %arg5: memref<400x80xf32, #tpu.memory_space<vmem>>, %arg6: memref<400x16xf32, #tpu.memory_space<vmem>>) attributes {dimension_semantics = [#tpu.dimension_semantics<arbitrary>], iteration_bounds = array<i64: 25>, scalar_prefetch = 0 : i64, scratch_operands = 0 : i64, tpu.core_type = #tpu.core_type<tc>, window_params = [{transform_indices = @transform_0, window_bounds = array<i64: 400, 64>}, {pipeline_mode = #tpu.pipeline_mode<synchronous>, transform_indices = @transform_1, window_bounds = array<i64: 64, 64>}, {pipeline_mode = #tpu.pipeline_mode<synchronous>, transform_indices = @transform_2, window_bounds = array<i64: 64, 16>}, {pipeline_mode = #tpu.pipeline_mode<synchronous>, transform_indices = @transform_3, window_bounds = array<i64: 64, 16>}, {transform_indices = @transform_4, window_bounds = array<i64: 400, 80>}, {transform_indices = @transform_5, window_bounds = array<i64: 400, 16>}]} {
    %get3A = arith.constant 0 : index
    %get3A_0 = arith.constant 0 : index
    %get3A_1 = vector.load %arg1[%get3A, %get3A_0] : memref<400x64xf32, #tpu.memory_space<vmem>>, vector<400x64xf32>
    %get3A_2 = arith.constant 0 : index
    %get3A_3 = arith.constant 0 : index
    %get3A_4 = vector.load %arg2[%get3A_2, %get3A_3] : memref<64x64xf32, #tpu.memory_space<vmem>>, vector<64x64xf32>
    %dot_general3A = arith.constant dense<0.000000e+00> : vector<400x64xf32>
    %dot_general3A_5 = tpu.matmul %get3A_1, %get3A_4, %dot_general3A {dimension_numbers = #tpu.dot_dimension_numbers<[1], [0], [0], [1], [0, 0, 1, 1], [], []>, transpose_lhs_hint = false} : vector<400x64xf32>, vector<64x64xf32>, vector<400x64xf32> -> vector<400x64xf32>
    %get3A_6 = arith.constant 0 : index
    %get3A_7 = arith.constant 0 : index
    %get3A_8 = vector.load %arg3[%get3A_6, %get3A_7] : memref<64x16xf32, #tpu.memory_space<vmem>>, vector<64x16xf32>
    %dot_general3A_9 = arith.constant dense<0.000000e+00> : vector<400x16xf32>
    %dot_general3A_10 = tpu.matmul %dot_general3A_5, %get3A_8, %dot_general3A_9 {dimension_numbers = #tpu.dot_dimension_numbers<[1], [0], [0], [1], [0, 0, 1, 1], [], []>, transpose_lhs_hint = false} : vector<400x64xf32>, vector<64x16xf32>, vector<400x16xf32> -> vector<400x16xf32>
    %get3A_11 = arith.constant 0 : index
    %get3A_12 = arith.constant 0 : index
    %get3A_13 = vector.load %arg4[%get3A_11, %get3A_12] : memref<64x16xf32, #tpu.memory_space<vmem>>, vector<64x16xf32>
    %dot_general3A_14 = arith.constant dense<0.000000e+00> : vector<400x16xf32>
    %dot_general3A_15 = tpu.matmul %dot_general3A_5, %get3A_13, %dot_general3A_14 {dimension_numbers = #tpu.dot_dimension_numbers<[1], [0], [0], [1], [0, 0, 1, 1], [], []>, transpose_lhs_hint = false} : vector<400x64xf32>, vector<64x16xf32>, vector<400x16xf32> -> vector<400x16xf32>
    %concatenate3A = tpu.concatenate %dot_general3A_10, %dot_general3A_5 in 1 : vector<400x16xf32>, vector<400x64xf32> -> vector<400x80xf32>
    %swap3A = arith.constant 0 : index
    %swap3A_16 = arith.constant 0 : index
    %swap3A_17 = vector.load %arg5[%swap3A, %swap3A_16] : memref<400x80xf32, #tpu.memory_space<vmem>>, vector<400x80xf32>
    tpu.vector_store %arg5[%swap3A, %swap3A_16], %concatenate3A {strides = array<i32>} : memref<400x80xf32, #tpu.memory_space<vmem>>, vector<400x80xf32>,
    %swap3A_18 = arith.constant 0 : index
    %swap3A_19 = arith.constant 0 : index
    %swap3A_20 = vector.load %arg6[%swap3A_18, %swap3A_19] : memref<400x16xf32, #tpu.memory_space<vmem>>, vector<400x16xf32>
    tpu.vector_store %arg6[%swap3A_18, %swap3A_19], %dot_general3A_15 {strides = array<i32>} : memref<400x16xf32, #tpu.memory_space<vmem>>, vector<400x16xf32>,
    return
  }
  func.func @transform_0(%arg0: i32) -> (i32, i32) {
    %c0_i32 = arith.constant 0 : i32
    %c0_i32_0 = arith.constant 0 : i32
    return %arg0, %c0_i32 : i32, i32
  }
  func.func @transform_1(%arg0: i32) -> (i32, i32) {
    %c0_i32 = arith.constant 0 : i32
    %c0_i32_0 = arith.constant 0 : i32
    %c0_i32_1 = arith.constant 0 : i32
    return %c0_i32, %c0_i32_0 : i32, i32
  }
  func.func @transform_2(%arg0: i32) -> (i32, i32) {
    %c0_i32 = arith.constant 0 : i32
    %c0_i32_0 = arith.constant 0 : i32
    %c0_i32_1 = arith.constant 0 : i32
    return %c0_i32, %c0_i32_0 : i32, i32
  }
  func.func @transform_3(%arg0: i32) -> (i32, i32) {
    %c0_i32 = arith.constant 0 : i32
    %c0_i32_0 = arith.constant 0 : i32
    %c0_i32_1 = arith.constant 0 : i32
    return %c0_i32, %c0_i32_0 : i32, i32
  }
  func.func @transform_4(%arg0: i32) -> (i32, i32) {
    %c0_i32 = arith.constant 0 : i32
    %c0_i32_0 = arith.constant 0 : i32
    return %arg0, %c0_i32 : i32, i32
  }
  func.func @transform_5(%arg0: i32) -> (i32, i32) {
    %c0_i32 = arith.constant 0 : i32
    %c0_i32_0 = arith.constant 0 : i32
    return %arg0, %c0_i32 : i32, i32
  }
}

</mosaic_0001>

<sc_bundles>
// kernel: kernel.11.cloned.1.call-start
scs
__scs_entry_jumppad:
0x0: {  	(pc) =	sbr.rel $0x88, $3  }
0x1: {  	(tag) =	ssettag $0x0;
	lr =	simm.s32 $0x1  }
0x2: {  	[smem:$0x3F97] =	sst lr;
	_ =	strace $0xD0000000  }
0x3: {  	_ = 	snop  }
0x4: {  	_ = 	snop  }
0x5: {  	_ = 	snop  }
0x6: {  	_ = 	snop  }
0x7: {  	_ = 	snop  }
__scs_overlays_trampoline_lowered:
0x8: {  	[smem:$0x3FA6] =	sst s0  }
0x9: {  	[smem:$0x3FA7] =	sst s1  }
0xa: {  	[smem:$0x3FA8] =	sst s2  }
0xb: {  	[smem:$0x3FA9] =	sst s3  }
0xc: {  	[smem:$0x3FAA] =	sst s4  }
0xd: {  	[smem:$0x3FAB] =	sst s5  }
0xe: {  	[smem:$0x3FAC] =	sst s6  }
0xf: {  	[smem:$0x3FAD] =	sst s7  }
0x10: {  	[smem:$0x3FAE] =	sst s8  }
0x11: {  	[smem:$0x3FAF] =	sst s9;
	s0 =	simm.s32 @!p0 $0x0  }
0x12: {  	s1 =	sld [smem:$0x3F95];
	s0 =	simm.s32 @p0 $0x1  }
0x13: {  	[smem:$0x3FB0] =	sst s0;
	s0 =	simm.s32 @!p1 $0x0  }
0x14: {  	s2 =	sld [smem:$0x3F94];
	s0 =	simm.s32 @p1 $0x1  }
0x15: {  	[smem:$0x3FB1] =	sst s0;
	s0 =	simm.s32 @!p2 $0x0  }
0x16: {  	s3 =	sld [smem:$0x3FDB];
	s0 =	simm.s32 @p2 $0x1  }
0x17: {  	s4 =	simm.s32 $0x1BF5;
	[smem:$0x3FB3] =	sst s0  }
0x18: {  	s0 =	sld [smem:$0x3F96];
	_ =	swait.ge [sflag:s4], $0x0  }
0x19: {  	s7 =	sld [smem:$0x3F97]  }
0x1a: {  	s8 =	sadd.s32 $0xFFFFE003, lr  }
0x1b: {  	s9 =	sadd.s32 $0xFFFFFEF7, lr;
	s5 =	simm.s32 $0xFFFFFFFF;
	p2 =	slt.u32 s8, $0xFFFFF086  }
0x1c: {  	p1 =	slt.u32 s9, $0xF7A;
	s5 =	simm.s32 @!p2 $0x0  }
0x1d: {  	s5 =	simm.s32 @p1 $0x1;
	p0 =	seq.s32 s7, s2  }
0x1e: {  	s7 =	smul.u32 @!p0 $0xF7A, s2;
	p2 =	seq.s32 @!p0 s5, $0x0  }
0x1f: {  	s9 =	smul.u32 $0xF7A, s1;
	s8 =	simm.s32 @!p0 $0x1BF5;
	p2 =	por !p2, p0  }
0x20: {  	[sflag:s8] =	ssyncset.s32 @!p0 $0xFFFFF086;
	s6 =	sadd.s32 @!p0 s3, s7;
	s7 =	simm.s32 @!p0 $0x108  }
0x21: {  	s3 =	sadd.s32 s3, s9;
	s6 =	sadd.s32 @!p0 $0x88, s6;
	s7 =	simm.s32 @p2 $0x1082  }
0x22: {  	[simem:s7], [sflag:s8] =	dma.local @!p0 [hbm:s6], $0xF7A  }
0x23: {  	s9 =	sor.u32 $0xD0000000, s2;
	s6 =	simm.s32 $0x108;
	_ =	swait.ge @!p0 [sflag:s8], $0x0  }
0x24: {  	s3 =	sadd.s32 $0x88, s3;
	s6 =	simm.s32 @!p1 $0x1082;
	[sflag:s4] =	ssyncset.s32 $0xFFFFF086  }
0x25: {  	[simem:s6], [sflag:s4] =	dma.local [hbm:s3], $0xF7A  }
0x26: {  	[smem:$0x3F97] =	sst s1;
	(tag) =	ssettag s2;
	_ =	strace s9  }
0x27: {  	s1 =	sld [smem:$0x3FA7]  }
0x28: {  	s2 =	sld [smem:$0x3FA8]  }
0x29: {  	s4 =	sld [smem:$0x3FAA]  }
0x2a: {  	p0 =	seq.s32 s5, $0x0;
	s5 =	sld [smem:$0x3FAB]  }
0x2b: {  	s6 =	sld [smem:$0x3FAC]  }
0x2c: {  	s7 =	sld [smem:$0x3FAD]  }
0x2d: {  	s3 =	simm.s32 $0x108;
	s8 =	sld [smem:$0x3FAE]  }
0x2e: {  	s3 =	simm.s32 @!p0 $0x1082;
	s9 =	sld [smem:$0x3FAF]  }
0x2f: {  	lr =	sadd.s32 s0, s3;
	s0 =	sld [smem:$0x3FA6]  }
0x30: {  	s3 =	sld [smem:$0x3FA9]  }
0x31: {  	[smem:$0x3FB2] =	sst s10  }
0x32: {  	s10 =	sld [smem:$0x3FB0];
	_ =	sdelay $0x3  }
0x33: {  	p0 =	seq.s32 s10, $0x1;
	s10 =	sld [smem:$0x3FB2];
	_ =	sdelay $0x3  }
0x34: {  	[smem:$0x3FB2] =	sst s10  }
0x35: {  	s10 =	sld [smem:$0x3FB1];
	_ =	sdelay $0x3  }
0x36: {  	p1 =	seq.s32 s10, $0x1;
	s10 =	sld [smem:$0x3FB2];
	_ =	sdelay $0x3  }
0x37: {  	[smem:$0x3FB2] =	sst s10  }
0x38: {  	s10 =	sld [smem:$0x3FB3]  }
0x39: {  	_ = 	snop;
	(pc) =	sbr.ind lr, $3  }
0x3a: {  	_ = 	snop  }
0x3b: {  	_ = 	snop  }
0x3c: {  	p2 =	seq.s32 s10, $0x1;
	s10 =	sld [smem:$0x3FB2]  }
0x3d: {  	_ =	shalt  }
0x3e: {  	_ =	shalt  }
0x3f: {  	_ =	shalt  }
0x40: {  	_ =	shalt  }
0x41: {  	_ =	shalt  }
0x42: {  	_ =	shalt  }
0x43: {  	_ =	shalt  }
0x44: {  	_ =	shalt  }
0x45: {  	_ =	shalt  }
0x46: {  	_ =	shalt  }
0x47: {  	_ =	shalt  }
0x48: {  	_ =	shalt  }
0x49: {  	_ =	shalt  }
0x4a: {  	_ =	shalt  }
0x4b: {  	_ =	shalt  }
0x4c: {  	_ =	shalt  }
0x4d: {  	_ =	shalt  }
0x4e: {  	_ =	shalt  }
0x4f: {  	_ =	shalt  }
0x50: {  	_ =	shalt  }
0x51: {  	_ =	shalt  }
0x52: {  	_ =	shalt  }
0x53: {  	_ =	shalt  }
0x54: {  	_ =	shalt  }
0x55: {  	_ =	shalt  }
0x56: {  	_ =	shalt  }
0x57: {  	_ =	shalt  }
0x58: {  	_ =	shalt  }
0x59: {  	_ =	shalt  }
0x5a: {  	_ =	shalt  }
0x5b: {  	_ =	shalt  }
0x5c: {  	_ =	shalt  }
0x5d: {  	_ =	shalt  }
0x5e: {  	_ =	shalt  }
0x5f: {  	_ =	shalt  }
0x60: {  	_ =	shalt  }
0x61: {  	_ =	shalt  }
0x62: {  	_ =	shalt  }
0x63: {  	_ =	shalt  }
0x64: {  	_ =	shalt  }
0x65: {  	_ =	shalt  }
0x66: {  	_ =	shalt  }
0x67: {  	_ =	shalt  }
0x68: {  	_ =	shalt  }
0x69: {  	_ =	shalt  }
0x6a: {  	_ =	shalt  }
0x6b: {  	_ =	shalt  }
0x6c: {  	_ =	shalt  }
0x6d: {  	_ =	shalt  }
0x6e: {  	_ =	shalt  }
0x6f: {  	_ =	shalt  }
0x70: {  	_ =	shalt  }
0x71: {  	_ =	shalt  }
0x72: {  	_ =	shalt  }
0x73: {  	_ =	shalt  }
0x74: {  	_ =	shalt  }
0x75: {  	_ =	shalt  }
0x76: {  	_ =	shalt  }
0x77: {  	_ =	shalt  }
0x78: {  	_ =	shalt  }
0x79: {  	_ =	shalt  }
0x7a: {  	_ =	shalt  }
0x7b: {  	_ =	shalt  }
0x7c: {  	_ =	shalt  }
0x7d: {  	_ =	shalt  }
0x7e: {  	_ =	shalt  }
0x7f: {  	_ =	shalt  }
0x80: {  	_ =	shalt  }
0x81: {  	_ =	shalt  }
0x82: {  	_ =	shalt  }
0x83: {  	_ =	shalt  }
0x84: {  	_ =	shalt  }
0x85: {  	_ =	shalt  }
0x86: {  	_ =	shalt  }
0x87: {  	_ =	shalt  }
.Lfunc_end0:
.L_simem_size_0:
called_computation.1_lowered:
.L_overlay_start_0:
0x88: {  	s2 =	sld [smem:$0x3FD9]  }
0x89: {  	s3 =	sld [smem:$0x3FFE];
	_ =	sdelay $0x1  }
0x8a: {  	s1 =	srdreg.scid  }
0x8b: {  	s0 =	sand.u32 $0x1, s1  }
0x8c: {  	s17 =	sshll.u32 s0, $0xA;
	s2 =	sadd.s32 s3, s2  }
0x8d: {  	s2 =	sadd.s32 s2, s17  }
0x8e: {  	[smem:$0x3FBE] =	sst s2  }
0x8f: {  	_ = 	snop  }
0x90: {  	s2 =	sld [smem:$0x3FD0];
	(tm) =	ssettm $0x1  }
0x91: {  	s18 =	sld [smem:$0x3FFB];
	_ =	sdelay $0x3  }
0x92: {  	_ =	strace s18  }
0x93: {  	s3 =	sld [smem:$0x3FFC];
	_ =	sdelay $0x3  }
0x94: {  	_ =	strace s3  }
0x95: {  	s3 =	sld [smem:$0x3FFD];
	_ =	sdelay $0x3  }
0x96: {  	_ =	strace s3  }
0x97: {  	_ =	strace $0x8FFFFFFF  }
0x98: {  	s19 =	sld [smem:$0x3FDB];
	_ =	sdelay $0x1  }
0x99: {  	s4 =	simm.s32 $_scs_section_size  }
0x9a: {  	s5 =	simm.s32 $_size__tile_overlayer_lowered;
	s6 =	simm.s32 $_tile_overlayer_lowered  }
0x9b: {  	s22 =	simm.s32 $0x1BFF;
	s21 =	sshll.u32 s6, $0x1;
	s3 =	sadd.s32 s4, s19  }
0x9c: {  	s7 =	simm.s32 $0x0;
	s20 =	sshll.u32 s5, $0x1;
	s5 =	sadd.s32 s21, s3  }
0x9d: {  	[timem:s7], [sflag:s22] =	dma.local [hbm:s5], s20  }
0x9e: {  	_ =	swait.ge [sflag:s22], s20  }
0x9f: {  	s4 =	ssub.s32 $0x0, s20;
	[sflag:s22] =	ssyncset.done $0x0  }
0xa0: {  	[sflag:s22] =	ssyncadd.s32 s4;
	_ =	sdelay $0x1  }
0xa1: {  	s23 =	simm.s32 $0x1B8B  }
0xa2: {  	_ =	swait.ge [sflag:s23], $0x1  }
0xa3: {  	[sflag:s23] =	ssyncset.done $0x0  }
0xa4: {  	s25 =	simm.s32 $0x1B8E;
	s24 =	sld [smem:$0x3FFE];
	[sflag:s23] =	ssyncadd.s32 $0xFFFFFFFF  }
0xa5: {  	s26 =	simm.s32 $execute0_lowered;
	[smem:$0x3FD2] =	sst s25  }
0xa6: {  	s5 =	sshll.u32 s26, $0x1;
	_ =	strace $0x80000049;
	[dreg:$0x1] =	wrdreg $0xFFFFFFFF  }
0xa7: {  	s28 =	simm.s32 $_size_execute0_lowered;
	s3 =	sadd.s32 s3, s5;
	[dreg:$0x0] =	wrdreg $0x0  }
0xa8: {  	s5 =	sshll.u32 s28, $0x1;
	[dreg:$0x2] =	wrdreg s3  }
0xa9: {  	[dreg:$0x3] =	wrdreg s5  }
0xaa: {  	[dreg:$0x4] =	wrdreg $0xC0  }
0xab: {  	_ =	task [dreg:s7], $0x5FFFF  }
0xac: {  	[dreg:$0x1] =	wrdreg $0xFFFFFFFF  }
0xad: {  	[dreg:$0x0] =	wrdreg $0x60  }
0xae: {  	[dreg:$0x2] =	wrdreg s24  }
0xaf: {  	[dreg:$0x3] =	wrdreg s2  }
0xb0: {  	[dreg:$0x4] =	wrdreg $0xBC700  }
0xb1: {  	[dreg:$0x5] =	wrdreg $0x9  }
0xb2: {  	_ =	task.clear_ibuf [dreg:s7], $0x6FFFF;
	_ =	strace $0x90000049  }
0xb3: {  	s29 =	simm.s32 $0x9;
	_ =	strace $0x8000004B  }
0xb4: {  	_ =	swait.ge [sflag:s29], $0x1  }
0xb5: {  	[sflag:s29] =	ssyncadd.s32 $0xFFFFFFFF  }
0xb6: {  	_ =	strace $0x9000004B  }
0xb7: {  	_ =	sfence  }
0xb8: {  	s30 =	sld [smem:$0x0];
	_ =	sdelay $0x2  }
0xb9: {  	s31 =	sshll.u32 s1, $0xD;
	s1 =	sshrl.u32 s1, $0x2  }
0xba: {  	s3 =	sand.u32 $0x4000, s31;
	s1 =	sadd.s32 s1, s30  }
0xbb: {  	s0 =	sor.u32 s3, s0;
	s1 =	sshll.u32 s1, $0x11  }
0xbc: {  	s0 =	sor.u32 s1, s0  }
0xbd: {  	s0 =	sadd.s32 $0x8F2B, s0  }
0xbe: {  	[sflag:s0] =	ssyncadd.remote.s32 $0x1  }
0xbf: {  	_ =	sfence.sel $0xFFFF  }
0xc0: {  	[dreg:$0x0] =	wrdreg $0xFFFFFFFF;
	(pc) =	sbr.abs _section_cstart, $3  }
0xc1: {  	[dreg:$0x1] =	wrdreg $0xFFFFFFFF  }
0xc2: {  	_ =	task.clear_ibuf [dreg:s7], $0x2FFFF;
	_ =	strace $0x9FFFFFFF  }
0xc3: {  	(tm) =	ssettm $0x7FFFFFFF  }
tec
execute0_lowered:
.L_overlay_start_1:
0x0: {  	(tag) =	ssettag $0x1  }
0x1: {  	s0 =	rddreg [dreg:$0x0]  }
0x2: {  	s1 =	rddreg [dreg:$0x1]  }
0x3: {  	s2 =	rddreg [dreg:$0x2];
	s4 =	simm.s32 $0x0;
	s3 =	srdreg.scid  }
0x4: {  	s12 =	stileid.u32;
	s13 =	simm.s32 $0x7;
	s15 =	simm.s32 $0x50  }
0x5: {  	s17 =	simm.s32 $0x8A20;
	s18 =	simm.s32 $0xA320;
	s19 =	simm.s32 $0x4E20  }
0x6: {  	s20 =	simm.s32 $0x8020;
	s21 =	simm.s32 $0x6720;
	s28 =	simm.s32 $0x4  }
0x7: {  	s29 =	simm.s32 $0x6;
	s31 =	simm.s32 $0x0;
	[smem:$0x7FF] =	sst s4  }
0x8: {  	s3 =	sand.u32 $0x1, s3;
	s22 =	sshll.u32 s12, $0x1;
	s6 =	smul.u32 $0xC800, s12  }
0x9: {  	s4 =	sadd.s32 $0xE00, s0;
	s25 =	sshll.u32 s12, $0x6;
	_ =	strace $0x8000004A  }
0xa: {  	s5 =	sor.u32 s3, s22;
	s7 =	ssub.s32 $0x2, s3;
	p0 =	seq.s32 s3, $0x1  }
0xb: {  	s3 =	simm.s32 $0x41400;
	s22 =	simm.s32 $0x8520;
	s8 =	smul.u32 $0x4E2, s5  }
0xc: {  	s5 =	sadd.s32 $0x19600, s0;
	s9 =	sshrl.u32 s6, $0x3;
	s10 =	sshrl.u32 s7, $0x1  }
0xd: {  	s6 =	sadd.s32 s6, s2;
	s3 =	simm.s32 @!p0 $0x5A400;
	s23 =	ssub.s32 s7, s10  }
0xe: {  	s7 =	sor.u32 $0x1C07, s25;
	s11 =	sadd.s32 s8, s0;
	s1 =	sadd.s32 s1, s8  }
0xf: {  	s0 =	sadd.s32 s9, s0;
	s30 =	smax.u32 s23, $0x1;
	[dreg:$0x6] =	wrdreg s1  }
0x10: {  	s12 =	sshrl.u32 s6, $0x3;
	s24 =	sadd.s32 $0x28400, s0;
	[dreg:$0x7] =	wrdreg s30  }
0x11: {  	s25 =	simm.s32 $0x5;
	s26 =	sadd.s32 $0x1E600, s11;
	[dreg:$0x4] =	wrdreg s24  }
0x12: {  	s23 =	simm.s32 $0x1;
	s0 =	sadd.s32 s3, s0;
	[dreg:$0x5] =	wrdreg s26  }
0x13: {  	v0 =	vimm.s32 $0x2710;
	v1 =	vimm.s32 $0x0;
	[dreg:$0x8] =	wrdreg s0;
	s24 =	simm.s32 $0x2;
	s26 =	simm.s32 $0x3  }
.LBB2_1:
0x14: {  	s0 =	rddreg [dreg:$0x4]  }
0x15: {  	[spmem:s12], [sflag:s7] =	dma.local [hbm:s0], $0x1900  }
0x16: {  	_ =	swait.ge [sflag:s13], $0x1900  }
0x17: {  	[sflag:s13] =	ssyncset.done $0x0  }
0x18: {  	s14 =	simm.s32 $0x0;
	s1 =	rddreg [dreg:$0x5];
	[sflag:s13] =	ssyncadd.s32 $0xFFFFE700  }
0x19: {  	[tilespmem:s14], [sflag:$0x7] =	stream.linear.gather [hbm4b:s1+s14], $0x2710, $0x38;
	[tilespmem:$0x18470] =	vst v63  }
0x1a: {  	_ =	swait.ge [sflag:s13], $0x2710  }
0x1b: {  	[sflag:s13] =	ssyncset.done $0x0  }
0x1c: {  	s3 =	simm.s32 $0x2710;
	s16 =	rddreg [dreg:$0x6];
	[sflag:s13] =	ssyncadd.s32 $0xFFFFD8F0  }
0x1d: {  	[tilespmem:s3], [sflag:$0x7] =	stream.linear.gather [hbm4b:s16+s14], $0x2710, $0x38;
	[tilespmem:$0x18470] =	vst v63  }
0x1e: {  	_ =	swait.ge [sflag:s13], $0x2710  }
0x1f: {  	[sflag:s13] =	ssyncset.done $0x0  }
0x20: {  	[sflag:s13] =	ssyncadd.s32 $0xFFFFD8F0  }
0x21: {  	[bflag:$0x0] =	sbarrier.arrive $0xFFFF  }
0x22: {  	[tilespmem:$0xBC20] =	vst v0  }
0x23: {  	[tilespmem:$0xBC30] =	vst v0  }
0x24: {  	[tilespmem:$0xBC40] =	vst v0  }
0x25: {  	[tilespmem:$0xBC50] =	vst v0  }
0x26: {  	s30 =	simm.s32 $0xBC20;
	[tilespmem:$0xBC60] =	vst v0  }
0x27: {  	[spmem:s2] =	stream.indirect.scatter.add.f32 [tilespmem:s17], [sflag:$0x5], $0x50, s30, s15, $0xb8;
	[tilespmem:$0x18470] =	vst v63  }
0x28: {  	_ = 	snop  }
0x29: {  	[spmem:s2] =	stream.indirect.scatter.add.f32 [tilespmem:s18], [sflag:$0x6], $0x50, s30, s15, $0xb8;
	[tilespmem:$0x18470] =	vst v63  }
0x2a: {  	_ = 	snop  }
0x2b: {  	[tilespmem:s19], [sflag:$0x1] =	stream.indirect.gather [hbm4b:s4+s15], $0x50, s14, s15, $0xb8;
	[tilespmem:$0x18470] =	vst v63  }
0x2c: {  	s0 =	simm.s32 $0x0  }
0x2d: {  	[tilespmem:s20], [sflag:$0x2] =	stream.indirect.gather [hbm4b:s5+s15], $0x10, s3, s15, $0xb8;
	[tilespmem:$0x18470] =	vst v63  }
.LBB2_2:
0x2e: {  	s30 =	smul.u32 $0xA0, s0;
	_ =	sdelay $0x1  }
0x2f: {  	s1 =	sadd.s32 $0x50, s30  }
0x30: {  	[tilespmem:s21], [sflag:$0x3] =	stream.indirect.gather [hbm4b:s4+s15], $0x50, s1, s15, $0xb8;
	[tilespmem:$0x18470] =	vst v63  }
0x31: {  	s1 =	sadd.s32 $0x2760, s30  }
0x32: {  	[tilespmem:s22], [sflag:$0x4] =	stream.indirect.gather [hbm4b:s5+s15], $0x10, s1, s15, $0xb8;
	[tilespmem:$0x18470] =	vst v63  }
0x33: {  	_ =	swait.ge [sflag:s23], $0x1900  }
0x34: {  	[sflag:s23] =	ssyncset.done $0x0  }
0x35: {  	[sflag:s23] =	ssyncadd.s32 $0xFFFFE700  }
0x36: {  	_ =	swait.ge [sflag:s24], $0x500  }
0x37: {  	[sflag:s24] =	ssyncset.done $0x0  }
0x38: {  	[sflag:s24] =	ssyncadd.s32 $0xFFFFFB00  }
0x39: {  	_ =	swait.ge [sflag:s25], $0x1900  }
0x3a: {  	[sflag:s25] =	ssyncset.done $0x0  }
0x3b: {  	s11 =	simm.s32 $0x4F60;
	[sflag:s25] =	ssyncadd.s32 $0xFFFFE700  }
0x3c: {  	s3 =	simm.s32 $0x8060;
	v2 =	vld [tilespmem:s11+$0xF0]  }
0x3d: {  	v3 =	vld [tilespmem:s3+$0x30]  }
0x3e: {  	v4 =	vld [tilespmem:s3+$0xFFFFFFC0]  }
0x3f: {  	v5 =	vld [tilespmem:s11+$0xFFFFFF10]  }
0x40: {  	v6 =	vld [tilespmem:s3+$0xFFFFFFD0]  }
0x41: {  	v7 =	vld [tilespmem:s11+$0xFFFFFF60]  }
0x42: {  	v8 =	vld [tilespmem:s3+$0xFFFFFFE0];
	v2 =	vadd.f32 v3, v2  }
0x43: {  	v9 =	vld [tilespmem:s3+$0xFFFFFFF0]  }
0x44: {  	v11 =	vld [tilespmem:s11+$0x0];
	v10 =	vmul.f32 $2.000000030e-01, v2  }
0x45: {  	v3 =	vld [tilespmem:s11+$0xFFFFFFB0]  }
0x46: {  	v5 =	vadd.f32 v6, v5;
	v6 =	vld [tilespmem:s11+$0x50];
	v2 =	vmax.f32 v2, v10  }
0x47: {  	v7 =	vadd.f32 v8, v7;
	v8 =	vld [tilespmem:s3+$0x10];
	v2 =	vmul.f32 $1.442695020e+00, v2  }
0x48: {  	v12 =	vld [tilespmem:s3+$0x0]  }
0x49: {  	v13 =	vld [tilespmem:s11+$0xA0];
	v10 =	vmul.f32 $2.000000030e-01, v5;
	(erf) = vpow2.f32 v2  }
0x4a: {  	v3 =	vadd.f32 v9, v3;
	v9 =	vld [tilespmem:s3+$0x20]  }
0x4b: {  	v5 =	vmax.f32 v5, v10;
	v10 =	vld [tilespmem:s11+$0xFFFFFEC0];
	v2 =	vmul.f32 $2.000000030e-01, v7  }
0x4c: {  	v6 =	vadd.f32 v8, v6;
	v5 =	vmul.f32 $1.442695020e+00, v5  }
0x4d: {  	v2 =	vmax.f32 v7, v2;
	v7 =	vmul.f32 $2.000000030e-01, v3  }
0x4e: {  	s10 =	simm.s32 $0x80E0;
	v11 =	vadd.f32 v12, v11;
	v8 =	vmul.f32 $2.000000030e-01, v6;
	(erf) = vpow2.f32 v5  }
0x4f: {  	v19 =	vld [tilespmem:s10+$0x30];
	v2 =	vmul.f32 $1.442695020e+00, v2;
	v5 =	vadd.f32 v9, v13;
	v3 =	vmax.f32 v3, v7  }
0x50: {  	s16 =	simm.s32 $0x51E0;
	v20 =	vld [tilespmem:s10+$0xFFFFFFC0];
	v7 =	vmul.f32 $2.000000030e-01, v11;
	v4 =	vadd.f32 v4, v10;
	v3 =	vmul.f32 $1.442695020e+00, v3  }
0x51: {  	v21 =	vld [tilespmem:s16+$0xFFFFFF10];
	v9 =	vmul.f32 $2.000000030e-01, v5;
	(erf) = vpow2.f32 v2  }
0x52: {  	s14 =	simm.s32 $0x8B60;
	v22 =	vld [tilespmem:s10+$0xFFFFFFD0];
	v2 =	vmax.f32 v6, v8;
	v7 =	vmax.f32 v11, v7;
	v6 =	vmul.f32 $2.000000030e-01, v4;
	v8 =	vpop (erf)  }
0x53: {  	v23 =	vld [tilespmem:s16+$0xFFFFFF60];
	v2 =	vmul.f32 $1.442695020e+00, v2;
	v7 =	vmul.f32 $1.442695020e+00, v7;
	[tilespmem:s14+$0xF0] =	vst v8  }
0x54: {  	v4 =	vmax.f32 v4, v6;
	(erf) = vpow2.f32 v3;
	v3 =	vmax.f32 v5, v9;
	v6 =	vld [tilespmem:s11+$0x100]  }
0x55: {  	v24 =	vld [tilespmem:s10+$0xFFFFFFE0];
	(erf) = vpow2.f32 v7;
	v3 =	vmul.f32 $1.442695020e+00, v3  }
0x56: {  	v25 =	vld [tilespmem:s10+$0xFFFFFFF0];
	(erf) = vpow2.f32 v2;
	v2 =	vmul.f32 $1.442695020e+00, v4  }
0x57: {  	v27 =	vld [tilespmem:s16+$0x0];
	v5 =	vperm.xlane v8, v1;
	(erf) = vpow2.f32 v3  }
0x58: {  	s8 =	simm.s32 $0x5460;
	v28 =	vld [tilespmem:s10+$0x10];
	(erf) = vpow2.f32 v2  }
0x59: {  	s9 =	simm.s32 $0x8160;
	v54 =	vld [tilespmem:s8+$0xF0];
	v3 =	vmul.f32 v5, v6  }
0x5a: {  	v35 =	vld [tilespmem:s9+$0x30]  }
0x5b: {  	v37 =	vld [tilespmem:s8+$0xFFFFFF10];
	v2 =	vpop (erf)  }
0x5c: {  	v38 =	vld [tilespmem:s9+$0xFFFFFFD0];
	v7 =	vpop (erf)  }
0x5d: {  	v39 =	vld [tilespmem:s8+$0xFFFFFF60];
	[tilespmem:s14+$0x100] =	vst v3;
	v3 =	vpop (erf)  }
0x5e: {  	v55 =	vld [tilespmem:s8+$0xFFFFFFB0];
	[tilespmem:s14+$0xFFFFFF10] =	vst v2;
	v10 =	vpop (erf)  }
0x5f: {  	v4 =	vld [tilespmem:s11+$0xFFFFFF20];
	[tilespmem:s14+$0xFFFFFF60] =	vst v7;
	v13 =	vpop (erf)  }
0x60: {  	v12 =	vld [tilespmem:s11+$0xFFFFFF70];
	[tilespmem:s14+$0x0] =	vst v10;
	v15 =	vpop (erf)  }
0x61: {  	v14 =	vld [tilespmem:s11+$0x10];
	v17 =	vpop (erf)  }
0x62: {  	v8 =	vld [tilespmem:s11+$0x110];
	[tilespmem:s14+$0xFFFFFEC0] =	vst v17  }
0x63: {  	v6 =	vperm.xlane v2, v1;
	[tilespmem:s14+$0xFFFFFFB0] =	vst v3;
	v18 =	vld [tilespmem:s11+$0xFFFFFED0]  }
0x64: {  	v11 =	vperm.xlane v7, v1;
	v2 =	vld [tilespmem:s11+$0xFFFFFFC0];
	v10 =	vperm.xlane v10, v1  }
0x65: {  	v21 =	vadd.f32 v22, v21;
	v22 =	vld [tilespmem:s10+$0x0];
	v4 =	vmul.f32 v6, v4;
	[tilespmem:s14+$0x50] =	vst v13;
	v7 =	vperm.xlane v13, v1  }
0x66: {  	v16 =	vld [tilespmem:s11+$0x60];
	[tilespmem:s14+$0xA0] =	vst v15;
	v13 =	vmul.f32 v10, v14;
	v14 =	vperm.xlane v17, v1  }
0x67: {  	v9 =	vperm.xlane v3, v1;
	v8 =	vmul.f32 v8, v5;
	[tilespmem:s14+$0xFFFFFF20] =	vst v4;
	v3 =	vld [tilespmem:s11+$0xB0]  }
0x68: {  	v12 =	vmul.f32 v11, v12;
	[tilespmem:s14+$0x10] =	vst v13;
	v13 =	vmul.f32 v14, v18;
	v18 =	vld [tilespmem:s16+$0xF0]  }
0x69: {  	v4 =	vld [tilespmem:s11+$0xFFFFFF30];
	[tilespmem:s14+$0x110] =	vst v8;
	v2 =	vmul.f32 v9, v2  }
0x6a: {  	[tilespmem:s14+$0xFFFFFF70] =	vst v12;
	v12 =	vld [tilespmem:s11+$0x120]  }
0x6b: {  	v8 =	vperm.xlane v15, v1;
	v15 =	vmul.f32 v7, v16;
	v16 =	vld [tilespmem:s11+$0xFFFFFF80];
	[tilespmem:s14+$0xFFFFFFC0] =	vst v2  }
0x6c: {  	v2 =	vld [tilespmem:s11+$0xFFFFFFD0]  }
0x6d: {  	v17 =	vld [tilespmem:s11+$0x20];
	v18 =	vadd.f32 v19, v18  }
0x6e: {  	v23 =	vadd.f32 v24, v23;
	[tilespmem:s14+$0x60] =	vst v15;
	v19 =	vld [tilespmem:s16+$0xFFFFFFB0]  }
0x6f: {  	v3 =	vmul.f32 v8, v3;
	v15 =	vld [tilespmem:s11+$0x70];
	[tilespmem:s14+$0xFFFFFED0] =	vst v13;
	v26 =	vmul.f32 $2.000000030e-01, v18  }
0x70: {  	v29 =	vmul.f32 $2.000000030e-01, v23;
	v4 =	vmul.f32 v4, v6;
	v13 =	vld [tilespmem:s11+$0xFFFFFEE0]  }
0x71: {  	v24 =	vld [tilespmem:s16+$0x50];
	[tilespmem:s14+$0xB0] =	vst v3;
	v12 =	vmul.f32 v12, v5;
	v16 =	vmul.f32 v16, v11;
	v18 =	vmax.f32 v18, v26  }
0x72: {  	v23 =	vmax.f32 v23, v29;
	v3 =	vld [tilespmem:s11+$0xC0];
	v26 =	vmul.f32 $2.000000030e-01, v21;
	v18 =	vmul.f32 $1.442695020e+00, v18  }
0x73: {  	v2 =	vmul.f32 v2, v9;
	v17 =	vmul.f32 v17, v10;
	v19 =	vadd.f32 v25, v19;
	v25 =	vld [tilespmem:s16+$0xA0]  }
0x74: {  	v15 =	vmul.f32 v15, v7;
	(erf) = vpow2.f32 v18;
	v18 =	vmax.f32 v21, v26;
	v21 =	vld [tilespmem:s10+$0x20]  }
0x75: {  	v22 =	vadd.f32 v22, v27;
	[tilespmem:s14+$0xFFFFFF30] =	vst v4;
	v13 =	vmul.f32 v13, v14;
	v26 =	vld [tilespmem:s16+$0xFFFFFEC0];
	v29 =	vmul.f32 $2.000000030e-01, v19  }
0x76: {  	v56 =	vld [tilespmem:s8+$0x0];
	[tilespmem:s14+$0x120] =	vst v12;
	v4 =	vmul.f32 $1.442695020e+00, v18;
	v18 =	vmul.f32 $1.442695020e+00, v23  }
0x77: {  	v57 =	vld [tilespmem:s9+$0x10];
	[tilespmem:s14+$0xFFFFFEE0] =	vst v13;
	v23 =	vadd.f32 v28, v24;
	v13 =	vmax.f32 v19, v29;
	v19 =	vmul.f32 $2.000000030e-01, v22  }
0x78: {  	v3 =	vmul.f32 v3, v8;
	v24 =	vld [tilespmem:s11+$0x130];
	v13 =	vmul.f32 $1.442695020e+00, v13  }
0x79: {  	[tilespmem:s14+$0xFFFFFF80] =	vst v16;
	v12 =	vld [tilespmem:s11+$0xFFFFFEF0];
	(erf) = vpow2.f32 v4;
	v16 =	vmul.f32 $2.000000030e-01, v23;
	v4 =	vmax.f32 v22, v19  }
0x7a: {  	[tilespmem:s14+$0xFFFFFFD0] =	vst v2;
	v2 =	vld [tilespmem:s11+$0xFFFFFF40];
	(erf) = vpow2.f32 v18;
	v19 =	vadd.f32 v21, v25;
	v20 =	vadd.f32 v20, v26  }
0x7b: {  	[tilespmem:s14+$0x20] =	vst v17;
	v17 =	vld [tilespmem:s11+$0xFFFFFF90];
	v4 =	vmul.f32 $1.442695020e+00, v4;
	v16 =	vmax.f32 v23, v16;
	(erf) = vpow2.f32 v13  }
0x7c: {  	v13 =	vld [tilespmem:s11+$0xFFFFFFE0];
	v16 =	vmul.f32 $1.442695020e+00, v16;
	v21 =	vmul.f32 $2.000000030e-01, v20  }
0x7d: {  	v23 =	vld [tilespmem:s11+$0x30];
	v5 =	vmul.f32 v24, v5;
	v18 =	vmul.f32 $2.000000030e-01, v19  }
0x7e: {  	[tilespmem:s14+$0x70] =	vst v15;
	v24 =	vld [tilespmem:s9+$0xFFFFFFE0];
	(erf) = vpow2.f32 v4;
	v4 =	vmul.f32 v12, v14;
	v12 =	vmax.f32 v20, v21  }
0x7f: {  	s6 =	simm.s32 $0x8DE0;
	[tilespmem:s14+$0xC0] =	vst v3;
	v2 =	vmul.f32 v2, v6;
	v22 =	vpop (erf);
	v18 =	vmax.f32 v19, v18;
	v19 =	vld [tilespmem:s11+$0x80];
	v3 =	vmul.f32 $1.442695020e+00, v12  }
0x80: {  	(erf) = vpow2.f32 v16;
	v20 =	vld [tilespmem:s11+$0xD0];
	[tilespmem:s6+$0xF0] =	vst v22;
	v15 =	vmul.f32 $1.442695020e+00, v18  }
0x81: {  	[tilespmem:s14+$0xFFFFFEF0] =	vst v4;
	v13 =	vmul.f32 v13, v9;
	v18 =	vld [tilespmem:s16+$0x100]  }
0x82: {  	[tilespmem:s14+$0xFFFFFF40] =	vst v2;
	v4 =	vmul.f32 v17, v11;
	v17 =	vld [tilespmem:s11+$0xFFFFFF00];
	(erf) = vpow2.f32 v15  }
0x83: {  	v21 =	vperm.xlane v22, v1;
	v22 =	vld [tilespmem:s11+$0xFFFFFF50];
	[tilespmem:s14+$0xFFFFFFE0] =	vst v13;
	(erf) = vpow2.f32 v3;
	v3 =	vpop (erf)  }
0x84: {  	v33 =	vld [tilespmem:s11+$0xFFFFFFF0];
	[tilespmem:s6+$0xFFFFFF10] =	vst v3  }
0x85: {  	[tilespmem:s14+$0xFFFFFF90] =	vst v4;
	v15 =	vpop (erf);
	v2 =	vld [tilespmem:s16+$0xFFFFFF20]  }
0x86: {  	v12 =	vmul.f32 v21, v18;
	[tilespmem:s6+$0xFFFFFF60] =	vst v15;
	v18 =	vld [tilespmem:s11+$0xFFFFFFA0];
	v4 =	vpop (erf)  }
0x87: {  	v25 =	vld [tilespmem:s16+$0xFFFFFF70];
	[tilespmem:s6+$0xFFFFFFB0] =	vst v4  }
0x88: {  	v27 =	vpop (erf);
	[tilespmem:s6+$0x100] =	vst v12;
	v28 =	vld [tilespmem:s16+$0xFFFFFFC0]  }
0x89: {  	[tilespmem:s6+$0x0] =	vst v27;
	v29 =	vpop (erf);
	v26 =	vld [tilespmem:s16+$0x110]  }
0x8a: {  	v12 =	vperm.xlane v3, v1;
	v30 =	vld [tilespmem:s16+$0x10];
	[tilespmem:s6+$0x50] =	vst v29  }
0x8b: {  	[tilespmem:s14+$0x130] =	vst v5;
	v13 =	vperm.xlane v15, v1;
	v16 =	vperm.xlane v4, v1;
	v31 =	vld [tilespmem:s16+$0x60];
	v3 =	vpop (erf)  }
0x8c: {  	v15 =	vmul.f32 v12, v2;
	v11 =	vmul.f32 v18, v11;
	v18 =	vld [tilespmem:s9+$0xFFFFFFF0];
	[tilespmem:s6+$0xA0] =	vst v3;
	v32 =	vpop (erf)  }
0x8d: {  	v4 =	vperm.xlane v29, v1;
	v25 =	vmul.f32 v13, v25;
	[tilespmem:s6+$0xFFFFFEC0] =	vst v32;
	v34 =	vld [tilespmem:s16+$0xB0]  }
0x8e: {  	v2 =	vperm.xlane v27, v1;
	[tilespmem:s6+$0xFFFFFF20] =	vst v15;
	v26 =	vmul.f32 v26, v21;
	v27 =	vld [tilespmem:s16+$0xFFFFFED0]  }
0x8f: {  	v3 =	vperm.xlane v3, v1;
	v28 =	vmul.f32 v16, v28;
	v29 =	vld [tilespmem:s16+$0xFFFFFF30];
	[tilespmem:s6+$0xFFFFFF70] =	vst v25  }
0x90: {  	[tilespmem:s6+$0x110] =	vst v26;
	v26 =	vmul.f32 v2, v30;
	v30 =	vmul.f32 v4, v31;
	v31 =	vld [tilespmem:s16+$0xFFFFFF80]  }
0x91: {  	v15 =	vperm.xlane v32, v1;
	[tilespmem:s6+$0xFFFFFFC0] =	vst v28;
	v25 =	vld [tilespmem:s16+$0x120]  }
0x92: {  	v28 =	vld [tilespmem:s16+$0xFFFFFFD0];
	[tilespmem:s6+$0x10] =	vst v26;
	v26 =	vmul.f32 v3, v34  }
0x93: {  	v14 =	vmul.f32 v17, v14;
	v17 =	vadd.f32 v35, v54;
	[tilespmem:s6+$0x60] =	vst v30;
	v27 =	vmul.f32 v15, v27;
	v53 =	vld [tilespmem:s16+$0x20]  }
0x94: {  	v23 =	vmul.f32 v23, v10;
	v6 =	vmul.f32 v22, v6;
	v30 =	vld [tilespmem:s16+$0x70];
	[tilespmem:s6+$0xB0] =	vst v26  }
0x95: {  	v22 =	vmul.f32 v29, v12;
	v29 =	vmul.f32 $2.000000030e-01, v17;
	[tilespmem:s6+$0xFFFFFED0] =	vst v27;
	v26 =	vld [tilespmem:s16+$0xC0]  }
0x96: {  	[tilespmem:s14+$0x30] =	vst v23;
	v19 =	vmul.f32 v19, v7;
	v25 =	vmul.f32 v25, v21;
	v27 =	vld [tilespmem:s16+$0xFFFFFEE0]  }
0x97: {  	v5 =	vmul.f32 v33, v9;
	v9 =	vmul.f32 v31, v13;
	v31 =	vld [tilespmem:s9+$0x0];
	[tilespmem:s6+$0xFFFFFF30] =	vst v22;
	v17 =	vmax.f32 v17, v29  }
0x98: {  	v22 =	vmul.f32 v28, v16;
	v29 =	vld [tilespmem:s8+$0x50];
	v17 =	vmul.f32 $1.442695020e+00, v17;
	[tilespmem:s6+$0x120] =	vst v25  }
0x99: {  	[tilespmem:s6+$0xFFFFFF80] =	vst v9;
	v28 =	vmul.f32 v53, v2;
	v9 =	vmul.f32 v30, v4;
	v30 =	vadd.f32 v38, v37;
	v25 =	vld [tilespmem:s16+$0x130]  }
0x9a: {  	[tilespmem:s6+$0xFFFFFFD0] =	vst v22;
	(erf) = vpow2.f32 v17;
	v17 =	vld [tilespmem:s9+$0x20];
	v22 =	vmul.f32 v26, v3  }
0x9b: {  	v18 =	vadd.f32 v18, v55;
	[tilespmem:s6+$0x20] =	vst v28;
	v28 =	vmul.f32 $2.000000030e-01, v30;
	v26 =	vmul.f32 v27, v15;
	v27 =	vld [tilespmem:s8+$0xA0]  }
0x9c: {  	v24 =	vadd.f32 v24, v39;
	v20 =	vmul.f32 v20, v8;
	[tilespmem:s14+$0x80] =	vst v19  }
0x9d: {  	v36 =	vld [tilespmem:s9+$0xFFFFFFC0];
	v23 =	vadd.f32 v57, v29;
	[tilespmem:s6+$0xFFFFFEE0] =	vst v26;
	v26 =	vmax.f32 v30, v28;
	v28 =	vmul.f32 $2.000000030e-01, v18  }
0x9e: {  	[tilespmem:s6+$0x70] =	vst v9;
	v9 =	vmul.f32 v25, v21;
	v21 =	vmul.f32 $2.000000030e-01, v24;
	v25 =	vadd.f32 v31, v56;
	v31 =	vld [tilespmem:s8+$0xFFFFFEC0]  }
0x9f: {  	[tilespmem:s6+$0xC0] =	vst v22;
	v19 =	vmul.f32 $2.000000030e-01, v23;
	v22 =	vmul.f32 $1.442695020e+00, v26;
	v18 =	vmax.f32 v18, v28;
	v28 =	vld [tilespmem:s16+$0xFFFFFF40]  }
0xa0: {  	[tilespmem:s14+$0xFFFFFF00] =	vst v14;
	v21 =	vmax.f32 v24, v21;
	v24 =	vld [tilespmem:s16+$0xFFFFFEF0];
	v26 =	vmul.f32 $2.000000030e-01, v25;
	v17 =	vadd.f32 v17, v27  }
0xa1: {  	v14 =	vmax.f32 v23, v19;
	[tilespmem:s6+$0x130] =	vst v9;
	v9 =	vmul.f32 $1.442695020e+00, v18;
	v18 =	vld [tilespmem:s16+$0xFFFFFF90];
	v21 =	vmul.f32 $1.442695020e+00, v21  }
0xa2: {  	(erf) = vpow2.f32 v22;
	v27 =	vld [tilespmem:s16+$0xD0];
	v22 =	vmax.f32 v25, v26;
	v19 =	vmul.f32 $2.000000030e-01, v17  }
0xa3: {  	[tilespmem:s14+$0xD0] =	vst v20;
	v25 =	vld [tilespmem:s16+$0xFFFFFFE0];
	v26 =	vadd.f32 v36, v31;
	v20 =	vmul.f32 $1.442695020e+00, v22;
	(erf) = vpow2.f32 v21  }
0xa4: {  	[tilespmem:s14+$0xFFFFFF50] =	vst v6;
	v6 =	vmul.f32 $1.442695020e+00, v14;
	v21 =	vld [tilespmem:s16+$0x30];
	(erf) = vpow2.f32 v9  }
0xa5: {  	s10 =	simm.s32 $0x9060;
	[tilespmem:s14+$0xFFFFFFF0] =	vst v5;
	v22 =	vld [tilespmem:s16+$0x80];
	v9 =	vpop (erf);
	v14 =	vmax.f32 v17, v19;
	v23 =	vmul.f32 $2.000000030e-01, v26;
	(erf) = vpow2.f32 v20  }
0xa6: {  	v19 =	vld [tilespmem:s11+$0x40];
	[tilespmem:s10+$0xF0] =	vst v9;
	v17 =	vmul.f32 v24, v15;
	v14 =	vmul.f32 $1.442695020e+00, v14  }
0xa7: {  	[tilespmem:s14+$0xFFFFFFA0] =	vst v11;
	v5 =	vmul.f32 v18, v13;
	v20 =	vld [tilespmem:s8+$0x100];
	(erf) = vpow2.f32 v6;
	v11 =	vmax.f32 v26, v23  }
0xa8: {  	v24 =	vld [tilespmem:s11+$0x90];
	[tilespmem:s6+$0xFFFFFEF0] =	vst v17;
	v25 =	vmul.f32 v25, v16;
	v6 =	vmul.f32 $1.442695020e+00, v11  }
0xa9: {  	(erf) = vpow2.f32 v14;
	v11 =	vmul.f32 v28, v12;
	v23 =	vld [tilespmem:s16+$0xFFFFFF00]  }
0xaa: {  	v14 =	vperm.xlane v9, v1;
	v28 =	vld [tilespmem:s11+$0xE0];
	[tilespmem:s6+$0xFFFFFFE0] =	vst v25;
	(erf) = vpow2.f32 v6  }
0xab: {  	[tilespmem:s6+$0xFFFFFF40] =	vst v11;
	v61 =	vld [tilespmem:s16+$0xFFFFFFF0]  }
0xac: {  	[tilespmem:s6+$0xFFFFFF90] =	vst v5;
	v11 =	vld [tilespmem:s16+$0xFFFFFF50];
	v9 =	vmul.f32 v14, v20;
	v6 =	vpop (erf)  }
0xad: {  	v20 =	vld [tilespmem:s16+$0xFFFFFFA0];
	[tilespmem:s10+$0xFFFFFF10] =	vst v6  }
0xae: {  	v18 =	vpop (erf);
	[tilespmem:s10+$0x100] =	vst v9;
	v26 =	vld [tilespmem:s8+$0xFFFFFF20]  }
0xaf: {  	[tilespmem:s10+$0xFFFFFF60] =	vst v18;
	v29 =	vpop (erf);
	v31 =	vld [tilespmem:s8+$0x110]  }
0xb0: {  	v17 =	vmul.f32 v21, v2;
	v5 =	vperm.xlane v6, v1;
	v30 =	vld [tilespmem:s8+$0xFFFFFF70];
	[tilespmem:s10+$0xFFFFFFB0] =	vst v29;
	v58 =	vpop (erf)  }
0xb1: {  	v9 =	vperm.xlane v18, v1;
	v18 =	vmul.f32 v23, v15;
	v21 =	vld [tilespmem:s8+$0xFFFFFFC0];
	[tilespmem:s10+$0x0] =	vst v58;
	v59 =	vpop (erf)  }
0xb2: {  	v15 =	vmul.f32 v19, v10;
	v6 =	vperm.xlane v29, v1;
	v29 =	vld [tilespmem:s8+$0x10];
	[tilespmem:s10+$0x50] =	vst v59;
	v60 =	vpop (erf)  }
0xb3: {  	v19 =	vmul.f32 v11, v12;
	v23 =	vld [tilespmem:s8+$0x60];
	[tilespmem:s10+$0xA0] =	vst v60;
	v11 =	vmul.f32 v5, v26;
	v25 =	vpop (erf)  }
0xb4: {  	v20 =	vmul.f32 v20, v13;
	v26 =	vld [tilespmem:s8+$0xB0];
	v13 =	vmul.f32 v31, v14;
	[tilespmem:s10+$0xFFFFFEC0] =	vst v25  }
0xb5: {  	v10 =	vperm.xlane v58, v1;
	v30 =	vmul.f32 v9, v30;
	[tilespmem:s10+$0xFFFFFF20] =	vst v11;
	v31 =	vld [tilespmem:s8+$0xFFFFFED0]  }
0xb6: {  	v12 =	vperm.xlane v59, v1;
	v21 =	vmul.f32 v6, v21;
	[tilespmem:s10+$0x110] =	vst v13;
	v62 =	vld [tilespmem:s8+$0xFFFFFF30]  }
0xb7: {  	v11 =	vperm.xlane v60, v1;
	v29 =	vmul.f32 v10, v29;
	[tilespmem:s10+$0xFFFFFF70] =	vst v30;
	v30 =	vld [tilespmem:s8+$0x120]  }
0xb8: {  	v13 =	vperm.xlane v25, v1;
	v25 =	vmul.f32 v12, v23;
	[tilespmem:s10+$0xFFFFFFC0] =	vst v21;
	v63 =	vld [tilespmem:s8+$0xFFFFFF80]  }
0xb9: {  	v21 =	vmul.f32 v22, v4;
	[tilespmem:s10+$0x10] =	vst v29;
	v23 =	vld [tilespmem:s8+$0xFFFFFFD0];
	v29 =	vmul.f32 v11, v26  }
0xba: {  	v22 =	vmul.f32 v27, v3;
	[tilespmem:s10+$0x60] =	vst v25;
	v26 =	vld [tilespmem:s8+$0x20];
	v27 =	vmul.f32 v13, v31  }
0xbb: {  	v7 =	vmul.f32 v24, v7;
	v24 =	vld [tilespmem:s8+$0x70];
	[tilespmem:s10+$0xB0] =	vst v29;
	v31 =	vmul.f32 v62, v5  }
0xbc: {  	v8 =	vmul.f32 v28, v8;
	v25 =	vld [tilespmem:s8+$0xC0];
	v28 =	vmul.f32 v30, v14;
	[tilespmem:s10+$0xFFFFFED0] =	vst v27  }
0xbd: {  	s3 =	simm.s32 $0x56E0;
	s11 =	simm.s32 $0x10;
	v16 =	vmul.f32 v61, v16;
	v29 =	vmul.f32 v63, v9;
	v27 =	vld [tilespmem:s8+$0xFFFFFEE0];
	[tilespmem:s10+$0xFFFFFF30] =	vst v31  }
.LBB2_3:
0xbe: {  	v30 =	vld [tilespmem:s3+$0xF0];
	v23 =	vmul.f32 v23, v6;
	[tilespmem:s10+$0x120] =	vst v28  }
0xbf: {  	s9 =	sadd.s32 $0x80, s9;
	[tilespmem:s10+$0xFFFFFF80] =	vst v29;
	v26 =	vmul.f32 v26, v10;
	v28 =	vld [tilespmem:s8+$0x130]  }
0xc0: {  	s11 =	sadd.s32 $0x8, s11;
	v29 =	vld [tilespmem:s9+$0x30];
	[tilespmem:s10+$0xFFFFFFD0] =	vst v23;
	v23 =	vmul.f32 v24, v12  }
0xc1: {  	p0 =	slt.u32 s11, $0x48;
	v24 =	vld [tilespmem:s9+$0xFFFFFFC0];
	[tilespmem:s10+$0x20] =	vst v26;
	v25 =	vmul.f32 v25, v11  }
0xc2: {  	v26 =	vld [tilespmem:s3+$0xFFFFFF10];
	v27 =	vmul.f32 v27, v13;
	[tilespmem:s10+$0x70] =	vst v23  }
0xc3: {  	v23 =	vld [tilespmem:s9+$0xFFFFFFD0];
	[tilespmem:s10+$0xC0] =	vst v25  }
0xc4: {  	v25 =	vld [tilespmem:s3+$0xFFFFFF60];
	[tilespmem:s10+$0xFFFFFEE0] =	vst v27;
	v14 =	vmul.f32 v28, v14  }
0xc5: {  	v27 =	vld [tilespmem:s9+$0xFFFFFFE0];
	v28 =	vadd.f32 v29, v30;
	[tilespmem:s6+$0x30] =	vst v17  }
0xc6: {  	v17 =	vld [tilespmem:s3+$0xFFFFFFB0];
	[tilespmem:s10+$0x130] =	vst v14  }
0xc7: {  	v14 =	vld [tilespmem:s9+$0xFFFFFFF0];
	v29 =	vmul.f32 $2.000000030e-01, v28;
	[tilespmem:s6+$0x80] =	vst v21  }
0xc8: {  	v21 =	vadd.f32 v23, v26;
	v23 =	vld [tilespmem:s3+$0x0];
	[tilespmem:s6+$0xD0] =	vst v22  }
0xc9: {  	v22 =	vld [tilespmem:s9+$0x0];
	v26 =	vmax.f32 v28, v29;
	[tilespmem:s6+$0xFFFFFF00] =	vst v18  }
0xca: {  	v18 =	vmul.f32 $2.000000030e-01, v21;
	v25 =	vadd.f32 v27, v25;
	v27 =	vld [tilespmem:s3+$0x50];
	v26 =	vmul.f32 $1.442695020e+00, v26;
	[tilespmem:s6+$0xFFFFFF50] =	vst v19  }
0xcb: {  	v19 =	vld [tilespmem:s9+$0x10];
	[tilespmem:s6+$0xFFFFFFA0] =	vst v20  }
0xcc: {  	v20 =	vmul.f32 $2.000000030e-01, v25;
	v14 =	vadd.f32 v14, v17;
	v17 =	vld [tilespmem:s3+$0xA0];
	(erf) = vpow2.f32 v26;
	[tilespmem:s6+$0xFFFFFFF0] =	vst v16  }
0xcd: {  	v16 =	vmax.f32 v21, v18;
	v18 =	vld [tilespmem:s9+$0x20];
	[tilespmem:s14+$0x40] =	vst v15  }
0xce: {  	v15 =	vld [tilespmem:s3+$0xFFFFFEC0];
	v20 =	vmax.f32 v25, v20;
	v21 =	vmul.f32 $2.000000030e-01, v14;
	v22 =	vadd.f32 v22, v23;
	[tilespmem:s14+$0x90] =	vst v7  }
0xcf: {  	v7 =	vmul.f32 $1.442695020e+00, v16;
	v16 =	vmul.f32 $1.442695020e+00, v20;
	v20 =	vld [tilespmem:s8+$0xFFFFFEF0];
	[tilespmem:s14+$0xE0] =	vst v8;
	s14 =	smov.u32 s6;
	s6 =	smov.u32 s10  }
0xd0: {  	v8 =	vmax.f32 v14, v21;
	v14 =	vmul.f32 $2.000000030e-01, v22;
	v19 =	vadd.f32 v19, v27;
	v21 =	vld [tilespmem:s8+$0xFFFFFF40]  }
0xd1: {  	v8 =	vmul.f32 $1.442695020e+00, v8;
	(erf) = vpow2.f32 v7;
	v7 =	vld [tilespmem:s8+$0xFFFFFF90]  }
0xd2: {  	v14 =	vmax.f32 v22, v14;
	v22 =	vmul.f32 $2.000000030e-01, v19;
	v17 =	vadd.f32 v18, v17;
	v18 =	vld [tilespmem:s8+$0xFFFFFFE0]  }
0xd3: {  	v15 =	vadd.f32 v24, v15;
	v14 =	vmul.f32 $1.442695020e+00, v14;
	(erf) = vpow2.f32 v16;
	v16 =	vld [tilespmem:s8+$0x30]  }
0xd4: {  	s10 =	sadd.s32 $0x280, s10;
	v19 =	vmax.f32 v19, v22;
	v22 =	vmul.f32 $2.000000030e-01, v17;
	(erf) = vpow2.f32 v8;
	v8 =	vld [tilespmem:s8+$0x80]  }
0xd5: {  	v23 =	vmul.f32 $2.000000030e-01, v15;
	v19 =	vmul.f32 $1.442695020e+00, v19;
	v24 =	vpop (erf);
	v25 =	vld [tilespmem:s8+$0xD0]  }
0xd6: {  	v17 =	vmax.f32 v17, v22;
	[tilespmem:s10+$0xF0] =	vst v24;
	(erf) = vpow2.f32 v14;
	v14 =	vmul.f32 v20, v13;
	v20 =	vld [tilespmem:s16+$0x40]  }
0xd7: {  	v15 =	vmax.f32 v15, v23;
	v17 =	vmul.f32 $1.442695020e+00, v17;
	v22 =	vld [tilespmem:s3+$0x100];
	(erf) = vpow2.f32 v19  }
0xd8: {  	v19 =	vmul.f32 v21, v5;
	v27 =	vmul.f32 $1.442695020e+00, v15;
	[tilespmem:s6+$0xFFFFFEF0] =	vst v14;
	v23 =	vld [tilespmem:s16+$0x90]  }
0xd9: {  	v7 =	vmul.f32 v7, v9;
	(erf) = vpow2.f32 v17;
	v26 =	vld [tilespmem:s8+$0xFFFFFF00]  }
0xda: {  	v14 =	vperm.xlane v24, v1;
	(erf) = vpow2.f32 v27;
	v15 =	vpop (erf);
	[tilespmem:s6+$0xFFFFFF40] =	vst v19;
	v24 =	vld [tilespmem:s16+$0xE0];
	s16 =	smov.u32 s8;
	s8 =	smov.u32 s3  }
0xdb: {  	v28 =	vmul.f32 v18, v6;
	[tilespmem:s10+$0xFFFFFF10] =	vst v15;
	v27 =	vperm.xlane v15, v1;
	v19 =	vld [tilespmem:s16+$0xFFFFFF50]  }
0xdc: {  	v17 =	vmul.f32 v16, v10;
	v29 =	vld [tilespmem:s3+$0xFFFFFF20];
	v15 =	vmul.f32 v14, v22;
	v18 =	vpop (erf);
	[tilespmem:s6+$0xFFFFFF90] =	vst v7  }
0xdd: {  	v21 =	vmul.f32 v8, v12;
	[tilespmem:s10+$0xFFFFFF60] =	vst v18;
	v16 =	vperm.xlane v18, v1;
	v7 =	vpop (erf);
	v30 =	vld [tilespmem:s16+$0xFFFFFFA0]  }
0xde: {  	v22 =	vmul.f32 v25, v11;
	v8 =	vld [tilespmem:s3+$0xFFFFFF70];
	v31 =	vperm.xlane v7, v1;
	[tilespmem:s10+$0x100] =	vst v15  }
0xdf: {  	v18 =	vmul.f32 v26, v13;
	v15 =	vmul.f32 v20, v2;
	v2 =	vmov v10;
	[tilespmem:s10+$0xFFFFFFB0] =	vst v7;
	v25 =	vld [tilespmem:s3+$0x110];
	v7 =	vpop (erf)  }
0xe0: {  	v26 =	vld [tilespmem:s3+$0xFFFFFFC0];
	[tilespmem:s10+$0x0] =	vst v7;
	v10 =	vperm.xlane v7, v1;
	v7 =	vpop (erf);
	v19 =	vmul.f32 v19, v5;
	v5 =	vmov v27  }
0xe1: {  	v27 =	vmul.f32 v5, v29;
	v29 =	vld [tilespmem:s3+$0x10];
	[tilespmem:s10+$0x50] =	vst v7;
	v32 =	vperm.xlane v7, v1  }
0xe2: {  	v7 =	vmul.f32 v23, v4;
	v33 =	vld [tilespmem:s3+$0x60];
	v13 =	vpop (erf);
	v20 =	vmul.f32 v30, v9;
	[tilespmem:s6+$0xFFFFFFE0] =	vst v28;
	v9 =	vmov v16  }
0xe3: {  	v4 =	vmov v12;
	v16 =	vmul.f32 v9, v8;
	[tilespmem:s10+$0xA0] =	vst v13;
	v23 =	vperm.xlane v13, v1;
	v8 =	vpop (erf);
	v28 =	vld [tilespmem:s16+$0xFFFFFFF0]  }
0xe4: {  	v12 =	vmov v32;
	[tilespmem:s10+$0xFFFFFEC0] =	vst v8;
	v13 =	vperm.xlane v8, v1;
	v30 =	vld [tilespmem:s3+$0xB0];
	v25 =	vmul.f32 v25, v14  }
0xe5: {  	v8 =	vmul.f32 v24, v3;
	v3 =	vmovc v11;
	v32 =	vld [tilespmem:s3+$0xFFFFFED0];
	[tilespmem:s10+$0xFFFFFF20] =	vst v27;
	v26 =	vmul.f32 v31, v26;
	v11 =	vmov v23  }
0xe6: {  	v24 =	vld [tilespmem:s3+$0xFFFFFF30];
	v27 =	vmul.f32 v10, v29;
	[tilespmem:s10+$0x110] =	vst v25  }
0xe7: {  	[tilespmem:s10+$0xFFFFFF70] =	vst v16;
	v25 =	vmul.f32 v12, v33;
	v29 =	vld [tilespmem:s3+$0x120]  }
0xe8: {  	v33 =	vld [tilespmem:s3+$0xFFFFFF80];
	[tilespmem:s10+$0xFFFFFFC0] =	vst v26;
	v16 =	vmul.f32 v28, v6;
	v6 =	vmov v31  }
.Ltmp0:
0xe9: {  	v23 =	vld [tilespmem:s3+$0xFFFFFFD0];
	[tilespmem:s10+$0x10] =	vst v27;
	v27 =	vmul.f32 v11, v30;
	(pc) =	sbr.rel @p0 .LBB2_3-.Ltmp0, $4  }
0xea: {  	v28 =	vmul.f32 v13, v32;
	v26 =	vld [tilespmem:s3+$0x20];
	[tilespmem:s10+$0x60] =	vst v25  }
0xeb: {  	v30 =	vmul.f32 v24, v5;
	v24 =	vld [tilespmem:s3+$0x70];
	[tilespmem:s10+$0xB0] =	vst v27  }
0xec: {  	[tilespmem:s10+$0xFFFFFED0] =	vst v28;
	v25 =	vld [tilespmem:s3+$0xC0];
	v28 =	vmul.f32 v29, v14  }
0xed: {  	s3 =	sadd.s32 $0x280, s3;
	v27 =	vld [tilespmem:s8+$0xFFFFFEE0];
	[tilespmem:s10+$0xFFFFFF30] =	vst v30;
	v29 =	vmul.f32 v33, v9  }
0xee: {  	[tilespmem:s10+$0x120] =	vst v28  }
0xef: {  	[tilespmem:s6+$0x30] =	vst v17  }
0xf0: {  	[tilespmem:s6+$0x80] =	vst v21  }
0xf1: {  	[tilespmem:s6+$0xD0] =	vst v22  }
0xf2: {  	[tilespmem:s6+$0xFFFFFF00] =	vst v18  }
0xf3: {  	[tilespmem:s6+$0xFFFFFF50] =	vst v19;
	v28 =	vld [tilespmem:s8+$0x130]  }
0xf4: {  	v23 =	vmul.f32 v23, v6;
	[tilespmem:s6+$0xFFFFFFF0] =	vst v16  }
0xf5: {  	[tilespmem:s14+$0x40] =	vst v15  }
0xf6: {  	v17 =	vld [tilespmem:s8+$0xFFFFFF40];
	[tilespmem:s10+$0xFFFFFFD0] =	vst v23;
	v23 =	vmul.f32 v24, v12  }
0xf7: {  	[tilespmem:s14+$0x90] =	vst v7;
	v24 =	vmul.f32 v25, v11;
	v25 =	vmul.f32 v27, v13  }
0xf8: {  	[tilespmem:s10+$0xFFFFFF80] =	vst v29;
	v14 =	vmul.f32 v28, v14  }
0xf9: {  	v19 =	vld [tilespmem:s8+$0xFFFFFFE0];
	[tilespmem:s10+$0xFFFFFEE0] =	vst v25  }
0xfa: {  	v26 =	vmul.f32 v26, v10;
	[tilespmem:s10+$0x130] =	vst v14;
	v14 =	vld [tilespmem:s8+$0xFFFFFEF0]  }
0xfb: {  	v18 =	vld [tilespmem:s8+$0xFFFFFF90];
	[tilespmem:s10+$0x70] =	vst v23;
	v16 =	vmul.f32 v17, v5  }
0xfc: {  	[tilespmem:s10+$0x20] =	vst v26;
	v7 =	vld [tilespmem:s8+$0x80]  }
0xfd: {  	v15 =	vld [tilespmem:s8+$0x30];
	[tilespmem:s10+$0xFFFFFF40] =	vst v16  }
0xfe: {  	[tilespmem:s10+$0xC0] =	vst v24;
	v16 =	vmul.f32 v19, v6;
	v19 =	vld [tilespmem:s8+$0xFFFFFF50]  }
0xff: {  	[tilespmem:s14+$0xE0] =	vst v8;
	v17 =	vld [tilespmem:s8+$0xD0];
	v14 =	vmul.f32 v14, v13  }
0x100: {  	[tilespmem:s10+$0xFFFFFFE0] =	vst v16;
	v16 =	vld [tilespmem:s16+$0x40]  }
0x101: {  	v7 =	vmul.f32 v7, v12;
	v8 =	vld [tilespmem:s8+$0xFFFFFFF0];
	[tilespmem:s10+$0xFFFFFEF0] =	vst v14  }
0x102: {  	[tilespmem:s6+$0xFFFFFFA0] =	vst v20;
	v14 =	vmul.f32 v18, v9;
	v18 =	vld [tilespmem:s8+$0xFFFFFF00]  }
0x103: {  	[tilespmem:s10+$0x80] =	vst v7;
	v7 =	vld [tilespmem:s16+$0xE0];
	v5 =	vmul.f32 v19, v5  }
0x104: {  	[tilespmem:s10+$0xFFFFFF90] =	vst v14;
	v14 =	vmul.f32 v15, v10  }
0x105: {  	v17 =	vmul.f32 v17, v11;
	[tilespmem:s10+$0xFFFFFF50] =	vst v5;
	v5 =	vld [tilespmem:s8+$0x90]  }
0x106: {  	v2 =	vmul.f32 v16, v2;
	[tilespmem:s10+$0x30] =	vst v14;
	v14 =	vld [tilespmem:s16+$0x90]  }
0x107: {  	[tilespmem:s10+$0xD0] =	vst v17;
	v15 =	vld [tilespmem:s8+$0xFFFFFFA0];
	v13 =	vmul.f32 v18, v13  }
0x108: {  	v6 =	vmul.f32 v8, v6;
	v8 =	vld [tilespmem:s8+$0xE0];
	v3 =	vmul.f32 v7, v3;
	[tilespmem:s6+$0x40] =	vst v2  }
0x109: {  	[tilespmem:s10+$0xFFFFFF00] =	vst v13;
	v13 =	vld [tilespmem:s8+$0x40]  }
0x10a: {  	[tilespmem:s6+$0xE0] =	vst v3;
	v3 =	vmul.f32 v5, v12  }
0x10b: {  	[tilespmem:s10+$0xFFFFFFF0] =	vst v6;
	v4 =	vmul.f32 v14, v4  }
0x10c: {  	[tilespmem:s10+$0x90] =	vst v3;
	v9 =	vmul.f32 v15, v9  }
0x10d: {  	s3 =	smul.u32 $0x280, s0;
	[tilespmem:s6+$0x90] =	vst v4;
	v4 =	vmul.f32 v8, v11  }
0x10e: {  	[tilespmem:s10+$0xFFFFFFA0] =	vst v9;
	v2 =	vmul.f32 v13, v10  }
0x10f: {  	s3 =	sshra.s32 s3, $0x2;
	[tilespmem:s10+$0xE0] =	vst v4  }
0x110: {  	s3 =	sadd.s32 $0x2710, s3;
	[tilespmem:s10+$0x40] =	vst v2  }
0x111: {  	[spmem:s2] =	stream.indirect.scatter.add.f32 [tilespmem:s17], [sflag:$0x5], $0x50, s3, s15, $0xb8;
	[tilespmem:$0x18470] =	vst v63  }
0x112: {  	s11 =	sadd.s32 $0xA0, s30  }
0x113: {  	[tilespmem:s19], [sflag:$0x1] =	stream.indirect.gather [hbm4b:s4+s15], $0x50, s11, s15, $0xb8;
	[tilespmem:$0x18470] =	vst v63  }
0x114: {  	s14 =	sadd.s32 $0x27B0, s30  }
0x115: {  	[tilespmem:s20], [sflag:$0x2] =	stream.indirect.gather [hbm4b:s5+s15], $0x10, s14, s15, $0xb8;
	[tilespmem:$0x18470] =	vst v63  }
0x116: {  	_ =	swait.ge [sflag:s26], $0x1900  }
0x117: {  	[sflag:s26] =	ssyncset.done $0x0  }
0x118: {  	[sflag:s26] =	ssyncadd.s32 $0xFFFFE700  }
0x119: {  	_ =	swait.ge [sflag:s28], $0x500  }
0x11a: {  	[sflag:s28] =	ssyncset.done $0x0  }
0x11b: {  	[sflag:s28] =	ssyncadd.s32 $0xFFFFFB00  }
0x11c: {  	_ =	swait.ge [sflag:s29], $0x1900  }
0x11d: {  	[sflag:s29] =	ssyncset.done $0x0  }
0x11e: {  	s11 =	simm.s32 $0x6860;
	[sflag:s29] =	ssyncadd.s32 $0xFFFFE700  }
0x11f: {  	s16 =	simm.s32 $0x8560;
	v2 =	vld [tilespmem:s11+$0xF0]  }
0x120: {  	v3 =	vld [tilespmem:s16+$0x30]  }
0x121: {  	v4 =	vld [tilespmem:s16+$0xFFFFFFC0]  }
0x122: {  	v5 =	vld [tilespmem:s11+$0xFFFFFF10]  }
0x123: {  	v6 =	vld [tilespmem:s16+$0xFFFFFFD0]  }
0x124: {  	v7 =	vld [tilespmem:s11+$0xFFFFFF60]  }
0x125: {  	v8 =	vld [tilespmem:s16+$0xFFFFFFE0];
	v2 =	vadd.f32 v3, v2  }
0x126: {  	v9 =	vld [tilespmem:s16+$0xFFFFFFF0]  }
0x127: {  	v11 =	vld [tilespmem:s11+$0x0];
	v10 =	vmul.f32 $2.000000030e-01, v2  }
0x128: {  	v3 =	vld [tilespmem:s11+$0xFFFFFFB0]  }
0x129: {  	v5 =	vadd.f32 v6, v5;
	v6 =	vld [tilespmem:s11+$0x50];
	v2 =	vmax.f32 v2, v10  }
0x12a: {  	v7 =	vadd.f32 v8, v7;
	v8 =	vld [tilespmem:s16+$0x10];
	v2 =	vmul.f32 $1.442695020e+00, v2  }
0x12b: {  	v12 =	vld [tilespmem:s16+$0x0]  }
0x12c: {  	v13 =	vld [tilespmem:s11+$0xA0];
	v10 =	vmul.f32 $2.000000030e-01, v5;
	(erf) = vpow2.f32 v2  }
0x12d: {  	v3 =	vadd.f32 v9, v3;
	v9 =	vld [tilespmem:s16+$0x20]  }
0x12e: {  	v5 =	vmax.f32 v5, v10;
	v10 =	vld [tilespmem:s11+$0xFFFFFEC0];
	v2 =	vmul.f32 $2.000000030e-01, v7  }
0x12f: {  	v6 =	vadd.f32 v8, v6;
	v5 =	vmul.f32 $1.442695020e+00, v5  }
0x130: {  	v2 =	vmax.f32 v7, v2;
	v7 =	vmul.f32 $2.000000030e-01, v3  }
0x131: {  	s30 =	simm.s32 $0x85E0;
	v11 =	vadd.f32 v12, v11;
	v8 =	vmul.f32 $2.000000030e-01, v6;
	(erf) = vpow2.f32 v5  }
0x132: {  	v19 =	vld [tilespmem:s30+$0x30];
	v2 =	vmul.f32 $1.442695020e+00, v2;
	v5 =	vadd.f32 v9, v13;
	v3 =	vmax.f32 v3, v7  }
0x133: {  	v20 =	vld [tilespmem:s30+$0xFFFFFFC0];
	v7 =	vmul.f32 $2.000000030e-01, v11;
	v4 =	vadd.f32 v4, v10;
	v3 =	vmul.f32 $1.442695020e+00, v3  }
0x134: {  	v22 =	vld [tilespmem:s30+$0xFFFFFFD0];
	v9 =	vmul.f32 $2.000000030e-01, v5;
	(erf) = vpow2.f32 v2  }
0x135: {  	s14 =	simm.s32 $0xA460;
	v24 =	vld [tilespmem:s30+$0xFFFFFFE0];
	v2 =	vmax.f32 v6, v8;
	v7 =	vmax.f32 v11, v7;
	v6 =	vmul.f32 $2.000000030e-01, v4;
	v8 =	vpop (erf)  }
0x136: {  	v25 =	vld [tilespmem:s30+$0xFFFFFFF0];
	v2 =	vmul.f32 $1.442695020e+00, v2;
	v7 =	vmul.f32 $1.442695020e+00, v7;
	[tilespmem:s14+$0xF0] =	vst v8  }
0x137: {  	v4 =	vmax.f32 v4, v6;
	(erf) = vpow2.f32 v3;
	v3 =	vmax.f32 v5, v9;
	v6 =	vld [tilespmem:s11+$0x100]  }
0x138: {  	s8 =	simm.s32 $0x6D60;
	v28 =	vld [tilespmem:s30+$0x10];
	(erf) = vpow2.f32 v7;
	v3 =	vmul.f32 $1.442695020e+00, v3  }
0x139: {  	s9 =	simm.s32 $0x8660;
	v54 =	vld [tilespmem:s8+$0xF0];
	(erf) = vpow2.f32 v2;
	v2 =	vmul.f32 $1.442695020e+00, v4  }
0x13a: {  	v35 =	vld [tilespmem:s9+$0x30];
	v5 =	vperm.xlane v8, v1;
	(erf) = vpow2.f32 v3  }
0x13b: {  	v37 =	vld [tilespmem:s8+$0xFFFFFF10];
	(erf) = vpow2.f32 v2  }
0x13c: {  	v38 =	vld [tilespmem:s9+$0xFFFFFFD0];
	v3 =	vmul.f32 v5, v6  }
0x13d: {  	v39 =	vld [tilespmem:s8+$0xFFFFFF60]  }
0x13e: {  	v55 =	vld [tilespmem:s8+$0xFFFFFFB0];
	s16 =	simm.s32 $0x6AE0;
	v2 =	vpop (erf)  }
0x13f: {  	v21 =	vld [tilespmem:s16+$0xFFFFFF10];
	v7 =	vpop (erf)  }
0x140: {  	v23 =	vld [tilespmem:s16+$0xFFFFFF60];
	[tilespmem:s14+$0x100] =	vst v3;
	v3 =	vpop (erf)  }
0x141: {  	v27 =	vld [tilespmem:s16+$0x0];
	[tilespmem:s14+$0xFFFFFF10] =	vst v2;
	v10 =	vpop (erf)  }
0x142: {  	v4 =	vld [tilespmem:s11+$0xFFFFFF20];
	[tilespmem:s14+$0xFFFFFF60] =	vst v7;
	v13 =	vpop (erf)  }
0x143: {  	v12 =	vld [tilespmem:s11+$0xFFFFFF70];
	[tilespmem:s14+$0x0] =	vst v10;
	v15 =	vpop (erf)  }
0x144: {  	v14 =	vld [tilespmem:s11+$0x10];
	v17 =	vpop (erf)  }
0x145: {  	v8 =	vld [tilespmem:s11+$0x110];
	[tilespmem:s14+$0xFFFFFEC0] =	vst v17  }
0x146: {  	v6 =	vperm.xlane v2, v1;
	[tilespmem:s14+$0xFFFFFFB0] =	vst v3;
	v18 =	vld [tilespmem:s11+$0xFFFFFED0]  }
0x147: {  	v11 =	vperm.xlane v7, v1;
	v2 =	vld [tilespmem:s11+$0xFFFFFFC0];
	v10 =	vperm.xlane v10, v1  }
0x148: {  	v21 =	vadd.f32 v22, v21;
	v22 =	vld [tilespmem:s30+$0x0];
	v4 =	vmul.f32 v6, v4;
	[tilespmem:s14+$0x50] =	vst v13;
	v7 =	vperm.xlane v13, v1  }
0x149: {  	v16 =	vld [tilespmem:s11+$0x60];
	[tilespmem:s14+$0xA0] =	vst v15;
	v13 =	vmul.f32 v10, v14;
	v14 =	vperm.xlane v17, v1  }
0x14a: {  	v9 =	vperm.xlane v3, v1;
	v8 =	vmul.f32 v8, v5;
	[tilespmem:s14+$0xFFFFFF20] =	vst v4;
	v3 =	vld [tilespmem:s11+$0xB0]  }
0x14b: {  	v12 =	vmul.f32 v11, v12;
	[tilespmem:s14+$0x10] =	vst v13;
	v13 =	vmul.f32 v14, v18;
	v18 =	vld [tilespmem:s16+$0xF0]  }
0x14c: {  	v4 =	vld [tilespmem:s11+$0xFFFFFF30];
	[tilespmem:s14+$0x110] =	vst v8;
	v2 =	vmul.f32 v9, v2  }
0x14d: {  	[tilespmem:s14+$0xFFFFFF70] =	vst v12;
	v12 =	vld [tilespmem:s11+$0x120]  }
0x14e: {  	v8 =	vperm.xlane v15, v1;
	v15 =	vmul.f32 v7, v16;
	v16 =	vld [tilespmem:s11+$0xFFFFFF80];
	[tilespmem:s14+$0xFFFFFFC0] =	vst v2  }
0x14f: {  	v2 =	vld [tilespmem:s11+$0xFFFFFFD0]  }
0x150: {  	v17 =	vld [tilespmem:s11+$0x20];
	v18 =	vadd.f32 v19, v18  }
0x151: {  	v23 =	vadd.f32 v24, v23;
	[tilespmem:s14+$0x60] =	vst v15;
	v19 =	vld [tilespmem:s16+$0xFFFFFFB0]  }
0x152: {  	v3 =	vmul.f32 v8, v3;
	v15 =	vld [tilespmem:s11+$0x70];
	[tilespmem:s14+$0xFFFFFED0] =	vst v13;
	v26 =	vmul.f32 $2.000000030e-01, v18  }
0x153: {  	v29 =	vmul.f32 $2.000000030e-01, v23;
	v4 =	vmul.f32 v4, v6;
	v13 =	vld [tilespmem:s11+$0xFFFFFEE0]  }
0x154: {  	v24 =	vld [tilespmem:s16+$0x50];
	[tilespmem:s14+$0xB0] =	vst v3;
	v12 =	vmul.f32 v12, v5;
	v16 =	vmul.f32 v16, v11;
	v18 =	vmax.f32 v18, v26  }
0x155: {  	v23 =	vmax.f32 v23, v29;
	v3 =	vld [tilespmem:s11+$0xC0];
	v26 =	vmul.f32 $2.000000030e-01, v21;
	v18 =	vmul.f32 $1.442695020e+00, v18  }
0x156: {  	v2 =	vmul.f32 v2, v9;
	v17 =	vmul.f32 v17, v10;
	v19 =	vadd.f32 v25, v19;
	v25 =	vld [tilespmem:s16+$0xA0]  }
0x157: {  	v15 =	vmul.f32 v15, v7;
	(erf) = vpow2.f32 v18;
	v18 =	vmax.f32 v21, v26;
	v21 =	vld [tilespmem:s30+$0x20]  }
0x158: {  	v22 =	vadd.f32 v22, v27;
	[tilespmem:s14+$0xFFFFFF30] =	vst v4;
	v13 =	vmul.f32 v13, v14;
	v26 =	vld [tilespmem:s16+$0xFFFFFEC0];
	v29 =	vmul.f32 $2.000000030e-01, v19  }
0x159: {  	v56 =	vld [tilespmem:s8+$0x0];
	[tilespmem:s14+$0x120] =	vst v12;
	v4 =	vmul.f32 $1.442695020e+00, v18;
	v18 =	vmul.f32 $1.442695020e+00, v23  }
0x15a: {  	v57 =	vld [tilespmem:s9+$0x10];
	[tilespmem:s14+$0xFFFFFEE0] =	vst v13;
	v23 =	vadd.f32 v28, v24;
	v13 =	vmax.f32 v19, v29;
	v19 =	vmul.f32 $2.000000030e-01, v22  }
0x15b: {  	v3 =	vmul.f32 v3, v8;
	v24 =	vld [tilespmem:s11+$0x130];
	v13 =	vmul.f32 $1.442695020e+00, v13  }
0x15c: {  	[tilespmem:s14+$0xFFFFFF80] =	vst v16;
	v12 =	vld [tilespmem:s11+$0xFFFFFEF0];
	(erf) = vpow2.f32 v4;
	v16 =	vmul.f32 $2.000000030e-01, v23;
	v4 =	vmax.f32 v22, v19  }
0x15d: {  	[tilespmem:s14+$0xFFFFFFD0] =	vst v2;
	v2 =	vld [tilespmem:s11+$0xFFFFFF40];
	(erf) = vpow2.f32 v18;
	v19 =	vadd.f32 v21, v25;
	v20 =	vadd.f32 v20, v26  }
0x15e: {  	[tilespmem:s14+$0x20] =	vst v17;
	v17 =	vld [tilespmem:s11+$0xFFFFFF90];
	v4 =	vmul.f32 $1.442695020e+00, v4;
	v16 =	vmax.f32 v23, v16;
	(erf) = vpow2.f32 v13  }
0x15f: {  	v13 =	vld [tilespmem:s11+$0xFFFFFFE0];
	v16 =	vmul.f32 $1.442695020e+00, v16;
	v21 =	vmul.f32 $2.000000030e-01, v20  }
0x160: {  	v23 =	vld [tilespmem:s11+$0x30];
	v5 =	vmul.f32 v24, v5;
	v18 =	vmul.f32 $2.000000030e-01, v19  }
0x161: {  	[tilespmem:s14+$0x70] =	vst v15;
	v24 =	vld [tilespmem:s9+$0xFFFFFFE0];
	(erf) = vpow2.f32 v4;
	v4 =	vmul.f32 v12, v14;
	v12 =	vmax.f32 v20, v21  }
0x162: {  	s6 =	simm.s32 $0xA6E0;
	[tilespmem:s14+$0xC0] =	vst v3;
	v2 =	vmul.f32 v2, v6;
	v22 =	vpop (erf);
	v18 =	vmax.f32 v19, v18;
	v19 =	vld [tilespmem:s11+$0x80];
	v3 =	vmul.f32 $1.442695020e+00, v12  }
0x163: {  	(erf) = vpow2.f32 v16;
	v20 =	vld [tilespmem:s11+$0xD0];
	[tilespmem:s6+$0xF0] =	vst v22;
	v15 =	vmul.f32 $1.442695020e+00, v18  }
0x164: {  	[tilespmem:s14+$0xFFFFFEF0] =	vst v4;
	v13 =	vmul.f32 v13, v9;
	v18 =	vld [tilespmem:s16+$0x100]  }
0x165: {  	[tilespmem:s14+$0xFFFFFF40] =	vst v2;
	v4 =	vmul.f32 v17, v11;
	v17 =	vld [tilespmem:s11+$0xFFFFFF00];
	(erf) = vpow2.f32 v15  }
0x166: {  	v21 =	vperm.xlane v22, v1;
	v22 =	vld [tilespmem:s11+$0xFFFFFF50];
	[tilespmem:s14+$0xFFFFFFE0] =	vst v13;
	(erf) = vpow2.f32 v3;
	v3 =	vpop (erf)  }
0x167: {  	v33 =	vld [tilespmem:s11+$0xFFFFFFF0];
	[tilespmem:s6+$0xFFFFFF10] =	vst v3  }
0x168: {  	[tilespmem:s14+$0xFFFFFF90] =	vst v4;
	v15 =	vpop (erf);
	v2 =	vld [tilespmem:s16+$0xFFFFFF20]  }
0x169: {  	v12 =	vmul.f32 v21, v18;
	[tilespmem:s6+$0xFFFFFF60] =	vst v15;
	v18 =	vld [tilespmem:s11+$0xFFFFFFA0];
	v4 =	vpop (erf)  }
0x16a: {  	v25 =	vld [tilespmem:s16+$0xFFFFFF70];
	[tilespmem:s6+$0xFFFFFFB0] =	vst v4  }
0x16b: {  	v27 =	vpop (erf);
	[tilespmem:s6+$0x100] =	vst v12;
	v28 =	vld [tilespmem:s16+$0xFFFFFFC0]  }
0x16c: {  	[tilespmem:s6+$0x0] =	vst v27;
	v29 =	vpop (erf);
	v26 =	vld [tilespmem:s16+$0x110]  }
0x16d: {  	v12 =	vperm.xlane v3, v1;
	v30 =	vld [tilespmem:s16+$0x10];
	[tilespmem:s6+$0x50] =	vst v29  }
0x16e: {  	[tilespmem:s14+$0x130] =	vst v5;
	v13 =	vperm.xlane v15, v1;
	v16 =	vperm.xlane v4, v1;
	v31 =	vld [tilespmem:s16+$0x60];
	v3 =	vpop (erf)  }
0x16f: {  	v15 =	vmul.f32 v12, v2;
	v11 =	vmul.f32 v18, v11;
	v18 =	vld [tilespmem:s9+$0xFFFFFFF0];
	[tilespmem:s6+$0xA0] =	vst v3;
	v32 =	vpop (erf)  }
0x170: {  	v4 =	vperm.xlane v29, v1;
	v25 =	vmul.f32 v13, v25;
	[tilespmem:s6+$0xFFFFFEC0] =	vst v32;
	v34 =	vld [tilespmem:s16+$0xB0]  }
0x171: {  	v2 =	vperm.xlane v27, v1;
	[tilespmem:s6+$0xFFFFFF20] =	vst v15;
	v26 =	vmul.f32 v26, v21;
	v27 =	vld [tilespmem:s16+$0xFFFFFED0]  }
0x172: {  	v3 =	vperm.xlane v3, v1;
	v28 =	vmul.f32 v16, v28;
	v29 =	vld [tilespmem:s16+$0xFFFFFF30];
	[tilespmem:s6+$0xFFFFFF70] =	vst v25  }
0x173: {  	[tilespmem:s6+$0x110] =	vst v26;
	v26 =	vmul.f32 v2, v30;
	v30 =	vmul.f32 v4, v31;
	v31 =	vld [tilespmem:s16+$0xFFFFFF80]  }
0x174: {  	v15 =	vperm.xlane v32, v1;
	[tilespmem:s6+$0xFFFFFFC0] =	vst v28;
	v25 =	vld [tilespmem:s16+$0x120]  }
0x175: {  	v28 =	vld [tilespmem:s16+$0xFFFFFFD0];
	[tilespmem:s6+$0x10] =	vst v26;
	v26 =	vmul.f32 v3, v34  }
0x176: {  	v14 =	vmul.f32 v17, v14;
	v17 =	vadd.f32 v35, v54;
	[tilespmem:s6+$0x60] =	vst v30;
	v27 =	vmul.f32 v15, v27;
	v53 =	vld [tilespmem:s16+$0x20]  }
0x177: {  	v23 =	vmul.f32 v23, v10;
	v6 =	vmul.f32 v22, v6;
	v30 =	vld [tilespmem:s16+$0x70];
	[tilespmem:s6+$0xB0] =	vst v26  }
0x178: {  	v22 =	vmul.f32 v29, v12;
	v29 =	vmul.f32 $2.000000030e-01, v17;
	[tilespmem:s6+$0xFFFFFED0] =	vst v27;
	v26 =	vld [tilespmem:s16+$0xC0]  }
0x179: {  	[tilespmem:s14+$0x30] =	vst v23;
	v19 =	vmul.f32 v19, v7;
	v25 =	vmul.f32 v25, v21;
	v27 =	vld [tilespmem:s16+$0xFFFFFEE0]  }
0x17a: {  	v5 =	vmul.f32 v33, v9;
	v9 =	vmul.f32 v31, v13;
	v31 =	vld [tilespmem:s9+$0x0];
	[tilespmem:s6+$0xFFFFFF30] =	vst v22;
	v17 =	vmax.f32 v17, v29  }
0x17b: {  	v22 =	vmul.f32 v28, v16;
	v29 =	vld [tilespmem:s8+$0x50];
	v17 =	vmul.f32 $1.442695020e+00, v17;
	[tilespmem:s6+$0x120] =	vst v25  }
0x17c: {  	[tilespmem:s6+$0xFFFFFF80] =	vst v9;
	v28 =	vmul.f32 v53, v2;
	v9 =	vmul.f32 v30, v4;
	v30 =	vadd.f32 v38, v37;
	v25 =	vld [tilespmem:s16+$0x130]  }
0x17d: {  	[tilespmem:s6+$0xFFFFFFD0] =	vst v22;
	(erf) = vpow2.f32 v17;
	v17 =	vld [tilespmem:s9+$0x20];
	v22 =	vmul.f32 v26, v3  }
0x17e: {  	v18 =	vadd.f32 v18, v55;
	[tilespmem:s6+$0x20] =	vst v28;
	v28 =	vmul.f32 $2.000000030e-01, v30;
	v26 =	vmul.f32 v27, v15;
	v27 =	vld [tilespmem:s8+$0xA0]  }
0x17f: {  	v24 =	vadd.f32 v24, v39;
	v20 =	vmul.f32 v20, v8;
	[tilespmem:s14+$0x80] =	vst v19  }
0x180: {  	v36 =	vld [tilespmem:s9+$0xFFFFFFC0];
	v23 =	vadd.f32 v57, v29;
	[tilespmem:s6+$0xFFFFFEE0] =	vst v26;
	v26 =	vmax.f32 v30, v28;
	v28 =	vmul.f32 $2.000000030e-01, v18  }
0x181: {  	[tilespmem:s6+$0x70] =	vst v9;
	v9 =	vmul.f32 v25, v21;
	v21 =	vmul.f32 $2.000000030e-01, v24;
	v25 =	vadd.f32 v31, v56;
	v31 =	vld [tilespmem:s8+$0xFFFFFEC0]  }
0x182: {  	[tilespmem:s6+$0xC0] =	vst v22;
	v19 =	vmul.f32 $2.000000030e-01, v23;
	v22 =	vmul.f32 $1.442695020e+00, v26;
	v18 =	vmax.f32 v18, v28;
	v28 =	vld [tilespmem:s16+$0xFFFFFF40]  }
0x183: {  	[tilespmem:s14+$0xFFFFFF00] =	vst v14;
	v21 =	vmax.f32 v24, v21;
	v24 =	vld [tilespmem:s16+$0xFFFFFEF0];
	v26 =	vmul.f32 $2.000000030e-01, v25;
	v17 =	vadd.f32 v17, v27  }
0x184: {  	v14 =	vmax.f32 v23, v19;
	[tilespmem:s6+$0x130] =	vst v9;
	v9 =	vmul.f32 $1.442695020e+00, v18;
	v18 =	vld [tilespmem:s16+$0xFFFFFF90];
	v21 =	vmul.f32 $1.442695020e+00, v21  }
0x185: {  	(erf) = vpow2.f32 v22;
	v27 =	vld [tilespmem:s16+$0xD0];
	v22 =	vmax.f32 v25, v26;
	v19 =	vmul.f32 $2.000000030e-01, v17  }
0x186: {  	[tilespmem:s14+$0xD0] =	vst v20;
	v25 =	vld [tilespmem:s16+$0xFFFFFFE0];
	v26 =	vadd.f32 v36, v31;
	v20 =	vmul.f32 $1.442695020e+00, v22;
	(erf) = vpow2.f32 v21  }
0x187: {  	[tilespmem:s14+$0xFFFFFF50] =	vst v6;
	v6 =	vmul.f32 $1.442695020e+00, v14;
	v21 =	vld [tilespmem:s16+$0x30];
	(erf) = vpow2.f32 v9  }
0x188: {  	s10 =	simm.s32 $0xA960;
	[tilespmem:s14+$0xFFFFFFF0] =	vst v5;
	v22 =	vld [tilespmem:s16+$0x80];
	v9 =	vpop (erf);
	v14 =	vmax.f32 v17, v19;
	v23 =	vmul.f32 $2.000000030e-01, v26;
	(erf) = vpow2.f32 v20  }
0x189: {  	v19 =	vld [tilespmem:s11+$0x40];
	[tilespmem:s10+$0xF0] =	vst v9;
	v17 =	vmul.f32 v24, v15;
	v14 =	vmul.f32 $1.442695020e+00, v14  }
0x18a: {  	[tilespmem:s14+$0xFFFFFFA0] =	vst v11;
	v5 =	vmul.f32 v18, v13;
	v20 =	vld [tilespmem:s8+$0x100];
	(erf) = vpow2.f32 v6;
	v11 =	vmax.f32 v26, v23  }
0x18b: {  	v24 =	vld [tilespmem:s11+$0x90];
	[tilespmem:s6+$0xFFFFFEF0] =	vst v17;
	v25 =	vmul.f32 v25, v16;
	v6 =	vmul.f32 $1.442695020e+00, v11  }
0x18c: {  	(erf) = vpow2.f32 v14;
	v11 =	vmul.f32 v28, v12;
	v23 =	vld [tilespmem:s16+$0xFFFFFF00]  }
0x18d: {  	v14 =	vperm.xlane v9, v1;
	v28 =	vld [tilespmem:s11+$0xE0];
	[tilespmem:s6+$0xFFFFFFE0] =	vst v25;
	(erf) = vpow2.f32 v6  }
0x18e: {  	[tilespmem:s6+$0xFFFFFF40] =	vst v11;
	v61 =	vld [tilespmem:s16+$0xFFFFFFF0]  }
0x18f: {  	[tilespmem:s6+$0xFFFFFF90] =	vst v5;
	v11 =	vld [tilespmem:s16+$0xFFFFFF50];
	v9 =	vmul.f32 v14, v20;
	v6 =	vpop (erf)  }
0x190: {  	v20 =	vld [tilespmem:s16+$0xFFFFFFA0];
	[tilespmem:s10+$0xFFFFFF10] =	vst v6  }
0x191: {  	v18 =	vpop (erf);
	[tilespmem:s10+$0x100] =	vst v9;
	v26 =	vld [tilespmem:s8+$0xFFFFFF20]  }
0x192: {  	[tilespmem:s10+$0xFFFFFF60] =	vst v18;
	v29 =	vpop (erf);
	v31 =	vld [tilespmem:s8+$0x110]  }
0x193: {  	v17 =	vmul.f32 v21, v2;
	v5 =	vperm.xlane v6, v1;
	v30 =	vld [tilespmem:s8+$0xFFFFFF70];
	[tilespmem:s10+$0xFFFFFFB0] =	vst v29;
	v58 =	vpop (erf)  }
0x194: {  	v9 =	vperm.xlane v18, v1;
	v18 =	vmul.f32 v23, v15;
	v21 =	vld [tilespmem:s8+$0xFFFFFFC0];
	[tilespmem:s10+$0x0] =	vst v58;
	v59 =	vpop (erf)  }
0x195: {  	v15 =	vmul.f32 v19, v10;
	v6 =	vperm.xlane v29, v1;
	v29 =	vld [tilespmem:s8+$0x10];
	[tilespmem:s10+$0x50] =	vst v59;
	v60 =	vpop (erf)  }
0x196: {  	v19 =	vmul.f32 v11, v12;
	v23 =	vld [tilespmem:s8+$0x60];
	[tilespmem:s10+$0xA0] =	vst v60;
	v11 =	vmul.f32 v5, v26;
	v25 =	vpop (erf)  }
0x197: {  	v20 =	vmul.f32 v20, v13;
	v26 =	vld [tilespmem:s8+$0xB0];
	v13 =	vmul.f32 v31, v14;
	[tilespmem:s10+$0xFFFFFEC0] =	vst v25  }
0x198: {  	v10 =	vperm.xlane v58, v1;
	v30 =	vmul.f32 v9, v30;
	[tilespmem:s10+$0xFFFFFF20] =	vst v11;
	v31 =	vld [tilespmem:s8+$0xFFFFFED0]  }
0x199: {  	v12 =	vperm.xlane v59, v1;
	v21 =	vmul.f32 v6, v21;
	[tilespmem:s10+$0x110] =	vst v13;
	v62 =	vld [tilespmem:s8+$0xFFFFFF30]  }
0x19a: {  	v11 =	vperm.xlane v60, v1;
	v29 =	vmul.f32 v10, v29;
	[tilespmem:s10+$0xFFFFFF70] =	vst v30;
	v30 =	vld [tilespmem:s8+$0x120]  }
0x19b: {  	v13 =	vperm.xlane v25, v1;
	v25 =	vmul.f32 v12, v23;
	[tilespmem:s10+$0xFFFFFFC0] =	vst v21;
	v63 =	vld [tilespmem:s8+$0xFFFFFF80]  }
0x19c: {  	v21 =	vmul.f32 v22, v4;
	[tilespmem:s10+$0x10] =	vst v29;
	v23 =	vld [tilespmem:s8+$0xFFFFFFD0];
	v29 =	vmul.f32 v11, v26  }
0x19d: {  	v22 =	vmul.f32 v27, v3;
	[tilespmem:s10+$0x60] =	vst v25;
	v26 =	vld [tilespmem:s8+$0x20];
	v27 =	vmul.f32 v13, v31  }
0x19e: {  	v7 =	vmul.f32 v24, v7;
	v24 =	vld [tilespmem:s8+$0x70];
	[tilespmem:s10+$0xB0] =	vst v29;
	v31 =	vmul.f32 v62, v5  }
0x19f: {  	v8 =	vmul.f32 v28, v8;
	v25 =	vld [tilespmem:s8+$0xC0];
	v28 =	vmul.f32 v30, v14;
	[tilespmem:s10+$0xFFFFFED0] =	vst v27  }
0x1a0: {  	s3 =	simm.s32 $0x6FE0;
	s11 =	simm.s32 $0x10;
	v16 =	vmul.f32 v61, v16;
	v29 =	vmul.f32 v63, v9;
	v27 =	vld [tilespmem:s8+$0xFFFFFEE0];
	[tilespmem:s10+$0xFFFFFF30] =	vst v31  }
.LBB2_5:
0x1a1: {  	v30 =	vld [tilespmem:s3+$0xF0];
	v23 =	vmul.f32 v23, v6;
	[tilespmem:s10+$0x120] =	vst v28  }
0x1a2: {  	s9 =	sadd.s32 $0x80, s9;
	[tilespmem:s10+$0xFFFFFF80] =	vst v29;
	v26 =	vmul.f32 v26, v10;
	v28 =	vld [tilespmem:s8+$0x130]  }
0x1a3: {  	s11 =	sadd.s32 $0x8, s11;
	v29 =	vld [tilespmem:s9+$0x30];
	[tilespmem:s10+$0xFFFFFFD0] =	vst v23;
	v23 =	vmul.f32 v24, v12  }
0x1a4: {  	p0 =	slt.u32 s11, $0x48;
	v24 =	vld [tilespmem:s9+$0xFFFFFFC0];
	[tilespmem:s10+$0x20] =	vst v26;
	v25 =	vmul.f32 v25, v11  }
0x1a5: {  	v26 =	vld [tilespmem:s3+$0xFFFFFF10];
	v27 =	vmul.f32 v27, v13;
	[tilespmem:s10+$0x70] =	vst v23  }
0x1a6: {  	v23 =	vld [tilespmem:s9+$0xFFFFFFD0];
	[tilespmem:s10+$0xC0] =	vst v25  }
0x1a7: {  	v25 =	vld [tilespmem:s3+$0xFFFFFF60];
	[tilespmem:s10+$0xFFFFFEE0] =	vst v27;
	v14 =	vmul.f32 v28, v14  }
0x1a8: {  	v27 =	vld [tilespmem:s9+$0xFFFFFFE0];
	v28 =	vadd.f32 v29, v30;
	[tilespmem:s6+$0x30] =	vst v17  }
0x1a9: {  	v17 =	vld [tilespmem:s3+$0xFFFFFFB0];
	[tilespmem:s10+$0x130] =	vst v14  }
0x1aa: {  	v14 =	vld [tilespmem:s9+$0xFFFFFFF0];
	v29 =	vmul.f32 $2.000000030e-01, v28;
	[tilespmem:s6+$0x80] =	vst v21  }
0x1ab: {  	v21 =	vadd.f32 v23, v26;
	v23 =	vld [tilespmem:s3+$0x0];
	[tilespmem:s6+$0xD0] =	vst v22  }
0x1ac: {  	v22 =	vld [tilespmem:s9+$0x0];
	v26 =	vmax.f32 v28, v29;
	[tilespmem:s6+$0xFFFFFF00] =	vst v18  }
0x1ad: {  	v18 =	vmul.f32 $2.000000030e-01, v21;
	v25 =	vadd.f32 v27, v25;
	v27 =	vld [tilespmem:s3+$0x50];
	v26 =	vmul.f32 $1.442695020e+00, v26;
	[tilespmem:s6+$0xFFFFFF50] =	vst v19  }
0x1ae: {  	v19 =	vld [tilespmem:s9+$0x10];
	[tilespmem:s6+$0xFFFFFFA0] =	vst v20  }
0x1af: {  	v20 =	vmul.f32 $2.000000030e-01, v25;
	v14 =	vadd.f32 v14, v17;
	v17 =	vld [tilespmem:s3+$0xA0];
	(erf) = vpow2.f32 v26;
	[tilespmem:s6+$0xFFFFFFF0] =	vst v16  }
0x1b0: {  	v16 =	vmax.f32 v21, v18;
	v18 =	vld [tilespmem:s9+$0x20];
	[tilespmem:s14+$0x40] =	vst v15  }
0x1b1: {  	v15 =	vld [tilespmem:s3+$0xFFFFFEC0];
	v20 =	vmax.f32 v25, v20;
	v21 =	vmul.f32 $2.000000030e-01, v14;
	v22 =	vadd.f32 v22, v23;
	[tilespmem:s14+$0x90] =	vst v7  }
0x1b2: {  	v7 =	vmul.f32 $1.442695020e+00, v16;
	v16 =	vmul.f32 $1.442695020e+00, v20;
	v20 =	vld [tilespmem:s8+$0xFFFFFEF0];
	[tilespmem:s14+$0xE0] =	vst v8;
	s14 =	smov.u32 s6;
	s6 =	smov.u32 s10  }
0x1b3: {  	v8 =	vmax.f32 v14, v21;
	v14 =	vmul.f32 $2.000000030e-01, v22;
	v19 =	vadd.f32 v19, v27;
	v21 =	vld [tilespmem:s8+$0xFFFFFF40]  }
0x1b4: {  	v8 =	vmul.f32 $1.442695020e+00, v8;
	(erf) = vpow2.f32 v7;
	v7 =	vld [tilespmem:s8+$0xFFFFFF90]  }
0x1b5: {  	v14 =	vmax.f32 v22, v14;
	v22 =	vmul.f32 $2.000000030e-01, v19;
	v17 =	vadd.f32 v18, v17;
	v18 =	vld [tilespmem:s8+$0xFFFFFFE0]  }
0x1b6: {  	v15 =	vadd.f32 v24, v15;
	v14 =	vmul.f32 $1.442695020e+00, v14;
	(erf) = vpow2.f32 v16;
	v16 =	vld [tilespmem:s8+$0x30]  }
0x1b7: {  	s10 =	sadd.s32 $0x280, s10;
	v19 =	vmax.f32 v19, v22;
	v22 =	vmul.f32 $2.000000030e-01, v17;
	(erf) = vpow2.f32 v8;
	v8 =	vld [tilespmem:s8+$0x80]  }
0x1b8: {  	v23 =	vmul.f32 $2.000000030e-01, v15;
	v19 =	vmul.f32 $1.442695020e+00, v19;
	v24 =	vpop (erf);
	v25 =	vld [tilespmem:s8+$0xD0]  }
0x1b9: {  	v17 =	vmax.f32 v17, v22;
	[tilespmem:s10+$0xF0] =	vst v24;
	(erf) = vpow2.f32 v14;
	v14 =	vmul.f32 v20, v13;
	v20 =	vld [tilespmem:s16+$0x40]  }
0x1ba: {  	v15 =	vmax.f32 v15, v23;
	v17 =	vmul.f32 $1.442695020e+00, v17;
	v22 =	vld [tilespmem:s3+$0x100];
	(erf) = vpow2.f32 v19  }
0x1bb: {  	v19 =	vmul.f32 v21, v5;
	v27 =	vmul.f32 $1.442695020e+00, v15;
	[tilespmem:s6+$0xFFFFFEF0] =	vst v14;
	v23 =	vld [tilespmem:s16+$0x90]  }
0x1bc: {  	v7 =	vmul.f32 v7, v9;
	(erf) = vpow2.f32 v17;
	v26 =	vld [tilespmem:s8+$0xFFFFFF00]  }
0x1bd: {  	v14 =	vperm.xlane v24, v1;
	(erf) = vpow2.f32 v27;
	v15 =	vpop (erf);
	[tilespmem:s6+$0xFFFFFF40] =	vst v19;
	v24 =	vld [tilespmem:s16+$0xE0];
	s16 =	smov.u32 s8;
	s8 =	smov.u32 s3  }
0x1be: {  	v28 =	vmul.f32 v18, v6;
	[tilespmem:s10+$0xFFFFFF10] =	vst v15;
	v27 =	vperm.xlane v15, v1;
	v19 =	vld [tilespmem:s16+$0xFFFFFF50]  }
0x1bf: {  	v17 =	vmul.f32 v16, v10;
	v29 =	vld [tilespmem:s3+$0xFFFFFF20];
	v15 =	vmul.f32 v14, v22;
	v18 =	vpop (erf);
	[tilespmem:s6+$0xFFFFFF90] =	vst v7  }
0x1c0: {  	v21 =	vmul.f32 v8, v12;
	[tilespmem:s10+$0xFFFFFF60] =	vst v18;
	v16 =	vperm.xlane v18, v1;
	v7 =	vpop (erf);
	v30 =	vld [tilespmem:s16+$0xFFFFFFA0]  }
0x1c1: {  	v22 =	vmul.f32 v25, v11;
	v8 =	vld [tilespmem:s3+$0xFFFFFF70];
	v31 =	vperm.xlane v7, v1;
	[tilespmem:s10+$0x100] =	vst v15  }
0x1c2: {  	v18 =	vmul.f32 v26, v13;
	v15 =	vmul.f32 v20, v2;
	v2 =	vmov v10;
	[tilespmem:s10+$0xFFFFFFB0] =	vst v7;
	v25 =	vld [tilespmem:s3+$0x110];
	v7 =	vpop (erf)  }
0x1c3: {  	v26 =	vld [tilespmem:s3+$0xFFFFFFC0];
	[tilespmem:s10+$0x0] =	vst v7;
	v10 =	vperm.xlane v7, v1;
	v7 =	vpop (erf);
	v19 =	vmul.f32 v19, v5;
	v5 =	vmov v27  }
0x1c4: {  	v27 =	vmul.f32 v5, v29;
	v29 =	vld [tilespmem:s3+$0x10];
	[tilespmem:s10+$0x50] =	vst v7;
	v32 =	vperm.xlane v7, v1  }
0x1c5: {  	v7 =	vmul.f32 v23, v4;
	v33 =	vld [tilespmem:s3+$0x60];
	v13 =	vpop (erf);
	v20 =	vmul.f32 v30, v9;
	[tilespmem:s6+$0xFFFFFFE0] =	vst v28;
	v9 =	vmov v16  }
0x1c6: {  	v4 =	vmov v12;
	v16 =	vmul.f32 v9, v8;
	[tilespmem:s10+$0xA0] =	vst v13;
	v23 =	vperm.xlane v13, v1;
	v8 =	vpop (erf);
	v28 =	vld [tilespmem:s16+$0xFFFFFFF0]  }
0x1c7: {  	v12 =	vmov v32;
	[tilespmem:s10+$0xFFFFFEC0] =	vst v8;
	v13 =	vperm.xlane v8, v1;
	v30 =	vld [tilespmem:s3+$0xB0];
	v25 =	vmul.f32 v25, v14  }
0x1c8: {  	v8 =	vmul.f32 v24, v3;
	v3 =	vmovc v11;
	v32 =	vld [tilespmem:s3+$0xFFFFFED0];
	[tilespmem:s10+$0xFFFFFF20] =	vst v27;
	v26 =	vmul.f32 v31, v26;
	v11 =	vmov v23  }
0x1c9: {  	v24 =	vld [tilespmem:s3+$0xFFFFFF30];
	v27 =	vmul.f32 v10, v29;
	[tilespmem:s10+$0x110] =	vst v25  }
0x1ca: {  	[tilespmem:s10+$0xFFFFFF70] =	vst v16;
	v25 =	vmul.f32 v12, v33;
	v29 =	vld [tilespmem:s3+$0x120]  }
0x1cb: {  	v33 =	vld [tilespmem:s3+$0xFFFFFF80];
	[tilespmem:s10+$0xFFFFFFC0] =	vst v26;
	v16 =	vmul.f32 v28, v6;
	v6 =	vmov v31  }
.Ltmp1:
0x1cc: {  	v23 =	vld [tilespmem:s3+$0xFFFFFFD0];
	[tilespmem:s10+$0x10] =	vst v27;
	v27 =	vmul.f32 v11, v30;
	(pc) =	sbr.rel @p0 .LBB2_5-.Ltmp1, $4  }
0x1cd: {  	v28 =	vmul.f32 v13, v32;
	v26 =	vld [tilespmem:s3+$0x20];
	[tilespmem:s10+$0x60] =	vst v25  }
0x1ce: {  	v30 =	vmul.f32 v24, v5;
	v24 =	vld [tilespmem:s3+$0x70];
	[tilespmem:s10+$0xB0] =	vst v27  }
0x1cf: {  	[tilespmem:s10+$0xFFFFFED0] =	vst v28;
	v25 =	vld [tilespmem:s3+$0xC0];
	v28 =	vmul.f32 v29, v14  }
0x1d0: {  	s3 =	sadd.s32 $0x280, s3;
	v27 =	vld [tilespmem:s8+$0xFFFFFEE0];
	[tilespmem:s10+$0xFFFFFF30] =	vst v30;
	v29 =	vmul.f32 v33, v9  }
0x1d1: {  	[tilespmem:s10+$0x120] =	vst v28  }
0x1d2: {  	[tilespmem:s6+$0x30] =	vst v17  }
0x1d3: {  	[tilespmem:s6+$0x80] =	vst v21  }
0x1d4: {  	[tilespmem:s6+$0xD0] =	vst v22  }
0x1d5: {  	[tilespmem:s6+$0xFFFFFF00] =	vst v18  }
0x1d6: {  	[tilespmem:s6+$0xFFFFFF50] =	vst v19  }
0x1d7: {  	[tilespmem:s6+$0xFFFFFFA0] =	vst v20  }
0x1d8: {  	[tilespmem:s6+$0xFFFFFFF0] =	vst v16  }
0x1d9: {  	[tilespmem:s14+$0x40] =	vst v15  }
0x1da: {  	[tilespmem:s14+$0x90] =	vst v7  }
0x1db: {  	v23 =	vmul.f32 v23, v6;
	v39 =	vld [tilespmem:s8+$0xFFFFFF40];
	[tilespmem:s14+$0xE0] =	vst v8  }
0x1dc: {  	[tilespmem:s10+$0xFFFFFF80] =	vst v29;
	v26 =	vmul.f32 v26, v10;
	v28 =	vld [tilespmem:s8+$0x130]  }
0x1dd: {  	v53 =	vld [tilespmem:s16+$0x40];
	[tilespmem:s10+$0xFFFFFFD0] =	vst v23;
	v35 =	vmul.f32 v24, v12  }
0x1de: {  	v54 =	vld [tilespmem:s16+$0x90];
	[tilespmem:s10+$0x20] =	vst v26;
	v36 =	vmul.f32 v25, v11  }
0x1df: {  	v40 =	vld [tilespmem:s8+$0xFFFFFF90];
	v37 =	vmul.f32 v27, v13;
	[tilespmem:s10+$0x70] =	vst v35  }
0x1e0: {  	v41 =	vld [tilespmem:s8+$0xFFFFFFE0];
	[tilespmem:s10+$0xC0] =	vst v36;
	v44 =	vmul.f32 v39, v5  }
0x1e1: {  	v42 =	vld [tilespmem:s8+$0x30];
	[tilespmem:s10+$0xFFFFFEE0] =	vst v37;
	v14 =	vmul.f32 v28, v14  }
0x1e2: {  	v43 =	vld [tilespmem:s8+$0x80];
	v2 =	vmul.f32 v53, v2;
	[tilespmem:s10+$0xFFFFFF40] =	vst v44  }
0x1e3: {  	v45 =	vld [tilespmem:s8+$0xD0];
	v4 =	vmul.f32 v54, v4;
	[tilespmem:s10+$0x130] =	vst v14  }
0x1e4: {  	v38 =	vld [tilespmem:s8+$0xFFFFFEF0];
	v46 =	vmul.f32 v40, v9;
	[tilespmem:s6+$0x40] =	vst v2  }
0x1e5: {  	v56 =	vld [tilespmem:s16+$0xE0];
	v48 =	vmul.f32 v41, v6;
	[tilespmem:s6+$0x90] =	vst v4  }
0x1e6: {  	v49 =	vld [tilespmem:s8+$0xFFFFFF50];
	[tilespmem:s10+$0xFFFFFF90] =	vst v46;
	v50 =	vmul.f32 v42, v10  }
0x1e7: {  	v51 =	vld [tilespmem:s8+$0xFFFFFFA0];
	[tilespmem:s10+$0xFFFFFFE0] =	vst v48;
	v7 =	vmul.f32 v43, v12  }
0x1e8: {  	v52 =	vld [tilespmem:s8+$0xFFFFFFF0];
	v17 =	vmul.f32 v45, v11;
	[tilespmem:s10+$0x30] =	vst v50  }
0x1e9: {  	v14 =	vmul.f32 v38, v13;
	[tilespmem:s10+$0x80] =	vst v7;
	v59 =	vld [tilespmem:s8+$0x40]  }
0x1ea: {  	v3 =	vmul.f32 v56, v3;
	[tilespmem:s10+$0xD0] =	vst v17;
	v61 =	vld [tilespmem:s8+$0x90]  }
0x1eb: {  	v57 =	vmul.f32 v49, v5;
	[tilespmem:s10+$0xFFFFFEF0] =	vst v14;
	v62 =	vld [tilespmem:s8+$0xE0]  }
0x1ec: {  	[tilespmem:s6+$0xE0] =	vst v3;
	v47 =	vld [tilespmem:s8+$0xFFFFFF00];
	v58 =	vmul.f32 v51, v9  }
0x1ed: {  	[tilespmem:s10+$0xFFFFFF50] =	vst v57;
	v60 =	vmul.f32 v52, v6  }
0x1ee: {  	s0 =	sadd.s32 $0x1, s0;
	[tilespmem:s10+$0xFFFFFFA0] =	vst v58;
	v2 =	vmul.f32 v59, v10  }
0x1ef: {  	p0 =	sne.s32 s0, $0x3E;
	[tilespmem:s10+$0xFFFFFFF0] =	vst v60;
	v3 =	vmul.f32 v61, v12  }
.Ltmp2:
0x1f0: {  	v63 =	vmul.f32 v62, v11;
	[tilespmem:s10+$0x40] =	vst v2;
	(pc) =	sbr.rel @p0 .LBB2_2-.Ltmp2, $4  }
0x1f1: {  	v55 =	vmul.f32 v47, v13;
	[tilespmem:s10+$0x90] =	vst v3  }
0x1f2: {  	[tilespmem:s10+$0xE0] =	vst v63  }
0x1f3: {  	[tilespmem:s10+$0xFFFFFF00] =	vst v55  }
0x1f4: {  	[spmem:s2] =	stream.indirect.scatter.add.f32 [tilespmem:s18], [sflag:$0x6], $0x50, s1, s15, $0xb8;
	[tilespmem:$0x18470] =	vst v63  }
0x1f5: {  	_ =	swait.ge [sflag:s23], $0x1900  }
0x1f6: {  	[sflag:s23] =	ssyncset.done $0x0  }
0x1f7: {  	[sflag:s23] =	ssyncadd.s32 $0xFFFFE700  }
0x1f8: {  	_ =	swait.ge [sflag:s24], $0x500  }
0x1f9: {  	[sflag:s24] =	ssyncset.done $0x0  }
0x1fa: {  	[sflag:s24] =	ssyncadd.s32 $0xFFFFFB00  }
0x1fb: {  	_ =	swait.ge [sflag:s25], $0x1900  }
0x1fc: {  	[sflag:s25] =	ssyncset.done $0x0  }
0x1fd: {  	s11 =	simm.s32 $0x4F60;
	[sflag:s25] =	ssyncadd.s32 $0xFFFFE700  }
0x1fe: {  	s0 =	simm.s32 $0x8060;
	v2 =	vld [tilespmem:s11+$0xF0]  }
0x1ff: {  	v3 =	vld [tilespmem:s0+$0x30]  }
0x200: {  	v4 =	vld [tilespmem:s0+$0xFFFFFFC0]  }
0x201: {  	v5 =	vld [tilespmem:s11+$0xFFFFFF10]  }
0x202: {  	v6 =	vld [tilespmem:s0+$0xFFFFFFD0]  }
0x203: {  	v7 =	vld [tilespmem:s11+$0xFFFFFF60]  }
0x204: {  	v8 =	vld [tilespmem:s0+$0xFFFFFFE0];
	v2 =	vadd.f32 v3, v2  }
0x205: {  	v9 =	vld [tilespmem:s0+$0xFFFFFFF0]  }
0x206: {  	v11 =	vld [tilespmem:s11+$0x0];
	v10 =	vmul.f32 $2.000000030e-01, v2  }
0x207: {  	v3 =	vld [tilespmem:s11+$0xFFFFFFB0]  }
0x208: {  	v5 =	vadd.f32 v6, v5;
	v6 =	vld [tilespmem:s11+$0x50];
	v2 =	vmax.f32 v2, v10  }
0x209: {  	v7 =	vadd.f32 v8, v7;
	v8 =	vld [tilespmem:s0+$0x10];
	v2 =	vmul.f32 $1.442695020e+00, v2  }
0x20a: {  	v12 =	vld [tilespmem:s0+$0x0]  }
0x20b: {  	v13 =	vld [tilespmem:s11+$0xA0];
	v10 =	vmul.f32 $2.000000030e-01, v5;
	(erf) = vpow2.f32 v2  }
0x20c: {  	v3 =	vadd.f32 v9, v3;
	v9 =	vld [tilespmem:s0+$0x20]  }
0x20d: {  	v5 =	vmax.f32 v5, v10;
	v10 =	vld [tilespmem:s11+$0xFFFFFEC0];
	v2 =	vmul.f32 $2.000000030e-01, v7  }
0x20e: {  	v6 =	vadd.f32 v8, v6;
	v5 =	vmul.f32 $1.442695020e+00, v5  }
0x20f: {  	v2 =	vmax.f32 v7, v2;
	v7 =	vmul.f32 $2.000000030e-01, v3  }
0x210: {  	s3 =	simm.s32 $0x80E0;
	v11 =	vadd.f32 v12, v11;
	v8 =	vmul.f32 $2.000000030e-01, v6;
	(erf) = vpow2.f32 v5  }
0x211: {  	v19 =	vld [tilespmem:s3+$0x30];
	v2 =	vmul.f32 $1.442695020e+00, v2;
	v5 =	vadd.f32 v9, v13;
	v3 =	vmax.f32 v3, v7  }
0x212: {  	s1 =	simm.s32 $0x51E0;
	v20 =	vld [tilespmem:s3+$0xFFFFFFC0];
	v7 =	vmul.f32 $2.000000030e-01, v11;
	v4 =	vadd.f32 v4, v10;
	v3 =	vmul.f32 $1.442695020e+00, v3  }
0x213: {  	v21 =	vld [tilespmem:s1+$0xFFFFFF10];
	v9 =	vmul.f32 $2.000000030e-01, v5;
	(erf) = vpow2.f32 v2  }
0x214: {  	v22 =	vld [tilespmem:s3+$0xFFFFFFD0];
	s0 =	simm.s32 $0x8B60;
	v2 =	vmax.f32 v6, v8;
	v7 =	vmax.f32 v11, v7;
	v6 =	vmul.f32 $2.000000030e-01, v4;
	v8 =	vpop (erf)  }
0x215: {  	v23 =	vld [tilespmem:s1+$0xFFFFFF60];
	v2 =	vmul.f32 $1.442695020e+00, v2;
	v7 =	vmul.f32 $1.442695020e+00, v7;
	[tilespmem:s0+$0xF0] =	vst v8  }
0x216: {  	v4 =	vmax.f32 v4, v6;
	(erf) = vpow2.f32 v3;
	v3 =	vmax.f32 v5, v9;
	v6 =	vld [tilespmem:s11+$0x100]  }
0x217: {  	v24 =	vld [tilespmem:s3+$0xFFFFFFE0];
	(erf) = vpow2.f32 v7;
	v3 =	vmul.f32 $1.442695020e+00, v3  }
0x218: {  	v25 =	vld [tilespmem:s3+$0xFFFFFFF0];
	(erf) = vpow2.f32 v2;
	v2 =	vmul.f32 $1.442695020e+00, v4  }
0x219: {  	v27 =	vld [tilespmem:s1+$0x0];
	v5 =	vperm.xlane v8, v1;
	(erf) = vpow2.f32 v3  }
0x21a: {  	s8 =	simm.s32 $0x5460;
	v28 =	vld [tilespmem:s3+$0x10];
	(erf) = vpow2.f32 v2  }
0x21b: {  	s9 =	simm.s32 $0x8160;
	v54 =	vld [tilespmem:s8+$0xF0];
	v3 =	vmul.f32 v5, v6  }
0x21c: {  	v35 =	vld [tilespmem:s9+$0x30]  }
0x21d: {  	v37 =	vld [tilespmem:s8+$0xFFFFFF10];
	v2 =	vpop (erf)  }
0x21e: {  	v38 =	vld [tilespmem:s9+$0xFFFFFFD0];
	v7 =	vpop (erf)  }
0x21f: {  	v39 =	vld [tilespmem:s8+$0xFFFFFF60];
	[tilespmem:s0+$0x100] =	vst v3;
	v3 =	vpop (erf)  }
0x220: {  	v55 =	vld [tilespmem:s8+$0xFFFFFFB0];
	[tilespmem:s0+$0xFFFFFF10] =	vst v2;
	v10 =	vpop (erf)  }
0x221: {  	v4 =	vld [tilespmem:s11+$0xFFFFFF20];
	[tilespmem:s0+$0xFFFFFF60] =	vst v7;
	v13 =	vpop (erf)  }
0x222: {  	v12 =	vld [tilespmem:s11+$0xFFFFFF70];
	[tilespmem:s0+$0x0] =	vst v10;
	v15 =	vpop (erf)  }
0x223: {  	v14 =	vld [tilespmem:s11+$0x10];
	v17 =	vpop (erf)  }
0x224: {  	v8 =	vld [tilespmem:s11+$0x110];
	[tilespmem:s0+$0xFFFFFEC0] =	vst v17  }
0x225: {  	v6 =	vperm.xlane v2, v1;
	[tilespmem:s0+$0xFFFFFFB0] =	vst v3;
	v18 =	vld [tilespmem:s11+$0xFFFFFED0]  }
0x226: {  	v11 =	vperm.xlane v7, v1;
	v2 =	vld [tilespmem:s11+$0xFFFFFFC0];
	v10 =	vperm.xlane v10, v1  }
0x227: {  	v21 =	vadd.f32 v22, v21;
	v22 =	vld [tilespmem:s3+$0x0];
	v4 =	vmul.f32 v6, v4;
	[tilespmem:s0+$0x50] =	vst v13;
	v7 =	vperm.xlane v13, v1  }
0x228: {  	v16 =	vld [tilespmem:s11+$0x60];
	[tilespmem:s0+$0xA0] =	vst v15;
	v13 =	vmul.f32 v10, v14;
	v14 =	vperm.xlane v17, v1  }
0x229: {  	v9 =	vperm.xlane v3, v1;
	v8 =	vmul.f32 v8, v5;
	[tilespmem:s0+$0xFFFFFF20] =	vst v4;
	v3 =	vld [tilespmem:s11+$0xB0]  }
0x22a: {  	v12 =	vmul.f32 v11, v12;
	[tilespmem:s0+$0x10] =	vst v13;
	v13 =	vmul.f32 v14, v18;
	v18 =	vld [tilespmem:s1+$0xF0]  }
0x22b: {  	v4 =	vld [tilespmem:s11+$0xFFFFFF30];
	[tilespmem:s0+$0x110] =	vst v8;
	v2 =	vmul.f32 v9, v2  }
0x22c: {  	[tilespmem:s0+$0xFFFFFF70] =	vst v12;
	v12 =	vld [tilespmem:s11+$0x120]  }
0x22d: {  	v8 =	vperm.xlane v15, v1;
	v15 =	vmul.f32 v7, v16;
	v16 =	vld [tilespmem:s11+$0xFFFFFF80];
	[tilespmem:s0+$0xFFFFFFC0] =	vst v2  }
0x22e: {  	v2 =	vld [tilespmem:s11+$0xFFFFFFD0]  }
0x22f: {  	v17 =	vld [tilespmem:s11+$0x20];
	v18 =	vadd.f32 v19, v18  }
0x230: {  	v23 =	vadd.f32 v24, v23;
	[tilespmem:s0+$0x60] =	vst v15;
	v19 =	vld [tilespmem:s1+$0xFFFFFFB0]  }
0x231: {  	v3 =	vmul.f32 v8, v3;
	v15 =	vld [tilespmem:s11+$0x70];
	[tilespmem:s0+$0xFFFFFED0] =	vst v13;
	v26 =	vmul.f32 $2.000000030e-01, v18  }
0x232: {  	v29 =	vmul.f32 $2.000000030e-01, v23;
	v4 =	vmul.f32 v4, v6;
	v13 =	vld [tilespmem:s11+$0xFFFFFEE0]  }
0x233: {  	v24 =	vld [tilespmem:s1+$0x50];
	[tilespmem:s0+$0xB0] =	vst v3;
	v12 =	vmul.f32 v12, v5;
	v16 =	vmul.f32 v16, v11;
	v18 =	vmax.f32 v18, v26  }
0x234: {  	v23 =	vmax.f32 v23, v29;
	v3 =	vld [tilespmem:s11+$0xC0];
	v26 =	vmul.f32 $2.000000030e-01, v21;
	v18 =	vmul.f32 $1.442695020e+00, v18  }
0x235: {  	v2 =	vmul.f32 v2, v9;
	v17 =	vmul.f32 v17, v10;
	v19 =	vadd.f32 v25, v19;
	v25 =	vld [tilespmem:s1+$0xA0]  }
0x236: {  	v15 =	vmul.f32 v15, v7;
	(erf) = vpow2.f32 v18;
	v18 =	vmax.f32 v21, v26;
	v21 =	vld [tilespmem:s3+$0x20]  }
0x237: {  	v22 =	vadd.f32 v22, v27;
	[tilespmem:s0+$0xFFFFFF30] =	vst v4;
	v13 =	vmul.f32 v13, v14;
	v26 =	vld [tilespmem:s1+$0xFFFFFEC0];
	v29 =	vmul.f32 $2.000000030e-01, v19  }
0x238: {  	v56 =	vld [tilespmem:s8+$0x0];
	[tilespmem:s0+$0x120] =	vst v12;
	v4 =	vmul.f32 $1.442695020e+00, v18;
	v18 =	vmul.f32 $1.442695020e+00, v23  }
0x239: {  	v57 =	vld [tilespmem:s9+$0x10];
	[tilespmem:s0+$0xFFFFFEE0] =	vst v13;
	v23 =	vadd.f32 v28, v24;
	v13 =	vmax.f32 v19, v29;
	v19 =	vmul.f32 $2.000000030e-01, v22  }
0x23a: {  	v3 =	vmul.f32 v3, v8;
	v24 =	vld [tilespmem:s11+$0x130];
	v13 =	vmul.f32 $1.442695020e+00, v13  }
0x23b: {  	[tilespmem:s0+$0xFFFFFF80] =	vst v16;
	v12 =	vld [tilespmem:s11+$0xFFFFFEF0];
	(erf) = vpow2.f32 v4;
	v16 =	vmul.f32 $2.000000030e-01, v23;
	v4 =	vmax.f32 v22, v19  }
0x23c: {  	[tilespmem:s0+$0xFFFFFFD0] =	vst v2;
	v2 =	vld [tilespmem:s11+$0xFFFFFF40];
	(erf) = vpow2.f32 v18;
	v19 =	vadd.f32 v21, v25;
	v20 =	vadd.f32 v20, v26  }
0x23d: {  	[tilespmem:s0+$0x20] =	vst v17;
	v17 =	vld [tilespmem:s11+$0xFFFFFF90];
	v4 =	vmul.f32 $1.442695020e+00, v4;
	v16 =	vmax.f32 v23, v16;
	(erf) = vpow2.f32 v13  }
0x23e: {  	v13 =	vld [tilespmem:s11+$0xFFFFFFE0];
	v16 =	vmul.f32 $1.442695020e+00, v16;
	v21 =	vmul.f32 $2.000000030e-01, v20  }
0x23f: {  	v23 =	vld [tilespmem:s11+$0x30];
	v5 =	vmul.f32 v24, v5;
	v18 =	vmul.f32 $2.000000030e-01, v19  }
0x240: {  	[tilespmem:s0+$0x70] =	vst v15;
	v24 =	vld [tilespmem:s9+$0xFFFFFFE0];
	(erf) = vpow2.f32 v4;
	v4 =	vmul.f32 v12, v14;
	v12 =	vmax.f32 v20, v21  }
0x241: {  	s6 =	simm.s32 $0x8DE0;
	[tilespmem:s0+$0xC0] =	vst v3;
	v2 =	vmul.f32 v2, v6;
	v22 =	vpop (erf);
	v18 =	vmax.f32 v19, v18;
	v19 =	vld [tilespmem:s11+$0x80];
	v3 =	vmul.f32 $1.442695020e+00, v12  }
0x242: {  	(erf) = vpow2.f32 v16;
	v20 =	vld [tilespmem:s11+$0xD0];
	[tilespmem:s6+$0xF0] =	vst v22;
	v15 =	vmul.f32 $1.442695020e+00, v18  }
0x243: {  	[tilespmem:s0+$0xFFFFFEF0] =	vst v4;
	v13 =	vmul.f32 v13, v9;
	v18 =	vld [tilespmem:s1+$0x100]  }
0x244: {  	[tilespmem:s0+$0xFFFFFF40] =	vst v2;
	v4 =	vmul.f32 v17, v11;
	v17 =	vld [tilespmem:s11+$0xFFFFFF00];
	(erf) = vpow2.f32 v15  }
0x245: {  	v21 =	vperm.xlane v22, v1;
	v22 =	vld [tilespmem:s11+$0xFFFFFF50];
	[tilespmem:s0+$0xFFFFFFE0] =	vst v13;
	(erf) = vpow2.f32 v3;
	v3 =	vpop (erf)  }
0x246: {  	v33 =	vld [tilespmem:s11+$0xFFFFFFF0];
	[tilespmem:s6+$0xFFFFFF10] =	vst v3  }
0x247: {  	[tilespmem:s0+$0xFFFFFF90] =	vst v4;
	v15 =	vpop (erf);
	v2 =	vld [tilespmem:s1+$0xFFFFFF20]  }
0x248: {  	v12 =	vmul.f32 v21, v18;
	[tilespmem:s6+$0xFFFFFF60] =	vst v15;
	v18 =	vld [tilespmem:s11+$0xFFFFFFA0];
	v4 =	vpop (erf)  }
0x249: {  	v25 =	vld [tilespmem:s1+$0xFFFFFF70];
	[tilespmem:s6+$0xFFFFFFB0] =	vst v4  }
0x24a: {  	v27 =	vpop (erf);
	[tilespmem:s6+$0x100] =	vst v12;
	v28 =	vld [tilespmem:s1+$0xFFFFFFC0]  }
0x24b: {  	[tilespmem:s6+$0x0] =	vst v27;
	v29 =	vpop (erf);
	v26 =	vld [tilespmem:s1+$0x110]  }
0x24c: {  	v12 =	vperm.xlane v3, v1;
	v30 =	vld [tilespmem:s1+$0x10];
	[tilespmem:s6+$0x50] =	vst v29  }
0x24d: {  	[tilespmem:s0+$0x130] =	vst v5;
	v13 =	vperm.xlane v15, v1;
	v16 =	vperm.xlane v4, v1;
	v31 =	vld [tilespmem:s1+$0x60];
	v3 =	vpop (erf)  }
0x24e: {  	v15 =	vmul.f32 v12, v2;
	v11 =	vmul.f32 v18, v11;
	v18 =	vld [tilespmem:s9+$0xFFFFFFF0];
	[tilespmem:s6+$0xA0] =	vst v3;
	v32 =	vpop (erf)  }
0x24f: {  	v4 =	vperm.xlane v29, v1;
	v25 =	vmul.f32 v13, v25;
	[tilespmem:s6+$0xFFFFFEC0] =	vst v32;
	v34 =	vld [tilespmem:s1+$0xB0]  }
0x250: {  	v2 =	vperm.xlane v27, v1;
	[tilespmem:s6+$0xFFFFFF20] =	vst v15;
	v26 =	vmul.f32 v26, v21;
	v27 =	vld [tilespmem:s1+$0xFFFFFED0]  }
0x251: {  	v3 =	vperm.xlane v3, v1;
	v28 =	vmul.f32 v16, v28;
	v29 =	vld [tilespmem:s1+$0xFFFFFF30];
	[tilespmem:s6+$0xFFFFFF70] =	vst v25  }
0x252: {  	[tilespmem:s6+$0x110] =	vst v26;
	v26 =	vmul.f32 v2, v30;
	v30 =	vmul.f32 v4, v31;
	v31 =	vld [tilespmem:s1+$0xFFFFFF80]  }
0x253: {  	v15 =	vperm.xlane v32, v1;
	[tilespmem:s6+$0xFFFFFFC0] =	vst v28;
	v25 =	vld [tilespmem:s1+$0x120]  }
0x254: {  	v28 =	vld [tilespmem:s1+$0xFFFFFFD0];
	[tilespmem:s6+$0x10] =	vst v26;
	v26 =	vmul.f32 v3, v34  }
0x255: {  	v14 =	vmul.f32 v17, v14;
	v17 =	vadd.f32 v35, v54;
	[tilespmem:s6+$0x60] =	vst v30;
	v27 =	vmul.f32 v15, v27;
	v53 =	vld [tilespmem:s1+$0x20]  }
0x256: {  	v23 =	vmul.f32 v23, v10;
	v6 =	vmul.f32 v22, v6;
	v30 =	vld [tilespmem:s1+$0x70];
	[tilespmem:s6+$0xB0] =	vst v26  }
0x257: {  	v22 =	vmul.f32 v29, v12;
	v29 =	vmul.f32 $2.000000030e-01, v17;
	[tilespmem:s6+$0xFFFFFED0] =	vst v27;
	v26 =	vld [tilespmem:s1+$0xC0]  }
0x258: {  	[tilespmem:s0+$0x30] =	vst v23;
	v19 =	vmul.f32 v19, v7;
	v25 =	vmul.f32 v25, v21;
	v27 =	vld [tilespmem:s1+$0xFFFFFEE0]  }
0x259: {  	v5 =	vmul.f32 v33, v9;
	v9 =	vmul.f32 v31, v13;
	v31 =	vld [tilespmem:s9+$0x0];
	[tilespmem:s6+$0xFFFFFF30] =	vst v22;
	v17 =	vmax.f32 v17, v29  }
0x25a: {  	v22 =	vmul.f32 v28, v16;
	v29 =	vld [tilespmem:s8+$0x50];
	v17 =	vmul.f32 $1.442695020e+00, v17;
	[tilespmem:s6+$0x120] =	vst v25  }
0x25b: {  	[tilespmem:s6+$0xFFFFFF80] =	vst v9;
	v28 =	vmul.f32 v53, v2;
	v9 =	vmul.f32 v30, v4;
	v30 =	vadd.f32 v38, v37;
	v25 =	vld [tilespmem:s1+$0x130]  }
0x25c: {  	[tilespmem:s6+$0xFFFFFFD0] =	vst v22;
	(erf) = vpow2.f32 v17;
	v17 =	vld [tilespmem:s9+$0x20];
	v22 =	vmul.f32 v26, v3  }
0x25d: {  	v18 =	vadd.f32 v18, v55;
	[tilespmem:s6+$0x20] =	vst v28;
	v28 =	vmul.f32 $2.000000030e-01, v30;
	v26 =	vmul.f32 v27, v15;
	v27 =	vld [tilespmem:s8+$0xA0]  }
0x25e: {  	v24 =	vadd.f32 v24, v39;
	v20 =	vmul.f32 v20, v8;
	[tilespmem:s0+$0x80] =	vst v19  }
0x25f: {  	v36 =	vld [tilespmem:s9+$0xFFFFFFC0];
	v23 =	vadd.f32 v57, v29;
	[tilespmem:s6+$0xFFFFFEE0] =	vst v26;
	v26 =	vmax.f32 v30, v28;
	v28 =	vmul.f32 $2.000000030e-01, v18  }
0x260: {  	[tilespmem:s6+$0x70] =	vst v9;
	v9 =	vmul.f32 v25, v21;
	v21 =	vmul.f32 $2.000000030e-01, v24;
	v25 =	vadd.f32 v31, v56;
	v31 =	vld [tilespmem:s8+$0xFFFFFEC0]  }
0x261: {  	[tilespmem:s6+$0xC0] =	vst v22;
	v19 =	vmul.f32 $2.000000030e-01, v23;
	v22 =	vmul.f32 $1.442695020e+00, v26;
	v18 =	vmax.f32 v18, v28;
	v28 =	vld [tilespmem:s1+$0xFFFFFF40]  }
0x262: {  	[tilespmem:s0+$0xFFFFFF00] =	vst v14;
	v21 =	vmax.f32 v24, v21;
	v24 =	vld [tilespmem:s1+$0xFFFFFEF0];
	v26 =	vmul.f32 $2.000000030e-01, v25;
	v17 =	vadd.f32 v17, v27  }
0x263: {  	v14 =	vmax.f32 v23, v19;
	[tilespmem:s6+$0x130] =	vst v9;
	v9 =	vmul.f32 $1.442695020e+00, v18;
	v18 =	vld [tilespmem:s1+$0xFFFFFF90];
	v21 =	vmul.f32 $1.442695020e+00, v21  }
0x264: {  	(erf) = vpow2.f32 v22;
	v27 =	vld [tilespmem:s1+$0xD0];
	v22 =	vmax.f32 v25, v26;
	v19 =	vmul.f32 $2.000000030e-01, v17  }
0x265: {  	[tilespmem:s0+$0xD0] =	vst v20;
	v25 =	vld [tilespmem:s1+$0xFFFFFFE0];
	v26 =	vadd.f32 v36, v31;
	v20 =	vmul.f32 $1.442695020e+00, v22;
	(erf) = vpow2.f32 v21  }
0x266: {  	[tilespmem:s0+$0xFFFFFF50] =	vst v6;
	v6 =	vmul.f32 $1.442695020e+00, v14;
	v21 =	vld [tilespmem:s1+$0x30];
	(erf) = vpow2.f32 v9  }
0x267: {  	s10 =	simm.s32 $0x9060;
	[tilespmem:s0+$0xFFFFFFF0] =	vst v5;
	v22 =	vld [tilespmem:s1+$0x80];
	v9 =	vpop (erf);
	v14 =	vmax.f32 v17, v19;
	v23 =	vmul.f32 $2.000000030e-01, v26;
	(erf) = vpow2.f32 v20  }
0x268: {  	v19 =	vld [tilespmem:s11+$0x40];
	[tilespmem:s10+$0xF0] =	vst v9;
	v17 =	vmul.f32 v24, v15;
	v14 =	vmul.f32 $1.442695020e+00, v14  }
0x269: {  	[tilespmem:s0+$0xFFFFFFA0] =	vst v11;
	v5 =	vmul.f32 v18, v13;
	v20 =	vld [tilespmem:s8+$0x100];
	(erf) = vpow2.f32 v6;
	v11 =	vmax.f32 v26, v23  }
0x26a: {  	v24 =	vld [tilespmem:s11+$0x90];
	[tilespmem:s6+$0xFFFFFEF0] =	vst v17;
	v25 =	vmul.f32 v25, v16;
	v6 =	vmul.f32 $1.442695020e+00, v11  }
0x26b: {  	(erf) = vpow2.f32 v14;
	v11 =	vmul.f32 v28, v12;
	v23 =	vld [tilespmem:s1+$0xFFFFFF00]  }
0x26c: {  	v14 =	vperm.xlane v9, v1;
	v28 =	vld [tilespmem:s11+$0xE0];
	[tilespmem:s6+$0xFFFFFFE0] =	vst v25;
	(erf) = vpow2.f32 v6  }
0x26d: {  	[tilespmem:s6+$0xFFFFFF40] =	vst v11;
	v61 =	vld [tilespmem:s1+$0xFFFFFFF0]  }
0x26e: {  	[tilespmem:s6+$0xFFFFFF90] =	vst v5;
	v11 =	vld [tilespmem:s1+$0xFFFFFF50];
	v9 =	vmul.f32 v14, v20;
	v6 =	vpop (erf)  }
0x26f: {  	v20 =	vld [tilespmem:s1+$0xFFFFFFA0];
	[tilespmem:s10+$0xFFFFFF10] =	vst v6  }
0x270: {  	v18 =	vpop (erf);
	[tilespmem:s10+$0x100] =	vst v9;
	v26 =	vld [tilespmem:s8+$0xFFFFFF20]  }
0x271: {  	[tilespmem:s10+$0xFFFFFF60] =	vst v18;
	v29 =	vpop (erf);
	v31 =	vld [tilespmem:s8+$0x110]  }
0x272: {  	v17 =	vmul.f32 v21, v2;
	v5 =	vperm.xlane v6, v1;
	v30 =	vld [tilespmem:s8+$0xFFFFFF70];
	[tilespmem:s10+$0xFFFFFFB0] =	vst v29;
	v58 =	vpop (erf)  }
0x273: {  	v9 =	vperm.xlane v18, v1;
	v18 =	vmul.f32 v23, v15;
	v21 =	vld [tilespmem:s8+$0xFFFFFFC0];
	[tilespmem:s10+$0x0] =	vst v58;
	v59 =	vpop (erf)  }
0x274: {  	v15 =	vmul.f32 v19, v10;
	v6 =	vperm.xlane v29, v1;
	v29 =	vld [tilespmem:s8+$0x10];
	[tilespmem:s10+$0x50] =	vst v59;
	v60 =	vpop (erf)  }
0x275: {  	v19 =	vmul.f32 v11, v12;
	v23 =	vld [tilespmem:s8+$0x60];
	[tilespmem:s10+$0xA0] =	vst v60;
	v11 =	vmul.f32 v5, v26;
	v25 =	vpop (erf)  }
0x276: {  	v20 =	vmul.f32 v20, v13;
	v26 =	vld [tilespmem:s8+$0xB0];
	v13 =	vmul.f32 v31, v14;
	[tilespmem:s10+$0xFFFFFEC0] =	vst v25  }
0x277: {  	v10 =	vperm.xlane v58, v1;
	v30 =	vmul.f32 v9, v30;
	[tilespmem:s10+$0xFFFFFF20] =	vst v11;
	v31 =	vld [tilespmem:s8+$0xFFFFFED0]  }
0x278: {  	v12 =	vperm.xlane v59, v1;
	v21 =	vmul.f32 v6, v21;
	[tilespmem:s10+$0x110] =	vst v13;
	v62 =	vld [tilespmem:s8+$0xFFFFFF30]  }
0x279: {  	v11 =	vperm.xlane v60, v1;
	v29 =	vmul.f32 v10, v29;
	[tilespmem:s10+$0xFFFFFF70] =	vst v30;
	v30 =	vld [tilespmem:s8+$0x120]  }
0x27a: {  	v13 =	vperm.xlane v25, v1;
	v25 =	vmul.f32 v12, v23;
	[tilespmem:s10+$0xFFFFFFC0] =	vst v21;
	v63 =	vld [tilespmem:s8+$0xFFFFFF80]  }
0x27b: {  	v21 =	vmul.f32 v22, v4;
	[tilespmem:s10+$0x10] =	vst v29;
	v23 =	vld [tilespmem:s8+$0xFFFFFFD0];
	v29 =	vmul.f32 v11, v26  }
0x27c: {  	v22 =	vmul.f32 v27, v3;
	[tilespmem:s10+$0x60] =	vst v25;
	v26 =	vld [tilespmem:s8+$0x20];
	v27 =	vmul.f32 v13, v31  }
0x27d: {  	v7 =	vmul.f32 v24, v7;
	v24 =	vld [tilespmem:s8+$0x70];
	[tilespmem:s10+$0xB0] =	vst v29;
	v31 =	vmul.f32 v62, v5  }
0x27e: {  	v8 =	vmul.f32 v28, v8;
	v25 =	vld [tilespmem:s8+$0xC0];
	v28 =	vmul.f32 v30, v14;
	[tilespmem:s10+$0xFFFFFED0] =	vst v27  }
0x27f: {  	s3 =	simm.s32 $0x56E0;
	s11 =	simm.s32 $0x10;
	v16 =	vmul.f32 v61, v16;
	v29 =	vmul.f32 v63, v9;
	v27 =	vld [tilespmem:s8+$0xFFFFFEE0];
	[tilespmem:s10+$0xFFFFFF30] =	vst v31  }
.LBB2_8:
0x280: {  	v30 =	vld [tilespmem:s3+$0xF0];
	v23 =	vmul.f32 v23, v6;
	[tilespmem:s10+$0x120] =	vst v28  }
0x281: {  	s9 =	sadd.s32 $0x80, s9;
	[tilespmem:s10+$0xFFFFFF80] =	vst v29;
	v26 =	vmul.f32 v26, v10;
	v28 =	vld [tilespmem:s8+$0x130]  }
0x282: {  	s11 =	sadd.s32 $0x8, s11;
	v29 =	vld [tilespmem:s9+$0x30];
	[tilespmem:s10+$0xFFFFFFD0] =	vst v23;
	v23 =	vmul.f32 v24, v12  }
0x283: {  	p0 =	slt.u32 s11, $0x48;
	v24 =	vld [tilespmem:s9+$0xFFFFFFC0];
	[tilespmem:s10+$0x20] =	vst v26;
	v25 =	vmul.f32 v25, v11  }
0x284: {  	v26 =	vld [tilespmem:s3+$0xFFFFFF10];
	v27 =	vmul.f32 v27, v13;
	[tilespmem:s10+$0x70] =	vst v23  }
0x285: {  	v23 =	vld [tilespmem:s9+$0xFFFFFFD0];
	[tilespmem:s10+$0xC0] =	vst v25  }
0x286: {  	v25 =	vld [tilespmem:s3+$0xFFFFFF60];
	[tilespmem:s10+$0xFFFFFEE0] =	vst v27;
	v14 =	vmul.f32 v28, v14  }
0x287: {  	v27 =	vld [tilespmem:s9+$0xFFFFFFE0];
	v28 =	vadd.f32 v29, v30;
	[tilespmem:s6+$0x30] =	vst v17  }
0x288: {  	v17 =	vld [tilespmem:s3+$0xFFFFFFB0];
	[tilespmem:s10+$0x130] =	vst v14  }
0x289: {  	v14 =	vld [tilespmem:s9+$0xFFFFFFF0];
	v29 =	vmul.f32 $2.000000030e-01, v28;
	[tilespmem:s6+$0x80] =	vst v21  }
0x28a: {  	v21 =	vadd.f32 v23, v26;
	v23 =	vld [tilespmem:s3+$0x0];
	[tilespmem:s6+$0xD0] =	vst v22  }
0x28b: {  	v22 =	vld [tilespmem:s9+$0x0];
	v26 =	vmax.f32 v28, v29;
	[tilespmem:s6+$0xFFFFFF00] =	vst v18  }
0x28c: {  	v18 =	vmul.f32 $2.000000030e-01, v21;
	v25 =	vadd.f32 v27, v25;
	v27 =	vld [tilespmem:s3+$0x50];
	v26 =	vmul.f32 $1.442695020e+00, v26;
	[tilespmem:s6+$0xFFFFFF50] =	vst v19  }
0x28d: {  	v19 =	vld [tilespmem:s9+$0x10];
	[tilespmem:s6+$0xFFFFFFA0] =	vst v20  }
0x28e: {  	v20 =	vmul.f32 $2.000000030e-01, v25;
	v14 =	vadd.f32 v14, v17;
	v17 =	vld [tilespmem:s3+$0xA0];
	(erf) = vpow2.f32 v26;
	[tilespmem:s6+$0xFFFFFFF0] =	vst v16  }
0x28f: {  	v16 =	vmax.f32 v21, v18;
	v18 =	vld [tilespmem:s9+$0x20];
	[tilespmem:s0+$0x40] =	vst v15  }
0x290: {  	v15 =	vld [tilespmem:s3+$0xFFFFFEC0];
	v20 =	vmax.f32 v25, v20;
	v21 =	vmul.f32 $2.000000030e-01, v14;
	v22 =	vadd.f32 v22, v23;
	[tilespmem:s0+$0x90] =	vst v7  }
0x291: {  	v7 =	vmul.f32 $1.442695020e+00, v16;
	v16 =	vmul.f32 $1.442695020e+00, v20;
	v20 =	vld [tilespmem:s8+$0xFFFFFEF0];
	[tilespmem:s0+$0xE0] =	vst v8;
	s0 =	smov.u32 s6;
	s6 =	smov.u32 s10  }
0x292: {  	v8 =	vmax.f32 v14, v21;
	v14 =	vmul.f32 $2.000000030e-01, v22;
	v19 =	vadd.f32 v19, v27;
	v21 =	vld [tilespmem:s8+$0xFFFFFF40]  }
0x293: {  	v8 =	vmul.f32 $1.442695020e+00, v8;
	(erf) = vpow2.f32 v7;
	v7 =	vld [tilespmem:s8+$0xFFFFFF90]  }
0x294: {  	v14 =	vmax.f32 v22, v14;
	v22 =	vmul.f32 $2.000000030e-01, v19;
	v17 =	vadd.f32 v18, v17;
	v18 =	vld [tilespmem:s8+$0xFFFFFFE0]  }
0x295: {  	v15 =	vadd.f32 v24, v15;
	v14 =	vmul.f32 $1.442695020e+00, v14;
	(erf) = vpow2.f32 v16;
	v16 =	vld [tilespmem:s8+$0x30]  }
0x296: {  	s10 =	sadd.s32 $0x280, s10;
	v19 =	vmax.f32 v19, v22;
	v22 =	vmul.f32 $2.000000030e-01, v17;
	(erf) = vpow2.f32 v8;
	v8 =	vld [tilespmem:s8+$0x80]  }
0x297: {  	v23 =	vmul.f32 $2.000000030e-01, v15;
	v19 =	vmul.f32 $1.442695020e+00, v19;
	v24 =	vpop (erf);
	v25 =	vld [tilespmem:s8+$0xD0]  }
0x298: {  	v17 =	vmax.f32 v17, v22;
	[tilespmem:s10+$0xF0] =	vst v24;
	(erf) = vpow2.f32 v14;
	v14 =	vmul.f32 v20, v13;
	v20 =	vld [tilespmem:s1+$0x40]  }
0x299: {  	v15 =	vmax.f32 v15, v23;
	v17 =	vmul.f32 $1.442695020e+00, v17;
	v22 =	vld [tilespmem:s3+$0x100];
	(erf) = vpow2.f32 v19  }
0x29a: {  	v19 =	vmul.f32 v21, v5;
	v27 =	vmul.f32 $1.442695020e+00, v15;
	[tilespmem:s6+$0xFFFFFEF0] =	vst v14;
	v23 =	vld [tilespmem:s1+$0x90]  }
0x29b: {  	v7 =	vmul.f32 v7, v9;
	(erf) = vpow2.f32 v17;
	v26 =	vld [tilespmem:s8+$0xFFFFFF00]  }
0x29c: {  	v14 =	vperm.xlane v24, v1;
	(erf) = vpow2.f32 v27;
	v15 =	vpop (erf);
	[tilespmem:s6+$0xFFFFFF40] =	vst v19;
	v24 =	vld [tilespmem:s1+$0xE0];
	s1 =	smov.u32 s8;
	s8 =	smov.u32 s3  }
0x29d: {  	v28 =	vmul.f32 v18, v6;
	[tilespmem:s10+$0xFFFFFF10] =	vst v15;
	v27 =	vperm.xlane v15, v1;
	v19 =	vld [tilespmem:s1+$0xFFFFFF50]  }
0x29e: {  	v17 =	vmul.f32 v16, v10;
	v29 =	vld [tilespmem:s3+$0xFFFFFF20];
	v15 =	vmul.f32 v14, v22;
	v18 =	vpop (erf);
	[tilespmem:s6+$0xFFFFFF90] =	vst v7  }
0x29f: {  	v21 =	vmul.f32 v8, v12;
	[tilespmem:s10+$0xFFFFFF60] =	vst v18;
	v16 =	vperm.xlane v18, v1;
	v7 =	vpop (erf);
	v30 =	vld [tilespmem:s1+$0xFFFFFFA0]  }
0x2a0: {  	v22 =	vmul.f32 v25, v11;
	v8 =	vld [tilespmem:s3+$0xFFFFFF70];
	v31 =	vperm.xlane v7, v1;
	[tilespmem:s10+$0x100] =	vst v15  }
0x2a1: {  	v18 =	vmul.f32 v26, v13;
	v15 =	vmul.f32 v20, v2;
	v2 =	vmov v10;
	[tilespmem:s10+$0xFFFFFFB0] =	vst v7;
	v25 =	vld [tilespmem:s3+$0x110];
	v7 =	vpop (erf)  }
0x2a2: {  	v26 =	vld [tilespmem:s3+$0xFFFFFFC0];
	[tilespmem:s10+$0x0] =	vst v7;
	v10 =	vperm.xlane v7, v1;
	v7 =	vpop (erf);
	v19 =	vmul.f32 v19, v5;
	v5 =	vmov v27  }
0x2a3: {  	v27 =	vmul.f32 v5, v29;
	v29 =	vld [tilespmem:s3+$0x10];
	[tilespmem:s10+$0x50] =	vst v7;
	v32 =	vperm.xlane v7, v1  }
0x2a4: {  	v7 =	vmul.f32 v23, v4;
	v33 =	vld [tilespmem:s3+$0x60];
	v13 =	vpop (erf);
	v20 =	vmul.f32 v30, v9;
	[tilespmem:s6+$0xFFFFFFE0] =	vst v28;
	v9 =	vmov v16  }
0x2a5: {  	v4 =	vmov v12;
	v16 =	vmul.f32 v9, v8;
	[tilespmem:s10+$0xA0] =	vst v13;
	v23 =	vperm.xlane v13, v1;
	v8 =	vpop (erf);
	v28 =	vld [tilespmem:s1+$0xFFFFFFF0]  }
0x2a6: {  	v12 =	vmov v32;
	[tilespmem:s10+$0xFFFFFEC0] =	vst v8;
	v13 =	vperm.xlane v8, v1;
	v30 =	vld [tilespmem:s3+$0xB0];
	v25 =	vmul.f32 v25, v14  }
0x2a7: {  	v8 =	vmul.f32 v24, v3;
	v3 =	vmovc v11;
	v32 =	vld [tilespmem:s3+$0xFFFFFED0];
	[tilespmem:s10+$0xFFFFFF20] =	vst v27;
	v26 =	vmul.f32 v31, v26;
	v11 =	vmov v23  }
0x2a8: {  	v24 =	vld [tilespmem:s3+$0xFFFFFF30];
	v27 =	vmul.f32 v10, v29;
	[tilespmem:s10+$0x110] =	vst v25  }
0x2a9: {  	[tilespmem:s10+$0xFFFFFF70] =	vst v16;
	v25 =	vmul.f32 v12, v33;
	v29 =	vld [tilespmem:s3+$0x120]  }
0x2aa: {  	v33 =	vld [tilespmem:s3+$0xFFFFFF80];
	[tilespmem:s10+$0xFFFFFFC0] =	vst v26;
	v16 =	vmul.f32 v28, v6;
	v6 =	vmov v31  }
.Ltmp3:
0x2ab: {  	v23 =	vld [tilespmem:s3+$0xFFFFFFD0];
	[tilespmem:s10+$0x10] =	vst v27;
	v27 =	vmul.f32 v11, v30;
	(pc) =	sbr.rel @p0 .LBB2_8-.Ltmp3, $4  }
0x2ac: {  	v28 =	vmul.f32 v13, v32;
	v26 =	vld [tilespmem:s3+$0x20];
	[tilespmem:s10+$0x60] =	vst v25  }
0x2ad: {  	v30 =	vmul.f32 v24, v5;
	v24 =	vld [tilespmem:s3+$0x70];
	[tilespmem:s10+$0xB0] =	vst v27  }
0x2ae: {  	[tilespmem:s10+$0xFFFFFED0] =	vst v28;
	v25 =	vld [tilespmem:s3+$0xC0];
	v28 =	vmul.f32 v29, v14  }
0x2af: {  	s3 =	sadd.s32 $0x280, s3;
	v27 =	vld [tilespmem:s8+$0xFFFFFEE0];
	[tilespmem:s10+$0xFFFFFF30] =	vst v30;
	v29 =	vmul.f32 v33, v9  }
0x2b0: {  	[tilespmem:s10+$0x120] =	vst v28  }
0x2b1: {  	[tilespmem:s6+$0x30] =	vst v17  }
0x2b2: {  	[tilespmem:s6+$0x80] =	vst v21  }
0x2b3: {  	[tilespmem:s6+$0xD0] =	vst v22  }
0x2b4: {  	[tilespmem:s6+$0xFFFFFF00] =	vst v18  }
0x2b5: {  	[tilespmem:s6+$0xFFFFFF50] =	vst v19  }
0x2b6: {  	[tilespmem:s6+$0xFFFFFFA0] =	vst v20  }
0x2b7: {  	[tilespmem:s6+$0xFFFFFFF0] =	vst v16  }
0x2b8: {  	[tilespmem:s0+$0x40] =	vst v15  }
0x2b9: {  	[tilespmem:s0+$0x90] =	vst v7  }
0x2ba: {  	v23 =	vmul.f32 v23, v6;
	v39 =	vld [tilespmem:s8+$0xFFFFFF40];
	[tilespmem:s0+$0xE0] =	vst v8  }
0x2bb: {  	[tilespmem:s10+$0xFFFFFF80] =	vst v29;
	v26 =	vmul.f32 v26, v10;
	v28 =	vld [tilespmem:s8+$0x130]  }
0x2bc: {  	v53 =	vld [tilespmem:s1+$0x40];
	[tilespmem:s10+$0xFFFFFFD0] =	vst v23;
	v35 =	vmul.f32 v24, v12  }
0x2bd: {  	v54 =	vld [tilespmem:s1+$0x90];
	[tilespmem:s10+$0x20] =	vst v26;
	v36 =	vmul.f32 v25, v11  }
0x2be: {  	v40 =	vld [tilespmem:s8+$0xFFFFFF90];
	v37 =	vmul.f32 v27, v13;
	[tilespmem:s10+$0x70] =	vst v35  }
0x2bf: {  	v41 =	vld [tilespmem:s8+$0xFFFFFFE0];
	[tilespmem:s10+$0xC0] =	vst v36;
	v44 =	vmul.f32 v39, v5  }
0x2c0: {  	v42 =	vld [tilespmem:s8+$0x30];
	[tilespmem:s10+$0xFFFFFEE0] =	vst v37;
	v14 =	vmul.f32 v28, v14  }
0x2c1: {  	v43 =	vld [tilespmem:s8+$0x80];
	v2 =	vmul.f32 v53, v2;
	[tilespmem:s10+$0xFFFFFF40] =	vst v44  }
0x2c2: {  	v45 =	vld [tilespmem:s8+$0xD0];
	v4 =	vmul.f32 v54, v4;
	[tilespmem:s10+$0x130] =	vst v14  }
0x2c3: {  	v38 =	vld [tilespmem:s8+$0xFFFFFEF0];
	v46 =	vmul.f32 v40, v9;
	[tilespmem:s6+$0x40] =	vst v2  }
0x2c4: {  	v56 =	vld [tilespmem:s1+$0xE0];
	v48 =	vmul.f32 v41, v6;
	[tilespmem:s6+$0x90] =	vst v4  }
0x2c5: {  	v49 =	vld [tilespmem:s8+$0xFFFFFF50];
	[tilespmem:s10+$0xFFFFFF90] =	vst v46;
	v50 =	vmul.f32 v42, v10  }
0x2c6: {  	v51 =	vld [tilespmem:s8+$0xFFFFFFA0];
	[tilespmem:s10+$0xFFFFFFE0] =	vst v48;
	v7 =	vmul.f32 v43, v12  }
0x2c7: {  	v52 =	vld [tilespmem:s8+$0xFFFFFFF0];
	v17 =	vmul.f32 v45, v11;
	[tilespmem:s10+$0x30] =	vst v50  }
0x2c8: {  	v14 =	vmul.f32 v38, v13;
	[tilespmem:s10+$0x80] =	vst v7;
	v59 =	vld [tilespmem:s8+$0x40]  }
0x2c9: {  	v3 =	vmul.f32 v56, v3;
	[tilespmem:s10+$0xD0] =	vst v17;
	v61 =	vld [tilespmem:s8+$0x90]  }
0x2ca: {  	v57 =	vmul.f32 v49, v5;
	[tilespmem:s10+$0xFFFFFEF0] =	vst v14;
	v62 =	vld [tilespmem:s8+$0xE0]  }
0x2cb: {  	[tilespmem:s6+$0xE0] =	vst v3;
	v47 =	vld [tilespmem:s8+$0xFFFFFF00];
	v58 =	vmul.f32 v51, v9  }
0x2cc: {  	[tilespmem:s10+$0xFFFFFF50] =	vst v57;
	v60 =	vmul.f32 v52, v6  }
0x2cd: {  	[tilespmem:s10+$0xFFFFFFA0] =	vst v58;
	v2 =	vmul.f32 v59, v10  }
0x2ce: {  	[tilespmem:s10+$0xFFFFFFF0] =	vst v60;
	v3 =	vmul.f32 v61, v12  }
0x2cf: {  	v63 =	vmul.f32 v62, v11;
	[tilespmem:s10+$0x40] =	vst v2  }
0x2d0: {  	v55 =	vmul.f32 v47, v13;
	[tilespmem:s10+$0x90] =	vst v3  }
0x2d1: {  	[tilespmem:s10+$0xE0] =	vst v63  }
0x2d2: {  	s14 =	simm.s32 $0x4DD0;
	[tilespmem:s10+$0xFFFFFF00] =	vst v55  }
0x2d3: {  	[spmem:s2] =	stream.indirect.scatter.add.f32 [tilespmem:s17], [sflag:$0x5], $0x50, s14, s15, $0xb8;
	[tilespmem:$0x18470] =	vst v63  }
0x2d4: {  	_ =	swait.ge [sflag:s25], $0x1900  }
0x2d5: {  	[sflag:s25] =	ssyncset.done $0x0  }
0x2d6: {  	[sflag:s25] =	ssyncadd.s32 $0xFFFFE700  }
0x2d7: {  	_ =	swait.ge [sflag:s29], $0x1900  }
0x2d8: {  	[sflag:s29] =	ssyncset.done $0x0  }
0x2d9: {  	[sflag:s29] =	ssyncadd.s32 $0xFFFFE700  }
0x2da: {  	[bflag:$0x0] =	sbarrier.arrive $0xFFFF  }
0x2db: {  	s16 =	rddreg [dreg:$0x8]  }
0x2dc: {  	[hbm:s16], [sflag:s7] =	dma.local [spmem:s12], $0x1900  }
0x2dd: {  	_ =	swait.ge [sflag:s13], $0x1900  }
0x2de: {  	s31 =	sadd.s32 $0x1, s31;
	s30 =	rddreg [dreg:$0x7]  }
0x2df: {  	p0 =	sne.s32 s31, s30  }
.Ltmp4:
0x2e0: {  	_ = 	snop;
	(pc) =	sbr.rel @p0 .LBB2_1-.Ltmp4, $3  }
0x2e1: {  	_ =	sdelay $0x1  }
0x2e2: {  	[sflag:s13] =	ssyncset.done $0x0  }
0x2e3: {  	[sflag:s13] =	ssyncadd.s32 $0xFFFFE700  }
0x2e4: {  	_ =	sfence.sel $0x180000  }
0x2e5: {  	[bflag:$0x0] =	sbarrier.arrive $0xFFFF  }
0x2e6: {  	_ =	strace $0x9000004A  }
0x2e7: {  	s0 =	stileid.u32;
	[bflag:$0x2] =	sbarrier.arrive $0xFFFF  }
0x2e8: {  	p0 =	sne.s32 s0, $0x0;
	s0 =	rddreg [dreg:$0x3]  }
0x2e9: {  	s0 =	sadd.s32 @!p0 $0x100000, s0  }
0x2ea: {  	[sflag:s0] =	ssyncadd.tile.s32 @!p0 $0x1;
	_ =	shalt  }
.Lfunc_end2:
_tile_overlayer_lowered:
.L_overlay_start_2:
0x2eb: {  	(tag) =	ssettag $0x2  }
0x2ec: {  	s0 =	rddreg [dreg:$0x0];
	s2 =	stileid.u32  }
0x2ed: {  	s1 =	rddreg [dreg:$0x1];
	p0 =	sne.s32 s2, $0x0  }
0x2ee: {  	s3 =	rddreg [dreg:$0x2];
	[bflag:$0x3] =	sbarrier.arrive $0xFFFF;
	s2 =	simm.s32 @!p0 $0x1C07  }
0x2ef: {  	[timem:s3], [sflag:s2] =	dma.local @!p0 [hbm:s0], s1  }
0x2f0: {  	s0 =	simm.s32 @!p0 $0x7  }
0x2f1: {  	_ =	swait.ge @!p0 [sflag:s0], s1  }
0x2f2: {  	s1 =	ssub.s32 @!p0 $0x0, s1;
	[sflag:s0] =	ssyncset.done @!p0 $0x0  }
0x2f3: {  	[sflag:s0] =	ssyncadd.s32 @!p0 s1  }
0x2f4: {  	[bflag:$0x3] =	sbarrier.arrive $0xFFFF  }
0x2f5: {  	_ =	shalt  }

// kernel: kernel.8.cloned.1.call-start
scs
__scs_entry_jumppad:
0x0: {  	(pc) =	sbr.rel $0x88, $3  }
0x1: {  	(tag) =	ssettag $0x0;
	lr =	simm.s32 $0x1  }
0x2: {  	[smem:$0x3F97] =	sst lr;
	_ =	strace $0xD0000000  }
0x3: {  	_ = 	snop  }
0x4: {  	_ = 	snop  }
0x5: {  	_ = 	snop  }
0x6: {  	_ = 	snop  }
0x7: {  	_ = 	snop  }
__scs_overlays_trampoline_lowered:
0x8: {  	[smem:$0x3FA6] =	sst s0  }
0x9: {  	[smem:$0x3FA7] =	sst s1  }
0xa: {  	[smem:$0x3FA8] =	sst s2  }
0xb: {  	[smem:$0x3FA9] =	sst s3  }
0xc: {  	[smem:$0x3FAA] =	sst s4  }
0xd: {  	[smem:$0x3FAB] =	sst s5  }
0xe: {  	[smem:$0x3FAC] =	sst s6  }
0xf: {  	[smem:$0x3FAD] =	sst s7  }
0x10: {  	[smem:$0x3FAE] =	sst s8  }
0x11: {  	[smem:$0x3FAF] =	sst s9;
	s0 =	simm.s32 @!p0 $0x0  }
0x12: {  	s1 =	sld [smem:$0x3F95];
	s0 =	simm.s32 @p0 $0x1  }
0x13: {  	[smem:$0x3FB0] =	sst s0;
	s0 =	simm.s32 @!p1 $0x0  }
0x14: {  	s2 =	sld [smem:$0x3F94];
	s0 =	simm.s32 @p1 $0x1  }
0x15: {  	[smem:$0x3FB1] =	sst s0;
	s0 =	simm.s32 @!p2 $0x0  }
0x16: {  	s3 =	sld [smem:$0x3FDB];
	s0 =	simm.s32 @p2 $0x1  }
0x17: {  	s4 =	simm.s32 $0x1BF5;
	[smem:$0x3FB3] =	sst s0  }
0x18: {  	s0 =	sld [smem:$0x3F96];
	_ =	swait.ge [sflag:s4], $0x0  }
0x19: {  	s7 =	sld [smem:$0x3F97]  }
0x1a: {  	s8 =	sadd.s32 $0xFFFFE003, lr  }
0x1b: {  	s9 =	sadd.s32 $0xFFFFFEF7, lr;
	s5 =	simm.s32 $0xFFFFFFFF;
	p2 =	slt.u32 s8, $0xFFFFF086  }
0x1c: {  	p1 =	slt.u32 s9, $0xF7A;
	s5 =	simm.s32 @!p2 $0x0  }
0x1d: {  	s5 =	simm.s32 @p1 $0x1;
	p0 =	seq.s32 s7, s2  }
0x1e: {  	s7 =	smul.u32 @!p0 $0xF7A, s2;
	p2 =	seq.s32 @!p0 s5, $0x0  }
0x1f: {  	s9 =	smul.u32 $0xF7A, s1;
	s8 =	simm.s32 @!p0 $0x1BF5;
	p2 =	por !p2, p0  }
0x20: {  	[sflag:s8] =	ssyncset.s32 @!p0 $0xFFFFF086;
	s6 =	sadd.s32 @!p0 s3, s7;
	s7 =	simm.s32 @!p0 $0x108  }
0x21: {  	s3 =	sadd.s32 s3, s9;
	s6 =	sadd.s32 @!p0 $0x88, s6;
	s7 =	simm.s32 @p2 $0x1082  }
0x22: {  	[simem:s7], [sflag:s8] =	dma.local @!p0 [hbm:s6], $0xF7A  }
0x23: {  	s9 =	sor.u32 $0xD0000000, s2;
	s6 =	simm.s32 $0x108;
	_ =	swait.ge @!p0 [sflag:s8], $0x0  }
0x24: {  	s3 =	sadd.s32 $0x88, s3;
	s6 =	simm.s32 @!p1 $0x1082;
	[sflag:s4] =	ssyncset.s32 $0xFFFFF086  }
0x25: {  	[simem:s6], [sflag:s4] =	dma.local [hbm:s3], $0xF7A  }
0x26: {  	[smem:$0x3F97] =	sst s1;
	(tag) =	ssettag s2;
	_ =	strace s9  }
0x27: {  	s1 =	sld [smem:$0x3FA7]  }
0x28: {  	s2 =	sld [smem:$0x3FA8]  }
0x29: {  	s4 =	sld [smem:$0x3FAA]  }
0x2a: {  	p0 =	seq.s32 s5, $0x0;
	s5 =	sld [smem:$0x3FAB]  }
0x2b: {  	s6 =	sld [smem:$0x3FAC]  }
0x2c: {  	s7 =	sld [smem:$0x3FAD]  }
0x2d: {  	s3 =	simm.s32 $0x108;
	s8 =	sld [smem:$0x3FAE]  }
0x2e: {  	s3 =	simm.s32 @!p0 $0x1082;
	s9 =	sld [smem:$0x3FAF]  }
0x2f: {  	lr =	sadd.s32 s0, s3;
	s0 =	sld [smem:$0x3FA6]  }
0x30: {  	s3 =	sld [smem:$0x3FA9]  }
0x31: {  	[smem:$0x3FB2] =	sst s10  }
0x32: {  	s10 =	sld [smem:$0x3FB0];
	_ =	sdelay $0x3  }
0x33: {  	p0 =	seq.s32 s10, $0x1;
	s10 =	sld [smem:$0x3FB2];
	_ =	sdelay $0x3  }
0x34: {  	[smem:$0x3FB2] =	sst s10  }
0x35: {  	s10 =	sld [smem:$0x3FB1];
	_ =	sdelay $0x3  }
0x36: {  	p1 =	seq.s32 s10, $0x1;
	s10 =	sld [smem:$0x3FB2];
	_ =	sdelay $0x3  }
0x37: {  	[smem:$0x3FB2] =	sst s10  }
0x38: {  	s10 =	sld [smem:$0x3FB3]  }
0x39: {  	_ = 	snop;
	(pc) =	sbr.ind lr, $3  }
0x3a: {  	_ = 	snop  }
0x3b: {  	_ = 	snop  }
0x3c: {  	p2 =	seq.s32 s10, $0x1;
	s10 =	sld [smem:$0x3FB2]  }
0x3d: {  	_ =	shalt  }
0x3e: {  	_ =	shalt  }
0x3f: {  	_ =	shalt  }
0x40: {  	_ =	shalt  }
0x41: {  	_ =	shalt  }
0x42: {  	_ =	shalt  }
0x43: {  	_ =	shalt  }
0x44: {  	_ =	shalt  }
0x45: {  	_ =	shalt  }
0x46: {  	_ =	shalt  }
0x47: {  	_ =	shalt  }
0x48: {  	_ =	shalt  }
0x49: {  	_ =	shalt  }
0x4a: {  	_ =	shalt  }
0x4b: {  	_ =	shalt  }
0x4c: {  	_ =	shalt  }
0x4d: {  	_ =	shalt  }
0x4e: {  	_ =	shalt  }
0x4f: {  	_ =	shalt  }
0x50: {  	_ =	shalt  }
0x51: {  	_ =	shalt  }
0x52: {  	_ =	shalt  }
0x53: {  	_ =	shalt  }
0x54: {  	_ =	shalt  }
0x55: {  	_ =	shalt  }
0x56: {  	_ =	shalt  }
0x57: {  	_ =	shalt  }
0x58: {  	_ =	shalt  }
0x59: {  	_ =	shalt  }
0x5a: {  	_ =	shalt  }
0x5b: {  	_ =	shalt  }
0x5c: {  	_ =	shalt  }
0x5d: {  	_ =	shalt  }
0x5e: {  	_ =	shalt  }
0x5f: {  	_ =	shalt  }
0x60: {  	_ =	shalt  }
0x61: {  	_ =	shalt  }
0x62: {  	_ =	shalt  }
0x63: {  	_ =	shalt  }
0x64: {  	_ =	shalt  }
0x65: {  	_ =	shalt  }
0x66: {  	_ =	shalt  }
0x67: {  	_ =	shalt  }
0x68: {  	_ =	shalt  }
0x69: {  	_ =	shalt  }
0x6a: {  	_ =	shalt  }
0x6b: {  	_ =	shalt  }
0x6c: {  	_ =	shalt  }
0x6d: {  	_ =	shalt  }
0x6e: {  	_ =	shalt  }
0x6f: {  	_ =	shalt  }
0x70: {  	_ =	shalt  }
0x71: {  	_ =	shalt  }
0x72: {  	_ =	shalt  }
0x73: {  	_ =	shalt  }
0x74: {  	_ =	shalt  }
0x75: {  	_ =	shalt  }
0x76: {  	_ =	shalt  }
0x77: {  	_ =	shalt  }
0x78: {  	_ =	shalt  }
0x79: {  	_ =	shalt  }
0x7a: {  	_ =	shalt  }
0x7b: {  	_ =	shalt  }
0x7c: {  	_ =	shalt  }
0x7d: {  	_ =	shalt  }
0x7e: {  	_ =	shalt  }
0x7f: {  	_ =	shalt  }
0x80: {  	_ =	shalt  }
0x81: {  	_ =	shalt  }
0x82: {  	_ =	shalt  }
0x83: {  	_ =	shalt  }
0x84: {  	_ =	shalt  }
0x85: {  	_ =	shalt  }
0x86: {  	_ =	shalt  }
0x87: {  	_ =	shalt  }
.Lfunc_end0:
.L_simem_size_0:
called_computation_lowered:
.L_overlay_start_0:
0x88: {  	s2 =	sld [smem:$0x3FD9]  }
0x89: {  	s3 =	sld [smem:$0x3FFE];
	_ =	sdelay $0x1  }
0x8a: {  	s1 =	srdreg.scid  }
0x8b: {  	s0 =	sand.u32 $0x1, s1  }
0x8c: {  	s17 =	sshll.u32 s0, $0xA;
	s2 =	sadd.s32 s3, s2  }
0x8d: {  	s2 =	sadd.s32 s2, s17  }
0x8e: {  	[smem:$0x3FBE] =	sst s2  }
0x8f: {  	_ = 	snop  }
0x90: {  	s2 =	sld [smem:$0x3FD0];
	(tm) =	ssettm $0x1  }
0x91: {  	s18 =	sld [smem:$0x3FFB];
	_ =	sdelay $0x3  }
0x92: {  	_ =	strace s18  }
0x93: {  	s3 =	sld [smem:$0x3FFC];
	_ =	sdelay $0x3  }
0x94: {  	_ =	strace s3  }
0x95: {  	s3 =	sld [smem:$0x3FFD];
	_ =	sdelay $0x3  }
0x96: {  	_ =	strace s3  }
0x97: {  	_ =	strace $0x8FFFFFFF  }
0x98: {  	s19 =	sld [smem:$0x3FDB];
	_ =	sdelay $0x1  }
0x99: {  	s4 =	simm.s32 $_scs_section_size  }
0x9a: {  	s5 =	simm.s32 $_size__tile_overlayer_lowered;
	s6 =	simm.s32 $_tile_overlayer_lowered  }
0x9b: {  	s22 =	simm.s32 $0x1BFF;
	s21 =	sshll.u32 s6, $0x1;
	s3 =	sadd.s32 s4, s19  }
0x9c: {  	s7 =	simm.s32 $0x0;
	s20 =	sshll.u32 s5, $0x1;
	s5 =	sadd.s32 s21, s3  }
0x9d: {  	[timem:s7], [sflag:s22] =	dma.local [hbm:s5], s20  }
0x9e: {  	_ =	swait.ge [sflag:s22], s20  }
0x9f: {  	s4 =	ssub.s32 $0x0, s20;
	[sflag:s22] =	ssyncset.done $0x0  }
0xa0: {  	[sflag:s22] =	ssyncadd.s32 s4;
	_ =	sdelay $0x1  }
0xa1: {  	s23 =	simm.s32 $0x1B8B  }
0xa2: {  	_ =	swait.ge [sflag:s23], $0x1  }
0xa3: {  	[sflag:s23] =	ssyncset.done $0x0  }
0xa4: {  	s25 =	simm.s32 $0x1B8E;
	s24 =	sld [smem:$0x3FFE];
	[sflag:s23] =	ssyncadd.s32 $0xFFFFFFFF  }
0xa5: {  	s26 =	simm.s32 $execute0_lowered;
	[smem:$0x3FD2] =	sst s25  }
0xa6: {  	s5 =	sshll.u32 s26, $0x1;
	_ =	strace $0x80000046;
	[dreg:$0x1] =	wrdreg $0xFFFFFFFF  }
0xa7: {  	s28 =	simm.s32 $_size_execute0_lowered;
	s3 =	sadd.s32 s3, s5;
	[dreg:$0x0] =	wrdreg $0x0  }
0xa8: {  	s5 =	sshll.u32 s28, $0x1;
	[dreg:$0x2] =	wrdreg s3  }
0xa9: {  	[dreg:$0x3] =	wrdreg s5  }
0xaa: {  	[dreg:$0x4] =	wrdreg $0xC0  }
0xab: {  	_ =	task [dreg:s7], $0x5FFFF  }
0xac: {  	[dreg:$0x1] =	wrdreg $0xFFFFFFFF  }
0xad: {  	[dreg:$0x0] =	wrdreg $0x60  }
0xae: {  	[dreg:$0x2] =	wrdreg s24  }
0xaf: {  	[dreg:$0x3] =	wrdreg s2  }
0xb0: {  	[dreg:$0x4] =	wrdreg $0xBC700  }
0xb1: {  	[dreg:$0x5] =	wrdreg $0x9  }
0xb2: {  	_ =	task.clear_ibuf [dreg:s7], $0x6FFFF;
	_ =	strace $0x90000046  }
0xb3: {  	s29 =	simm.s32 $0x9;
	_ =	strace $0x80000048  }
0xb4: {  	_ =	swait.ge [sflag:s29], $0x1  }
0xb5: {  	[sflag:s29] =	ssyncadd.s32 $0xFFFFFFFF  }
0xb6: {  	_ =	strace $0x90000048  }
0xb7: {  	_ =	sfence  }
0xb8: {  	s30 =	sld [smem:$0x0];
	_ =	sdelay $0x2  }
0xb9: {  	s31 =	sshll.u32 s1, $0xD;
	s1 =	sshrl.u32 s1, $0x2  }
0xba: {  	s3 =	sand.u32 $0x4000, s31;
	s1 =	sadd.s32 s1, s30  }
0xbb: {  	s0 =	sor.u32 s3, s0;
	s1 =	sshll.u32 s1, $0x11  }
0xbc: {  	s0 =	sor.u32 s1, s0  }
0xbd: {  	s0 =	sadd.s32 $0x8F2B, s0  }
0xbe: {  	[sflag:s0] =	ssyncadd.remote.s32 $0x1  }
0xbf: {  	_ =	sfence.sel $0xFFFF  }
0xc0: {  	[dreg:$0x0] =	wrdreg $0xFFFFFFFF;
	(pc) =	sbr.abs _section_cstart, $3  }
0xc1: {  	[dreg:$0x1] =	wrdreg $0xFFFFFFFF  }
0xc2: {  	_ =	task.clear_ibuf [dreg:s7], $0x2FFFF;
	_ =	strace $0x9FFFFFFF  }
0xc3: {  	(tm) =	ssettm $0x7FFFFFFF  }
tec
execute0_lowered:
.L_overlay_start_1:
0x0: {  	(tag) =	ssettag $0x1  }
0x1: {  	s0 =	rddreg [dreg:$0x0]  }
0x2: {  	s1 =	rddreg [dreg:$0x1]  }
0x3: {  	s2 =	rddreg [dreg:$0x2];
	s4 =	simm.s32 $0x0;
	s3 =	srdreg.scid  }
0x4: {  	s12 =	stileid.u32;
	s13 =	simm.s32 $0x7;
	s15 =	simm.s32 $0x50  }
0x5: {  	s17 =	simm.s32 $0x8A20;
	s18 =	simm.s32 $0xA320;
	s19 =	simm.s32 $0x4E20  }
0x6: {  	s20 =	simm.s32 $0x8020;
	s21 =	simm.s32 $0x6720;
	s28 =	simm.s32 $0x4  }
0x7: {  	s29 =	simm.s32 $0x6;
	s31 =	simm.s32 $0x0;
	[smem:$0x7FF] =	sst s4  }
0x8: {  	s3 =	sand.u32 $0x1, s3;
	s22 =	sshll.u32 s12, $0x1;
	s6 =	smul.u32 $0xC800, s12  }
0x9: {  	s4 =	sadd.s32 $0xE00, s0;
	s25 =	sshll.u32 s12, $0x6;
	_ =	strace $0x80000047  }
0xa: {  	s5 =	sor.u32 s3, s22;
	s7 =	ssub.s32 $0x2, s3;
	p0 =	seq.s32 s3, $0x1  }
0xb: {  	s3 =	simm.s32 $0x41400;
	s22 =	simm.s32 $0x8520;
	s8 =	smul.u32 $0x4E2, s5  }
0xc: {  	s5 =	sadd.s32 $0x19600, s0;
	s9 =	sshrl.u32 s6, $0x3;
	s10 =	sshrl.u32 s7, $0x1  }
0xd: {  	s6 =	sadd.s32 s6, s2;
	s3 =	simm.s32 @!p0 $0x5A400;
	s23 =	ssub.s32 s7, s10  }
0xe: {  	s7 =	sor.u32 $0x1C07, s25;
	s11 =	sadd.s32 s8, s0;
	s1 =	sadd.s32 s1, s8  }
0xf: {  	s0 =	sadd.s32 s9, s0;
	s30 =	smax.u32 s23, $0x1;
	[dreg:$0x6] =	wrdreg s1  }
0x10: {  	s12 =	sshrl.u32 s6, $0x3;
	s24 =	sadd.s32 $0x28400, s0;
	[dreg:$0x7] =	wrdreg s30  }
0x11: {  	v1 =	vlaneseq.u32;
	s25 =	simm.s32 $0x5;
	s26 =	sadd.s32 $0x1E600, s11;
	[dreg:$0x4] =	wrdreg s24  }
0x12: {  	v0 =	vimm.s32 $0x2710;
	v1 =	vshrl.u32 v1, $0x3;
	s23 =	simm.s32 $0x1;
	s0 =	sadd.s32 s3, s0;
	[dreg:$0x5] =	wrdreg s26  }
0x13: {  	v2 =	vor.u32 $0x2, v1;
	v3 =	vor.u32 $0x4, v1;
	v4 =	vor.u32 $0x6, v1;
	[dreg:$0x8] =	wrdreg s0;
	s24 =	simm.s32 $0x2;
	s26 =	simm.s32 $0x3  }
.LBB2_1:
0x14: {  	s0 =	rddreg [dreg:$0x4]  }
0x15: {  	[spmem:s12], [sflag:s7] =	dma.local [hbm:s0], $0x1900  }
0x16: {  	_ =	swait.ge [sflag:s13], $0x1900  }
0x17: {  	[sflag:s13] =	ssyncset.done $0x0  }
0x18: {  	s14 =	simm.s32 $0x0;
	s1 =	rddreg [dreg:$0x5];
	[sflag:s13] =	ssyncadd.s32 $0xFFFFE700  }
0x19: {  	[tilespmem:s14], [sflag:$0x7] =	stream.linear.gather [hbm4b:s1+s14], $0x2710, $0x38;
	[tilespmem:$0x18470] =	vst v63  }
0x1a: {  	_ =	swait.ge [sflag:s13], $0x2710  }
0x1b: {  	[sflag:s13] =	ssyncset.done $0x0  }
0x1c: {  	s3 =	simm.s32 $0x2710;
	s16 =	rddreg [dreg:$0x6];
	[sflag:s13] =	ssyncadd.s32 $0xFFFFD8F0  }
0x1d: {  	[tilespmem:s3], [sflag:$0x7] =	stream.linear.gather [hbm4b:s16+s14], $0x2710, $0x38;
	[tilespmem:$0x18470] =	vst v63  }
0x1e: {  	_ =	swait.ge [sflag:s13], $0x2710  }
0x1f: {  	[sflag:s13] =	ssyncset.done $0x0  }
0x20: {  	[sflag:s13] =	ssyncadd.s32 $0xFFFFD8F0  }
0x21: {  	[bflag:$0x0] =	sbarrier.arrive $0xFFFF  }
0x22: {  	[tilespmem:$0xBC20] =	vst v0  }
0x23: {  	[tilespmem:$0xBC30] =	vst v0  }
0x24: {  	[tilespmem:$0xBC40] =	vst v0  }
0x25: {  	[tilespmem:$0xBC50] =	vst v0  }
0x26: {  	s30 =	simm.s32 $0xBC20;
	[tilespmem:$0xBC60] =	vst v0  }
0x27: {  	[spmem:s2] =	stream.indirect.scatter.add.f32 [tilespmem:s17], [sflag:$0x5], $0x50, s30, s15, $0xb8;
	[tilespmem:$0x18470] =	vst v63  }
0x28: {  	_ = 	snop  }
0x29: {  	[spmem:s2] =	stream.indirect.scatter.add.f32 [tilespmem:s18], [sflag:$0x6], $0x50, s30, s15, $0xb8;
	[tilespmem:$0x18470] =	vst v63  }
0x2a: {  	_ = 	snop  }
0x2b: {  	[tilespmem:s19], [sflag:$0x1] =	stream.indirect.gather [hbm4b:s4+s15], $0x50, s14, s15, $0xb8;
	[tilespmem:$0x18470] =	vst v63  }
0x2c: {  	s0 =	simm.s32 $0x0  }
0x2d: {  	[tilespmem:s20], [sflag:$0x2] =	stream.indirect.gather [hbm4b:s5+s15], $0x10, s3, s15, $0xb8;
	[tilespmem:$0x18470] =	vst v63  }
.LBB2_2:
0x2e: {  	s30 =	smul.u32 $0xA0, s0;
	_ =	sdelay $0x1  }
0x2f: {  	s1 =	sadd.s32 $0x50, s30  }
0x30: {  	[tilespmem:s21], [sflag:$0x3] =	stream.indirect.gather [hbm4b:s4+s15], $0x50, s1, s15, $0xb8;
	[tilespmem:$0x18470] =	vst v63  }
0x31: {  	s1 =	sadd.s32 $0x2760, s30  }
0x32: {  	[tilespmem:s22], [sflag:$0x4] =	stream.indirect.gather [hbm4b:s5+s15], $0x10, s1, s15, $0xb8;
	[tilespmem:$0x18470] =	vst v63  }
0x33: {  	_ =	swait.ge [sflag:s23], $0x1900  }
0x34: {  	[sflag:s23] =	ssyncset.done $0x0  }
0x35: {  	[sflag:s23] =	ssyncadd.s32 $0xFFFFE700  }
0x36: {  	_ =	swait.ge [sflag:s24], $0x500  }
0x37: {  	[sflag:s24] =	ssyncset.done $0x0  }
0x38: {  	[sflag:s24] =	ssyncadd.s32 $0xFFFFFB00  }
0x39: {  	_ =	swait.ge [sflag:s25], $0x1900  }
0x3a: {  	[sflag:s25] =	ssyncset.done $0x0  }
0x3b: {  	s11 =	simm.s32 $0x4F60;
	[sflag:s25] =	ssyncadd.s32 $0xFFFFE700  }
0x3c: {  	s3 =	simm.s32 $0x8060;
	v5 =	vld [tilespmem:s11+$0xF0]  }
0x3d: {  	v6 =	vld [tilespmem:s3+$0x30];
	_ =	sdelay $0x1  }
0x3e: {  	v7 =	vld [tilespmem:s3+$0xFFFFFFC0]  }
0x3f: {  	v8 =	vld [tilespmem:s11+$0xFFFFFF10]  }
0x40: {  	v9 =	vld [tilespmem:s3+$0xFFFFFFD0]  }
0x41: {  	v10 =	vld [tilespmem:s11+$0xFFFFFF60];
	v5 =	vadd.f32 v6, v5  }
0x42: {  	v11 =	vld [tilespmem:s3+$0xFFFFFFE0]  }
0x43: {  	v12 =	vld [tilespmem:s3+$0xFFFFFFF0];
	v13 =	vmul.f32 $2.000000030e-01, v5  }
0x44: {  	v14 =	vld [tilespmem:s11+$0x0]  }
0x45: {  	v6 =	vld [tilespmem:s11+$0xFFFFFFB0];
	v5 =	vmax.f32 v5, v13  }
0x46: {  	v15 =	vld [tilespmem:s3+$0x0];
	v5 =	vmul.f32 $1.442695020e+00, v5  }
0x47: {  	v16 =	vld [tilespmem:s11+$0xA0];
	v8 =	vadd.f32 v9, v8  }
0x48: {  	v9 =	vld [tilespmem:s11+$0x50];
	v10 =	vadd.f32 v11, v10;
	(erf) = vpow2.f32 v5  }
0x49: {  	v11 =	vld [tilespmem:s3+$0x10];
	v13 =	vmul.f32 $2.000000030e-01, v8  }
0x4a: {  	v6 =	vadd.f32 v12, v6;
	v12 =	vld [tilespmem:s3+$0x20];
	v5 =	vmul.f32 $2.000000030e-01, v10  }
0x4b: {  	v8 =	vmax.f32 v8, v13;
	v13 =	vld [tilespmem:s11+$0xFFFFFEC0]  }
0x4c: {  	v8 =	vmul.f32 $1.442695020e+00, v8;
	v5 =	vmax.f32 v10, v5  }
0x4d: {  	v14 =	vadd.f32 v15, v14;
	v10 =	vmul.f32 $2.000000030e-01, v6;
	v5 =	vmul.f32 $1.442695020e+00, v5  }
0x4e: {  	v9 =	vadd.f32 v11, v9;
	(erf) = vpow2.f32 v8  }
0x4f: {  	v8 =	vadd.f32 v12, v16;
	v6 =	vmax.f32 v6, v10;
	v10 =	vmul.f32 $2.000000030e-01, v14  }
0x50: {  	v11 =	vmul.f32 $2.000000030e-01, v9;
	v7 =	vadd.f32 v7, v13;
	v6 =	vmul.f32 $1.442695020e+00, v6  }
0x51: {  	s14 =	simm.s32 $0x8B60;
	v12 =	vmul.f32 $2.000000030e-01, v8;
	(erf) = vpow2.f32 v5;
	v10 =	vmax.f32 v14, v10;
	v5 =	vpop (erf)  }
0x52: {  	v9 =	vmax.f32 v9, v11;
	v11 =	vmul.f32 $2.000000030e-01, v7;
	v10 =	vmul.f32 $1.442695020e+00, v10;
	[tilespmem:s14+$0xF0] =	vst v5  }
0x53: {  	s10 =	simm.s32 $0x80E0;
	v8 =	vmax.f32 v8, v12;
	(erf) = vpow2.f32 v6;
	v6 =	vmul.f32 $1.442695020e+00, v9;
	v9 =	vld [tilespmem:s11+$0x100]  }
0x54: {  	s16 =	simm.s32 $0x51E0;
	v26 =	vld [tilespmem:s10+$0xFFFFFFC0];
	v7 =	vmax.f32 v7, v11;
	v8 =	vmul.f32 $1.442695020e+00, v8;
	(erf) = vpow2.f32 v10  }
0x55: {  	v29 =	vld [tilespmem:s16+$0xFFFFFF10];
	(erf) = vpow2.f32 v6;
	v6 =	vmul.f32 $1.442695020e+00, v7  }
0x56: {  	v31 =	vld [tilespmem:s10+$0xFFFFFFD0];
	v7 =	vperm.xlane v5, v1;
	(erf) = vpow2.f32 v8  }
0x57: {  	v34 =	vld [tilespmem:s16+$0xFFFFFF60];
	(erf) = vpow2.f32 v6  }
0x58: {  	v37 =	vld [tilespmem:s10+$0xFFFFFFE0];
	v6 =	vmul.f32 v7, v9  }
0x59: {  	v40 =	vld [tilespmem:s16+$0xFFFFFFB0];
	v8 =	vpop (erf)  }
0x5a: {  	v42 =	vld [tilespmem:s10+$0xFFFFFFF0];
	[tilespmem:s14+$0xFFFFFF10] =	vst v8;
	v7 =	vpop (erf)  }
0x5b: {  	v9 =	vld [tilespmem:s11+$0xFFFFFF20];
	[tilespmem:s14+$0xFFFFFF60] =	vst v7  }
0x5c: {  	v15 =	vperm.xlane v8, v1;
	[tilespmem:s14+$0x100] =	vst v6;
	v11 =	vld [tilespmem:s11+$0xFFFFFF70];
	v6 =	vpop (erf)  }
0x5d: {  	v10 =	vld [tilespmem:s11+$0x110];
	[tilespmem:s14+$0xFFFFFFB0] =	vst v6;
	v13 =	vpop (erf)  }
0x5e: {  	v16 =	vld [tilespmem:s11+$0xFFFFFFC0];
	[tilespmem:s14+$0x0] =	vst v13;
	v14 =	vpop (erf)  }
0x5f: {  	v18 =	vperm.xlane v5, v2;
	v17 =	vld [tilespmem:s11+$0x10];
	[tilespmem:s14+$0x50] =	vst v14;
	v12 =	vpop (erf)  }
0x60: {  	v19 =	vperm.xlane v7, v1;
	v9 =	vmul.f32 v15, v9;
	v20 =	vld [tilespmem:s11+$0x60];
	[tilespmem:s14+$0xA0] =	vst v12;
	v15 =	vpop (erf)  }
0x61: {  	v21 =	vperm.xlane v6, v1;
	[tilespmem:s14+$0xFFFFFEC0] =	vst v15;
	v22 =	vld [tilespmem:s11+$0xB0]  }
0x62: {  	v11 =	vmul.f32 v19, v11;
	v10 =	vmul.f32 v18, v10;
	v19 =	vld [tilespmem:s11+$0xFFFFFED0]  }
0x63: {  	v61 =	vld [tilespmem:s10+$0x10];
	[tilespmem:s14+$0xFFFFFF20] =	vst v9;
	v9 =	vperm.xlane v14, v1;
	v18 =	vperm.xlane v13, v1  }
0x64: {  	v29 =	vadd.f32 v31, v29;
	[tilespmem:s14+$0x110] =	vst v10;
	v10 =	vperm.xlane v12, v1;
	v16 =	vmul.f32 v21, v16;
	v21 =	vld [tilespmem:s11+$0xFFFFFF30]  }
0x65: {  	v31 =	vadd.f32 v37, v34;
	[tilespmem:s14+$0xFFFFFF70] =	vst v11;
	v11 =	vperm.xlane v15, v1;
	v17 =	vmul.f32 v18, v17;
	v18 =	vld [tilespmem:s11+$0x120]  }
0x66: {  	v62 =	vadd.f32 v42, v40;
	v9 =	vmul.f32 v9, v20;
	v20 =	vld [tilespmem:s11+$0xFFFFFF80];
	[tilespmem:s14+$0xFFFFFFC0] =	vst v16;
	v10 =	vmul.f32 v10, v22  }
0x67: {  	v44 =	vmul.f32 $2.000000030e-01, v29;
	v16 =	vld [tilespmem:s11+$0xFFFFFFD0];
	[tilespmem:s14+$0x10] =	vst v17;
	v11 =	vmul.f32 v11, v19  }
0x68: {  	v45 =	vmul.f32 $2.000000030e-01, v31;
	v48 =	vmul.f32 $2.000000030e-01, v62;
	[tilespmem:s14+$0xB0] =	vst v10;
	v10 =	vld [tilespmem:s16+$0xF0]  }
0x69: {  	v41 =	vperm.xlane v5, v3;
	v24 =	vperm.xlane v8, v2;
	[tilespmem:s14+$0xFFFFFED0] =	vst v11;
	v11 =	vld [tilespmem:s10+$0x30]  }
0x6a: {  	v25 =	vperm.xlane v8, v3;
	v27 =	vperm.xlane v7, v2;
	v17 =	vld [tilespmem:s11+$0x20];
	[tilespmem:s14+$0x60] =	vst v9  }
0x6b: {  	v30 =	vperm.xlane v7, v3;
	v28 =	vperm.xlane v6, v2;
	v19 =	vld [tilespmem:s11+$0x70]  }
0x6c: {  	v32 =	vperm.xlane v13, v2;
	v21 =	vmul.f32 v24, v21;
	v24 =	vld [tilespmem:s16+$0x0]  }
0x6d: {  	v33 =	vperm.xlane v14, v2;
	v36 =	vperm.xlane v12, v2;
	v22 =	vld [tilespmem:s11+$0xC0]  }
0x6e: {  	v35 =	vperm.xlane v15, v2;
	v20 =	vmul.f32 v27, v20;
	v27 =	vld [tilespmem:s10+$0x0];
	v38 =	vadd.f32 v11, v10  }
0x6f: {  	v39 =	vperm.xlane v15, v3;
	v9 =	vperm.xlane v6, v3;
	v23 =	vld [tilespmem:s11+$0xFFFFFEE0]  }
0x70: {  	v63 =	vld [tilespmem:s16+$0xA0];
	v18 =	vmul.f32 v41, v18;
	v43 =	vmul.f32 $2.000000030e-01, v38  }
0x71: {  	v16 =	vmul.f32 v28, v16;
	v28 =	vld [tilespmem:s16+$0x50];
	v17 =	vmul.f32 v32, v17  }
0x72: {  	v46 =	vld [tilespmem:s10+$0x20];
	v19 =	vmul.f32 v33, v19;
	v10 =	vperm.xlane v13, v3;
	v38 =	vmax.f32 v38, v43  }
0x73: {  	v47 =	vld [tilespmem:s16+$0xFFFFFEC0];
	[tilespmem:s14+$0xFFFFFF30] =	vst v21;
	v22 =	vmul.f32 v36, v22;
	v24 =	vadd.f32 v27, v24;
	v38 =	vmul.f32 $1.442695020e+00, v38  }
0x74: {  	[tilespmem:s14+$0x120] =	vst v18;
	v18 =	vld [tilespmem:s11+$0xFFFFFF40];
	v23 =	vmul.f32 v35, v23;
	v27 =	vmax.f32 v29, v44;
	v29 =	vmax.f32 v31, v45  }
0x75: {  	v31 =	vmax.f32 v62, v48;
	[tilespmem:s14+$0x70] =	vst v19;
	v19 =	vperm.xlane v8, v4;
	(erf) = vpow2.f32 v38  }
0x76: {  	v27 =	vmul.f32 $1.442695020e+00, v27;
	v28 =	vadd.f32 v61, v28;
	v49 =	vmul.f32 $2.000000030e-01, v24;
	[tilespmem:s14+$0xFFFFFEE0] =	vst v23  }
0x77: {  	v23 =	vmul.f32 $1.442695020e+00, v29;
	v29 =	vmul.f32 $1.442695020e+00, v31;
	v31 =	vld [tilespmem:s11+$0xFFFFFEF0]  }
0x78: {  	v26 =	vadd.f32 v26, v47;
	v21 =	vmul.f32 $2.000000030e-01, v28;
	(erf) = vpow2.f32 v27  }
0x79: {  	v18 =	vmul.f32 v25, v18;
	v24 =	vmax.f32 v24, v49;
	v27 =	vadd.f32 v46, v63  }
0x7a: {  	[tilespmem:s14+$0xFFFFFF80] =	vst v20;
	v24 =	vmul.f32 $1.442695020e+00, v24;
	v20 =	vmax.f32 v28, v21;
	v28 =	vmul.f32 $2.000000030e-01, v26  }
0x7b: {  	[tilespmem:s14+$0xFFFFFFD0] =	vst v16;
	(erf) = vpow2.f32 v23;
	v23 =	vmul.f32 $2.000000030e-01, v27  }
0x7c: {  	v50 =	vld [tilespmem:s11+$0x130];
	[tilespmem:s14+$0x20] =	vst v17;
	v20 =	vmul.f32 $1.442695020e+00, v20;
	v16 =	vmul.f32 v39, v31  }
0x7d: {  	[tilespmem:s14+$0xC0] =	vst v22;
	v25 =	vld [tilespmem:s11+$0x80];
	v31 =	vperm.xlane v12, v3;
	(erf) = vpow2.f32 v29;
	v23 =	vmax.f32 v27, v23  }
0x7e: {  	s6 =	simm.s32 $0x8DE0;
	v29 =	vld [tilespmem:s11+$0xFFFFFF90];
	(erf) = vpow2.f32 v24;
	v24 =	vmax.f32 v26, v28;
	[tilespmem:s14+$0xFFFFFEF0] =	vst v16;
	v23 =	vmul.f32 $1.442695020e+00, v23;
	v21 =	vpop (erf)  }
0x7f: {  	(erf) = vpow2.f32 v20;
	v17 =	vmul.f32 $1.442695020e+00, v24;
	v22 =	vld [tilespmem:s11+$0xFFFFFF00];
	[tilespmem:s6+$0xF0] =	vst v21  }
0x80: {  	v20 =	vperm.xlane v15, v4;
	(erf) = vpow2.f32 v23;
	v26 =	vld [tilespmem:s16+$0x100]  }
0x81: {  	v28 =	vld [tilespmem:s11+$0x30];
	v23 =	vperm.xlane v21, v1;
	(erf) = vpow2.f32 v17;
	v16 =	vpop (erf)  }
0x82: {  	v27 =	vld [tilespmem:s11+$0xFFFFFFE0];
	v17 =	vperm.xlane v7, v4;
	v7 =	vperm.xlane v5, v4;
	[tilespmem:s6+$0xFFFFFF10] =	vst v16  }
0x83: {  	v5 =	vperm.xlane v6, v4;
	v6 =	vperm.xlane v13, v4;
	v13 =	vld [tilespmem:s16+$0xFFFFFF20]  }
0x84: {  	s8 =	simm.s32 $0x5460;
	v15 =	vld [tilespmem:s11+$0xD0];
	v20 =	vmul.f32 v20, v22;
	v32 =	vmul.f32 v7, v50  }
0x85: {  	[tilespmem:s14+$0xFFFFFF40] =	vst v18;
	v22 =	vld [tilespmem:s8+$0xFFFFFEC0];
	v7 =	vperm.xlane v12, v4;
	v8 =	vmul.f32 v23, v26;
	v26 =	vpop (erf)  }
0x86: {  	v12 =	vmul.f32 v30, v29;
	v30 =	vperm.xlane v16, v1;
	v23 =	vld [tilespmem:s11+$0xFFFFFF50];
	[tilespmem:s6+$0xFFFFFF60] =	vst v26  }
0x87: {  	v11 =	vperm.xlane v14, v3;
	v33 =	vpop (erf);
	[tilespmem:s6+$0x100] =	vst v8;
	v24 =	vld [tilespmem:s16+$0xFFFFFF70]  }
0x88: {  	v13 =	vmul.f32 v30, v13;
	v8 =	vperm.xlane v14, v4;
	[tilespmem:s6+$0xFFFFFFB0] =	vst v33;
	v29 =	vpop (erf);
	v14 =	vld [tilespmem:s16+$0x110]  }
0x89: {  	v51 =	vld [tilespmem:s16+$0xFFFFFFC0];
	[tilespmem:s6+$0x0] =	vst v29  }
0x8a: {  	v36 =	vpop (erf);
	[tilespmem:s6+$0xFFFFFF20] =	vst v13;
	v52 =	vld [tilespmem:s16+$0x10]  }
0x8b: {  	v53 =	vperm.xlane v21, v2;
	v31 =	vmul.f32 v31, v15;
	[tilespmem:s6+$0x50] =	vst v36;
	v41 =	vpop (erf);
	v44 =	vld [tilespmem:s16+$0xFFFFFF30]  }
0x8c: {  	v34 =	vperm.xlane v16, v2;
	v54 =	vperm.xlane v26, v1;
	v30 =	vld [tilespmem:s16+$0x60];
	[tilespmem:s6+$0xA0] =	vst v41;
	v42 =	vpop (erf)  }
0x8d: {  	v55 =	vperm.xlane v33, v1;
	v57 =	vperm.xlane v29, v1;
	[tilespmem:s6+$0xFFFFFEC0] =	vst v42;
	v56 =	vld [tilespmem:s16+$0xB0]  }
0x8e: {  	s10 =	simm.s32 $0x8160;
	v13 =	vperm.xlane v36, v1;
	v50 =	vperm.xlane v42, v2;
	v58 =	vld [tilespmem:s16+$0xFFFFFED0]  }
0x8f: {  	v15 =	vperm.xlane v42, v4;
	v35 =	vmul.f32 v55, v51;
	v55 =	vld [tilespmem:s10+$0x30]  }
0x90: {  	v24 =	vmul.f32 v54, v24;
	v37 =	vmul.f32 v57, v52;
	v52 =	vld [tilespmem:s8+$0xF0]  }
0x91: {  	v14 =	vmul.f32 v53, v14;
	v34 =	vmul.f32 v34, v44;
	v44 =	vld [tilespmem:s10+$0xFFFFFFC0]  }
0x92: {  	v53 =	vperm.xlane v42, v3;
	[tilespmem:s6+$0xFFFFFF70] =	vst v24;
	v24 =	vperm.xlane v42, v1;
	v42 =	vld [tilespmem:s8+$0xFFFFFF60]  }
0x93: {  	[tilespmem:s6+$0x110] =	vst v14;
	v13 =	vmul.f32 v13, v30;
	v30 =	vld [tilespmem:s16+$0xFFFFFF80]  }
0x94: {  	v25 =	vmul.f32 v11, v25;
	[tilespmem:s6+$0xFFFFFFC0] =	vst v35;
	v35 =	vld [tilespmem:s8+$0xFFFFFF10]  }
0x95: {  	v28 =	vmul.f32 v10, v28;
	v27 =	vmul.f32 v9, v27;
	v59 =	vld [tilespmem:s16+$0x120]  }
0x96: {  	v18 =	vperm.xlane v16, v3;
	v14 =	vperm.xlane v41, v1;
	v45 =	vld [tilespmem:s16+$0xFFFFFFD0];
	[tilespmem:s6+$0x10] =	vst v37  }
0x97: {  	v60 =	vperm.xlane v26, v2;
	v46 =	vperm.xlane v33, v2;
	v62 =	vld [tilespmem:s16+$0x20]  }
0x98: {  	v38 =	vperm.xlane v33, v3;
	v14 =	vmul.f32 v14, v56;
	v56 =	vld [tilespmem:s10+$0xFFFFFFE0]  }
0x99: {  	v11 =	vperm.xlane v33, v4;
	v61 =	vmul.f32 v24, v58;
	[tilespmem:s6+$0x60] =	vst v13;
	v58 =	vld [tilespmem:s10+$0x10]  }
0x9a: {  	v40 =	vperm.xlane v29, v3;
	v10 =	vperm.xlane v29, v4;
	v47 =	vld [tilespmem:s16+$0x70]  }
0x9b: {  	v48 =	vperm.xlane v36, v2;
	v39 =	vperm.xlane v36, v3;
	[tilespmem:s6+$0xFFFFFED0] =	vst v61;
	v61 =	vld [tilespmem:s10+$0xFFFFFFF0]  }
0x9c: {  	v13 =	vperm.xlane v21, v3;
	[tilespmem:s6+$0xB0] =	vst v14;
	v14 =	vperm.xlane v29, v2;
	v29 =	vld [tilespmem:s10+$0x0]  }
0x9d: {  	v24 =	vperm.xlane v26, v3;
	v63 =	vld [tilespmem:s16+$0xC0];
	v30 =	vmul.f32 v60, v30  }
0x9e: {  	v49 =	vld [tilespmem:s16+$0xFFFFFEE0];
	v13 =	vmul.f32 v13, v59;
	v43 =	vmul.f32 v14, v62  }
0x9f: {  	[tilespmem:s14+$0xFFFFFFE0] =	vst v27;
	v60 =	vld [tilespmem:s8+$0xFFFFFFB0];
	v14 =	vperm.xlane v16, v4;
	v16 =	vperm.xlane v26, v4;
	v26 =	vadd.f32 v55, v52  }
0xa0: {  	v9 =	vperm.xlane v36, v4;
	v45 =	vmul.f32 v46, v45;
	v46 =	vld [tilespmem:s10+$0xFFFFFFD0];
	[tilespmem:s6+$0xFFFFFF80] =	vst v30  }
0xa1: {  	v51 =	vperm.xlane v41, v2;
	[tilespmem:s6+$0x120] =	vst v13;
	v27 =	vld [tilespmem:s16+$0xFFFFFF90];
	v62 =	vmul.f32 $2.000000030e-01, v26  }
0xa2: {  	v19 =	vmul.f32 v19, v23;
	v21 =	vperm.xlane v21, v4;
	v56 =	vadd.f32 v56, v42;
	v54 =	vld [tilespmem:s16+$0x130]  }
0xa3: {  	[tilespmem:s14+$0xFFFFFF90] =	vst v12;
	v13 =	vperm.xlane v41, v3;
	v37 =	vmul.f32 v51, v63;
	v63 =	vld [tilespmem:s8+$0x0];
	v12 =	vmax.f32 v26, v62  }
0xa4: {  	[tilespmem:s14+$0x80] =	vst v25;
	v47 =	vmul.f32 v48, v47;
	v59 =	vadd.f32 v61, v60;
	v60 =	vld [tilespmem:s8+$0xA0];
	v57 =	vmul.f32 $1.442695020e+00, v12  }
0xa5: {  	[tilespmem:s14+$0xFFFFFF50] =	vst v19;
	v42 =	vmul.f32 $2.000000030e-01, v56;
	v49 =	vmul.f32 v50, v49;
	v61 =	vld [tilespmem:s10+$0x20];
	v55 =	vadd.f32 v46, v35  }
0xa6: {  	[tilespmem:s6+$0xFFFFFF30] =	vst v34;
	v26 =	vld [tilespmem:s8+$0x50];
	v12 =	vperm.xlane v41, v4;
	(erf) = vpow2.f32 v57  }
0xa7: {  	[tilespmem:s6+$0x70] =	vst v47;
	v47 =	vld [tilespmem:s16+$0xFFFFFF40];
	v62 =	vmul.f32 $2.000000030e-01, v59;
	v30 =	vmul.f32 $2.000000030e-01, v55  }
0xa8: {  	[tilespmem:s6+$0xFFFFFFD0] =	vst v45;
	v51 =	vadd.f32 v44, v22;
	v19 =	vmul.f32 v24, v27;
	v21 =	vmul.f32 v21, v54  }
0xa9: {  	[tilespmem:s6+$0x20] =	vst v43;
	v43 =	vmax.f32 v59, v62;
	v29 =	vadd.f32 v29, v63;
	v23 =	vmax.f32 v55, v30  }
0xaa: {  	[tilespmem:s14+$0xD0] =	vst v31;
	v48 =	vld [tilespmem:s16+$0xFFFFFFE0];
	v30 =	vmax.f32 v56, v42;
	v33 =	vmul.f32 $1.442695020e+00, v43;
	v23 =	vmul.f32 $1.442695020e+00, v23  }
0xab: {  	[tilespmem:s6+$0xFFFFFEE0] =	vst v49;
	v63 =	vld [tilespmem:s11+$0xFFFFFFA0];
	v30 =	vmul.f32 $1.442695020e+00, v30;
	v26 =	vadd.f32 v58, v26;
	v46 =	vmul.f32 $2.000000030e-01, v29  }
0xac: {  	[tilespmem:s6+$0xC0] =	vst v37;
	v37 =	vld [tilespmem:s11+$0xE0];
	v34 =	vadd.f32 v61, v60;
	v18 =	vmul.f32 v18, v47;
	(erf) = vpow2.f32 v23  }
0xad: {  	v24 =	vld [tilespmem:s11+$0x90];
	[tilespmem:s6+$0x130] =	vst v21;
	v21 =	vmul.f32 $2.000000030e-01, v26;
	v23 =	vmax.f32 v29, v46;
	(erf) = vpow2.f32 v30  }
0xae: {  	v42 =	vld [tilespmem:s16+$0xFFFFFEF0];
	v22 =	vmul.f32 $1.442695020e+00, v23;
	v23 =	vmul.f32 $2.000000030e-01, v34  }
0xaf: {  	s9 =	simm.s32 $0x9060;
	[tilespmem:s14+$0xFFFFFF00] =	vst v20;
	v55 =	vld [tilespmem:s16+$0x30];
	v21 =	vmax.f32 v26, v21;
	(erf) = vpow2.f32 v33;
	v26 =	vmul.f32 $2.000000030e-01, v51;
	v25 =	vpop (erf)  }
0xb0: {  	v56 =	vld [tilespmem:s16+$0x80];
	v54 =	vmul.f32 v17, v63;
	v17 =	vmul.f32 $1.442695020e+00, v21;
	v21 =	vmax.f32 v34, v23;
	[tilespmem:s9+$0xF0] =	vst v25  }
0xb1: {  	[tilespmem:s6+$0xFFFFFF90] =	vst v19;
	(erf) = vpow2.f32 v22;
	v20 =	vmax.f32 v51, v26;
	v21 =	vmul.f32 $1.442695020e+00, v21;
	v26 =	vld [tilespmem:s8+$0x100]  }
0xb2: {  	v36 =	vld [tilespmem:s16+$0xFFFFFFA0];
	[tilespmem:s6+$0xFFFFFF40] =	vst v18;
	(erf) = vpow2.f32 v17;
	v17 =	vmul.f32 $1.442695020e+00, v20  }
0xb3: {  	[tilespmem:s14+$0x130] =	vst v32;
	v32 =	vld [tilespmem:s16+$0xFFFFFF50];
	v23 =	vmul.f32 v53, v42;
	(erf) = vpow2.f32 v21  }
0xb4: {  	[tilespmem:s14+$0x30] =	vst v28;
	v29 =	vld [tilespmem:s16+$0xD0];
	v20 =	vperm.xlane v25, v1;
	(erf) = vpow2.f32 v17  }
0xb5: {  	v48 =	vmul.f32 v38, v48;
	v40 =	vmul.f32 v40, v55;
	v22 =	vld [tilespmem:s11+$0xFFFFFFF0];
	[tilespmem:s14+$0xFFFFFFA0] =	vst v54  }
0xb6: {  	v38 =	vmul.f32 v39, v56;
	[tilespmem:s6+$0xFFFFFEF0] =	vst v23;
	v23 =	vld [tilespmem:s11+$0x40];
	v27 =	vpop (erf);
	v17 =	vmul.f32 v20, v26  }
0xb7: {  	v63 =	vperm.xlane v25, v2;
	v28 =	vld [tilespmem:s16+$0xFFFFFF00];
	[tilespmem:s9+$0xFFFFFF10] =	vst v27;
	v21 =	vperm.xlane v27, v1  }
0xb8: {  	v49 =	vperm.xlane v27, v2;
	v18 =	vperm.xlane v27, v3;
	v30 =	vpop (erf);
	v60 =	vld [tilespmem:s8+$0xFFFFFF20];
	[tilespmem:s9+$0x100] =	vst v17  }
0xb9: {  	[tilespmem:s9+$0xFFFFFF60] =	vst v30;
	v57 =	vperm.xlane v30, v2;
	v19 =	vperm.xlane v30, v3;
	v26 =	vpop (erf);
	v62 =	vld [tilespmem:s8+$0x110]  }
0xba: {  	v20 =	vperm.xlane v30, v1;
	v61 =	vld [tilespmem:s8+$0xFFFFFF70];
	v46 =	vperm.xlane v26, v1;
	[tilespmem:s9+$0xFFFFFFB0] =	vst v26;
	v31 =	vpop (erf)  }
0xbb: {  	v42 =	vperm.xlane v26, v2;
	v17 =	vperm.xlane v26, v3;
	v47 =	vld [tilespmem:s8+$0xFFFFFFC0];
	[tilespmem:s9+$0x0] =	vst v31;
	v33 =	vpop (erf)  }
0xbc: {  	v50 =	vperm.xlane v31, v1;
	v43 =	vperm.xlane v31, v2;
	v34 =	vld [tilespmem:s8+$0x10];
	[tilespmem:s9+$0x50] =	vst v33;
	v35 =	vpop (erf)  }
0xbd: {  	v51 =	vperm.xlane v33, v1;
	v21 =	vmul.f32 v21, v60;
	v52 =	vld [tilespmem:s8+$0x60];
	[tilespmem:s9+$0xA0] =	vst v35;
	v41 =	vpop (erf)  }
0xbe: {  	v44 =	vperm.xlane v33, v2;
	[tilespmem:s9+$0xFFFFFEC0] =	vst v41;
	v59 =	vld [tilespmem:s8+$0xB0];
	v53 =	vmul.f32 v63, v62  }
0xbf: {  	v20 =	vmul.f32 v20, v61;
	v54 =	vperm.xlane v35, v1;
	[tilespmem:s9+$0xFFFFFF20] =	vst v21;
	v60 =	vld [tilespmem:s8+$0xFFFFFED0]  }
0xc0: {  	v58 =	vperm.xlane v41, v1;
	v21 =	vmul.f32 v46, v47;
	v61 =	vld [tilespmem:s8+$0xFFFFFF30];
	[tilespmem:s9+$0x110] =	vst v53  }
0xc1: {  	v45 =	vperm.xlane v41, v2;
	[tilespmem:s9+$0xFFFFFF70] =	vst v20;
	v46 =	vmul.f32 v50, v34;
	v53 =	vld [tilespmem:s8+$0x120]  }
0xc2: {  	v47 =	vperm.xlane v35, v2;
	v62 =	vld [tilespmem:s8+$0xFFFFFF80];
	v52 =	vmul.f32 v51, v52;
	[tilespmem:s9+$0xFFFFFFC0] =	vst v21  }
0xc3: {  	v20 =	vperm.xlane v33, v3;
	v50 =	vld [tilespmem:s8+$0xFFFFFFD0];
	[tilespmem:s9+$0x10] =	vst v46;
	v54 =	vmul.f32 v54, v59  }
0xc4: {  	v51 =	vld [tilespmem:s8+$0x20];
	[tilespmem:s9+$0x60] =	vst v52;
	v59 =	vperm.xlane v25, v3;
	v58 =	vmul.f32 v58, v60  }
0xc5: {  	v34 =	vperm.xlane v41, v3;
	v60 =	vmul.f32 v49, v61;
	v49 =	vld [tilespmem:s8+$0x70];
	[tilespmem:s9+$0xB0] =	vst v54  }
0xc6: {  	v46 =	vperm.xlane v35, v3;
	[tilespmem:s9+$0xFFFFFED0] =	vst v58;
	v52 =	vld [tilespmem:s8+$0xC0];
	v54 =	vmul.f32 v59, v53  }
0xc7: {  	s3 =	simm.s32 $0x56E0;
	s11 =	simm.s32 $0x10;
	v21 =	vperm.xlane v31, v3;
	v55 =	vmul.f32 v57, v62;
	[tilespmem:s9+$0xFFFFFF30] =	vst v60;
	v53 =	vld [tilespmem:s8+$0xFFFFFEE0]  }
.LBB2_3:
0xc8: {  	v39 =	vld [tilespmem:s3+$0xF0];
	v42 =	vmul.f32 v42, v50;
	[tilespmem:s9+$0x120] =	vst v54;
	v29 =	vmul.f32 v13, v29;
	v13 =	vmov v46  }
0xc9: {  	v41 =	vperm.xlane v41, v4;
	s10 =	sadd.s32 $0x80, s10;
	[tilespmem:s9+$0xFFFFFF80] =	vst v55;
	v43 =	vmul.f32 v43, v51;
	v46 =	vld [tilespmem:s8+$0x130]  }
0xca: {  	s11 =	sadd.s32 $0x8, s11;
	v27 =	vperm.xlane v27, v4;
	v50 =	vld [tilespmem:s10+$0x30];
	[tilespmem:s9+$0xFFFFFFD0] =	vst v42;
	v42 =	vmul.f32 v44, v49  }
0xcb: {  	v30 =	vperm.xlane v30, v4;
	p0 =	slt.u32 s11, $0x48;
	v44 =	vld [tilespmem:s10+$0xFFFFFFC0];
	[tilespmem:s9+$0x20] =	vst v43;
	v43 =	vmul.f32 v47, v52  }
0xcc: {  	v25 =	vperm.xlane v25, v4;
	v47 =	vld [tilespmem:s3+$0xFFFFFF10];
	v45 =	vmul.f32 v45, v53;
	[tilespmem:s9+$0x70] =	vst v42  }
0xcd: {  	v26 =	vperm.xlane v26, v4;
	v31 =	vperm.xlane v31, v4;
	v42 =	vld [tilespmem:s10+$0xFFFFFFD0];
	[tilespmem:s9+$0xC0] =	vst v43  }
0xce: {  	v33 =	vperm.xlane v33, v4;
	v43 =	vld [tilespmem:s3+$0xFFFFFF60];
	[tilespmem:s9+$0xFFFFFEE0] =	vst v45;
	v25 =	vmul.f32 v25, v46  }
0xcf: {  	v35 =	vperm.xlane v35, v4;
	v28 =	vmul.f32 v15, v28;
	v45 =	vld [tilespmem:s10+$0xFFFFFFE0];
	v39 =	vadd.f32 v50, v39;
	[tilespmem:s6+$0xFFFFFFE0] =	vst v48  }
0xd0: {  	v15 =	vmovc v41;
	v46 =	vld [tilespmem:s3+$0xFFFFFFB0];
	[tilespmem:s9+$0x130] =	vst v25;
	v25 =	vmul.f32 v14, v32;
	v32 =	vmul.f32 v16, v36;
	v14 =	vmov v27  }
0xd1: {  	v22 =	vmul.f32 v5, v22;
	v5 =	vmovc v11;
	v11 =	vmovc v26;
	v16 =	vmov v30;
	v27 =	vld [tilespmem:s10+$0xFFFFFFF0];
	v36 =	vmul.f32 $2.000000030e-01, v39;
	[tilespmem:s6+$0x30] =	vst v40  }
0xd2: {  	v23 =	vmul.f32 v6, v23;
	v24 =	vmul.f32 v8, v24;
	v26 =	vadd.f32 v42, v47;
	v30 =	vld [tilespmem:s3+$0x0];
	[tilespmem:s6+$0x80] =	vst v38  }
0xd3: {  	v6 =	vmovc v10;
	v10 =	vmov v31;
	v38 =	vld [tilespmem:s10+$0x0];
	v40 =	vmax.f32 v39, v36;
	[tilespmem:s6+$0xD0] =	vst v29;
	v29 =	vmul.f32 v7, v37  }
0xd4: {  	v8 =	vmovc v9;
	v9 =	vmovc v33;
	v31 =	vmul.f32 $2.000000030e-01, v26;
	v36 =	vadd.f32 v45, v43;
	v37 =	vld [tilespmem:s3+$0x50];
	v39 =	vmul.f32 $1.442695020e+00, v40;
	[tilespmem:s6+$0xFFFFFF00] =	vst v28  }
0xd5: {  	v7 =	vmov v12;
	v12 =	vmov v35;
	v28 =	vld [tilespmem:s10+$0x10];
	[tilespmem:s6+$0xFFFFFF50] =	vst v25  }
0xd6: {  	v25 =	vmul.f32 $2.000000030e-01, v36;
	v27 =	vadd.f32 v27, v46;
	v33 =	vld [tilespmem:s3+$0xA0];
	(erf) = vpow2.f32 v39;
	[tilespmem:s6+$0xFFFFFFA0] =	vst v32  }
0xd7: {  	v26 =	vmax.f32 v26, v31;
	v31 =	vld [tilespmem:s10+$0x20];
	[tilespmem:s14+$0xFFFFFFF0] =	vst v22  }
0xd8: {  	v22 =	vld [tilespmem:s3+$0xFFFFFEC0];
	v25 =	vmax.f32 v36, v25;
	v32 =	vmul.f32 $2.000000030e-01, v27;
	v30 =	vadd.f32 v38, v30;
	[tilespmem:s14+$0x40] =	vst v23  }
0xd9: {  	v23 =	vmul.f32 $1.442695020e+00, v26;
	v25 =	vmul.f32 $1.442695020e+00, v25;
	v26 =	vld [tilespmem:s8+$0xFFFFFEF0];
	[tilespmem:s14+$0x90] =	vst v24  }
0xda: {  	v24 =	vmax.f32 v27, v32;
	v27 =	vmul.f32 $2.000000030e-01, v30;
	v28 =	vadd.f32 v28, v37;
	v32 =	vld [tilespmem:s8+$0xFFFFFF40];
	[tilespmem:s14+$0xE0] =	vst v29;
	s14 =	smov.u32 s6;
	s6 =	smov.u32 s9  }
0xdb: {  	v24 =	vmul.f32 $1.442695020e+00, v24;
	(erf) = vpow2.f32 v23;
	v35 =	vld [tilespmem:s8+$0xFFFFFF90]  }
0xdc: {  	v23 =	vmax.f32 v30, v27;
	v27 =	vmul.f32 $2.000000030e-01, v28;
	v30 =	vadd.f32 v31, v33;
	v40 =	vld [tilespmem:s8+$0xFFFFFFE0]  }
0xdd: {  	v31 =	vadd.f32 v44, v22;
	v22 =	vmul.f32 $1.442695020e+00, v23;
	(erf) = vpow2.f32 v25;
	v39 =	vld [tilespmem:s8+$0x30]  }
0xde: {  	s9 =	sadd.s32 $0x280, s9;
	v23 =	vmax.f32 v28, v27;
	v27 =	vmul.f32 $2.000000030e-01, v30;
	(erf) = vpow2.f32 v24;
	v38 =	vld [tilespmem:s8+$0x80]  }
0xdf: {  	v24 =	vmul.f32 $2.000000030e-01, v31;
	v23 =	vmul.f32 $1.442695020e+00, v23;
	v25 =	vpop (erf);
	v29 =	vld [tilespmem:s8+$0xD0]  }
0xe0: {  	v26 =	vmul.f32 v34, v26;
	v27 =	vmax.f32 v30, v27;
	[tilespmem:s9+$0xF0] =	vst v25;
	(erf) = vpow2.f32 v22;
	v22 =	vld [tilespmem:s16+$0xFFFFFFF0]  }
0xe1: {  	v24 =	vmax.f32 v31, v24;
	v31 =	vmul.f32 $1.442695020e+00, v27;
	v30 =	vld [tilespmem:s3+$0x100];
	(erf) = vpow2.f32 v23  }
0xe2: {  	v18 =	vmul.f32 v18, v32;
	v24 =	vmul.f32 $1.442695020e+00, v24;
	[tilespmem:s6+$0xFFFFFEF0] =	vst v26;
	v23 =	vld [tilespmem:s16+$0x40]  }
0xe3: {  	v19 =	vmul.f32 v19, v35;
	(erf) = vpow2.f32 v31;
	v28 =	vld [tilespmem:s8+$0xFFFFFF00]  }
0xe4: {  	v33 =	vperm.xlane v25, v1;
	(erf) = vpow2.f32 v24;
	v27 =	vpop (erf);
	[tilespmem:s6+$0xFFFFFF40] =	vst v18;
	v24 =	vld [tilespmem:s16+$0x90]  }
0xe5: {  	[tilespmem:s9+$0xFFFFFF10] =	vst v27;
	v34 =	vperm.xlane v27, v1;
	v48 =	vperm.xlane v27, v2;
	v32 =	vld [tilespmem:s8+$0xFFFFFF50]  }
0xe6: {  	v18 =	vperm.xlane v27, v3;
	v35 =	vld [tilespmem:s3+$0xFFFFFF20];
	v33 =	vmul.f32 v33, v30;
	v30 =	vpop (erf);
	[tilespmem:s6+$0xFFFFFF90] =	vst v19  }
0xe7: {  	[tilespmem:s9+$0xFFFFFF60] =	vst v30;
	v37 =	vperm.xlane v30, v1;
	v55 =	vperm.xlane v30, v2;
	v26 =	vpop (erf);
	v36 =	vld [tilespmem:s8+$0xFFFFFFA0]  }
0xe8: {  	v41 =	vld [tilespmem:s3+$0xFFFFFF70];
	v46 =	vperm.xlane v26, v1;
	v42 =	vperm.xlane v26, v2;
	[tilespmem:s9+$0x100] =	vst v33  }
0xe9: {  	v19 =	vperm.xlane v30, v3;
	v52 =	vperm.xlane v26, v3;
	[tilespmem:s9+$0xFFFFFFB0] =	vst v26;
	v45 =	vld [tilespmem:s3+$0x110];
	v31 =	vpop (erf)  }
0xea: {  	v47 =	vld [tilespmem:s3+$0xFFFFFFC0];
	[tilespmem:s9+$0x0] =	vst v31;
	v49 =	vperm.xlane v31, v1;
	v43 =	vperm.xlane v31, v2;
	v33 =	vpop (erf)  }
0xeb: {  	v34 =	vmul.f32 v34, v35;
	v50 =	vld [tilespmem:s3+$0x10];
	[tilespmem:s9+$0x50] =	vst v33;
	v51 =	vperm.xlane v33, v1  }
0xec: {  	v54 =	vperm.xlane v25, v2;
	v44 =	vperm.xlane v33, v2;
	v53 =	vld [tilespmem:s3+$0x60];
	v35 =	vpop (erf)  }
0xed: {  	v56 =	vmul.f32 v37, v41;
	[tilespmem:s9+$0xA0] =	vst v35;
	v57 =	vperm.xlane v35, v1;
	v41 =	vpop (erf);
	v37 =	vld [tilespmem:s16+$0xE0];
	s16 =	smov.u32 s8;
	s8 =	smov.u32 s3  }
0xee: {  	[tilespmem:s9+$0xFFFFFEC0] =	vst v41;
	v58 =	vperm.xlane v41, v1;
	v59 =	vld [tilespmem:s3+$0xB0];
	v54 =	vmul.f32 v54, v45  }
0xef: {  	v45 =	vperm.xlane v41, v2;
	v60 =	vld [tilespmem:s3+$0xFFFFFED0];
	[tilespmem:s9+$0xFFFFFF20] =	vst v34;
	v46 =	vmul.f32 v46, v47  }
0xf0: {  	v47 =	vperm.xlane v35, v2;
	v61 =	vld [tilespmem:s3+$0xFFFFFF30];
	v49 =	vmul.f32 v49, v50;
	[tilespmem:s9+$0x110] =	vst v54  }
0xf1: {  	v34 =	vperm.xlane v41, v3;
	[tilespmem:s9+$0xFFFFFF70] =	vst v56;
	v53 =	vmul.f32 v51, v53;
	v54 =	vld [tilespmem:s3+$0x120]  }
0xf2: {  	v62 =	vperm.xlane v31, v3;
	v63 =	vperm.xlane v33, v3;
	v56 =	vld [tilespmem:s3+$0xFFFFFF80];
	[tilespmem:s9+$0xFFFFFFC0] =	vst v46  }
.Ltmp0:
0xf3: {  	v46 =	vperm.xlane v35, v3;
	v50 =	vld [tilespmem:s3+$0xFFFFFFD0];
	[tilespmem:s9+$0x10] =	vst v49;
	v57 =	vmul.f32 v57, v59;
	(pc) =	sbr.rel @p0 .LBB2_3-.Ltmp0, $4  }
0xf4: {  	v58 =	vmul.f32 v58, v60;
	v51 =	vld [tilespmem:s3+$0x20];
	[tilespmem:s9+$0x60] =	vst v53;
	v53 =	vperm.xlane v25, v3  }
0xf5: {  	v59 =	vmul.f32 v48, v61;
	v49 =	vld [tilespmem:s3+$0x70];
	[tilespmem:s9+$0xB0] =	vst v57;
	v48 =	vmul.f32 v17, v40;
	v17 =	vmov v52  }
0xf6: {  	v40 =	vmul.f32 v21, v39;
	v21 =	vmov v62;
	[tilespmem:s9+$0xFFFFFED0] =	vst v58;
	v52 =	vld [tilespmem:s3+$0xC0];
	v54 =	vmul.f32 v53, v54  }
0xf7: {  	v38 =	vmul.f32 v20, v38;
	v20 =	vmov v63;
	s3 =	sadd.s32 $0x280, s3;
	v53 =	vld [tilespmem:s8+$0xFFFFFEE0];
	[tilespmem:s9+$0xFFFFFF30] =	vst v59;
	v55 =	vmul.f32 v55, v56  }
0xf8: {  	[tilespmem:s9+$0x120] =	vst v54  }
0xf9: {  	[tilespmem:s6+$0xFFFFFFE0] =	vst v48  }
0xfa: {  	[tilespmem:s6+$0x30] =	vst v40  }
0xfb: {  	v39 =	vmul.f32 v42, v50;
	[tilespmem:s9+$0xFFFFFF80] =	vst v55  }
0xfc: {  	v13 =	vmul.f32 v13, v29;
	[tilespmem:s6+$0x80] =	vst v38  }
0xfd: {  	v15 =	vmul.f32 v15, v28;
	[tilespmem:s9+$0xFFFFFFD0] =	vst v39  }
0xfe: {  	v14 =	vmul.f32 v14, v32;
	[tilespmem:s6+$0xD0] =	vst v13  }
0xff: {  	v16 =	vmul.f32 v16, v36;
	[tilespmem:s6+$0xFFFFFF00] =	vst v15  }
0x100: {  	[tilespmem:s6+$0xFFFFFF50] =	vst v14;
	v63 =	vmul.f32 v45, v53  }
0x101: {  	v5 =	vmul.f32 v5, v22;
	[tilespmem:s6+$0xFFFFFFA0] =	vst v16  }
0x102: {  	v6 =	vmul.f32 v6, v23;
	v15 =	vld [tilespmem:s8+$0xFFFFFF40];
	[tilespmem:s9+$0xFFFFFEE0] =	vst v63  }
0x103: {  	v8 =	vmul.f32 v8, v24;
	[tilespmem:s14+$0xFFFFFFF0] =	vst v5;
	v13 =	vld [tilespmem:s8+$0xFFFFFEF0]  }
0x104: {  	v59 =	vmul.f32 v43, v51;
	[tilespmem:s14+$0x40] =	vst v6  }
0x105: {  	v61 =	vmul.f32 v44, v49;
	v14 =	vld [tilespmem:s8+$0xFFFFFF90];
	[tilespmem:s14+$0x90] =	vst v8  }
0x106: {  	v60 =	vld [tilespmem:s8+$0x130];
	[tilespmem:s9+$0x20] =	vst v59;
	v62 =	vmul.f32 v47, v52  }
0x107: {  	v5 =	vld [tilespmem:s8+$0xFFFFFFE0];
	[tilespmem:s9+$0x70] =	vst v61;
	v15 =	vmul.f32 v18, v15  }
0x108: {  	v6 =	vld [tilespmem:s8+$0x30];
	[tilespmem:s9+$0xC0] =	vst v62;
	v13 =	vmul.f32 v34, v13  }
0x109: {  	v25 =	vperm.xlane v25, v4;
	v7 =	vmul.f32 v7, v37;
	v8 =	vld [tilespmem:s8+$0x80];
	[tilespmem:s9+$0xFFFFFF40] =	vst v15  }
0x10a: {  	v16 =	vld [tilespmem:s8+$0xD0];
	[tilespmem:s9+$0xFFFFFEF0] =	vst v13;
	v13 =	vmul.f32 v19, v14  }
0x10b: {  	[tilespmem:s14+$0xE0] =	vst v7;
	v25 =	vmul.f32 v25, v60;
	v15 =	vld [tilespmem:s8+$0xFFFFFF50]  }
0x10c: {  	v18 =	vld [tilespmem:s16+$0x40];
	v5 =	vmul.f32 v17, v5;
	[tilespmem:s9+$0xFFFFFF90] =	vst v13  }
0x10d: {  	[tilespmem:s9+$0x130] =	vst v25;
	v6 =	vmul.f32 v21, v6;
	v7 =	vld [tilespmem:s8+$0xFFFFFFA0]  }
0x10e: {  	v17 =	vld [tilespmem:s16+$0xFFFFFFF0];
	v8 =	vmul.f32 v20, v8;
	[tilespmem:s9+$0xFFFFFFE0] =	vst v5;
	v5 =	vperm.xlane v27, v4  }
0x10f: {  	v16 =	vmul.f32 v46, v16;
	[tilespmem:s9+$0x30] =	vst v6;
	v14 =	vld [tilespmem:s8+$0xFFFFFF00]  }
0x110: {  	v6 =	vperm.xlane v30, v4;
	[tilespmem:s9+$0x80] =	vst v8;
	v8 =	vld [tilespmem:s16+$0xE0];
	v5 =	vmul.f32 v5, v15  }
0x111: {  	v10 =	vmul.f32 v10, v18;
	[tilespmem:s9+$0xD0] =	vst v16;
	v19 =	vld [tilespmem:s16+$0x90]  }
0x112: {  	v13 =	vperm.xlane v41, v4;
	[tilespmem:s9+$0xFFFFFF50] =	vst v5;
	v5 =	vld [tilespmem:s8+$0x40];
	v6 =	vmul.f32 v6, v7  }
0x113: {  	v11 =	vmul.f32 v11, v17;
	[tilespmem:s6+$0x40] =	vst v10;
	v7 =	vld [tilespmem:s8+$0xFFFFFFF0]  }
0x114: {  	v13 =	vmul.f32 v13, v14;
	[tilespmem:s9+$0xFFFFFFA0] =	vst v6;
	v6 =	vld [tilespmem:s8+$0x90]  }
0x115: {  	[tilespmem:s6+$0xFFFFFFF0] =	vst v11;
	v11 =	vld [tilespmem:s8+$0xE0];
	v8 =	vmul.f32 v12, v8;
	v14 =	vperm.xlane v31, v4  }
0x116: {  	v9 =	vmul.f32 v9, v19;
	[tilespmem:s9+$0xFFFFFF00] =	vst v13;
	v13 =	vperm.xlane v26, v4  }
0x117: {  	v10 =	vperm.xlane v33, v4;
	[tilespmem:s6+$0xE0] =	vst v8;
	v5 =	vmul.f32 v14, v5  }
0x118: {  	[tilespmem:s6+$0x90] =	vst v9;
	v9 =	vperm.xlane v35, v4;
	v7 =	vmul.f32 v13, v7  }
0x119: {  	s3 =	smul.u32 $0x280, s0;
	[tilespmem:s9+$0x40] =	vst v5;
	v6 =	vmul.f32 v10, v6  }
0x11a: {  	[tilespmem:s9+$0xFFFFFFF0] =	vst v7;
	v7 =	vmul.f32 v9, v11  }
0x11b: {  	s3 =	sshra.s32 s3, $0x2;
	[tilespmem:s9+$0x90] =	vst v6  }
0x11c: {  	s3 =	sadd.s32 $0x2710, s3;
	[tilespmem:s9+$0xE0] =	vst v7  }
0x11d: {  	[spmem:s2] =	stream.indirect.scatter.add.f32 [tilespmem:s17], [sflag:$0x5], $0x50, s3, s15, $0xb8;
	[tilespmem:$0x18470] =	vst v63  }
0x11e: {  	s11 =	sadd.s32 $0xA0, s30  }
0x11f: {  	[tilespmem:s19], [sflag:$0x1] =	stream.indirect.gather [hbm4b:s4+s15], $0x50, s11, s15, $0xb8;
	[tilespmem:$0x18470] =	vst v63  }
0x120: {  	s14 =	sadd.s32 $0x27B0, s30  }
0x121: {  	[tilespmem:s20], [sflag:$0x2] =	stream.indirect.gather [hbm4b:s5+s15], $0x10, s14, s15, $0xb8;
	[tilespmem:$0x18470] =	vst v63  }
0x122: {  	_ =	swait.ge [sflag:s26], $0x1900  }
0x123: {  	[sflag:s26] =	ssyncset.done $0x0  }
0x124: {  	[sflag:s26] =	ssyncadd.s32 $0xFFFFE700  }
0x125: {  	_ =	swait.ge [sflag:s28], $0x500  }
0x126: {  	[sflag:s28] =	ssyncset.done $0x0  }
0x127: {  	[sflag:s28] =	ssyncadd.s32 $0xFFFFFB00  }
0x128: {  	_ =	swait.ge [sflag:s29], $0x1900  }
0x129: {  	[sflag:s29] =	ssyncset.done $0x0  }
0x12a: {  	s11 =	simm.s32 $0x6860;
	[sflag:s29] =	ssyncadd.s32 $0xFFFFE700  }
0x12b: {  	s16 =	simm.s32 $0x8560;
	v5 =	vld [tilespmem:s11+$0xF0]  }
0x12c: {  	v6 =	vld [tilespmem:s16+$0x30];
	_ =	sdelay $0x1  }
0x12d: {  	v7 =	vld [tilespmem:s16+$0xFFFFFFC0]  }
0x12e: {  	v8 =	vld [tilespmem:s11+$0xFFFFFF10]  }
0x12f: {  	v9 =	vld [tilespmem:s16+$0xFFFFFFD0]  }
0x130: {  	v10 =	vld [tilespmem:s11+$0xFFFFFF60];
	v5 =	vadd.f32 v6, v5  }
0x131: {  	v11 =	vld [tilespmem:s16+$0xFFFFFFE0]  }
0x132: {  	v12 =	vld [tilespmem:s16+$0xFFFFFFF0];
	v13 =	vmul.f32 $2.000000030e-01, v5  }
0x133: {  	v14 =	vld [tilespmem:s11+$0x0]  }
0x134: {  	v6 =	vld [tilespmem:s11+$0xFFFFFFB0];
	v5 =	vmax.f32 v5, v13  }
0x135: {  	v15 =	vld [tilespmem:s16+$0x0];
	v5 =	vmul.f32 $1.442695020e+00, v5  }
0x136: {  	v16 =	vld [tilespmem:s11+$0xA0];
	v8 =	vadd.f32 v9, v8  }
0x137: {  	v9 =	vld [tilespmem:s11+$0x50];
	v10 =	vadd.f32 v11, v10;
	(erf) = vpow2.f32 v5  }
0x138: {  	v11 =	vld [tilespmem:s16+$0x10];
	v13 =	vmul.f32 $2.000000030e-01, v8  }
0x139: {  	v6 =	vadd.f32 v12, v6;
	v12 =	vld [tilespmem:s16+$0x20];
	v5 =	vmul.f32 $2.000000030e-01, v10  }
0x13a: {  	v8 =	vmax.f32 v8, v13;
	v13 =	vld [tilespmem:s11+$0xFFFFFEC0]  }
0x13b: {  	v8 =	vmul.f32 $1.442695020e+00, v8;
	v5 =	vmax.f32 v10, v5  }
0x13c: {  	v14 =	vadd.f32 v15, v14;
	v10 =	vmul.f32 $2.000000030e-01, v6;
	v5 =	vmul.f32 $1.442695020e+00, v5  }
0x13d: {  	v9 =	vadd.f32 v11, v9;
	(erf) = vpow2.f32 v8  }
0x13e: {  	v8 =	vadd.f32 v12, v16;
	v6 =	vmax.f32 v6, v10;
	v10 =	vmul.f32 $2.000000030e-01, v14  }
0x13f: {  	v11 =	vmul.f32 $2.000000030e-01, v9;
	v7 =	vadd.f32 v7, v13;
	v6 =	vmul.f32 $1.442695020e+00, v6  }
0x140: {  	s14 =	simm.s32 $0xA460;
	v12 =	vmul.f32 $2.000000030e-01, v8;
	(erf) = vpow2.f32 v5;
	v10 =	vmax.f32 v14, v10;
	v5 =	vpop (erf)  }
0x141: {  	v9 =	vmax.f32 v9, v11;
	v11 =	vmul.f32 $2.000000030e-01, v7;
	v10 =	vmul.f32 $1.442695020e+00, v10;
	[tilespmem:s14+$0xF0] =	vst v5  }
0x142: {  	s30 =	simm.s32 $0x85E0;
	v8 =	vmax.f32 v8, v12;
	(erf) = vpow2.f32 v6;
	v6 =	vmul.f32 $1.442695020e+00, v9;
	v9 =	vld [tilespmem:s11+$0x100]  }
0x143: {  	v26 =	vld [tilespmem:s30+$0xFFFFFFC0];
	v7 =	vmax.f32 v7, v11;
	v8 =	vmul.f32 $1.442695020e+00, v8;
	(erf) = vpow2.f32 v10  }
0x144: {  	v31 =	vld [tilespmem:s30+$0xFFFFFFD0];
	(erf) = vpow2.f32 v6;
	v6 =	vmul.f32 $1.442695020e+00, v7  }
0x145: {  	v51 =	vld [tilespmem:s30+$0xFFFFFFE0];
	v7 =	vperm.xlane v5, v1;
	(erf) = vpow2.f32 v8  }
0x146: {  	v56 =	vld [tilespmem:s30+$0xFFFFFFF0];
	s16 =	simm.s32 $0x6AE0;
	(erf) = vpow2.f32 v6  }
0x147: {  	v29 =	vld [tilespmem:s16+$0xFFFFFF10];
	v6 =	vmul.f32 v7, v9  }
0x148: {  	v48 =	vld [tilespmem:s16+$0xFFFFFF60];
	v8 =	vpop (erf)  }
0x149: {  	v54 =	vld [tilespmem:s16+$0xFFFFFFB0];
	[tilespmem:s14+$0xFFFFFF10] =	vst v8;
	v7 =	vpop (erf)  }
0x14a: {  	v9 =	vld [tilespmem:s11+$0xFFFFFF20];
	[tilespmem:s14+$0xFFFFFF60] =	vst v7  }
0x14b: {  	v15 =	vperm.xlane v8, v1;
	[tilespmem:s14+$0x100] =	vst v6;
	v11 =	vld [tilespmem:s11+$0xFFFFFF70];
	v6 =	vpop (erf)  }
0x14c: {  	v10 =	vld [tilespmem:s11+$0x110];
	[tilespmem:s14+$0xFFFFFFB0] =	vst v6;
	v13 =	vpop (erf)  }
0x14d: {  	v16 =	vld [tilespmem:s11+$0xFFFFFFC0];
	[tilespmem:s14+$0x0] =	vst v13;
	v14 =	vpop (erf)  }
0x14e: {  	v18 =	vperm.xlane v5, v2;
	v17 =	vld [tilespmem:s11+$0x10];
	[tilespmem:s14+$0x50] =	vst v14;
	v12 =	vpop (erf)  }
0x14f: {  	v19 =	vperm.xlane v7, v1;
	v9 =	vmul.f32 v15, v9;
	v20 =	vld [tilespmem:s11+$0x60];
	[tilespmem:s14+$0xA0] =	vst v12;
	v15 =	vpop (erf)  }
0x150: {  	v21 =	vperm.xlane v6, v1;
	[tilespmem:s14+$0xFFFFFEC0] =	vst v15;
	v22 =	vld [tilespmem:s11+$0xB0]  }
0x151: {  	v11 =	vmul.f32 v19, v11;
	v10 =	vmul.f32 v18, v10;
	v19 =	vld [tilespmem:s11+$0xFFFFFED0]  }
0x152: {  	v58 =	vld [tilespmem:s30+$0x10];
	[tilespmem:s14+$0xFFFFFF20] =	vst v9;
	v9 =	vperm.xlane v14, v1;
	v18 =	vperm.xlane v13, v1  }
0x153: {  	v29 =	vadd.f32 v31, v29;
	[tilespmem:s14+$0x110] =	vst v10;
	v10 =	vperm.xlane v12, v1;
	v16 =	vmul.f32 v21, v16;
	v21 =	vld [tilespmem:s11+$0xFFFFFF30]  }
0x154: {  	v31 =	vadd.f32 v51, v48;
	[tilespmem:s14+$0xFFFFFF70] =	vst v11;
	v11 =	vperm.xlane v15, v1;
	v17 =	vmul.f32 v18, v17;
	v18 =	vld [tilespmem:s11+$0x120]  }
0x155: {  	v59 =	vadd.f32 v56, v54;
	v9 =	vmul.f32 v9, v20;
	v20 =	vld [tilespmem:s11+$0xFFFFFF80];
	[tilespmem:s14+$0xFFFFFFC0] =	vst v16;
	v10 =	vmul.f32 v10, v22  }
0x156: {  	v61 =	vmul.f32 $2.000000030e-01, v29;
	v16 =	vld [tilespmem:s11+$0xFFFFFFD0];
	[tilespmem:s14+$0x10] =	vst v17;
	v11 =	vmul.f32 v11, v19  }
0x157: {  	v62 =	vmul.f32 $2.000000030e-01, v31;
	v45 =	vmul.f32 $2.000000030e-01, v59;
	[tilespmem:s14+$0xB0] =	vst v10;
	v10 =	vld [tilespmem:s16+$0xF0]  }
0x158: {  	v55 =	vperm.xlane v5, v3;
	v24 =	vperm.xlane v8, v2;
	[tilespmem:s14+$0xFFFFFED0] =	vst v11;
	v11 =	vld [tilespmem:s30+$0x30]  }
0x159: {  	v25 =	vperm.xlane v8, v3;
	v27 =	vperm.xlane v7, v2;
	v17 =	vld [tilespmem:s11+$0x20];
	[tilespmem:s14+$0x60] =	vst v9  }
0x15a: {  	v30 =	vperm.xlane v7, v3;
	v28 =	vperm.xlane v6, v2;
	v19 =	vld [tilespmem:s11+$0x70]  }
0x15b: {  	v46 =	vperm.xlane v13, v2;
	v21 =	vmul.f32 v24, v21;
	v24 =	vld [tilespmem:s16+$0x0]  }
0x15c: {  	v47 =	vperm.xlane v14, v2;
	v50 =	vperm.xlane v12, v2;
	v22 =	vld [tilespmem:s11+$0xC0]  }
0x15d: {  	v49 =	vperm.xlane v15, v2;
	v20 =	vmul.f32 v27, v20;
	v27 =	vld [tilespmem:s30+$0x0];
	v52 =	vadd.f32 v11, v10  }
0x15e: {  	v53 =	vperm.xlane v15, v3;
	v9 =	vperm.xlane v6, v3;
	v23 =	vld [tilespmem:s11+$0xFFFFFEE0]  }
0x15f: {  	v63 =	vld [tilespmem:s30+$0x20];
	v18 =	vmul.f32 v55, v18;
	v57 =	vmul.f32 $2.000000030e-01, v52  }
0x160: {  	v16 =	vmul.f32 v28, v16;
	v28 =	vld [tilespmem:s16+$0x50];
	v17 =	vmul.f32 v46, v17  }
0x161: {  	v60 =	vld [tilespmem:s16+$0xA0];
	v19 =	vmul.f32 v47, v19;
	v10 =	vperm.xlane v13, v3;
	v38 =	vmax.f32 v52, v57  }
0x162: {  	v44 =	vld [tilespmem:s16+$0xFFFFFEC0];
	[tilespmem:s14+$0xFFFFFF30] =	vst v21;
	v22 =	vmul.f32 v50, v22;
	v24 =	vadd.f32 v27, v24;
	v38 =	vmul.f32 $1.442695020e+00, v38  }
0x163: {  	[tilespmem:s14+$0x120] =	vst v18;
	v18 =	vld [tilespmem:s11+$0xFFFFFF40];
	v23 =	vmul.f32 v49, v23;
	v27 =	vmax.f32 v29, v61;
	v29 =	vmax.f32 v31, v62  }
0x164: {  	v31 =	vmax.f32 v59, v45;
	[tilespmem:s14+$0x70] =	vst v19;
	v19 =	vperm.xlane v8, v4;
	(erf) = vpow2.f32 v38  }
0x165: {  	v27 =	vmul.f32 $1.442695020e+00, v27;
	v28 =	vadd.f32 v58, v28;
	v46 =	vmul.f32 $2.000000030e-01, v24;
	[tilespmem:s14+$0xFFFFFEE0] =	vst v23  }
0x166: {  	v23 =	vmul.f32 $1.442695020e+00, v29;
	v29 =	vmul.f32 $1.442695020e+00, v31;
	v31 =	vld [tilespmem:s11+$0xFFFFFEF0]  }
0x167: {  	v26 =	vadd.f32 v26, v44;
	v21 =	vmul.f32 $2.000000030e-01, v28;
	(erf) = vpow2.f32 v27  }
0x168: {  	s8 =	simm.s32 $0x6D60;
	v18 =	vmul.f32 v25, v18;
	v24 =	vmax.f32 v24, v46;
	v27 =	vadd.f32 v63, v60  }
0x169: {  	[tilespmem:s14+$0xFFFFFF80] =	vst v20;
	v47 =	vld [tilespmem:s11+$0x130];
	v24 =	vmul.f32 $1.442695020e+00, v24;
	v20 =	vmax.f32 v28, v21;
	v28 =	vmul.f32 $2.000000030e-01, v26  }
0x16a: {  	[tilespmem:s14+$0xFFFFFFD0] =	vst v16;
	v62 =	vld [tilespmem:s8+$0xF0];
	(erf) = vpow2.f32 v23;
	v23 =	vmul.f32 $2.000000030e-01, v27  }
0x16b: {  	s10 =	simm.s32 $0x8660;
	[tilespmem:s14+$0x20] =	vst v17;
	v25 =	vld [tilespmem:s11+$0x80];
	v20 =	vmul.f32 $1.442695020e+00, v20;
	v16 =	vmul.f32 v53, v31  }
0x16c: {  	[tilespmem:s14+$0xC0] =	vst v22;
	v46 =	vld [tilespmem:s10+$0xFFFFFFD0];
	v31 =	vperm.xlane v12, v3;
	(erf) = vpow2.f32 v29;
	v23 =	vmax.f32 v27, v23  }
0x16d: {  	s6 =	simm.s32 $0xA6E0;
	v63 =	vld [tilespmem:s10+$0x30];
	(erf) = vpow2.f32 v24;
	v24 =	vmax.f32 v26, v28;
	[tilespmem:s14+$0xFFFFFEF0] =	vst v16;
	v23 =	vmul.f32 $1.442695020e+00, v23;
	v21 =	vpop (erf)  }
0x16e: {  	(erf) = vpow2.f32 v20;
	v17 =	vmul.f32 $1.442695020e+00, v24;
	v22 =	vld [tilespmem:s11+$0xFFFFFF00];
	[tilespmem:s6+$0xF0] =	vst v21  }
0x16f: {  	v20 =	vperm.xlane v15, v4;
	(erf) = vpow2.f32 v23;
	v26 =	vld [tilespmem:s16+$0x100]  }
0x170: {  	v29 =	vld [tilespmem:s11+$0xFFFFFF90];
	v23 =	vperm.xlane v21, v1;
	(erf) = vpow2.f32 v17;
	v16 =	vpop (erf)  }
0x171: {  	v28 =	vld [tilespmem:s11+$0x30];
	v17 =	vperm.xlane v7, v4;
	v7 =	vperm.xlane v5, v4;
	[tilespmem:s6+$0xFFFFFF10] =	vst v16  }
0x172: {  	v5 =	vperm.xlane v6, v4;
	v6 =	vperm.xlane v13, v4;
	v13 =	vld [tilespmem:s16+$0xFFFFFF20]  }
0x173: {  	v27 =	vld [tilespmem:s11+$0xFFFFFFE0];
	v20 =	vmul.f32 v20, v22;
	v32 =	vmul.f32 v7, v47  }
0x174: {  	v15 =	vld [tilespmem:s11+$0xD0];
	v7 =	vperm.xlane v12, v4;
	v8 =	vmul.f32 v23, v26;
	v26 =	vpop (erf)  }
0x175: {  	v22 =	vld [tilespmem:s8+$0xFFFFFEC0];
	v12 =	vmul.f32 v30, v29;
	v30 =	vperm.xlane v16, v1;
	[tilespmem:s6+$0xFFFFFF60] =	vst v26  }
0x176: {  	v11 =	vperm.xlane v14, v3;
	v33 =	vpop (erf);
	[tilespmem:s6+$0x100] =	vst v8;
	v24 =	vld [tilespmem:s16+$0xFFFFFF70]  }
0x177: {  	v13 =	vmul.f32 v30, v13;
	v8 =	vperm.xlane v14, v4;
	[tilespmem:s6+$0xFFFFFFB0] =	vst v33;
	v29 =	vpop (erf);
	v14 =	vld [tilespmem:s16+$0x110]  }
0x178: {  	v48 =	vld [tilespmem:s16+$0xFFFFFFC0];
	[tilespmem:s6+$0x0] =	vst v29  }
0x179: {  	v25 =	vmul.f32 v11, v25;
	v28 =	vmul.f32 v10, v28;
	v36 =	vpop (erf);
	[tilespmem:s6+$0xFFFFFF20] =	vst v13;
	v49 =	vld [tilespmem:s16+$0x10]  }
0x17a: {  	v50 =	vperm.xlane v21, v2;
	v27 =	vmul.f32 v9, v27;
	[tilespmem:s6+$0x50] =	vst v36;
	v44 =	vld [tilespmem:s16+$0xFFFFFF30]  }
0x17b: {  	[tilespmem:s14+$0xFFFFFF40] =	vst v18;
	v31 =	vmul.f32 v31, v15;
	v51 =	vperm.xlane v26, v1;
	v41 =	vpop (erf);
	v30 =	vld [tilespmem:s16+$0x60]  }
0x17c: {  	v34 =	vperm.xlane v16, v2;
	v23 =	vld [tilespmem:s11+$0xFFFFFF50];
	v52 =	vperm.xlane v33, v1;
	[tilespmem:s6+$0xA0] =	vst v41;
	v42 =	vpop (erf)  }
0x17d: {  	v54 =	vperm.xlane v29, v1;
	[tilespmem:s6+$0xFFFFFEC0] =	vst v42;
	v53 =	vld [tilespmem:s16+$0xB0];
	v24 =	vmul.f32 v51, v24  }
0x17e: {  	v13 =	vperm.xlane v36, v1;
	v55 =	vld [tilespmem:s16+$0xFFFFFED0];
	v14 =	vmul.f32 v50, v14  }
0x17f: {  	v35 =	vmul.f32 v52, v48;
	[tilespmem:s6+$0xFFFFFF70] =	vst v24;
	v34 =	vmul.f32 v34, v44;
	v44 =	vld [tilespmem:s10+$0xFFFFFFC0]  }
0x180: {  	v37 =	vmul.f32 v54, v49;
	[tilespmem:s6+$0x110] =	vst v14;
	v13 =	vmul.f32 v13, v30;
	v30 =	vld [tilespmem:s16+$0xFFFFFF80]  }
0x181: {  	v18 =	vperm.xlane v16, v3;
	v59 =	vperm.xlane v33, v2;
	[tilespmem:s6+$0xFFFFFFC0] =	vst v35;
	v56 =	vld [tilespmem:s16+$0x120]  }
0x182: {  	v15 =	vperm.xlane v42, v4;
	v14 =	vperm.xlane v41, v1;
	v45 =	vld [tilespmem:s16+$0xFFFFFFD0];
	[tilespmem:s6+$0x10] =	vst v37  }
0x183: {  	v50 =	vperm.xlane v42, v2;
	v24 =	vperm.xlane v42, v1;
	v58 =	vld [tilespmem:s16+$0x20]  }
0x184: {  	v14 =	vmul.f32 v14, v53;
	[tilespmem:s6+$0x60] =	vst v13;
	v53 =	vperm.xlane v42, v3;
	v42 =	vld [tilespmem:s8+$0xFFFFFF60]  }
0x185: {  	v40 =	vperm.xlane v29, v3;
	v57 =	vmul.f32 v24, v55;
	v47 =	vld [tilespmem:s16+$0x70]  }
0x186: {  	v10 =	vperm.xlane v29, v4;
	[tilespmem:s6+$0xB0] =	vst v14;
	v14 =	vperm.xlane v29, v2;
	v29 =	vld [tilespmem:s10+$0x0]  }
0x187: {  	v38 =	vperm.xlane v33, v3;
	v35 =	vperm.xlane v26, v2;
	[tilespmem:s6+$0xFFFFFED0] =	vst v57;
	v37 =	vld [tilespmem:s16+$0xC0]  }
0x188: {  	v60 =	vperm.xlane v36, v2;
	v13 =	vperm.xlane v21, v3;
	v49 =	vld [tilespmem:s16+$0xFFFFFEE0]  }
0x189: {  	v24 =	vperm.xlane v26, v3;
	v30 =	vmul.f32 v35, v30;
	v35 =	vld [tilespmem:s8+$0xFFFFFF10]  }
0x18a: {  	v13 =	vmul.f32 v13, v56;
	v56 =	vld [tilespmem:s10+$0xFFFFFFE0];
	v43 =	vmul.f32 v14, v58  }
0x18b: {  	v14 =	vperm.xlane v16, v4;
	v16 =	vperm.xlane v26, v4;
	v26 =	vadd.f32 v63, v62;
	v63 =	vld [tilespmem:s8+$0x0]  }
0x18c: {  	v11 =	vperm.xlane v33, v4;
	v61 =	vperm.xlane v41, v2;
	v58 =	vld [tilespmem:s10+$0x10]  }
0x18d: {  	[tilespmem:s14+$0xFFFFFFE0] =	vst v27;
	v39 =	vperm.xlane v36, v3;
	v47 =	vmul.f32 v60, v47;
	v60 =	vld [tilespmem:s8+$0xFFFFFFB0]  }
0x18e: {  	[tilespmem:s6+$0xFFFFFF80] =	vst v30;
	v62 =	vmul.f32 $2.000000030e-01, v26;
	v37 =	vmul.f32 v61, v37;
	v61 =	vld [tilespmem:s10+$0xFFFFFFF0]  }
0x18f: {  	v9 =	vperm.xlane v36, v4;
	v19 =	vmul.f32 v19, v23;
	[tilespmem:s6+$0x120] =	vst v13;
	v27 =	vld [tilespmem:s16+$0xFFFFFF90]  }
0x190: {  	[tilespmem:s14+$0xFFFFFF90] =	vst v12;
	v21 =	vperm.xlane v21, v4;
	v54 =	vld [tilespmem:s16+$0x130];
	v55 =	vadd.f32 v46, v35;
	v12 =	vmax.f32 v26, v62  }
0x191: {  	[tilespmem:s14+$0x80] =	vst v25;
	v45 =	vmul.f32 v59, v45;
	v26 =	vld [tilespmem:s8+$0x50];
	v56 =	vadd.f32 v56, v42;
	v57 =	vmul.f32 $1.442695020e+00, v12  }
0x192: {  	[tilespmem:s14+$0xD0] =	vst v31;
	v13 =	vperm.xlane v41, v3;
	v30 =	vmul.f32 $2.000000030e-01, v55;
	v29 =	vadd.f32 v29, v63;
	v63 =	vld [tilespmem:s11+$0xFFFFFFA0]  }
0x193: {  	[tilespmem:s14+$0xFFFFFF50] =	vst v19;
	v42 =	vmul.f32 $2.000000030e-01, v56;
	(erf) = vpow2.f32 v57;
	v59 =	vadd.f32 v61, v60;
	v60 =	vld [tilespmem:s8+$0xA0]  }
0x194: {  	[tilespmem:s6+$0xFFFFFF30] =	vst v34;
	v49 =	vmul.f32 v50, v49;
	v19 =	vmul.f32 v24, v27;
	v23 =	vmax.f32 v55, v30;
	v61 =	vld [tilespmem:s10+$0x20]  }
0x195: {  	[tilespmem:s6+$0xFFFFFFD0] =	vst v45;
	v21 =	vmul.f32 v21, v54;
	v30 =	vmax.f32 v56, v42;
	v23 =	vmul.f32 $1.442695020e+00, v23  }
0x196: {  	[tilespmem:s6+$0x20] =	vst v43;
	v46 =	vmul.f32 $2.000000030e-01, v29;
	v30 =	vmul.f32 $1.442695020e+00, v30;
	v26 =	vadd.f32 v58, v26  }
0x197: {  	v51 =	vadd.f32 v44, v22;
	v48 =	vld [tilespmem:s16+$0xFFFFFFE0];
	[tilespmem:s6+$0x70] =	vst v47;
	v62 =	vmul.f32 $2.000000030e-01, v59;
	(erf) = vpow2.f32 v23  }
0x198: {  	v47 =	vld [tilespmem:s16+$0xFFFFFF40];
	[tilespmem:s6+$0x130] =	vst v21;
	v23 =	vmax.f32 v29, v46;
	v54 =	vmul.f32 v17, v63;
	v21 =	vmul.f32 $2.000000030e-01, v26  }
0x199: {  	[tilespmem:s6+$0xC0] =	vst v37;
	v37 =	vld [tilespmem:s11+$0xE0];
	v22 =	vmul.f32 $1.442695020e+00, v23;
	v43 =	vmax.f32 v59, v62;
	v34 =	vadd.f32 v61, v60  }
0x19a: {  	[tilespmem:s6+$0xFFFFFEE0] =	vst v49;
	v24 =	vld [tilespmem:s11+$0x90];
	(erf) = vpow2.f32 v30;
	v33 =	vmul.f32 $1.442695020e+00, v43  }
0x19b: {  	[tilespmem:s14+$0x30] =	vst v28;
	v42 =	vld [tilespmem:s16+$0xFFFFFEF0];
	v21 =	vmax.f32 v26, v21;
	v26 =	vmul.f32 $2.000000030e-01, v51;
	v23 =	vmul.f32 $2.000000030e-01, v34  }
0x19c: {  	s9 =	simm.s32 $0xA960;
	[tilespmem:s14+$0xFFFFFF00] =	vst v20;
	v55 =	vld [tilespmem:s16+$0x30];
	v17 =	vmul.f32 $1.442695020e+00, v21;
	(erf) = vpow2.f32 v33;
	v25 =	vpop (erf)  }
0x19d: {  	v56 =	vld [tilespmem:s16+$0x80];
	v18 =	vmul.f32 v18, v47;
	(erf) = vpow2.f32 v22;
	v21 =	vmax.f32 v34, v23;
	[tilespmem:s9+$0xF0] =	vst v25  }
0x19e: {  	[tilespmem:s6+$0xFFFFFF90] =	vst v19;
	v20 =	vmax.f32 v51, v26;
	(erf) = vpow2.f32 v17;
	v21 =	vmul.f32 $1.442695020e+00, v21;
	v26 =	vld [tilespmem:s8+$0x100]  }
0x19f: {  	[tilespmem:s14+$0x130] =	vst v32;
	v12 =	vperm.xlane v41, v4;
	v36 =	vld [tilespmem:s16+$0xFFFFFFA0];
	v17 =	vmul.f32 $1.442695020e+00, v20  }
0x1a0: {  	v29 =	vld [tilespmem:s16+$0xD0];
	[tilespmem:s6+$0xFFFFFF40] =	vst v18;
	v23 =	vmul.f32 v53, v42;
	v27 =	vpop (erf);
	(erf) = vpow2.f32 v21  }
0x1a1: {  	v32 =	vld [tilespmem:s16+$0xFFFFFF50];
	v20 =	vperm.xlane v25, v1;
	[tilespmem:s9+$0xFFFFFF10] =	vst v27;
	(erf) = vpow2.f32 v17  }
0x1a2: {  	v48 =	vmul.f32 v38, v48;
	[tilespmem:s14+$0xFFFFFFA0] =	vst v54;
	v40 =	vmul.f32 v40, v55;
	v60 =	vld [tilespmem:s8+$0xFFFFFF20]  }
0x1a3: {  	v38 =	vmul.f32 v39, v56;
	v22 =	vld [tilespmem:s11+$0xFFFFFFF0];
	[tilespmem:s6+$0xFFFFFEF0] =	vst v23;
	v30 =	vpop (erf);
	v17 =	vmul.f32 v20, v26  }
0x1a4: {  	v63 =	vperm.xlane v25, v2;
	v23 =	vld [tilespmem:s11+$0x40];
	v21 =	vperm.xlane v27, v1;
	[tilespmem:s9+$0xFFFFFF60] =	vst v30  }
0x1a5: {  	v49 =	vperm.xlane v27, v2;
	v18 =	vperm.xlane v27, v3;
	v61 =	vld [tilespmem:s8+$0xFFFFFF70];
	v26 =	vpop (erf);
	[tilespmem:s9+$0x100] =	vst v17  }
0x1a6: {  	v57 =	vperm.xlane v30, v2;
	v19 =	vperm.xlane v30, v3;
	[tilespmem:s9+$0xFFFFFFB0] =	vst v26;
	v31 =	vpop (erf);
	v62 =	vld [tilespmem:s8+$0x110]  }
0x1a7: {  	v28 =	vld [tilespmem:s16+$0xFFFFFF00];
	v20 =	vperm.xlane v30, v1;
	[tilespmem:s9+$0x0] =	vst v31;
	v33 =	vpop (erf);
	v21 =	vmul.f32 v21, v60  }
0x1a8: {  	v46 =	vperm.xlane v26, v1;
	v42 =	vperm.xlane v26, v2;
	v47 =	vld [tilespmem:s8+$0xFFFFFFC0];
	[tilespmem:s9+$0x50] =	vst v33  }
0x1a9: {  	v17 =	vperm.xlane v26, v3;
	v50 =	vperm.xlane v31, v1;
	v34 =	vld [tilespmem:s8+$0x10];
	[tilespmem:s9+$0xFFFFFF20] =	vst v21;
	v35 =	vpop (erf)  }
0x1aa: {  	v43 =	vperm.xlane v31, v2;
	v20 =	vmul.f32 v20, v61;
	v52 =	vld [tilespmem:s8+$0x60];
	[tilespmem:s9+$0xA0] =	vst v35;
	v41 =	vpop (erf)  }
0x1ab: {  	v51 =	vperm.xlane v33, v1;
	[tilespmem:s9+$0xFFFFFEC0] =	vst v41;
	v59 =	vld [tilespmem:s8+$0xB0];
	v53 =	vmul.f32 v63, v62  }
0x1ac: {  	v44 =	vperm.xlane v33, v2;
	[tilespmem:s9+$0xFFFFFF70] =	vst v20;
	v20 =	vperm.xlane v33, v3;
	v60 =	vld [tilespmem:s8+$0xFFFFFED0]  }
0x1ad: {  	v61 =	vld [tilespmem:s8+$0xFFFFFF30];
	v54 =	vperm.xlane v35, v1;
	v21 =	vmul.f32 v46, v47;
	[tilespmem:s9+$0x110] =	vst v53  }
0x1ae: {  	v58 =	vperm.xlane v41, v1;
	v46 =	vmul.f32 v50, v34;
	v53 =	vld [tilespmem:s8+$0x120]  }
0x1af: {  	v45 =	vperm.xlane v41, v2;
	v62 =	vld [tilespmem:s8+$0xFFFFFF80];
	v52 =	vmul.f32 v51, v52;
	[tilespmem:s9+$0xFFFFFFC0] =	vst v21  }
0x1b0: {  	v47 =	vperm.xlane v35, v2;
	v50 =	vld [tilespmem:s8+$0xFFFFFFD0];
	[tilespmem:s9+$0x10] =	vst v46;
	v54 =	vmul.f32 v54, v59  }
0x1b1: {  	v51 =	vld [tilespmem:s8+$0x20];
	[tilespmem:s9+$0x60] =	vst v52;
	v59 =	vperm.xlane v25, v3;
	v58 =	vmul.f32 v58, v60  }
0x1b2: {  	v34 =	vperm.xlane v41, v3;
	v60 =	vmul.f32 v49, v61;
	v49 =	vld [tilespmem:s8+$0x70];
	[tilespmem:s9+$0xB0] =	vst v54  }
0x1b3: {  	v46 =	vperm.xlane v35, v3;
	[tilespmem:s9+$0xFFFFFED0] =	vst v58;
	v52 =	vld [tilespmem:s8+$0xC0];
	v54 =	vmul.f32 v59, v53  }
0x1b4: {  	s3 =	simm.s32 $0x6FE0;
	s11 =	simm.s32 $0x10;
	v21 =	vperm.xlane v31, v3;
	v55 =	vmul.f32 v57, v62;
	[tilespmem:s9+$0xFFFFFF30] =	vst v60;
	v53 =	vld [tilespmem:s8+$0xFFFFFEE0]  }
.LBB2_5:
0x1b5: {  	v39 =	vld [tilespmem:s3+$0xF0];
	v42 =	vmul.f32 v42, v50;
	[tilespmem:s9+$0x120] =	vst v54;
	v29 =	vmul.f32 v13, v29;
	v13 =	vmov v46  }
0x1b6: {  	v41 =	vperm.xlane v41, v4;
	s10 =	sadd.s32 $0x80, s10;
	[tilespmem:s9+$0xFFFFFF80] =	vst v55;
	v43 =	vmul.f32 v43, v51;
	v46 =	vld [tilespmem:s8+$0x130]  }
0x1b7: {  	s11 =	sadd.s32 $0x8, s11;
	v27 =	vperm.xlane v27, v4;
	v50 =	vld [tilespmem:s10+$0x30];
	[tilespmem:s9+$0xFFFFFFD0] =	vst v42;
	v42 =	vmul.f32 v44, v49  }
0x1b8: {  	v30 =	vperm.xlane v30, v4;
	p0 =	slt.u32 s11, $0x48;
	v44 =	vld [tilespmem:s10+$0xFFFFFFC0];
	[tilespmem:s9+$0x20] =	vst v43;
	v43 =	vmul.f32 v47, v52  }
0x1b9: {  	v25 =	vperm.xlane v25, v4;
	v47 =	vld [tilespmem:s3+$0xFFFFFF10];
	v45 =	vmul.f32 v45, v53;
	[tilespmem:s9+$0x70] =	vst v42  }
0x1ba: {  	v26 =	vperm.xlane v26, v4;
	v31 =	vperm.xlane v31, v4;
	v42 =	vld [tilespmem:s10+$0xFFFFFFD0];
	[tilespmem:s9+$0xC0] =	vst v43  }
0x1bb: {  	v33 =	vperm.xlane v33, v4;
	v43 =	vld [tilespmem:s3+$0xFFFFFF60];
	[tilespmem:s9+$0xFFFFFEE0] =	vst v45;
	v25 =	vmul.f32 v25, v46  }
0x1bc: {  	v35 =	vperm.xlane v35, v4;
	v28 =	vmul.f32 v15, v28;
	v45 =	vld [tilespmem:s10+$0xFFFFFFE0];
	v39 =	vadd.f32 v50, v39;
	[tilespmem:s6+$0xFFFFFFE0] =	vst v48  }
0x1bd: {  	v15 =	vmovc v41;
	v46 =	vld [tilespmem:s3+$0xFFFFFFB0];
	[tilespmem:s9+$0x130] =	vst v25;
	v25 =	vmul.f32 v14, v32;
	v32 =	vmul.f32 v16, v36;
	v14 =	vmov v27  }
0x1be: {  	v22 =	vmul.f32 v5, v22;
	v5 =	vmovc v11;
	v11 =	vmovc v26;
	v16 =	vmov v30;
	v27 =	vld [tilespmem:s10+$0xFFFFFFF0];
	v36 =	vmul.f32 $2.000000030e-01, v39;
	[tilespmem:s6+$0x30] =	vst v40  }
0x1bf: {  	v23 =	vmul.f32 v6, v23;
	v24 =	vmul.f32 v8, v24;
	v26 =	vadd.f32 v42, v47;
	v30 =	vld [tilespmem:s3+$0x0];
	[tilespmem:s6+$0x80] =	vst v38  }
0x1c0: {  	v6 =	vmovc v10;
	v10 =	vmov v31;
	v38 =	vld [tilespmem:s10+$0x0];
	v40 =	vmax.f32 v39, v36;
	[tilespmem:s6+$0xD0] =	vst v29;
	v29 =	vmul.f32 v7, v37  }
0x1c1: {  	v8 =	vmovc v9;
	v9 =	vmovc v33;
	v31 =	vmul.f32 $2.000000030e-01, v26;
	v36 =	vadd.f32 v45, v43;
	v37 =	vld [tilespmem:s3+$0x50];
	v39 =	vmul.f32 $1.442695020e+00, v40;
	[tilespmem:s6+$0xFFFFFF00] =	vst v28  }
0x1c2: {  	v7 =	vmov v12;
	v12 =	vmov v35;
	v28 =	vld [tilespmem:s10+$0x10];
	[tilespmem:s6+$0xFFFFFF50] =	vst v25  }
0x1c3: {  	v25 =	vmul.f32 $2.000000030e-01, v36;
	v27 =	vadd.f32 v27, v46;
	v33 =	vld [tilespmem:s3+$0xA0];
	(erf) = vpow2.f32 v39;
	[tilespmem:s6+$0xFFFFFFA0] =	vst v32  }
0x1c4: {  	v26 =	vmax.f32 v26, v31;
	v31 =	vld [tilespmem:s10+$0x20];
	[tilespmem:s14+$0xFFFFFFF0] =	vst v22  }
0x1c5: {  	v22 =	vld [tilespmem:s3+$0xFFFFFEC0];
	v25 =	vmax.f32 v36, v25;
	v32 =	vmul.f32 $2.000000030e-01, v27;
	v30 =	vadd.f32 v38, v30;
	[tilespmem:s14+$0x40] =	vst v23  }
0x1c6: {  	v23 =	vmul.f32 $1.442695020e+00, v26;
	v25 =	vmul.f32 $1.442695020e+00, v25;
	v26 =	vld [tilespmem:s8+$0xFFFFFEF0];
	[tilespmem:s14+$0x90] =	vst v24  }
0x1c7: {  	v24 =	vmax.f32 v27, v32;
	v27 =	vmul.f32 $2.000000030e-01, v30;
	v28 =	vadd.f32 v28, v37;
	v32 =	vld [tilespmem:s8+$0xFFFFFF40];
	[tilespmem:s14+$0xE0] =	vst v29;
	s14 =	smov.u32 s6;
	s6 =	smov.u32 s9  }
0x1c8: {  	v24 =	vmul.f32 $1.442695020e+00, v24;
	(erf) = vpow2.f32 v23;
	v35 =	vld [tilespmem:s8+$0xFFFFFF90]  }
0x1c9: {  	v23 =	vmax.f32 v30, v27;
	v27 =	vmul.f32 $2.000000030e-01, v28;
	v30 =	vadd.f32 v31, v33;
	v40 =	vld [tilespmem:s8+$0xFFFFFFE0]  }
0x1ca: {  	v31 =	vadd.f32 v44, v22;
	v22 =	vmul.f32 $1.442695020e+00, v23;
	(erf) = vpow2.f32 v25;
	v39 =	vld [tilespmem:s8+$0x30]  }
0x1cb: {  	s9 =	sadd.s32 $0x280, s9;
	v23 =	vmax.f32 v28, v27;
	v27 =	vmul.f32 $2.000000030e-01, v30;
	(erf) = vpow2.f32 v24;
	v38 =	vld [tilespmem:s8+$0x80]  }
0x1cc: {  	v24 =	vmul.f32 $2.000000030e-01, v31;
	v23 =	vmul.f32 $1.442695020e+00, v23;
	v25 =	vpop (erf);
	v29 =	vld [tilespmem:s8+$0xD0]  }
0x1cd: {  	v26 =	vmul.f32 v34, v26;
	v27 =	vmax.f32 v30, v27;
	[tilespmem:s9+$0xF0] =	vst v25;
	(erf) = vpow2.f32 v22;
	v22 =	vld [tilespmem:s16+$0xFFFFFFF0]  }
0x1ce: {  	v24 =	vmax.f32 v31, v24;
	v31 =	vmul.f32 $1.442695020e+00, v27;
	v30 =	vld [tilespmem:s3+$0x100];
	(erf) = vpow2.f32 v23  }
0x1cf: {  	v18 =	vmul.f32 v18, v32;
	v24 =	vmul.f32 $1.442695020e+00, v24;
	[tilespmem:s6+$0xFFFFFEF0] =	vst v26;
	v23 =	vld [tilespmem:s16+$0x40]  }
0x1d0: {  	v19 =	vmul.f32 v19, v35;
	(erf) = vpow2.f32 v31;
	v28 =	vld [tilespmem:s8+$0xFFFFFF00]  }
0x1d1: {  	v33 =	vperm.xlane v25, v1;
	(erf) = vpow2.f32 v24;
	v27 =	vpop (erf);
	[tilespmem:s6+$0xFFFFFF40] =	vst v18;
	v24 =	vld [tilespmem:s16+$0x90]  }
0x1d2: {  	[tilespmem:s9+$0xFFFFFF10] =	vst v27;
	v34 =	vperm.xlane v27, v1;
	v48 =	vperm.xlane v27, v2;
	v32 =	vld [tilespmem:s8+$0xFFFFFF50]  }
0x1d3: {  	v18 =	vperm.xlane v27, v3;
	v35 =	vld [tilespmem:s3+$0xFFFFFF20];
	v33 =	vmul.f32 v33, v30;
	v30 =	vpop (erf);
	[tilespmem:s6+$0xFFFFFF90] =	vst v19  }
0x1d4: {  	[tilespmem:s9+$0xFFFFFF60] =	vst v30;
	v37 =	vperm.xlane v30, v1;
	v55 =	vperm.xlane v30, v2;
	v26 =	vpop (erf);
	v36 =	vld [tilespmem:s8+$0xFFFFFFA0]  }
0x1d5: {  	v41 =	vld [tilespmem:s3+$0xFFFFFF70];
	v46 =	vperm.xlane v26, v1;
	v42 =	vperm.xlane v26, v2;
	[tilespmem:s9+$0x100] =	vst v33  }
0x1d6: {  	v19 =	vperm.xlane v30, v3;
	v52 =	vperm.xlane v26, v3;
	[tilespmem:s9+$0xFFFFFFB0] =	vst v26;
	v45 =	vld [tilespmem:s3+$0x110];
	v31 =	vpop (erf)  }
0x1d7: {  	v47 =	vld [tilespmem:s3+$0xFFFFFFC0];
	[tilespmem:s9+$0x0] =	vst v31;
	v49 =	vperm.xlane v31, v1;
	v43 =	vperm.xlane v31, v2;
	v33 =	vpop (erf)  }
0x1d8: {  	v34 =	vmul.f32 v34, v35;
	v50 =	vld [tilespmem:s3+$0x10];
	[tilespmem:s9+$0x50] =	vst v33;
	v51 =	vperm.xlane v33, v1  }
0x1d9: {  	v54 =	vperm.xlane v25, v2;
	v44 =	vperm.xlane v33, v2;
	v53 =	vld [tilespmem:s3+$0x60];
	v35 =	vpop (erf)  }
0x1da: {  	v56 =	vmul.f32 v37, v41;
	[tilespmem:s9+$0xA0] =	vst v35;
	v57 =	vperm.xlane v35, v1;
	v41 =	vpop (erf);
	v37 =	vld [tilespmem:s16+$0xE0];
	s16 =	smov.u32 s8;
	s8 =	smov.u32 s3  }
0x1db: {  	[tilespmem:s9+$0xFFFFFEC0] =	vst v41;
	v58 =	vperm.xlane v41, v1;
	v59 =	vld [tilespmem:s3+$0xB0];
	v54 =	vmul.f32 v54, v45  }
0x1dc: {  	v45 =	vperm.xlane v41, v2;
	v60 =	vld [tilespmem:s3+$0xFFFFFED0];
	[tilespmem:s9+$0xFFFFFF20] =	vst v34;
	v46 =	vmul.f32 v46, v47  }
0x1dd: {  	v47 =	vperm.xlane v35, v2;
	v61 =	vld [tilespmem:s3+$0xFFFFFF30];
	v49 =	vmul.f32 v49, v50;
	[tilespmem:s9+$0x110] =	vst v54  }
0x1de: {  	v34 =	vperm.xlane v41, v3;
	[tilespmem:s9+$0xFFFFFF70] =	vst v56;
	v53 =	vmul.f32 v51, v53;
	v54 =	vld [tilespmem:s3+$0x120]  }
0x1df: {  	v62 =	vperm.xlane v31, v3;
	v63 =	vperm.xlane v33, v3;
	v56 =	vld [tilespmem:s3+$0xFFFFFF80];
	[tilespmem:s9+$0xFFFFFFC0] =	vst v46  }
.Ltmp1:
0x1e0: {  	v46 =	vperm.xlane v35, v3;
	v50 =	vld [tilespmem:s3+$0xFFFFFFD0];
	[tilespmem:s9+$0x10] =	vst v49;
	v57 =	vmul.f32 v57, v59;
	(pc) =	sbr.rel @p0 .LBB2_5-.Ltmp1, $4  }
0x1e1: {  	v58 =	vmul.f32 v58, v60;
	v51 =	vld [tilespmem:s3+$0x20];
	[tilespmem:s9+$0x60] =	vst v53;
	v53 =	vperm.xlane v25, v3  }
0x1e2: {  	v59 =	vmul.f32 v48, v61;
	v49 =	vld [tilespmem:s3+$0x70];
	[tilespmem:s9+$0xB0] =	vst v57;
	v48 =	vmul.f32 v17, v40;
	v17 =	vmov v52  }
0x1e3: {  	v40 =	vmul.f32 v21, v39;
	v21 =	vmov v62;
	[tilespmem:s9+$0xFFFFFED0] =	vst v58;
	v52 =	vld [tilespmem:s3+$0xC0];
	v54 =	vmul.f32 v53, v54  }
0x1e4: {  	v38 =	vmul.f32 v20, v38;
	v20 =	vmov v63;
	s3 =	sadd.s32 $0x280, s3;
	v53 =	vld [tilespmem:s8+$0xFFFFFEE0];
	[tilespmem:s9+$0xFFFFFF30] =	vst v59;
	v55 =	vmul.f32 v55, v56  }
0x1e5: {  	[tilespmem:s9+$0x120] =	vst v54  }
0x1e6: {  	[tilespmem:s6+$0xFFFFFFE0] =	vst v48  }
0x1e7: {  	[tilespmem:s6+$0x30] =	vst v40  }
0x1e8: {  	v39 =	vmul.f32 v42, v50;
	[tilespmem:s9+$0xFFFFFF80] =	vst v55  }
0x1e9: {  	v13 =	vmul.f32 v13, v29;
	[tilespmem:s6+$0x80] =	vst v38  }
0x1ea: {  	v15 =	vmul.f32 v15, v28;
	[tilespmem:s9+$0xFFFFFFD0] =	vst v39  }
0x1eb: {  	v14 =	vmul.f32 v14, v32;
	[tilespmem:s6+$0xD0] =	vst v13  }
0x1ec: {  	v16 =	vmul.f32 v16, v36;
	[tilespmem:s6+$0xFFFFFF00] =	vst v15  }
0x1ed: {  	v5 =	vmul.f32 v5, v22;
	[tilespmem:s6+$0xFFFFFF50] =	vst v14  }
0x1ee: {  	v6 =	vmul.f32 v6, v23;
	[tilespmem:s6+$0xFFFFFFA0] =	vst v16  }
0x1ef: {  	v8 =	vmul.f32 v8, v24;
	[tilespmem:s14+$0xFFFFFFF0] =	vst v5  }
0x1f0: {  	v48 =	vld [tilespmem:s8+$0xFFFFFF40];
	v7 =	vmul.f32 v7, v37;
	[tilespmem:s14+$0x40] =	vst v6  }
0x1f1: {  	v59 =	vmul.f32 v43, v51;
	v60 =	vld [tilespmem:s8+$0x130];
	[tilespmem:s14+$0x90] =	vst v8  }
0x1f2: {  	v61 =	vmul.f32 v44, v49;
	v49 =	vld [tilespmem:s8+$0xFFFFFF90];
	[tilespmem:s14+$0xE0] =	vst v7  }
0x1f3: {  	v55 =	vld [tilespmem:s16+$0xFFFFFFF0];
	[tilespmem:s9+$0x20] =	vst v59;
	v63 =	vmul.f32 v45, v53  }
0x1f4: {  	v25 =	vperm.xlane v25, v4;
	v62 =	vmul.f32 v47, v52;
	v5 =	vld [tilespmem:s8+$0xFFFFFFE0];
	[tilespmem:s9+$0x70] =	vst v61  }
0x1f5: {  	v6 =	vld [tilespmem:s8+$0x30];
	v15 =	vmul.f32 v18, v48;
	[tilespmem:s9+$0xFFFFFEE0] =	vst v63  }
0x1f6: {  	[tilespmem:s9+$0xC0] =	vst v62;
	v25 =	vmul.f32 v25, v60;
	v47 =	vld [tilespmem:s8+$0xFFFFFEF0]  }
0x1f7: {  	v50 =	vld [tilespmem:s8+$0x80];
	v52 =	vmul.f32 v19, v49;
	[tilespmem:s9+$0xFFFFFF40] =	vst v15  }
0x1f8: {  	v51 =	vld [tilespmem:s8+$0xD0];
	v11 =	vmul.f32 v11, v55;
	[tilespmem:s9+$0x130] =	vst v25  }
0x1f9: {  	v15 =	vld [tilespmem:s8+$0xFFFFFF50];
	v5 =	vmul.f32 v17, v5;
	[tilespmem:s9+$0xFFFFFF90] =	vst v52  }
0x1fa: {  	[tilespmem:s6+$0xFFFFFFF0] =	vst v11;
	v6 =	vmul.f32 v21, v6;
	v7 =	vld [tilespmem:s8+$0xFFFFFFA0]  }
0x1fb: {  	v56 =	vld [tilespmem:s16+$0x40];
	[tilespmem:s9+$0xFFFFFFE0] =	vst v5;
	v13 =	vmul.f32 v34, v47  }
0x1fc: {  	v57 =	vld [tilespmem:s16+$0x90];
	v8 =	vmul.f32 v20, v50;
	v5 =	vperm.xlane v27, v4;
	[tilespmem:s9+$0x30] =	vst v6  }
0x1fd: {  	v58 =	vld [tilespmem:s16+$0xE0];
	v16 =	vmul.f32 v46, v51;
	v6 =	vperm.xlane v30, v4;
	[tilespmem:s9+$0xFFFFFEF0] =	vst v13  }
0x1fe: {  	[tilespmem:s9+$0x80] =	vst v8;
	v5 =	vmul.f32 v5, v15;
	v53 =	vld [tilespmem:s8+$0xFFFFFF00]  }
0x1ff: {  	[tilespmem:s9+$0xD0] =	vst v16;
	v6 =	vmul.f32 v6, v7;
	v7 =	vld [tilespmem:s8+$0xFFFFFFF0]  }
0x200: {  	v10 =	vmul.f32 v10, v56;
	[tilespmem:s9+$0xFFFFFF50] =	vst v5;
	v5 =	vld [tilespmem:s8+$0x40]  }
0x201: {  	v54 =	vperm.xlane v41, v4;
	v9 =	vmul.f32 v9, v57;
	[tilespmem:s9+$0xFFFFFFA0] =	vst v6;
	v6 =	vld [tilespmem:s8+$0x90]  }
0x202: {  	v59 =	vperm.xlane v26, v4;
	[tilespmem:s6+$0x40] =	vst v10;
	v8 =	vmul.f32 v12, v58;
	v60 =	vld [tilespmem:s8+$0xE0]  }
0x203: {  	v61 =	vperm.xlane v31, v4;
	[tilespmem:s6+$0x90] =	vst v9;
	v13 =	vmul.f32 v54, v53  }
0x204: {  	s0 =	sadd.s32 $0x1, s0;
	v62 =	vperm.xlane v33, v4;
	[tilespmem:s6+$0xE0] =	vst v8;
	v7 =	vmul.f32 v59, v7  }
0x205: {  	p0 =	sne.s32 s0, $0x3E;
	v63 =	vperm.xlane v35, v4;
	v5 =	vmul.f32 v61, v5;
	[tilespmem:s9+$0xFFFFFF00] =	vst v13  }
.Ltmp2:
0x206: {  	v6 =	vmul.f32 v62, v6;
	[tilespmem:s9+$0xFFFFFFF0] =	vst v7;
	(pc) =	sbr.rel @p0 .LBB2_2-.Ltmp2, $4  }
0x207: {  	v7 =	vmul.f32 v63, v60;
	[tilespmem:s9+$0x40] =	vst v5  }
0x208: {  	[tilespmem:s9+$0x90] =	vst v6  }
0x209: {  	[tilespmem:s9+$0xE0] =	vst v7  }
0x20a: {  	[spmem:s2] =	stream.indirect.scatter.add.f32 [tilespmem:s18], [sflag:$0x6], $0x50, s1, s15, $0xb8;
	[tilespmem:$0x18470] =	vst v63  }
0x20b: {  	_ =	swait.ge [sflag:s23], $0x1900  }
0x20c: {  	[sflag:s23] =	ssyncset.done $0x0  }
0x20d: {  	[sflag:s23] =	ssyncadd.s32 $0xFFFFE700  }
0x20e: {  	_ =	swait.ge [sflag:s24], $0x500  }
0x20f: {  	[sflag:s24] =	ssyncset.done $0x0  }
0x210: {  	[sflag:s24] =	ssyncadd.s32 $0xFFFFFB00  }
0x211: {  	_ =	swait.ge [sflag:s25], $0x1900  }
0x212: {  	[sflag:s25] =	ssyncset.done $0x0  }
0x213: {  	s11 =	simm.s32 $0x4F60;
	[sflag:s25] =	ssyncadd.s32 $0xFFFFE700  }
0x214: {  	s0 =	simm.s32 $0x8060;
	v5 =	vld [tilespmem:s11+$0xF0]  }
0x215: {  	v6 =	vld [tilespmem:s0+$0x30];
	_ =	sdelay $0x1  }
0x216: {  	v7 =	vld [tilespmem:s0+$0xFFFFFFC0]  }
0x217: {  	v8 =	vld [tilespmem:s11+$0xFFFFFF10]  }
0x218: {  	v9 =	vld [tilespmem:s0+$0xFFFFFFD0]  }
0x219: {  	v10 =	vld [tilespmem:s11+$0xFFFFFF60];
	v5 =	vadd.f32 v6, v5  }
0x21a: {  	v11 =	vld [tilespmem:s0+$0xFFFFFFE0]  }
0x21b: {  	v12 =	vld [tilespmem:s0+$0xFFFFFFF0];
	v13 =	vmul.f32 $2.000000030e-01, v5  }
0x21c: {  	v14 =	vld [tilespmem:s11+$0x0]  }
0x21d: {  	v6 =	vld [tilespmem:s11+$0xFFFFFFB0];
	v5 =	vmax.f32 v5, v13  }
0x21e: {  	v15 =	vld [tilespmem:s0+$0x0];
	v5 =	vmul.f32 $1.442695020e+00, v5  }
0x21f: {  	v16 =	vld [tilespmem:s11+$0xA0];
	v8 =	vadd.f32 v9, v8  }
0x220: {  	v9 =	vld [tilespmem:s11+$0x50];
	v10 =	vadd.f32 v11, v10;
	(erf) = vpow2.f32 v5  }
0x221: {  	v11 =	vld [tilespmem:s0+$0x10];
	v13 =	vmul.f32 $2.000000030e-01, v8  }
0x222: {  	v6 =	vadd.f32 v12, v6;
	v12 =	vld [tilespmem:s0+$0x20];
	v5 =	vmul.f32 $2.000000030e-01, v10  }
0x223: {  	v8 =	vmax.f32 v8, v13;
	v13 =	vld [tilespmem:s11+$0xFFFFFEC0]  }
0x224: {  	v8 =	vmul.f32 $1.442695020e+00, v8;
	v5 =	vmax.f32 v10, v5  }
0x225: {  	v14 =	vadd.f32 v15, v14;
	v10 =	vmul.f32 $2.000000030e-01, v6;
	v5 =	vmul.f32 $1.442695020e+00, v5  }
0x226: {  	v9 =	vadd.f32 v11, v9;
	(erf) = vpow2.f32 v8  }
0x227: {  	v8 =	vadd.f32 v12, v16;
	v6 =	vmax.f32 v6, v10;
	v10 =	vmul.f32 $2.000000030e-01, v14  }
0x228: {  	v11 =	vmul.f32 $2.000000030e-01, v9;
	v7 =	vadd.f32 v7, v13;
	v6 =	vmul.f32 $1.442695020e+00, v6  }
0x229: {  	s0 =	simm.s32 $0x8B60;
	v12 =	vmul.f32 $2.000000030e-01, v8;
	(erf) = vpow2.f32 v5;
	v10 =	vmax.f32 v14, v10;
	v5 =	vpop (erf)  }
0x22a: {  	v9 =	vmax.f32 v9, v11;
	v11 =	vmul.f32 $2.000000030e-01, v7;
	v10 =	vmul.f32 $1.442695020e+00, v10;
	[tilespmem:s0+$0xF0] =	vst v5  }
0x22b: {  	s3 =	simm.s32 $0x80E0;
	v8 =	vmax.f32 v8, v12;
	(erf) = vpow2.f32 v6;
	v6 =	vmul.f32 $1.442695020e+00, v9;
	v9 =	vld [tilespmem:s11+$0x100]  }
0x22c: {  	s1 =	simm.s32 $0x51E0;
	v26 =	vld [tilespmem:s3+$0xFFFFFFC0];
	v7 =	vmax.f32 v7, v11;
	v8 =	vmul.f32 $1.442695020e+00, v8;
	(erf) = vpow2.f32 v10  }
0x22d: {  	v29 =	vld [tilespmem:s1+$0xFFFFFF10];
	(erf) = vpow2.f32 v6;
	v6 =	vmul.f32 $1.442695020e+00, v7  }
0x22e: {  	v31 =	vld [tilespmem:s3+$0xFFFFFFD0];
	v7 =	vperm.xlane v5, v1;
	(erf) = vpow2.f32 v8  }
0x22f: {  	v34 =	vld [tilespmem:s1+$0xFFFFFF60];
	(erf) = vpow2.f32 v6  }
0x230: {  	v37 =	vld [tilespmem:s3+$0xFFFFFFE0];
	v6 =	vmul.f32 v7, v9  }
0x231: {  	v40 =	vld [tilespmem:s1+$0xFFFFFFB0];
	v8 =	vpop (erf)  }
0x232: {  	v42 =	vld [tilespmem:s3+$0xFFFFFFF0];
	[tilespmem:s0+$0xFFFFFF10] =	vst v8;
	v7 =	vpop (erf)  }
0x233: {  	v9 =	vld [tilespmem:s11+$0xFFFFFF20];
	[tilespmem:s0+$0xFFFFFF60] =	vst v7  }
0x234: {  	v15 =	vperm.xlane v8, v1;
	[tilespmem:s0+$0x100] =	vst v6;
	v11 =	vld [tilespmem:s11+$0xFFFFFF70];
	v6 =	vpop (erf)  }
0x235: {  	v10 =	vld [tilespmem:s11+$0x110];
	[tilespmem:s0+$0xFFFFFFB0] =	vst v6;
	v13 =	vpop (erf)  }
0x236: {  	v16 =	vld [tilespmem:s11+$0xFFFFFFC0];
	[tilespmem:s0+$0x0] =	vst v13;
	v14 =	vpop (erf)  }
0x237: {  	v18 =	vperm.xlane v5, v2;
	v17 =	vld [tilespmem:s11+$0x10];
	[tilespmem:s0+$0x50] =	vst v14;
	v12 =	vpop (erf)  }
0x238: {  	v19 =	vperm.xlane v7, v1;
	v9 =	vmul.f32 v15, v9;
	v20 =	vld [tilespmem:s11+$0x60];
	[tilespmem:s0+$0xA0] =	vst v12;
	v15 =	vpop (erf)  }
0x239: {  	v21 =	vperm.xlane v6, v1;
	[tilespmem:s0+$0xFFFFFEC0] =	vst v15;
	v22 =	vld [tilespmem:s11+$0xB0]  }
0x23a: {  	v11 =	vmul.f32 v19, v11;
	v10 =	vmul.f32 v18, v10;
	v19 =	vld [tilespmem:s11+$0xFFFFFED0]  }
0x23b: {  	v61 =	vld [tilespmem:s3+$0x10];
	[tilespmem:s0+$0xFFFFFF20] =	vst v9;
	v9 =	vperm.xlane v14, v1;
	v18 =	vperm.xlane v13, v1  }
0x23c: {  	v29 =	vadd.f32 v31, v29;
	[tilespmem:s0+$0x110] =	vst v10;
	v10 =	vperm.xlane v12, v1;
	v16 =	vmul.f32 v21, v16;
	v21 =	vld [tilespmem:s11+$0xFFFFFF30]  }
0x23d: {  	v31 =	vadd.f32 v37, v34;
	[tilespmem:s0+$0xFFFFFF70] =	vst v11;
	v11 =	vperm.xlane v15, v1;
	v17 =	vmul.f32 v18, v17;
	v18 =	vld [tilespmem:s11+$0x120]  }
0x23e: {  	v62 =	vadd.f32 v42, v40;
	v9 =	vmul.f32 v9, v20;
	v20 =	vld [tilespmem:s11+$0xFFFFFF80];
	[tilespmem:s0+$0xFFFFFFC0] =	vst v16;
	v10 =	vmul.f32 v10, v22  }
0x23f: {  	v44 =	vmul.f32 $2.000000030e-01, v29;
	v16 =	vld [tilespmem:s11+$0xFFFFFFD0];
	[tilespmem:s0+$0x10] =	vst v17;
	v11 =	vmul.f32 v11, v19  }
0x240: {  	v45 =	vmul.f32 $2.000000030e-01, v31;
	v48 =	vmul.f32 $2.000000030e-01, v62;
	[tilespmem:s0+$0xB0] =	vst v10;
	v10 =	vld [tilespmem:s1+$0xF0]  }
0x241: {  	v41 =	vperm.xlane v5, v3;
	v24 =	vperm.xlane v8, v2;
	[tilespmem:s0+$0xFFFFFED0] =	vst v11;
	v11 =	vld [tilespmem:s3+$0x30]  }
0x242: {  	v25 =	vperm.xlane v8, v3;
	v27 =	vperm.xlane v7, v2;
	v17 =	vld [tilespmem:s11+$0x20];
	[tilespmem:s0+$0x60] =	vst v9  }
0x243: {  	v30 =	vperm.xlane v7, v3;
	v28 =	vperm.xlane v6, v2;
	v19 =	vld [tilespmem:s11+$0x70]  }
0x244: {  	v32 =	vperm.xlane v13, v2;
	v21 =	vmul.f32 v24, v21;
	v24 =	vld [tilespmem:s1+$0x0]  }
0x245: {  	v33 =	vperm.xlane v14, v2;
	v36 =	vperm.xlane v12, v2;
	v22 =	vld [tilespmem:s11+$0xC0]  }
0x246: {  	v35 =	vperm.xlane v15, v2;
	v20 =	vmul.f32 v27, v20;
	v27 =	vld [tilespmem:s3+$0x0];
	v38 =	vadd.f32 v11, v10  }
0x247: {  	v39 =	vperm.xlane v15, v3;
	v9 =	vperm.xlane v6, v3;
	v23 =	vld [tilespmem:s11+$0xFFFFFEE0]  }
0x248: {  	v63 =	vld [tilespmem:s1+$0xA0];
	v18 =	vmul.f32 v41, v18;
	v43 =	vmul.f32 $2.000000030e-01, v38  }
0x249: {  	v16 =	vmul.f32 v28, v16;
	v28 =	vld [tilespmem:s1+$0x50];
	v17 =	vmul.f32 v32, v17  }
0x24a: {  	v46 =	vld [tilespmem:s3+$0x20];
	v19 =	vmul.f32 v33, v19;
	v10 =	vperm.xlane v13, v3;
	v38 =	vmax.f32 v38, v43  }
0x24b: {  	v47 =	vld [tilespmem:s1+$0xFFFFFEC0];
	[tilespmem:s0+$0xFFFFFF30] =	vst v21;
	v22 =	vmul.f32 v36, v22;
	v24 =	vadd.f32 v27, v24;
	v38 =	vmul.f32 $1.442695020e+00, v38  }
0x24c: {  	[tilespmem:s0+$0x120] =	vst v18;
	v18 =	vld [tilespmem:s11+$0xFFFFFF40];
	v23 =	vmul.f32 v35, v23;
	v27 =	vmax.f32 v29, v44;
	v29 =	vmax.f32 v31, v45  }
0x24d: {  	v31 =	vmax.f32 v62, v48;
	[tilespmem:s0+$0x70] =	vst v19;
	v19 =	vperm.xlane v8, v4;
	(erf) = vpow2.f32 v38  }
0x24e: {  	v27 =	vmul.f32 $1.442695020e+00, v27;
	v28 =	vadd.f32 v61, v28;
	v49 =	vmul.f32 $2.000000030e-01, v24;
	[tilespmem:s0+$0xFFFFFEE0] =	vst v23  }
0x24f: {  	v23 =	vmul.f32 $1.442695020e+00, v29;
	v29 =	vmul.f32 $1.442695020e+00, v31;
	v31 =	vld [tilespmem:s11+$0xFFFFFEF0]  }
0x250: {  	v26 =	vadd.f32 v26, v47;
	v21 =	vmul.f32 $2.000000030e-01, v28;
	(erf) = vpow2.f32 v27  }
0x251: {  	v18 =	vmul.f32 v25, v18;
	v24 =	vmax.f32 v24, v49;
	v27 =	vadd.f32 v46, v63  }
0x252: {  	[tilespmem:s0+$0xFFFFFF80] =	vst v20;
	v24 =	vmul.f32 $1.442695020e+00, v24;
	v20 =	vmax.f32 v28, v21;
	v28 =	vmul.f32 $2.000000030e-01, v26  }
0x253: {  	[tilespmem:s0+$0xFFFFFFD0] =	vst v16;
	(erf) = vpow2.f32 v23;
	v23 =	vmul.f32 $2.000000030e-01, v27  }
0x254: {  	v50 =	vld [tilespmem:s11+$0x130];
	[tilespmem:s0+$0x20] =	vst v17;
	v20 =	vmul.f32 $1.442695020e+00, v20;
	v16 =	vmul.f32 v39, v31  }
0x255: {  	[tilespmem:s0+$0xC0] =	vst v22;
	v25 =	vld [tilespmem:s11+$0x80];
	v31 =	vperm.xlane v12, v3;
	(erf) = vpow2.f32 v29;
	v23 =	vmax.f32 v27, v23  }
0x256: {  	s6 =	simm.s32 $0x8DE0;
	v29 =	vld [tilespmem:s11+$0xFFFFFF90];
	(erf) = vpow2.f32 v24;
	v24 =	vmax.f32 v26, v28;
	[tilespmem:s0+$0xFFFFFEF0] =	vst v16;
	v23 =	vmul.f32 $1.442695020e+00, v23;
	v21 =	vpop (erf)  }
0x257: {  	(erf) = vpow2.f32 v20;
	v17 =	vmul.f32 $1.442695020e+00, v24;
	v22 =	vld [tilespmem:s11+$0xFFFFFF00];
	[tilespmem:s6+$0xF0] =	vst v21  }
0x258: {  	v20 =	vperm.xlane v15, v4;
	(erf) = vpow2.f32 v23;
	v26 =	vld [tilespmem:s1+$0x100]  }
0x259: {  	v28 =	vld [tilespmem:s11+$0x30];
	v23 =	vperm.xlane v21, v1;
	(erf) = vpow2.f32 v17;
	v16 =	vpop (erf)  }
0x25a: {  	v27 =	vld [tilespmem:s11+$0xFFFFFFE0];
	v17 =	vperm.xlane v7, v4;
	v7 =	vperm.xlane v5, v4;
	[tilespmem:s6+$0xFFFFFF10] =	vst v16  }
0x25b: {  	v5 =	vperm.xlane v6, v4;
	v6 =	vperm.xlane v13, v4;
	v13 =	vld [tilespmem:s1+$0xFFFFFF20]  }
0x25c: {  	s8 =	simm.s32 $0x5460;
	v15 =	vld [tilespmem:s11+$0xD0];
	v20 =	vmul.f32 v20, v22;
	v32 =	vmul.f32 v7, v50  }
0x25d: {  	[tilespmem:s0+$0xFFFFFF40] =	vst v18;
	v22 =	vld [tilespmem:s8+$0xFFFFFEC0];
	v7 =	vperm.xlane v12, v4;
	v8 =	vmul.f32 v23, v26;
	v26 =	vpop (erf)  }
0x25e: {  	v12 =	vmul.f32 v30, v29;
	v30 =	vperm.xlane v16, v1;
	v23 =	vld [tilespmem:s11+$0xFFFFFF50];
	[tilespmem:s6+$0xFFFFFF60] =	vst v26  }
0x25f: {  	v11 =	vperm.xlane v14, v3;
	v33 =	vpop (erf);
	[tilespmem:s6+$0x100] =	vst v8;
	v24 =	vld [tilespmem:s1+$0xFFFFFF70]  }
0x260: {  	v13 =	vmul.f32 v30, v13;
	v8 =	vperm.xlane v14, v4;
	[tilespmem:s6+$0xFFFFFFB0] =	vst v33;
	v29 =	vpop (erf);
	v14 =	vld [tilespmem:s1+$0x110]  }
0x261: {  	v51 =	vld [tilespmem:s1+$0xFFFFFFC0];
	[tilespmem:s6+$0x0] =	vst v29  }
0x262: {  	v36 =	vpop (erf);
	[tilespmem:s6+$0xFFFFFF20] =	vst v13;
	v52 =	vld [tilespmem:s1+$0x10]  }
0x263: {  	v53 =	vperm.xlane v21, v2;
	v31 =	vmul.f32 v31, v15;
	[tilespmem:s6+$0x50] =	vst v36;
	v41 =	vpop (erf);
	v44 =	vld [tilespmem:s1+$0xFFFFFF30]  }
0x264: {  	v34 =	vperm.xlane v16, v2;
	v54 =	vperm.xlane v26, v1;
	v30 =	vld [tilespmem:s1+$0x60];
	[tilespmem:s6+$0xA0] =	vst v41;
	v42 =	vpop (erf)  }
0x265: {  	v55 =	vperm.xlane v33, v1;
	v57 =	vperm.xlane v29, v1;
	[tilespmem:s6+$0xFFFFFEC0] =	vst v42;
	v56 =	vld [tilespmem:s1+$0xB0]  }
0x266: {  	s10 =	simm.s32 $0x8160;
	v13 =	vperm.xlane v36, v1;
	v50 =	vperm.xlane v42, v2;
	v58 =	vld [tilespmem:s1+$0xFFFFFED0]  }
0x267: {  	v15 =	vperm.xlane v42, v4;
	v35 =	vmul.f32 v55, v51;
	v55 =	vld [tilespmem:s10+$0x30]  }
0x268: {  	v24 =	vmul.f32 v54, v24;
	v37 =	vmul.f32 v57, v52;
	v52 =	vld [tilespmem:s8+$0xF0]  }
0x269: {  	v14 =	vmul.f32 v53, v14;
	v34 =	vmul.f32 v34, v44;
	v44 =	vld [tilespmem:s10+$0xFFFFFFC0]  }
0x26a: {  	v53 =	vperm.xlane v42, v3;
	[tilespmem:s6+$0xFFFFFF70] =	vst v24;
	v24 =	vperm.xlane v42, v1;
	v42 =	vld [tilespmem:s8+$0xFFFFFF60]  }
0x26b: {  	[tilespmem:s6+$0x110] =	vst v14;
	v13 =	vmul.f32 v13, v30;
	v30 =	vld [tilespmem:s1+$0xFFFFFF80]  }
0x26c: {  	v25 =	vmul.f32 v11, v25;
	[tilespmem:s6+$0xFFFFFFC0] =	vst v35;
	v35 =	vld [tilespmem:s8+$0xFFFFFF10]  }
0x26d: {  	v28 =	vmul.f32 v10, v28;
	v27 =	vmul.f32 v9, v27;
	v59 =	vld [tilespmem:s1+$0x120]  }
0x26e: {  	v18 =	vperm.xlane v16, v3;
	v14 =	vperm.xlane v41, v1;
	v45 =	vld [tilespmem:s1+$0xFFFFFFD0];
	[tilespmem:s6+$0x10] =	vst v37  }
0x26f: {  	v60 =	vperm.xlane v26, v2;
	v46 =	vperm.xlane v33, v2;
	v62 =	vld [tilespmem:s1+$0x20]  }
0x270: {  	v38 =	vperm.xlane v33, v3;
	v14 =	vmul.f32 v14, v56;
	v56 =	vld [tilespmem:s10+$0xFFFFFFE0]  }
0x271: {  	v11 =	vperm.xlane v33, v4;
	v61 =	vmul.f32 v24, v58;
	[tilespmem:s6+$0x60] =	vst v13;
	v58 =	vld [tilespmem:s10+$0x10]  }
0x272: {  	v40 =	vperm.xlane v29, v3;
	v10 =	vperm.xlane v29, v4;
	v47 =	vld [tilespmem:s1+$0x70]  }
0x273: {  	v48 =	vperm.xlane v36, v2;
	v39 =	vperm.xlane v36, v3;
	[tilespmem:s6+$0xFFFFFED0] =	vst v61;
	v61 =	vld [tilespmem:s10+$0xFFFFFFF0]  }
0x274: {  	v13 =	vperm.xlane v21, v3;
	[tilespmem:s6+$0xB0] =	vst v14;
	v14 =	vperm.xlane v29, v2;
	v29 =	vld [tilespmem:s10+$0x0]  }
0x275: {  	v24 =	vperm.xlane v26, v3;
	v63 =	vld [tilespmem:s1+$0xC0];
	v30 =	vmul.f32 v60, v30  }
0x276: {  	v49 =	vld [tilespmem:s1+$0xFFFFFEE0];
	v13 =	vmul.f32 v13, v59;
	v43 =	vmul.f32 v14, v62  }
0x277: {  	[tilespmem:s0+$0xFFFFFFE0] =	vst v27;
	v60 =	vld [tilespmem:s8+$0xFFFFFFB0];
	v14 =	vperm.xlane v16, v4;
	v16 =	vperm.xlane v26, v4;
	v26 =	vadd.f32 v55, v52  }
0x278: {  	v9 =	vperm.xlane v36, v4;
	v45 =	vmul.f32 v46, v45;
	v46 =	vld [tilespmem:s10+$0xFFFFFFD0];
	[tilespmem:s6+$0xFFFFFF80] =	vst v30  }
0x279: {  	v51 =	vperm.xlane v41, v2;
	[tilespmem:s6+$0x120] =	vst v13;
	v27 =	vld [tilespmem:s1+$0xFFFFFF90];
	v62 =	vmul.f32 $2.000000030e-01, v26  }
0x27a: {  	v19 =	vmul.f32 v19, v23;
	v21 =	vperm.xlane v21, v4;
	v56 =	vadd.f32 v56, v42;
	v54 =	vld [tilespmem:s1+$0x130]  }
0x27b: {  	[tilespmem:s0+$0xFFFFFF90] =	vst v12;
	v13 =	vperm.xlane v41, v3;
	v37 =	vmul.f32 v51, v63;
	v63 =	vld [tilespmem:s8+$0x0];
	v12 =	vmax.f32 v26, v62  }
0x27c: {  	[tilespmem:s0+$0x80] =	vst v25;
	v47 =	vmul.f32 v48, v47;
	v59 =	vadd.f32 v61, v60;
	v60 =	vld [tilespmem:s8+$0xA0];
	v57 =	vmul.f32 $1.442695020e+00, v12  }
0x27d: {  	[tilespmem:s0+$0xFFFFFF50] =	vst v19;
	v42 =	vmul.f32 $2.000000030e-01, v56;
	v49 =	vmul.f32 v50, v49;
	v61 =	vld [tilespmem:s10+$0x20];
	v55 =	vadd.f32 v46, v35  }
0x27e: {  	[tilespmem:s6+$0xFFFFFF30] =	vst v34;
	v26 =	vld [tilespmem:s8+$0x50];
	v12 =	vperm.xlane v41, v4;
	(erf) = vpow2.f32 v57  }
0x27f: {  	[tilespmem:s6+$0x70] =	vst v47;
	v47 =	vld [tilespmem:s1+$0xFFFFFF40];
	v62 =	vmul.f32 $2.000000030e-01, v59;
	v30 =	vmul.f32 $2.000000030e-01, v55  }
0x280: {  	[tilespmem:s6+$0xFFFFFFD0] =	vst v45;
	v51 =	vadd.f32 v44, v22;
	v19 =	vmul.f32 v24, v27;
	v21 =	vmul.f32 v21, v54  }
0x281: {  	[tilespmem:s6+$0x20] =	vst v43;
	v43 =	vmax.f32 v59, v62;
	v29 =	vadd.f32 v29, v63;
	v23 =	vmax.f32 v55, v30  }
0x282: {  	[tilespmem:s0+$0xD0] =	vst v31;
	v48 =	vld [tilespmem:s1+$0xFFFFFFE0];
	v30 =	vmax.f32 v56, v42;
	v33 =	vmul.f32 $1.442695020e+00, v43;
	v23 =	vmul.f32 $1.442695020e+00, v23  }
0x283: {  	[tilespmem:s6+$0xFFFFFEE0] =	vst v49;
	v63 =	vld [tilespmem:s11+$0xFFFFFFA0];
	v30 =	vmul.f32 $1.442695020e+00, v30;
	v26 =	vadd.f32 v58, v26;
	v46 =	vmul.f32 $2.000000030e-01, v29  }
0x284: {  	[tilespmem:s6+$0xC0] =	vst v37;
	v37 =	vld [tilespmem:s11+$0xE0];
	v34 =	vadd.f32 v61, v60;
	v18 =	vmul.f32 v18, v47;
	(erf) = vpow2.f32 v23  }
0x285: {  	v24 =	vld [tilespmem:s11+$0x90];
	[tilespmem:s6+$0x130] =	vst v21;
	v21 =	vmul.f32 $2.000000030e-01, v26;
	v23 =	vmax.f32 v29, v46;
	(erf) = vpow2.f32 v30  }
0x286: {  	v42 =	vld [tilespmem:s1+$0xFFFFFEF0];
	v22 =	vmul.f32 $1.442695020e+00, v23;
	v23 =	vmul.f32 $2.000000030e-01, v34  }
0x287: {  	s9 =	simm.s32 $0x9060;
	[tilespmem:s0+$0xFFFFFF00] =	vst v20;
	v55 =	vld [tilespmem:s1+$0x30];
	v21 =	vmax.f32 v26, v21;
	(erf) = vpow2.f32 v33;
	v26 =	vmul.f32 $2.000000030e-01, v51;
	v25 =	vpop (erf)  }
0x288: {  	v56 =	vld [tilespmem:s1+$0x80];
	v54 =	vmul.f32 v17, v63;
	v17 =	vmul.f32 $1.442695020e+00, v21;
	v21 =	vmax.f32 v34, v23;
	[tilespmem:s9+$0xF0] =	vst v25  }
0x289: {  	[tilespmem:s6+$0xFFFFFF90] =	vst v19;
	(erf) = vpow2.f32 v22;
	v20 =	vmax.f32 v51, v26;
	v21 =	vmul.f32 $1.442695020e+00, v21;
	v26 =	vld [tilespmem:s8+$0x100]  }
0x28a: {  	v36 =	vld [tilespmem:s1+$0xFFFFFFA0];
	[tilespmem:s6+$0xFFFFFF40] =	vst v18;
	(erf) = vpow2.f32 v17;
	v17 =	vmul.f32 $1.442695020e+00, v20  }
0x28b: {  	[tilespmem:s0+$0x130] =	vst v32;
	v32 =	vld [tilespmem:s1+$0xFFFFFF50];
	v23 =	vmul.f32 v53, v42;
	(erf) = vpow2.f32 v21  }
0x28c: {  	[tilespmem:s0+$0x30] =	vst v28;
	v29 =	vld [tilespmem:s1+$0xD0];
	v20 =	vperm.xlane v25, v1;
	(erf) = vpow2.f32 v17  }
0x28d: {  	v48 =	vmul.f32 v38, v48;
	v40 =	vmul.f32 v40, v55;
	v22 =	vld [tilespmem:s11+$0xFFFFFFF0];
	[tilespmem:s0+$0xFFFFFFA0] =	vst v54  }
0x28e: {  	v38 =	vmul.f32 v39, v56;
	[tilespmem:s6+$0xFFFFFEF0] =	vst v23;
	v23 =	vld [tilespmem:s11+$0x40];
	v27 =	vpop (erf);
	v17 =	vmul.f32 v20, v26  }
0x28f: {  	v63 =	vperm.xlane v25, v2;
	v28 =	vld [tilespmem:s1+$0xFFFFFF00];
	[tilespmem:s9+$0xFFFFFF10] =	vst v27;
	v21 =	vperm.xlane v27, v1  }
0x290: {  	v49 =	vperm.xlane v27, v2;
	v18 =	vperm.xlane v27, v3;
	v30 =	vpop (erf);
	v60 =	vld [tilespmem:s8+$0xFFFFFF20];
	[tilespmem:s9+$0x100] =	vst v17  }
0x291: {  	[tilespmem:s9+$0xFFFFFF60] =	vst v30;
	v57 =	vperm.xlane v30, v2;
	v19 =	vperm.xlane v30, v3;
	v26 =	vpop (erf);
	v62 =	vld [tilespmem:s8+$0x110]  }
0x292: {  	v20 =	vperm.xlane v30, v1;
	v61 =	vld [tilespmem:s8+$0xFFFFFF70];
	v46 =	vperm.xlane v26, v1;
	[tilespmem:s9+$0xFFFFFFB0] =	vst v26;
	v31 =	vpop (erf)  }
0x293: {  	v42 =	vperm.xlane v26, v2;
	v17 =	vperm.xlane v26, v3;
	v47 =	vld [tilespmem:s8+$0xFFFFFFC0];
	[tilespmem:s9+$0x0] =	vst v31;
	v33 =	vpop (erf)  }
0x294: {  	v50 =	vperm.xlane v31, v1;
	v43 =	vperm.xlane v31, v2;
	v34 =	vld [tilespmem:s8+$0x10];
	[tilespmem:s9+$0x50] =	vst v33;
	v35 =	vpop (erf)  }
0x295: {  	v51 =	vperm.xlane v33, v1;
	v21 =	vmul.f32 v21, v60;
	v52 =	vld [tilespmem:s8+$0x60];
	[tilespmem:s9+$0xA0] =	vst v35;
	v41 =	vpop (erf)  }
0x296: {  	v44 =	vperm.xlane v33, v2;
	[tilespmem:s9+$0xFFFFFEC0] =	vst v41;
	v59 =	vld [tilespmem:s8+$0xB0];
	v53 =	vmul.f32 v63, v62  }
0x297: {  	v20 =	vmul.f32 v20, v61;
	v54 =	vperm.xlane v35, v1;
	[tilespmem:s9+$0xFFFFFF20] =	vst v21;
	v60 =	vld [tilespmem:s8+$0xFFFFFED0]  }
0x298: {  	v58 =	vperm.xlane v41, v1;
	v21 =	vmul.f32 v46, v47;
	v61 =	vld [tilespmem:s8+$0xFFFFFF30];
	[tilespmem:s9+$0x110] =	vst v53  }
0x299: {  	v45 =	vperm.xlane v41, v2;
	[tilespmem:s9+$0xFFFFFF70] =	vst v20;
	v46 =	vmul.f32 v50, v34;
	v53 =	vld [tilespmem:s8+$0x120]  }
0x29a: {  	v47 =	vperm.xlane v35, v2;
	v62 =	vld [tilespmem:s8+$0xFFFFFF80];
	v52 =	vmul.f32 v51, v52;
	[tilespmem:s9+$0xFFFFFFC0] =	vst v21  }
0x29b: {  	v20 =	vperm.xlane v33, v3;
	v50 =	vld [tilespmem:s8+$0xFFFFFFD0];
	[tilespmem:s9+$0x10] =	vst v46;
	v54 =	vmul.f32 v54, v59  }
0x29c: {  	v51 =	vld [tilespmem:s8+$0x20];
	[tilespmem:s9+$0x60] =	vst v52;
	v59 =	vperm.xlane v25, v3;
	v58 =	vmul.f32 v58, v60  }
0x29d: {  	v34 =	vperm.xlane v41, v3;
	v60 =	vmul.f32 v49, v61;
	v49 =	vld [tilespmem:s8+$0x70];
	[tilespmem:s9+$0xB0] =	vst v54  }
0x29e: {  	v46 =	vperm.xlane v35, v3;
	[tilespmem:s9+$0xFFFFFED0] =	vst v58;
	v52 =	vld [tilespmem:s8+$0xC0];
	v54 =	vmul.f32 v59, v53  }
0x29f: {  	s3 =	simm.s32 $0x56E0;
	s11 =	simm.s32 $0x10;
	v21 =	vperm.xlane v31, v3;
	v55 =	vmul.f32 v57, v62;
	[tilespmem:s9+$0xFFFFFF30] =	vst v60;
	v53 =	vld [tilespmem:s8+$0xFFFFFEE0]  }
.LBB2_8:
0x2a0: {  	v39 =	vld [tilespmem:s3+$0xF0];
	v42 =	vmul.f32 v42, v50;
	[tilespmem:s9+$0x120] =	vst v54;
	v29 =	vmul.f32 v13, v29;
	v13 =	vmov v46  }
0x2a1: {  	v41 =	vperm.xlane v41, v4;
	s10 =	sadd.s32 $0x80, s10;
	[tilespmem:s9+$0xFFFFFF80] =	vst v55;
	v43 =	vmul.f32 v43, v51;
	v46 =	vld [tilespmem:s8+$0x130]  }
0x2a2: {  	s11 =	sadd.s32 $0x8, s11;
	v27 =	vperm.xlane v27, v4;
	v50 =	vld [tilespmem:s10+$0x30];
	[tilespmem:s9+$0xFFFFFFD0] =	vst v42;
	v42 =	vmul.f32 v44, v49  }
0x2a3: {  	v30 =	vperm.xlane v30, v4;
	p0 =	slt.u32 s11, $0x48;
	v44 =	vld [tilespmem:s10+$0xFFFFFFC0];
	[tilespmem:s9+$0x20] =	vst v43;
	v43 =	vmul.f32 v47, v52  }
0x2a4: {  	v25 =	vperm.xlane v25, v4;
	v47 =	vld [tilespmem:s3+$0xFFFFFF10];
	v45 =	vmul.f32 v45, v53;
	[tilespmem:s9+$0x70] =	vst v42  }
0x2a5: {  	v26 =	vperm.xlane v26, v4;
	v31 =	vperm.xlane v31, v4;
	v42 =	vld [tilespmem:s10+$0xFFFFFFD0];
	[tilespmem:s9+$0xC0] =	vst v43  }
0x2a6: {  	v33 =	vperm.xlane v33, v4;
	v43 =	vld [tilespmem:s3+$0xFFFFFF60];
	[tilespmem:s9+$0xFFFFFEE0] =	vst v45;
	v25 =	vmul.f32 v25, v46  }
0x2a7: {  	v35 =	vperm.xlane v35, v4;
	v28 =	vmul.f32 v15, v28;
	v45 =	vld [tilespmem:s10+$0xFFFFFFE0];
	v39 =	vadd.f32 v50, v39;
	[tilespmem:s6+$0xFFFFFFE0] =	vst v48  }
0x2a8: {  	v15 =	vmovc v41;
	v46 =	vld [tilespmem:s3+$0xFFFFFFB0];
	[tilespmem:s9+$0x130] =	vst v25;
	v25 =	vmul.f32 v14, v32;
	v32 =	vmul.f32 v16, v36;
	v14 =	vmov v27  }
0x2a9: {  	v22 =	vmul.f32 v5, v22;
	v5 =	vmovc v11;
	v11 =	vmovc v26;
	v16 =	vmov v30;
	v27 =	vld [tilespmem:s10+$0xFFFFFFF0];
	v36 =	vmul.f32 $2.000000030e-01, v39;
	[tilespmem:s6+$0x30] =	vst v40  }
0x2aa: {  	v23 =	vmul.f32 v6, v23;
	v24 =	vmul.f32 v8, v24;
	v26 =	vadd.f32 v42, v47;
	v30 =	vld [tilespmem:s3+$0x0];
	[tilespmem:s6+$0x80] =	vst v38  }
0x2ab: {  	v6 =	vmovc v10;
	v10 =	vmov v31;
	v38 =	vld [tilespmem:s10+$0x0];
	v40 =	vmax.f32 v39, v36;
	[tilespmem:s6+$0xD0] =	vst v29;
	v29 =	vmul.f32 v7, v37  }
0x2ac: {  	v8 =	vmovc v9;
	v9 =	vmovc v33;
	v31 =	vmul.f32 $2.000000030e-01, v26;
	v36 =	vadd.f32 v45, v43;
	v37 =	vld [tilespmem:s3+$0x50];
	v39 =	vmul.f32 $1.442695020e+00, v40;
	[tilespmem:s6+$0xFFFFFF00] =	vst v28  }
0x2ad: {  	v7 =	vmov v12;
	v12 =	vmov v35;
	v28 =	vld [tilespmem:s10+$0x10];
	[tilespmem:s6+$0xFFFFFF50] =	vst v25  }
0x2ae: {  	v25 =	vmul.f32 $2.000000030e-01, v36;
	v27 =	vadd.f32 v27, v46;
	v33 =	vld [tilespmem:s3+$0xA0];
	(erf) = vpow2.f32 v39;
	[tilespmem:s6+$0xFFFFFFA0] =	vst v32  }
0x2af: {  	v26 =	vmax.f32 v26, v31;
	v31 =	vld [tilespmem:s10+$0x20];
	[tilespmem:s0+$0xFFFFFFF0] =	vst v22  }
0x2b0: {  	v22 =	vld [tilespmem:s3+$0xFFFFFEC0];
	v25 =	vmax.f32 v36, v25;
	v32 =	vmul.f32 $2.000000030e-01, v27;
	v30 =	vadd.f32 v38, v30;
	[tilespmem:s0+$0x40] =	vst v23  }
0x2b1: {  	v23 =	vmul.f32 $1.442695020e+00, v26;
	v25 =	vmul.f32 $1.442695020e+00, v25;
	v26 =	vld [tilespmem:s8+$0xFFFFFEF0];
	[tilespmem:s0+$0x90] =	vst v24  }
0x2b2: {  	v24 =	vmax.f32 v27, v32;
	v27 =	vmul.f32 $2.000000030e-01, v30;
	v28 =	vadd.f32 v28, v37;
	v32 =	vld [tilespmem:s8+$0xFFFFFF40];
	[tilespmem:s0+$0xE0] =	vst v29;
	s0 =	smov.u32 s6;
	s6 =	smov.u32 s9  }
0x2b3: {  	v24 =	vmul.f32 $1.442695020e+00, v24;
	(erf) = vpow2.f32 v23;
	v35 =	vld [tilespmem:s8+$0xFFFFFF90]  }
0x2b4: {  	v23 =	vmax.f32 v30, v27;
	v27 =	vmul.f32 $2.000000030e-01, v28;
	v30 =	vadd.f32 v31, v33;
	v40 =	vld [tilespmem:s8+$0xFFFFFFE0]  }
0x2b5: {  	v31 =	vadd.f32 v44, v22;
	v22 =	vmul.f32 $1.442695020e+00, v23;
	(erf) = vpow2.f32 v25;
	v39 =	vld [tilespmem:s8+$0x30]  }
0x2b6: {  	s9 =	sadd.s32 $0x280, s9;
	v23 =	vmax.f32 v28, v27;
	v27 =	vmul.f32 $2.000000030e-01, v30;
	(erf) = vpow2.f32 v24;
	v38 =	vld [tilespmem:s8+$0x80]  }
0x2b7: {  	v24 =	vmul.f32 $2.000000030e-01, v31;
	v23 =	vmul.f32 $1.442695020e+00, v23;
	v25 =	vpop (erf);
	v29 =	vld [tilespmem:s8+$0xD0]  }
0x2b8: {  	v26 =	vmul.f32 v34, v26;
	v27 =	vmax.f32 v30, v27;
	[tilespmem:s9+$0xF0] =	vst v25;
	(erf) = vpow2.f32 v22;
	v22 =	vld [tilespmem:s1+$0xFFFFFFF0]  }
0x2b9: {  	v24 =	vmax.f32 v31, v24;
	v31 =	vmul.f32 $1.442695020e+00, v27;
	v30 =	vld [tilespmem:s3+$0x100];
	(erf) = vpow2.f32 v23  }
0x2ba: {  	v18 =	vmul.f32 v18, v32;
	v24 =	vmul.f32 $1.442695020e+00, v24;
	[tilespmem:s6+$0xFFFFFEF0] =	vst v26;
	v23 =	vld [tilespmem:s1+$0x40]  }
0x2bb: {  	v19 =	vmul.f32 v19, v35;
	(erf) = vpow2.f32 v31;
	v28 =	vld [tilespmem:s8+$0xFFFFFF00]  }
0x2bc: {  	v33 =	vperm.xlane v25, v1;
	(erf) = vpow2.f32 v24;
	v27 =	vpop (erf);
	[tilespmem:s6+$0xFFFFFF40] =	vst v18;
	v24 =	vld [tilespmem:s1+$0x90]  }
0x2bd: {  	[tilespmem:s9+$0xFFFFFF10] =	vst v27;
	v34 =	vperm.xlane v27, v1;
	v48 =	vperm.xlane v27, v2;
	v32 =	vld [tilespmem:s8+$0xFFFFFF50]  }
0x2be: {  	v18 =	vperm.xlane v27, v3;
	v35 =	vld [tilespmem:s3+$0xFFFFFF20];
	v33 =	vmul.f32 v33, v30;
	v30 =	vpop (erf);
	[tilespmem:s6+$0xFFFFFF90] =	vst v19  }
0x2bf: {  	[tilespmem:s9+$0xFFFFFF60] =	vst v30;
	v37 =	vperm.xlane v30, v1;
	v55 =	vperm.xlane v30, v2;
	v26 =	vpop (erf);
	v36 =	vld [tilespmem:s8+$0xFFFFFFA0]  }
0x2c0: {  	v41 =	vld [tilespmem:s3+$0xFFFFFF70];
	v46 =	vperm.xlane v26, v1;
	v42 =	vperm.xlane v26, v2;
	[tilespmem:s9+$0x100] =	vst v33  }
0x2c1: {  	v19 =	vperm.xlane v30, v3;
	v52 =	vperm.xlane v26, v3;
	[tilespmem:s9+$0xFFFFFFB0] =	vst v26;
	v45 =	vld [tilespmem:s3+$0x110];
	v31 =	vpop (erf)  }
0x2c2: {  	v47 =	vld [tilespmem:s3+$0xFFFFFFC0];
	[tilespmem:s9+$0x0] =	vst v31;
	v49 =	vperm.xlane v31, v1;
	v43 =	vperm.xlane v31, v2;
	v33 =	vpop (erf)  }
0x2c3: {  	v34 =	vmul.f32 v34, v35;
	v50 =	vld [tilespmem:s3+$0x10];
	[tilespmem:s9+$0x50] =	vst v33;
	v51 =	vperm.xlane v33, v1  }
0x2c4: {  	v54 =	vperm.xlane v25, v2;
	v44 =	vperm.xlane v33, v2;
	v53 =	vld [tilespmem:s3+$0x60];
	v35 =	vpop (erf)  }
0x2c5: {  	v56 =	vmul.f32 v37, v41;
	[tilespmem:s9+$0xA0] =	vst v35;
	v57 =	vperm.xlane v35, v1;
	v41 =	vpop (erf);
	v37 =	vld [tilespmem:s1+$0xE0];
	s1 =	smov.u32 s8;
	s8 =	smov.u32 s3  }
0x2c6: {  	[tilespmem:s9+$0xFFFFFEC0] =	vst v41;
	v58 =	vperm.xlane v41, v1;
	v59 =	vld [tilespmem:s3+$0xB0];
	v54 =	vmul.f32 v54, v45  }
0x2c7: {  	v45 =	vperm.xlane v41, v2;
	v60 =	vld [tilespmem:s3+$0xFFFFFED0];
	[tilespmem:s9+$0xFFFFFF20] =	vst v34;
	v46 =	vmul.f32 v46, v47  }
0x2c8: {  	v47 =	vperm.xlane v35, v2;
	v61 =	vld [tilespmem:s3+$0xFFFFFF30];
	v49 =	vmul.f32 v49, v50;
	[tilespmem:s9+$0x110] =	vst v54  }
0x2c9: {  	v34 =	vperm.xlane v41, v3;
	[tilespmem:s9+$0xFFFFFF70] =	vst v56;
	v53 =	vmul.f32 v51, v53;
	v54 =	vld [tilespmem:s3+$0x120]  }
0x2ca: {  	v62 =	vperm.xlane v31, v3;
	v63 =	vperm.xlane v33, v3;
	v56 =	vld [tilespmem:s3+$0xFFFFFF80];
	[tilespmem:s9+$0xFFFFFFC0] =	vst v46  }
.Ltmp3:
0x2cb: {  	v46 =	vperm.xlane v35, v3;
	v50 =	vld [tilespmem:s3+$0xFFFFFFD0];
	[tilespmem:s9+$0x10] =	vst v49;
	v57 =	vmul.f32 v57, v59;
	(pc) =	sbr.rel @p0 .LBB2_8-.Ltmp3, $4  }
0x2cc: {  	v58 =	vmul.f32 v58, v60;
	v51 =	vld [tilespmem:s3+$0x20];
	[tilespmem:s9+$0x60] =	vst v53;
	v53 =	vperm.xlane v25, v3  }
0x2cd: {  	v59 =	vmul.f32 v48, v61;
	v49 =	vld [tilespmem:s3+$0x70];
	[tilespmem:s9+$0xB0] =	vst v57;
	v48 =	vmul.f32 v17, v40;
	v17 =	vmov v52  }
0x2ce: {  	v40 =	vmul.f32 v21, v39;
	v21 =	vmov v62;
	[tilespmem:s9+$0xFFFFFED0] =	vst v58;
	v52 =	vld [tilespmem:s3+$0xC0];
	v54 =	vmul.f32 v53, v54  }
0x2cf: {  	v38 =	vmul.f32 v20, v38;
	v20 =	vmov v63;
	s3 =	sadd.s32 $0x280, s3;
	v53 =	vld [tilespmem:s8+$0xFFFFFEE0];
	[tilespmem:s9+$0xFFFFFF30] =	vst v59;
	v55 =	vmul.f32 v55, v56  }
0x2d0: {  	[tilespmem:s9+$0x120] =	vst v54  }
0x2d1: {  	[tilespmem:s6+$0xFFFFFFE0] =	vst v48  }
0x2d2: {  	[tilespmem:s6+$0x30] =	vst v40  }
0x2d3: {  	v39 =	vmul.f32 v42, v50;
	[tilespmem:s9+$0xFFFFFF80] =	vst v55  }
0x2d4: {  	v13 =	vmul.f32 v13, v29;
	[tilespmem:s6+$0x80] =	vst v38  }
0x2d5: {  	v15 =	vmul.f32 v15, v28;
	[tilespmem:s9+$0xFFFFFFD0] =	vst v39  }
0x2d6: {  	v14 =	vmul.f32 v14, v32;
	[tilespmem:s6+$0xD0] =	vst v13  }
0x2d7: {  	v16 =	vmul.f32 v16, v36;
	[tilespmem:s6+$0xFFFFFF00] =	vst v15  }
0x2d8: {  	v5 =	vmul.f32 v5, v22;
	[tilespmem:s6+$0xFFFFFF50] =	vst v14  }
0x2d9: {  	v6 =	vmul.f32 v6, v23;
	[tilespmem:s6+$0xFFFFFFA0] =	vst v16  }
0x2da: {  	v8 =	vmul.f32 v8, v24;
	[tilespmem:s0+$0xFFFFFFF0] =	vst v5  }
0x2db: {  	v48 =	vld [tilespmem:s8+$0xFFFFFF40];
	v7 =	vmul.f32 v7, v37;
	[tilespmem:s0+$0x40] =	vst v6  }
0x2dc: {  	v59 =	vmul.f32 v43, v51;
	v60 =	vld [tilespmem:s8+$0x130];
	[tilespmem:s0+$0x90] =	vst v8  }
0x2dd: {  	v61 =	vmul.f32 v44, v49;
	v49 =	vld [tilespmem:s8+$0xFFFFFF90];
	[tilespmem:s0+$0xE0] =	vst v7  }
0x2de: {  	v55 =	vld [tilespmem:s1+$0xFFFFFFF0];
	[tilespmem:s9+$0x20] =	vst v59;
	v63 =	vmul.f32 v45, v53  }
0x2df: {  	v25 =	vperm.xlane v25, v4;
	v62 =	vmul.f32 v47, v52;
	v5 =	vld [tilespmem:s8+$0xFFFFFFE0];
	[tilespmem:s9+$0x70] =	vst v61  }
0x2e0: {  	v6 =	vld [tilespmem:s8+$0x30];
	v15 =	vmul.f32 v18, v48;
	[tilespmem:s9+$0xFFFFFEE0] =	vst v63  }
0x2e1: {  	[tilespmem:s9+$0xC0] =	vst v62;
	v25 =	vmul.f32 v25, v60;
	v47 =	vld [tilespmem:s8+$0xFFFFFEF0]  }
0x2e2: {  	v50 =	vld [tilespmem:s8+$0x80];
	v52 =	vmul.f32 v19, v49;
	[tilespmem:s9+$0xFFFFFF40] =	vst v15  }
0x2e3: {  	v51 =	vld [tilespmem:s8+$0xD0];
	v11 =	vmul.f32 v11, v55;
	[tilespmem:s9+$0x130] =	vst v25  }
0x2e4: {  	v15 =	vld [tilespmem:s8+$0xFFFFFF50];
	v5 =	vmul.f32 v17, v5;
	[tilespmem:s9+$0xFFFFFF90] =	vst v52  }
0x2e5: {  	[tilespmem:s6+$0xFFFFFFF0] =	vst v11;
	v6 =	vmul.f32 v21, v6;
	v7 =	vld [tilespmem:s8+$0xFFFFFFA0]  }
0x2e6: {  	v56 =	vld [tilespmem:s1+$0x40];
	[tilespmem:s9+$0xFFFFFFE0] =	vst v5;
	v13 =	vmul.f32 v34, v47  }
0x2e7: {  	v57 =	vld [tilespmem:s1+$0x90];
	v8 =	vmul.f32 v20, v50;
	v5 =	vperm.xlane v27, v4;
	[tilespmem:s9+$0x30] =	vst v6  }
0x2e8: {  	v58 =	vld [tilespmem:s1+$0xE0];
	v16 =	vmul.f32 v46, v51;
	v6 =	vperm.xlane v30, v4;
	[tilespmem:s9+$0xFFFFFEF0] =	vst v13  }
0x2e9: {  	[tilespmem:s9+$0x80] =	vst v8;
	v5 =	vmul.f32 v5, v15;
	v53 =	vld [tilespmem:s8+$0xFFFFFF00]  }
0x2ea: {  	[tilespmem:s9+$0xD0] =	vst v16;
	v6 =	vmul.f32 v6, v7;
	v7 =	vld [tilespmem:s8+$0xFFFFFFF0]  }
0x2eb: {  	v10 =	vmul.f32 v10, v56;
	[tilespmem:s9+$0xFFFFFF50] =	vst v5;
	v5 =	vld [tilespmem:s8+$0x40]  }
0x2ec: {  	v54 =	vperm.xlane v41, v4;
	v9 =	vmul.f32 v9, v57;
	[tilespmem:s9+$0xFFFFFFA0] =	vst v6;
	v6 =	vld [tilespmem:s8+$0x90]  }
0x2ed: {  	v59 =	vperm.xlane v26, v4;
	[tilespmem:s6+$0x40] =	vst v10;
	v8 =	vmul.f32 v12, v58;
	v60 =	vld [tilespmem:s8+$0xE0]  }
0x2ee: {  	v61 =	vperm.xlane v31, v4;
	[tilespmem:s6+$0x90] =	vst v9;
	v13 =	vmul.f32 v54, v53  }
0x2ef: {  	v62 =	vperm.xlane v33, v4;
	[tilespmem:s6+$0xE0] =	vst v8;
	v7 =	vmul.f32 v59, v7  }
0x2f0: {  	v63 =	vperm.xlane v35, v4;
	v5 =	vmul.f32 v61, v5;
	[tilespmem:s9+$0xFFFFFF00] =	vst v13  }
0x2f1: {  	v6 =	vmul.f32 v62, v6;
	[tilespmem:s9+$0xFFFFFFF0] =	vst v7  }
0x2f2: {  	v7 =	vmul.f32 v63, v60;
	[tilespmem:s9+$0x40] =	vst v5  }
0x2f3: {  	[tilespmem:s9+$0x90] =	vst v6  }
0x2f4: {  	s14 =	simm.s32 $0x4DD0;
	[tilespmem:s9+$0xE0] =	vst v7  }
0x2f5: {  	[spmem:s2] =	stream.indirect.scatter.add.f32 [tilespmem:s17], [sflag:$0x5], $0x50, s14, s15, $0xb8;
	[tilespmem:$0x18470] =	vst v63  }
0x2f6: {  	_ =	swait.ge [sflag:s25], $0x1900  }
0x2f7: {  	[sflag:s25] =	ssyncset.done $0x0  }
0x2f8: {  	[sflag:s25] =	ssyncadd.s32 $0xFFFFE700  }
0x2f9: {  	_ =	swait.ge [sflag:s29], $0x1900  }
0x2fa: {  	[sflag:s29] =	ssyncset.done $0x0  }
0x2fb: {  	[sflag:s29] =	ssyncadd.s32 $0xFFFFE700  }
0x2fc: {  	[bflag:$0x0] =	sbarrier.arrive $0xFFFF  }
0x2fd: {  	s16 =	rddreg [dreg:$0x8]  }
0x2fe: {  	[hbm:s16], [sflag:s7] =	dma.local [spmem:s12], $0x1900  }
0x2ff: {  	_ =	swait.ge [sflag:s13], $0x1900  }
0x300: {  	s31 =	sadd.s32 $0x1, s31;
	s30 =	rddreg [dreg:$0x7]  }
0x301: {  	p0 =	sne.s32 s31, s30  }
.Ltmp4:
0x302: {  	_ = 	snop;
	(pc) =	sbr.rel @p0 .LBB2_1-.Ltmp4, $3  }
0x303: {  	_ =	sdelay $0x1  }
0x304: {  	[sflag:s13] =	ssyncset.done $0x0  }
0x305: {  	[sflag:s13] =	ssyncadd.s32 $0xFFFFE700  }
0x306: {  	_ =	sfence.sel $0x180000  }
0x307: {  	[bflag:$0x0] =	sbarrier.arrive $0xFFFF  }
0x308: {  	_ =	strace $0x90000047  }
0x309: {  	s0 =	stileid.u32;
	[bflag:$0x2] =	sbarrier.arrive $0xFFFF  }
0x30a: {  	p0 =	sne.s32 s0, $0x0;
	s0 =	rddreg [dreg:$0x3]  }
0x30b: {  	s0 =	sadd.s32 @!p0 $0x100000, s0  }
0x30c: {  	[sflag:s0] =	ssyncadd.tile.s32 @!p0 $0x1;
	_ =	shalt  }
.Lfunc_end2:
_tile_overlayer_lowered:
.L_overlay_start_2:
0x30d: {  	(tag) =	ssettag $0x2  }
0x30e: {  	s0 =	rddreg [dreg:$0x0];
	s2 =	stileid.u32  }
0x30f: {  	s1 =	rddreg [dreg:$0x1];
	p0 =	sne.s32 s2, $0x0  }
0x310: {  	s3 =	rddreg [dreg:$0x2];
	[bflag:$0x3] =	sbarrier.arrive $0xFFFF;
	s2 =	simm.s32 @!p0 $0x1C07  }
0x311: {  	[timem:s3], [sflag:s2] =	dma.local @!p0 [hbm:s0], s1  }
0x312: {  	s0 =	simm.s32 @!p0 $0x7  }
0x313: {  	_ =	swait.ge @!p0 [sflag:s0], s1  }
0x314: {  	s1 =	ssub.s32 @!p0 $0x0, s1;
	[sflag:s0] =	ssyncset.done @!p0 $0x0  }
0x315: {  	[sflag:s0] =	ssyncadd.s32 @!p0 s1  }
0x316: {  	[bflag:$0x3] =	sbarrier.arrive $0xFFFF  }
0x317: {  	_ =	shalt  }

</sc_bundles>
